<compile_context>
chip_gen: v7x
topology: tpu7x:2x2x1
jax: 0.10.2.dev20260603
libtpu: 0.0.44.dev20260713+nightly
codegen_flags: <defaults>
</compile_context>

<pallas_src>
import functools

import jax
import jax.numpy as jnp
from jax import lax
from jax.experimental import pallas as pl
from jax.experimental.pallas import tpu as pltpu
from jax.experimental.pallas import tpu_sc as plsc

N = 10000
E = 320000
D_MAT = 128
D_OP = 128
D_EDGE = 16
EMB = 128

NC = 2
NS = 16
NW = NC * NS
EPW = E // NW
EPS = E // NS
K = 80
NCHUNK = EPW // K
NCHUNK2 = EPS // K
HALF = EMB // NC
N_PAD = 10240
ROWS_PER_TILE = N_PAD // NS
NBLK = 1000
EBLK = 8000

_mesh = plsc.VectorSubcoreMesh(
    core_axis_name="c", subcore_axis_name="s", num_cores=NC, num_subcores=NS)

_GDN = lax.GatherDimensionNumbers(offset_dims=(), collapsed_slice_dims=(0,),
                                  start_index_map=(0,))


def _lane_bcast(vec, ei):
    idx = jnp.full((16, 1), ei, jnp.int32)
    return lax.gather(vec, idx, _GDN, (1,),
                      mode=lax.GatherScatterMode.PROMISE_IN_BOUNDS)


def _node_body(mat_ref, op_ref, wm_ref, wo_ref, asum_ref, a1_ref, a2_ref,
               mat_t_ref, op_h_ref, s_ref, u_ref, self_ref):
    mt = jnp.dot(mat_ref[...], wm_ref[...], preferred_element_type=jnp.float32, precision=lax.Precision.HIGHEST)
    ot = jnp.dot(op_ref[...], wo_ref[...], preferred_element_type=jnp.float32, precision=lax.Precision.HIGHEST)
    mat_t_ref[...] = mt
    op_h_ref[...] = jnp.stack([ot[:, :HALF], ot[:, HALF:]], axis=0)
    s_ref[...] = jnp.dot(mt, a1_ref[...], preferred_element_type=jnp.float32, precision=lax.Precision.HIGHEST)
    u_ref[...] = jnp.dot(ot, a2_ref[...], preferred_element_type=jnp.float32, precision=lax.Precision.HIGHEST)
    sa = jnp.dot(mt, asum_ref[...], preferred_element_type=jnp.float32, precision=lax.Precision.HIGHEST)
    self_ref[...] = jnp.where(sa >= 0, sa, 0.2 * sa)


def _node_transform(materials, operations, W_mat, W_op_top, asum, a1, a2):
    grid = (N // NBLK,)
    full = lambda r, c: pl.BlockSpec((r, c), lambda i: (0, 0))
    blk = lambda c: pl.BlockSpec((NBLK, c), lambda i: (i, 0))
    return pl.pallas_call(
        _node_body,
        grid=grid,
        in_specs=[blk(D_MAT), blk(D_OP), full(D_MAT, EMB), full(D_OP, EMB),
                  full(EMB, 1), full(EMB, 1), full(EMB, 1)],
        out_specs=[blk(EMB), pl.BlockSpec((NC, NBLK, HALF), lambda i: (0, i, 0)),
                   blk(1), blk(1), blk(1)],
        out_shape=[jax.ShapeDtypeStruct((N, EMB), jnp.float32),
                   jax.ShapeDtypeStruct((NC, N, HALF), jnp.float32),
                   jax.ShapeDtypeStruct((N, 1), jnp.float32),
                   jax.ShapeDtypeStruct((N, 1), jnp.float32),
                   jax.ShapeDtypeStruct((N, 1), jnp.float32)],
    )(materials, operations, W_mat, W_op_top, asum, a1, a2)


def _edge_bias_body(ea_ref, we_ref, a2_ref, v_ref):
    b = jnp.dot(we_ref[...], a2_ref[...], preferred_element_type=jnp.float32, precision=lax.Precision.HIGHEST)
    v = lax.dot_general(b, ea_ref[...], (((0,), (1,)), ((), ())),
                        preferred_element_type=jnp.float32, precision=lax.Precision.HIGHEST)
    v_ref[...] = v.reshape(1, 1, EBLK)


def _edge_bias(edge_attr, W_edge, a2):
    return pl.pallas_call(
        _edge_bias_body,
        grid=(E // EBLK,),
        in_specs=[pl.BlockSpec((EBLK, D_EDGE), lambda i: (i, 0)),
                  pl.BlockSpec((D_EDGE, EMB), lambda i: (0, 0)),
                  pl.BlockSpec((EMB, 1), lambda i: (0, 0))],
        out_specs=pl.BlockSpec((1, 1, EBLK), lambda i: (i, 0, 0)),
        out_shape=jax.ShapeDtypeStruct((E // EBLK, 1, EBLK), jnp.float32),
    )(edge_attr, W_edge, a2)


@functools.partial(
    pl.kernel,
    out_type=jax.ShapeDtypeStruct((E,), jnp.float32),
    mesh=_mesh,
    compiler_params=pltpu.CompilerParams(needs_layout_passes=False),
    scratch_types=[
        pltpu.VMEM((N,), jnp.float32),
        pltpu.VMEM((N,), jnp.float32),
        pltpu.VMEM((EPW,), jnp.int32),
        pltpu.VMEM((EPW,), jnp.int32),
        pltpu.VMEM((EPW,), jnp.float32),
        pltpu.VMEM((EPW,), jnp.float32),
    ],
)
def _edge_logits(dst_hbm, src_hbm, v_hbm, s_hbm, u_hbm, x_hbm,
                 s_v, u_v, d_v, r_v, v_v, x_v):
    wid = lax.axis_index("c") * NS + lax.axis_index("s")
    base = wid * EPW
    pltpu.sync_copy(s_hbm, s_v)
    pltpu.sync_copy(u_hbm, u_v)
    pltpu.sync_copy(dst_hbm.at[pl.ds(base, EPW)], d_v)
    pltpu.sync_copy(src_hbm.at[pl.ds(base, EPW)], r_v)
    pltpu.sync_copy(v_hbm.at[pl.ds(base, EPW)], v_v)

    def step(i, carry):
        o = pl.ds(i * 16, 16)
        s16 = plsc.load_gather(s_v, [d_v[o]])
        u16 = plsc.load_gather(u_v, [r_v[o]])
        t = s16 + u16 + v_v[o]
        x_v[o] = jnp.where(t >= 0, t, 0.2 * t)
        return carry

    lax.fori_loop(0, EPW // 16, step, 0)
    pltpu.sync_copy(x_v, x_hbm.at[pl.ds(base, EPW)])


def _softmax_body(x_ref, self_ref, w_ref, wself_ref):
    x = x_ref[...]
    sa = self_ref[...]
    m = jnp.maximum(jnp.max(x), jnp.max(sa))
    we = jnp.exp(x - m)
    ws = jnp.exp(sa - m)
    z = jnp.sum(we) + jnp.sum(ws)
    w_ref[...] = we / z
    wself_ref[...] = ws / z


def _softmax_weights(x2d, self_col):
    return pl.pallas_call(
        _softmax_body,
        out_shape=[jax.ShapeDtypeStruct(x2d.shape, jnp.float32),
                   jax.ShapeDtypeStruct((N, 1), jnp.float32)],
    )(x2d, self_col)


COMB = HALF + D_EDGE


@functools.partial(
    pl.kernel,
    out_type=jax.ShapeDtypeStruct((NC, N_PAD, COMB), jnp.float32),
    mesh=_mesh,
    compiler_params=pltpu.CompilerParams(needs_layout_passes=False,
                                         use_tc_tiling_on_sc=False),
    scratch_types=[
        pltpu.VMEM((NCHUNK2, K), jnp.int32),
        pltpu.VMEM((NCHUNK2, K), jnp.int32),
        pltpu.VMEM((2, K), jnp.float32),
        pltpu.VMEM((2, K, D_EDGE), jnp.float32),
        pltpu.VMEM((2, K, HALF), jnp.float32),
        pltpu.VMEM((2, K, COMB), jnp.float32),
        pltpu.VMEM_SHARED((N_PAD, COMB), jnp.float32),
        pltpu.SemaphoreType.DMA,
        pltpu.SemaphoreType.DMA,
        pltpu.SemaphoreType.DMA,
        pltpu.SemaphoreType.DMA,
    ],
)
def _aggregate(opt_hbm, src_hbm, dst_hbm, w_hbm, ea_hbm, zero_hbm, comb_out,
               src_v, dst_v, w_v, ea_v, raw_v, rows_v, comb_sh,
               gsem0, gsem1, ssem0, ssem1):
    c = lax.axis_index("c")
    s = lax.axis_index("s")
    row0 = s * ROWS_PER_TILE
    gsem = (gsem0, gsem1)
    ssem = (ssem0, ssem1)

    pltpu.sync_copy(zero_hbm, comb_sh.at[pl.ds(row0, ROWS_PER_TILE)])
    plsc.subcore_barrier()

    pltpu.sync_copy(src_hbm.at[s], src_v)
    pltpu.sync_copy(dst_hbm.at[s], dst_v)
    shift = c * N

    def ishift(i, carry):
        r = i // (K // 16)
        o = pl.ds((i % (K // 16)) * 16, 16)
        src_v[r, o] = src_v[r, o] + shift
        return carry

    lax.fori_loop(0, NCHUNK2 * (K // 16), ishift, 0)

    def issue(t, b):
        ebase = s * EPS + t * K
        pltpu.async_copy(ea_hbm.at[pl.ds(ebase, K)], ea_v.at[b], gsem[b])
        pltpu.async_copy(w_hbm.at[s * NCHUNK2 + t], w_v.at[b], gsem[b])
        pltpu.async_copy(opt_hbm.at[src_v.at[t]], raw_v.at[b], gsem[b])

    def wait_loads(t, b):
        ebase = s * EPS + t * K
        pltpu.make_async_copy(ea_hbm.at[pl.ds(ebase, K)], ea_v.at[b],
                              gsem[b]).wait()
        pltpu.make_async_copy(w_hbm.at[s * NCHUNK2 + t], w_v.at[b],
                              gsem[b]).wait()
        pltpu.make_async_copy(opt_hbm.at[src_v.at[t]], raw_v.at[b],
                              gsem[b]).wait()

    def scale(t, b):
        def group(g):
            w16 = w_v[b, pl.ds(g * 16, 16)]
            for ei in range(16):
                e = g * 16 + ei
                wb = _lane_bcast(w16, ei)
                for j in range(HALF // 16):
                    o = pl.ds(j * 16, 16)
                    rows_v[b, e, o] = raw_v[b, e, o] * wb
                rows_v[b, e, pl.ds(HALF, 16)] = ea_v[b, e, :] * wb

        plsc.parallel_loop(0, K // 16, 1, unroll=5)(group)

    def wait_scatter(t, b):
        pltpu.make_async_copy(rows_v.at[b], comb_sh.at[dst_v.at[t]],
                              ssem[b]).wait()

    issue(0, 0)

    def pair(p, carry):
        t0 = 2 * p
        t1 = t0 + 1
        issue(t1, 1)
        wait_loads(t0, 0)
        pl.when(p > 0)(lambda: wait_scatter(t0 - 2, 0))
        scale(t0, 0)
        pltpu.async_copy(rows_v.at[0], comb_sh.at[dst_v.at[t0]], ssem[0],
                         add=True)
        pl.when(p < NCHUNK2 // 2 - 1)(lambda: issue(t0 + 2, 0))
        wait_loads(t1, 1)
        pl.when(p > 0)(lambda: wait_scatter(t1 - 2, 1))
        scale(t1, 1)
        pltpu.async_copy(rows_v.at[1], comb_sh.at[dst_v.at[t1]], ssem[1],
                         add=True)
        return carry

    lax.fori_loop(0, NCHUNK2 // 2, pair, 0)
    wait_scatter(NCHUNK2 - 2, 0)
    wait_scatter(NCHUNK2 - 1, 1)
    plsc.subcore_barrier()

    pltpu.sync_copy(comb_sh.at[pl.ds(row0, ROWS_PER_TILE)],
                    comb_out.at[c, pl.ds(row0, ROWS_PER_TILE)])


def _combine_body(mat_t_ref, wself_ref, comb_ref, we_ref, out_ref):
    agg = jnp.concatenate([comb_ref[0, :, :HALF], comb_ref[1, :, :HALF]],
                          axis=-1)
    acc = comb_ref[0, :, HALF:]
    t = (wself_ref[...] * mat_t_ref[...] + agg
         + jnp.dot(acc, we_ref[...], preferred_element_type=jnp.float32, precision=lax.Precision.HIGHEST))
    out_ref[...] = jnp.where(t > 0, t, jnp.exp(jnp.minimum(t, 0.0)) - 1.0)


def _combine(mat_t, wself, comb, W_edge):
    return pl.pallas_call(
        _combine_body,
        grid=(N // NBLK,),
        in_specs=[pl.BlockSpec((NBLK, EMB), lambda i: (i, 0)),
                  pl.BlockSpec((NBLK, 1), lambda i: (i, 0)),
                  pl.BlockSpec((NC, NBLK, COMB), lambda i: (0, i, 0)),
                  pl.BlockSpec((D_EDGE, EMB), lambda i: (0, 0))],
        out_specs=pl.BlockSpec((NBLK, EMB), lambda i: (i, 0)),
        out_shape=jax.ShapeDtypeStruct((N, EMB), jnp.float32),
    )(mat_t, wself, comb, W_edge)


def kernel(materials, operations, edge_attr, W_mat, W_op, att_self_coef,
           att_coef, edge_index):
    W_op_top = W_op[:D_OP]
    W_edge = W_op[D_OP:]
    asum = att_self_coef[:EMB] + att_self_coef[EMB:]
    a1 = att_coef[:EMB]
    a2 = att_coef[EMB:]
    src = edge_index[0]
    dst = edge_index[1]

    mat_t, op_half, s_col, u_col, self_col = _node_transform(
        materials, operations, W_mat, W_op_top, asum, a1, a2)
    v_col = _edge_bias(edge_attr, W_edge, a2)

    x = _edge_logits(dst, src, v_col.reshape(E),
                     s_col.reshape(N), u_col.reshape(N))

    w2d, wself = _softmax_weights(x.reshape(E // EMB, EMB), self_col)

    comb = _aggregate(op_half.reshape(NC * N, HALF),
                      src.reshape(NS, NCHUNK2, K),
                      dst.reshape(NS, NCHUNK2, K),
                      w2d.reshape(NS * NCHUNK2, K),
                      edge_attr,
                      jnp.zeros((ROWS_PER_TILE, COMB), jnp.float32))

    return _combine(mat_t, wself, comb, W_edge)

# --- scband reference (transcript-rebuilt; emitter-appended) ---
"""Pipeline reference for scband-material-embedding-layer-74208444940405 (READ-ONLY COPY).

The authoritative reference and input builder live on the scoring server;
editing this copy changes nothing except your own understanding.
"""

import jax, jax.numpy as jnp
import numpy as np

N = 10000
E = 320000
D_MAT = 128
D_OP = 128
D_EDGE = 16
EMB = 128


def _xavier(key, shape, gain=1.414):
    fan_in, fan_out = shape[0], shape[1]
    std = gain * (2.0 / (fan_in + fan_out)) ** 0.5
    return (jax.random.normal(key, shape) * std).astype(jnp.float32)


def setup_inputs(seed: int = 0) -> dict:
    key = jax.random.key(seed)
    ks = jax.random.split(key, 8)
    materials = jax.random.normal(ks[0], (N, D_MAT), dtype=jnp.float32)
    operations = jax.random.normal(ks[1], (N, D_OP), dtype=jnp.float32)
    edge_index = jax.random.randint(ks[2], (2, E), 0, N, dtype=jnp.int32)
    edge_attr = jax.random.normal(ks[3], (E, D_EDGE), dtype=jnp.float32)
    # learned params: Linear weights stored as [in, out] so x @ W == torch Linear(x)
    W_mat = _xavier(ks[4], (D_MAT, EMB))
    W_op = _xavier(ks[5], (D_OP + D_EDGE, EMB))
    att_self_coef = _xavier(ks[6], (2 * EMB, 1))
    att_coef = _xavier(ks[7], (2 * EMB, 1))
    return {
        "materials": materials,
        "operations": operations,
        "edge_attr": edge_attr,
        "W_mat": W_mat,
        "W_op": W_op,
        "att_self_coef": att_self_coef,
        "att_coef": att_coef,
        "edge_index": edge_index,
    }


def _leaky_relu(x):
    return jnp.where(x >= 0, x, 0.2 * x)


def _elu(x):
    return jnp.where(x > 0, x, jnp.expm1(x))


def reference(materials, operations, edge_attr, W_mat, W_op, att_self_coef, att_coef, edge_index):
    mat_t = materials @ W_mat  # [N, EMB]
    self_attention = _leaky_relu(jnp.concatenate([mat_t, mat_t], axis=-1) @ att_self_coef)  # [N, 1]
    src = edge_index[0]
    dst = edge_index[1]
    ops_by_edges = jnp.concatenate([jnp.take(operations, src, axis=0), edge_attr], axis=-1) @ W_op  # [E, EMB]
    mat_by_edges = jnp.take(mat_t, dst, axis=0)  # [E, EMB]
    cross_attention = _leaky_relu(jnp.concatenate([mat_by_edges, ops_by_edges], axis=-1) @ att_coef)  # [E, 1]
    normalizer = jax.nn.softmax(jnp.concatenate([self_attention, cross_attention], axis=0), axis=0)  # [N+E, 1]
    norm_self_attention = normalizer[: self_attention.shape[0]]
    norm_cross_attention = normalizer[self_attention.shape[0]:]
    weighted_ops_by_edges = norm_cross_attention * ops_by_edges
    sum_ops_by_edges = jnp.zeros_like(mat_t).at[dst].add(weighted_ops_by_edges)
    embedding = _elu(norm_self_attention * mat_t + sum_ops_by_edges)
    return embedding

if __name__ == "__main__":
    import jax
    _d = setup_inputs()
    print(jax.jit(kernel)(*tuple(_d.values())))

</pallas_src>

<mosaic_0001>
#map = affine_map<(d0, d1) -> (0, 0)>
#map1 = affine_map<(d0, d1) -> (0, 0, 0)>
module attributes {stable_mosaic.version = 14 : i64} {
  func.func @_aggregate(%arg0: i32, %arg1: i32, %arg2: memref<20000x64xf32, #tpu.memory_space<hbm>>, %arg3: memref<16x250x80xi32, #tpu.memory_space<hbm>>, %arg4: memref<16x250x80xi32, #tpu.memory_space<hbm>>, %arg5: memref<4000x80xf32, #tpu.memory_space<hbm>>, %arg6: memref<320000x16xf32, #tpu.memory_space<hbm>>, %arg7: memref<640x80xf32, #tpu.memory_space<hbm>>, %arg8: memref<2x10240x80xf32, #tpu.memory_space<hbm>>, %arg9: memref<250x80xi32, #tpu.memory_space<vmem>>, %arg10: memref<250x80xi32, #tpu.memory_space<vmem>>, %arg11: memref<2x80xf32, #tpu.memory_space<vmem>>, %arg12: memref<2x80x16xf32, #tpu.memory_space<vmem>>, %arg13: memref<2x80x64xf32, #tpu.memory_space<vmem>>, %arg14: memref<2x80x80xf32, #tpu.memory_space<vmem>>, %arg15: memref<10240x80xf32, #tpu.memory_space<vmem_shared>>, %arg16: memref<!tpu.dma_semaphore, #tpu.memory_space<semaphore_mem>>, %arg17: memref<!tpu.dma_semaphore, #tpu.memory_space<semaphore_mem>>, %arg18: memref<!tpu.dma_semaphore, #tpu.memory_space<semaphore_mem>>, %arg19: memref<!tpu.dma_semaphore, #tpu.memory_space<semaphore_mem>>) attributes {dimension_semantics = [#tpu.dimension_semantics<core_parallel>, #tpu.dimension_semantics<subcore_parallel>], iteration_bounds = array<i64: 2, 16>, scalar_prefetch = 0 : i64, scratch_operands = 11 : i64, tpu.core_type = #tpu.core_type<sc_vector_subcore>, window_params = [{transform_indices = #map}, {transform_indices = #map1}, {transform_indices = #map1}, {transform_indices = #map}, {transform_indices = #map}, {transform_indices = #map}, {transform_indices = #map1}]} {
    %mul3A = arith.constant 640 : i32
    %mul3A_0 = arith.muli %arg1, %mul3A : i32
    "tpu.region"() ({
      %run_scoped3A = tpu.sem_alloc : memref<!tpu.dma_semaphore, #tpu.memory_space<semaphore_mem>>
      %dma_start3A_82 = arith.constant 0 : i32
      %dma_start3A_83 = tpu.memref_slice %arg15[%mul3A_0, %dma_start3A_82] : memref<10240x80xf32, #tpu.memory_space<vmem_shared>> -> memref<640x80xf32, #tpu.memory_space<vmem_shared>>
      tpu.enqueue_dma source(%arg7 : memref<640x80xf32, #tpu.memory_space<hbm>>) target(%dma_start3A_83 : memref<640x80xf32, #tpu.memory_space<vmem_shared>>) target_semaphore(%run_scoped3A : memref<!tpu.dma_semaphore, #tpu.memory_space<semaphore_mem>>)
      %dma_wait3A_84 = arith.constant 0 : i32
      %dma_wait3A_85 = tpu.memref_slice %arg15[%mul3A_0, %dma_wait3A_84] : memref<10240x80xf32, #tpu.memory_space<vmem_shared>> -> memref<640x80xf32, #tpu.memory_space<vmem_shared>>
      tpu.wait_dma2 semaphore(%run_scoped3A : memref<!tpu.dma_semaphore, #tpu.memory_space<semaphore_mem>>) src(%arg7 : memref<640x80xf32, #tpu.memory_space<hbm>>) dst(%dma_wait3A_85 : memref<640x80xf32, #tpu.memory_space<vmem_shared>>)
      tpu.yield
    }) : () -> ()
    %barrier3A = arith.constant 0 : index
    tpu.barrier barrier_id(%barrier3A)
    "tpu.region"() ({
      %run_scoped3A = tpu.sem_alloc : memref<!tpu.dma_semaphore, #tpu.memory_space<semaphore_mem>>
      %dma_start3A_82 = arith.constant 0 : i32
      %dma_start3A_83 = arith.constant 0 : i32
      %dma_start3A_84 = tpu.memref_slice %arg3[%arg1, %dma_start3A_82, %dma_start3A_83] : memref<16x250x80xi32, #tpu.memory_space<hbm>> -> memref<1x250x80xi32, #tpu.memory_space<hbm>>
      %dma_start3A_85 = tpu.memref_squeeze %dma_start3A_84 : memref<1x250x80xi32, #tpu.memory_space<hbm>> -> memref<250x80xi32, #tpu.memory_space<hbm>>
      %dma_start3A_86 = arith.constant 0 : i32
      %dma_start3A_87 = arith.constant 0 : i32
      %dma_start3A_88 = tpu.memref_slice %arg3[%arg1, %dma_start3A_86, %dma_start3A_87] : memref<16x250x80xi32, #tpu.memory_space<hbm>> -> memref<1x250x80xi32, #tpu.memory_space<hbm>>
      %dma_start3A_89 = tpu.memref_squeeze %dma_start3A_88 : memref<1x250x80xi32, #tpu.memory_space<hbm>> -> memref<250x80xi32, #tpu.memory_space<hbm>>
      tpu.enqueue_dma source(%dma_start3A_89 : memref<250x80xi32, #tpu.memory_space<hbm>>) target(%arg9 : memref<250x80xi32, #tpu.memory_space<vmem>>) target_semaphore(%run_scoped3A : memref<!tpu.dma_semaphore, #tpu.memory_space<semaphore_mem>>)
      %dma_wait3A_90 = arith.constant 0 : i32
      %dma_wait3A_91 = arith.constant 0 : i32
      %dma_wait3A_92 = tpu.memref_slice %arg3[%arg1, %dma_wait3A_90, %dma_wait3A_91] : memref<16x250x80xi32, #tpu.memory_space<hbm>> -> memref<1x250x80xi32, #tpu.memory_space<hbm>>
      %dma_wait3A_93 = tpu.memref_squeeze %dma_wait3A_92 : memref<1x250x80xi32, #tpu.memory_space<hbm>> -> memref<250x80xi32, #tpu.memory_space<hbm>>
      %dma_wait3A_94 = arith.constant 0 : i32
      %dma_wait3A_95 = arith.constant 0 : i32
      %dma_wait3A_96 = tpu.memref_slice %arg3[%arg1, %dma_wait3A_94, %dma_wait3A_95] : memref<16x250x80xi32, #tpu.memory_space<hbm>> -> memref<1x250x80xi32, #tpu.memory_space<hbm>>
      %dma_wait3A_97 = tpu.memref_squeeze %dma_wait3A_96 : memref<1x250x80xi32, #tpu.memory_space<hbm>> -> memref<250x80xi32, #tpu.memory_space<hbm>>
      tpu.wait_dma2 semaphore(%run_scoped3A : memref<!tpu.dma_semaphore, #tpu.memory_space<semaphore_mem>>) src(%dma_wait3A_97 : memref<250x80xi32, #tpu.memory_space<hbm>>) dst(%arg9 : memref<250x80xi32, #tpu.memory_space<vmem>>)
      tpu.yield
    }) : () -> ()
    "tpu.region"() ({
      %run_scoped3A = tpu.sem_alloc : memref<!tpu.dma_semaphore, #tpu.memory_space<semaphore_mem>>
      %dma_start3A_82 = arith.constant 0 : i32
      %dma_start3A_83 = arith.constant 0 : i32
      %dma_start3A_84 = tpu.memref_slice %arg4[%arg1, %dma_start3A_82, %dma_start3A_83] : memref<16x250x80xi32, #tpu.memory_space<hbm>> -> memref<1x250x80xi32, #tpu.memory_space<hbm>>
      %dma_start3A_85 = tpu.memref_squeeze %dma_start3A_84 : memref<1x250x80xi32, #tpu.memory_space<hbm>> -> memref<250x80xi32, #tpu.memory_space<hbm>>
      %dma_start3A_86 = arith.constant 0 : i32
      %dma_start3A_87 = arith.constant 0 : i32
      %dma_start3A_88 = tpu.memref_slice %arg4[%arg1, %dma_start3A_86, %dma_start3A_87] : memref<16x250x80xi32, #tpu.memory_space<hbm>> -> memref<1x250x80xi32, #tpu.memory_space<hbm>>
      %dma_start3A_89 = tpu.memref_squeeze %dma_start3A_88 : memref<1x250x80xi32, #tpu.memory_space<hbm>> -> memref<250x80xi32, #tpu.memory_space<hbm>>
      tpu.enqueue_dma source(%dma_start3A_89 : memref<250x80xi32, #tpu.memory_space<hbm>>) target(%arg10 : memref<250x80xi32, #tpu.memory_space<vmem>>) target_semaphore(%run_scoped3A : memref<!tpu.dma_semaphore, #tpu.memory_space<semaphore_mem>>)
      %dma_wait3A_90 = arith.constant 0 : i32
      %dma_wait3A_91 = arith.constant 0 : i32
      %dma_wait3A_92 = tpu.memref_slice %arg4[%arg1, %dma_wait3A_90, %dma_wait3A_91] : memref<16x250x80xi32, #tpu.memory_space<hbm>> -> memref<1x250x80xi32, #tpu.memory_space<hbm>>
      %dma_wait3A_93 = tpu.memref_squeeze %dma_wait3A_92 : memref<1x250x80xi32, #tpu.memory_space<hbm>> -> memref<250x80xi32, #tpu.memory_space<hbm>>
      %dma_wait3A_94 = arith.constant 0 : i32
      %dma_wait3A_95 = arith.constant 0 : i32
      %dma_wait3A_96 = tpu.memref_slice %arg4[%arg1, %dma_wait3A_94, %dma_wait3A_95] : memref<16x250x80xi32, #tpu.memory_space<hbm>> -> memref<1x250x80xi32, #tpu.memory_space<hbm>>
      %dma_wait3A_97 = tpu.memref_squeeze %dma_wait3A_96 : memref<1x250x80xi32, #tpu.memory_space<hbm>> -> memref<250x80xi32, #tpu.memory_space<hbm>>
      tpu.wait_dma2 semaphore(%run_scoped3A : memref<!tpu.dma_semaphore, #tpu.memory_space<semaphore_mem>>) src(%dma_wait3A_97 : memref<250x80xi32, #tpu.memory_space<hbm>>) dst(%arg10 : memref<250x80xi32, #tpu.memory_space<vmem>>)
      tpu.yield
    }) : () -> ()
    %mul3A_1 = arith.constant 10000 : i32
    %mul3A_2 = arith.muli %arg0, %mul3A_1 : i32
    %scan3A = arith.constant 0 : i32
    %scan3A_3 = arith.constant 0 : i32
    %scan3A_4 = arith.constant 1250 : i32
    %scan3A_5 = arith.addi %scan3A_3, %scan3A_4 : i32
    %scan3A_6 = arith.constant 1 : i32
    scf.for %scan3A_82 = %scan3A_3 to %scan3A_5 step %scan3A_6  : i32 {
      %jit3A = arith.constant 5 : i32
      %div3A = arith.divsi %scan3A_82, %jit3A : i32
      %sign3A = arith.constant 0 : i32
      %sign3A_83 = arith.cmpi sgt, %scan3A_82, %sign3A : i32
      %sign3A_84 = arith.extui %sign3A_83 : i1 to i32
      %sign3A_85 = arith.constant 0 : i32
      %sign3A_86 = arith.cmpi slt, %scan3A_82, %sign3A_85 : i32
      %sign3A_87 = arith.extui %sign3A_86 : i1 to i32
      %sign3A_88 = arith.subi %sign3A_84, %sign3A_87 : i32
      %sign3A_89 = arith.constant 0 : i32
      %sign3A_90 = arith.cmpi sgt, %jit3A, %sign3A_89 : i32
      %sign3A_91 = arith.extui %sign3A_90 : i1 to i32
      %sign3A_92 = arith.constant 0 : i32
      %sign3A_93 = arith.cmpi slt, %jit3A, %sign3A_92 : i32
      %sign3A_94 = arith.extui %sign3A_93 : i1 to i32
      %sign3A_95 = arith.subi %sign3A_91, %sign3A_94 : i32
      %ne3A = arith.cmpi ne, %sign3A_88, %sign3A_95 : i32
      %rem3A = arith.remsi %scan3A_82, %jit3A : i32
      %ne3A_96 = arith.constant 0 : i32
      %ne3A_97 = arith.cmpi ne, %rem3A, %ne3A_96 : i32
      %and3A = arith.andi %ne3A, %ne3A_97 : i1
      %sub3A = arith.constant 1 : i32
      %sub3A_98 = arith.subi %div3A, %sub3A : i32
      %select_n3A = arith.select %and3A, %sub3A_98, %div3A : i32
      %jit3A_99 = arith.constant 5 : i32
      %eq3A = arith.constant 0 : i32
      %eq3A_100 = arith.cmpi eq, %jit3A_99, %eq3A : i32
      %jit3A_101 = arith.constant 1 : i32
      %select_n3A_102 = arith.select %eq3A_100, %jit3A_101, %jit3A_99 : i32
      %rem3A_103 = arith.remsi %scan3A_82, %select_n3A_102 : i32
      %ne3A_104 = arith.constant 0 : i32
      %ne3A_105 = arith.cmpi ne, %rem3A_103, %ne3A_104 : i32
      %lt3A = arith.constant 0 : i32
      %lt3A_106 = arith.cmpi slt, %rem3A_103, %lt3A : i32
      %lt3A_107 = arith.constant 0 : i32
      %lt3A_108 = arith.cmpi slt, %select_n3A_102, %lt3A_107 : i32
      %ne3A_109 = arith.xori %lt3A_106, %lt3A_108 : i1
      %and3A_110 = arith.andi %ne3A_109, %ne3A_105 : i1
      %add3A_111 = arith.addi %rem3A_103, %select_n3A_102 : i32
      %select_n3A_112 = arith.select %and3A_110, %add3A_111, %rem3A_103 : i32
      %mul3A_113 = arith.constant 16 : i32
      %mul3A_114 = arith.muli %select_n3A_112, %mul3A_113 : i32
      %get3A = arith.index_cast %select_n3A : i32 to index
      %get3A_115 = arith.index_cast %mul3A_114 : i32 to index
      %get3A_116 = tpu.vector_load %arg9[%get3A, %get3A_115] {strides = array<i32>} : memref<250x80xi32, #tpu.memory_space<vmem>>, vector<16xi32>,
      %add3A_117 = vector.broadcast %mul3A_2 : i32 to vector<16xi32>
      %add3A_118 = arith.addi %get3A_116, %add3A_117 : vector<16xi32>
      %swap3A = arith.index_cast %select_n3A : i32 to index
      %swap3A_119 = arith.index_cast %mul3A_114 : i32 to index
      %swap3A_120 = tpu.vector_load %arg9[%swap3A, %swap3A_119] {strides = array<i32>} : memref<250x80xi32, #tpu.memory_space<vmem>>, vector<16xi32>,
      tpu.vector_store %arg9[%swap3A, %swap3A_119], %add3A_118 {strides = array<i32>} : memref<250x80xi32, #tpu.memory_space<vmem>>, vector<16xi32>,
    }
    %scan3A_7 = arith.constant 1250 : i32
    %mul3A_8 = arith.constant 20000 : i32
    %mul3A_9 = arith.muli %arg1, %mul3A_8 : i32
    %add3A = arith.constant 0 : i32
    %add3A_10 = arith.addi %mul3A_9, %add3A : i32
    %dma_start3A = arith.constant 0 : i32
    %dma_start3A_11 = arith.constant 0 : i32
    %dma_start3A_12 = arith.constant 0 : i32
    %dma_start3A_13 = tpu.memref_slice %arg12[%dma_start3A, %dma_start3A_11, %dma_start3A_12] : memref<2x80x16xf32, #tpu.memory_space<vmem>> -> memref<1x80x16xf32, #tpu.memory_space<vmem>>
    %dma_start3A_14 = tpu.memref_squeeze %dma_start3A_13 : memref<1x80x16xf32, #tpu.memory_space<vmem>> -> memref<80x16xf32, #tpu.memory_space<vmem>>
    %dma_start3A_15 = arith.constant 0 : i32
    %dma_start3A_16 = tpu.memref_slice %arg6[%add3A_10, %dma_start3A_15] : memref<320000x16xf32, #tpu.memory_space<hbm>> -> memref<80x16xf32, #tpu.memory_space<hbm>>
    %dma_start3A_17 = arith.constant 0 : i32
    %dma_start3A_18 = arith.constant 0 : i32
    %dma_start3A_19 = tpu.memref_slice %arg12[%dma_start3A, %dma_start3A_17, %dma_start3A_18] : memref<2x80x16xf32, #tpu.memory_space<vmem>> -> memref<1x80x16xf32, #tpu.memory_space<vmem>>
    %dma_start3A_20 = tpu.memref_squeeze %dma_start3A_19 : memref<1x80x16xf32, #tpu.memory_space<vmem>> -> memref<80x16xf32, #tpu.memory_space<vmem>>
    %dma_start3A_21 = arith.constant 0 : i32
    %dma_start3A_22 = tpu.memref_slice %arg6[%add3A_10, %dma_start3A_21] : memref<320000x16xf32, #tpu.memory_space<hbm>> -> memref<80x16xf32, #tpu.memory_space<hbm>>
    tpu.enqueue_dma source(%dma_start3A_22 : memref<80x16xf32, #tpu.memory_space<hbm>>) target(%dma_start3A_20 : memref<80x16xf32, #tpu.memory_space<vmem>>) target_semaphore(%arg16 : memref<!tpu.dma_semaphore, #tpu.memory_space<semaphore_mem>>)
    %mul3A_23 = arith.constant 250 : i32
    %mul3A_24 = arith.muli %arg1, %mul3A_23 : i32
    %add3A_25 = arith.constant 0 : i32
    %add3A_26 = arith.addi %mul3A_24, %add3A_25 : i32
    %dma_start3A_27 = arith.constant 0 : i32
    %dma_start3A_28 = arith.constant 0 : i32
    %dma_start3A_29 = tpu.memref_slice %arg11[%dma_start3A_27, %dma_start3A_28] : memref<2x80xf32, #tpu.memory_space<vmem>> -> memref<1x80xf32, #tpu.memory_space<vmem>>
    %dma_start3A_30 = tpu.memref_squeeze %dma_start3A_29 : memref<1x80xf32, #tpu.memory_space<vmem>> -> memref<80xf32, #tpu.memory_space<vmem>>
    %dma_start3A_31 = arith.constant 0 : i32
    %dma_start3A_32 = tpu.memref_slice %arg5[%add3A_26, %dma_start3A_31] : memref<4000x80xf32, #tpu.memory_space<hbm>> -> memref<1x80xf32, #tpu.memory_space<hbm>>
    %dma_start3A_33 = tpu.memref_squeeze %dma_start3A_32 : memref<1x80xf32, #tpu.memory_space<hbm>> -> memref<80xf32, #tpu.memory_space<hbm>>
    %dma_start3A_34 = arith.constant 0 : i32
    %dma_start3A_35 = tpu.memref_slice %arg11[%dma_start3A_27, %dma_start3A_34] : memref<2x80xf32, #tpu.memory_space<vmem>> -> memref<1x80xf32, #tpu.memory_space<vmem>>
    %dma_start3A_36 = tpu.memref_squeeze %dma_start3A_35 : memref<1x80xf32, #tpu.memory_space<vmem>> -> memref<80xf32, #tpu.memory_space<vmem>>
    %dma_start3A_37 = arith.constant 0 : i32
    %dma_start3A_38 = tpu.memref_slice %arg5[%add3A_26, %dma_start3A_37] : memref<4000x80xf32, #tpu.memory_space<hbm>> -> memref<1x80xf32, #tpu.memory_space<hbm>>
    %dma_start3A_39 = tpu.memref_squeeze %dma_start3A_38 : memref<1x80xf32, #tpu.memory_space<hbm>> -> memref<80xf32, #tpu.memory_space<hbm>>
    tpu.enqueue_dma source(%dma_start3A_39 : memref<80xf32, #tpu.memory_space<hbm>>) target(%dma_start3A_36 : memref<80xf32, #tpu.memory_space<vmem>>) target_semaphore(%arg16 : memref<!tpu.dma_semaphore, #tpu.memory_space<semaphore_mem>>)
    %dma_start3A_40 = arith.constant 0 : i32
    %dma_start3A_41 = arith.constant 0 : i32
    %dma_start3A_42 = arith.constant 0 : i32
    %dma_start3A_43 = arith.constant 0 : i32
    %dma_start3A_44 = tpu.memref_slice %arg13[%dma_start3A_41, %dma_start3A_42, %dma_start3A_43] : memref<2x80x64xf32, #tpu.memory_space<vmem>> -> memref<1x80x64xf32, #tpu.memory_space<vmem>>
    %dma_start3A_45 = tpu.memref_squeeze %dma_start3A_44 : memref<1x80x64xf32, #tpu.memory_space<vmem>> -> memref<80x64xf32, #tpu.memory_space<vmem>>
    %dma_start3A_46 = arith.constant 0 : i32
    %dma_start3A_47 = tpu.memref_slice %arg9[%dma_start3A_40, %dma_start3A_46] : memref<250x80xi32, #tpu.memory_space<vmem>> -> memref<1x80xi32, #tpu.memory_space<vmem>>
    %dma_start3A_48 = tpu.memref_squeeze %dma_start3A_47 : memref<1x80xi32, #tpu.memory_space<vmem>> -> memref<80xi32, #tpu.memory_space<vmem>>
    %dma_start3A_49 = arith.constant 0 : i32
    %dma_start3A_50 = arith.constant 0 : i32
    %dma_start3A_51 = tpu.memref_slice %arg2[%dma_start3A_49, %dma_start3A_50] : memref<20000x64xf32, #tpu.memory_space<hbm>> -> memref<20000x64xf32, #tpu.memory_space<hbm>>
    tpu.enqueue_indirect_dma source(%dma_start3A_51 : memref<20000x64xf32, #tpu.memory_space<hbm>>) target(%dma_start3A_45 : memref<80x64xf32, #tpu.memory_space<vmem>>) offsets(%dma_start3A_48 : memref<80xi32, #tpu.memory_space<vmem>>) semaphore(%arg16 : memref<!tpu.dma_semaphore, #tpu.memory_space<semaphore_mem>>)
    %scan3A_52 = arith.constant 0 : i32
    %scan3A_53 = arith.constant 0 : i32
    %scan3A_54 = arith.constant 125 : i32
    %scan3A_55 = arith.addi %scan3A_53, %scan3A_54 : i32
    %scan3A_56 = arith.constant 1 : i32
    scf.for %scan3A_82 = %scan3A_53 to %scan3A_55 step %scan3A_56  : i32 {
      %mul3A_83 = arith.constant 2 : i32
      %mul3A_84 = arith.muli %mul3A_83, %scan3A_82 : i32
      %add3A_85 = arith.constant 1 : i32
      %add3A_86 = arith.addi %mul3A_84, %add3A_85 : i32
      %mul3A_87 = arith.constant 20000 : i32
      %mul3A_88 = arith.muli %arg1, %mul3A_87 : i32
      %mul3A_89 = arith.constant 80 : i32
      %mul3A_90 = arith.muli %add3A_86, %mul3A_89 : i32
      %add3A_91 = arith.addi %mul3A_88, %mul3A_90 : i32
      %dma_start3A_92 = arith.constant 1 : i32
      %dma_start3A_93 = arith.constant 0 : i32
      %dma_start3A_94 = arith.constant 0 : i32
      %dma_start3A_95 = tpu.memref_slice %arg12[%dma_start3A_92, %dma_start3A_93, %dma_start3A_94] : memref<2x80x16xf32, #tpu.memory_space<vmem>> -> memref<1x80x16xf32, #tpu.memory_space<vmem>>
      %dma_start3A_96 = tpu.memref_squeeze %dma_start3A_95 : memref<1x80x16xf32, #tpu.memory_space<vmem>> -> memref<80x16xf32, #tpu.memory_space<vmem>>
      %dma_start3A_97 = arith.constant 0 : i32
      %dma_start3A_98 = tpu.memref_slice %arg6[%add3A_91, %dma_start3A_97] : memref<320000x16xf32, #tpu.memory_space<hbm>> -> memref<80x16xf32, #tpu.memory_space<hbm>>
      %dma_start3A_99 = arith.constant 0 : i32
      %dma_start3A_100 = arith.constant 0 : i32
      %dma_start3A_101 = tpu.memref_slice %arg12[%dma_start3A_92, %dma_start3A_99, %dma_start3A_100] : memref<2x80x16xf32, #tpu.memory_space<vmem>> -> memref<1x80x16xf32, #tpu.memory_space<vmem>>
      %dma_start3A_102 = tpu.memref_squeeze %dma_start3A_101 : memref<1x80x16xf32, #tpu.memory_space<vmem>> -> memref<80x16xf32, #tpu.memory_space<vmem>>
      %dma_start3A_103 = arith.constant 0 : i32
      %dma_start3A_104 = tpu.memref_slice %arg6[%add3A_91, %dma_start3A_103] : memref<320000x16xf32, #tpu.memory_space<hbm>> -> memref<80x16xf32, #tpu.memory_space<hbm>>
      tpu.enqueue_dma source(%dma_start3A_104 : memref<80x16xf32, #tpu.memory_space<hbm>>) target(%dma_start3A_102 : memref<80x16xf32, #tpu.memory_space<vmem>>) target_semaphore(%arg17 : memref<!tpu.dma_semaphore, #tpu.memory_space<semaphore_mem>>)
      %mul3A_105 = arith.constant 250 : i32
      %mul3A_106 = arith.muli %arg1, %mul3A_105 : i32
      %add3A_107 = arith.addi %mul3A_106, %add3A_86 : i32
      %dma_start3A_108 = arith.constant 1 : i32
      %dma_start3A_109 = arith.constant 0 : i32
      %dma_start3A_110 = tpu.memref_slice %arg11[%dma_start3A_108, %dma_start3A_109] : memref<2x80xf32, #tpu.memory_space<vmem>> -> memref<1x80xf32, #tpu.memory_space<vmem>>
      %dma_start3A_111 = tpu.memref_squeeze %dma_start3A_110 : memref<1x80xf32, #tpu.memory_space<vmem>> -> memref<80xf32, #tpu.memory_space<vmem>>
      %dma_start3A_112 = arith.constant 0 : i32
      %dma_start3A_113 = tpu.memref_slice %arg5[%add3A_107, %dma_start3A_112] : memref<4000x80xf32, #tpu.memory_space<hbm>> -> memref<1x80xf32, #tpu.memory_space<hbm>>
      %dma_start3A_114 = tpu.memref_squeeze %dma_start3A_113 : memref<1x80xf32, #tpu.memory_space<hbm>> -> memref<80xf32, #tpu.memory_space<hbm>>
      %dma_start3A_115 = arith.constant 0 : i32
      %dma_start3A_116 = tpu.memref_slice %arg11[%dma_start3A_108, %dma_start3A_115] : memref<2x80xf32, #tpu.memory_space<vmem>> -> memref<1x80xf32, #tpu.memory_space<vmem>>
      %dma_start3A_117 = tpu.memref_squeeze %dma_start3A_116 : memref<1x80xf32, #tpu.memory_space<vmem>> -> memref<80xf32, #tpu.memory_space<vmem>>
      %dma_start3A_118 = arith.constant 0 : i32
      %dma_start3A_119 = tpu.memref_slice %arg5[%add3A_107, %dma_start3A_118] : memref<4000x80xf32, #tpu.memory_space<hbm>> -> memref<1x80xf32, #tpu.memory_space<hbm>>
      %dma_start3A_120 = tpu.memref_squeeze %dma_start3A_119 : memref<1x80xf32, #tpu.memory_space<hbm>> -> memref<80xf32, #tpu.memory_space<hbm>>
      tpu.enqueue_dma source(%dma_start3A_120 : memref<80xf32, #tpu.memory_space<hbm>>) target(%dma_start3A_117 : memref<80xf32, #tpu.memory_space<vmem>>) target_semaphore(%arg17 : memref<!tpu.dma_semaphore, #tpu.memory_space<semaphore_mem>>)
      %dma_start3A_121 = arith.constant 1 : i32
      %dma_start3A_122 = arith.constant 0 : i32
      %dma_start3A_123 = arith.constant 0 : i32
      %dma_start3A_124 = tpu.memref_slice %arg13[%dma_start3A_121, %dma_start3A_122, %dma_start3A_123] : memref<2x80x64xf32, #tpu.memory_space<vmem>> -> memref<1x80x64xf32, #tpu.memory_space<vmem>>
      %dma_start3A_125 = tpu.memref_squeeze %dma_start3A_124 : memref<1x80x64xf32, #tpu.memory_space<vmem>> -> memref<80x64xf32, #tpu.memory_space<vmem>>
      %dma_start3A_126 = arith.constant 0 : i32
      %dma_start3A_127 = tpu.memref_slice %arg9[%add3A_86, %dma_start3A_126] : memref<250x80xi32, #tpu.memory_space<vmem>> -> memref<1x80xi32, #tpu.memory_space<vmem>>
      %dma_start3A_128 = tpu.memref_squeeze %dma_start3A_127 : memref<1x80xi32, #tpu.memory_space<vmem>> -> memref<80xi32, #tpu.memory_space<vmem>>
      %dma_start3A_129 = arith.constant 0 : i32
      %dma_start3A_130 = arith.constant 0 : i32
      %dma_start3A_131 = tpu.memref_slice %arg2[%dma_start3A_129, %dma_start3A_130] : memref<20000x64xf32, #tpu.memory_space<hbm>> -> memref<20000x64xf32, #tpu.memory_space<hbm>>
      tpu.enqueue_indirect_dma source(%dma_start3A_131 : memref<20000x64xf32, #tpu.memory_space<hbm>>) target(%dma_start3A_125 : memref<80x64xf32, #tpu.memory_space<vmem>>) offsets(%dma_start3A_128 : memref<80xi32, #tpu.memory_space<vmem>>) semaphore(%arg17 : memref<!tpu.dma_semaphore, #tpu.memory_space<semaphore_mem>>)
      %mul3A_132 = arith.constant 20000 : i32
      %mul3A_133 = arith.muli %arg1, %mul3A_132 : i32
      %mul3A_134 = arith.constant 80 : i32
      %mul3A_135 = arith.muli %mul3A_84, %mul3A_134 : i32
      %add3A_136 = arith.addi %mul3A_133, %mul3A_135 : i32
      %dma_wait3A_137 = arith.constant 0 : i32
      %dma_wait3A_138 = arith.constant 0 : i32
      %dma_wait3A_139 = arith.constant 0 : i32
      %dma_wait3A_140 = tpu.memref_slice %arg12[%dma_wait3A_137, %dma_wait3A_138, %dma_wait3A_139] : memref<2x80x16xf32, #tpu.memory_space<vmem>> -> memref<1x80x16xf32, #tpu.memory_space<vmem>>
      %dma_wait3A_141 = tpu.memref_squeeze %dma_wait3A_140 : memref<1x80x16xf32, #tpu.memory_space<vmem>> -> memref<80x16xf32, #tpu.memory_space<vmem>>
      %dma_wait3A_142 = arith.constant 0 : i32
      %dma_wait3A_143 = tpu.memref_slice %arg6[%add3A_136, %dma_wait3A_142] : memref<320000x16xf32, #tpu.memory_space<hbm>> -> memref<80x16xf32, #tpu.memory_space<hbm>>
      %dma_wait3A_144 = arith.constant 0 : i32
      %dma_wait3A_145 = arith.constant 0 : i32
      %dma_wait3A_146 = tpu.memref_slice %arg12[%dma_wait3A_137, %dma_wait3A_144, %dma_wait3A_145] : memref<2x80x16xf32, #tpu.memory_space<vmem>> -> memref<1x80x16xf32, #tpu.memory_space<vmem>>
      %dma_wait3A_147 = tpu.memref_squeeze %dma_wait3A_146 : memref<1x80x16xf32, #tpu.memory_space<vmem>> -> memref<80x16xf32, #tpu.memory_space<vmem>>
      %dma_wait3A_148 = arith.constant 0 : i32
      %dma_wait3A_149 = tpu.memref_slice %arg6[%add3A_136, %dma_wait3A_148] : memref<320000x16xf32, #tpu.memory_space<hbm>> -> memref<80x16xf32, #tpu.memory_space<hbm>>
      tpu.wait_dma2 semaphore(%arg16 : memref<!tpu.dma_semaphore, #tpu.memory_space<semaphore_mem>>) src(%dma_wait3A_149 : memref<80x16xf32, #tpu.memory_space<hbm>>) dst(%dma_wait3A_147 : memref<80x16xf32, #tpu.memory_space<vmem>>)
      %mul3A_150 = arith.constant 250 : i32
      %mul3A_151 = arith.muli %arg1, %mul3A_150 : i32
      %add3A_152 = arith.addi %mul3A_151, %mul3A_84 : i32
      %dma_wait3A_153 = arith.constant 0 : i32
      %dma_wait3A_154 = arith.constant 0 : i32
      %dma_wait3A_155 = tpu.memref_slice %arg11[%dma_wait3A_153, %dma_wait3A_154] : memref<2x80xf32, #tpu.memory_space<vmem>> -> memref<1x80xf32, #tpu.memory_space<vmem>>
      %dma_wait3A_156 = tpu.memref_squeeze %dma_wait3A_155 : memref<1x80xf32, #tpu.memory_space<vmem>> -> memref<80xf32, #tpu.memory_space<vmem>>
      %dma_wait3A_157 = arith.constant 0 : i32
      %dma_wait3A_158 = tpu.memref_slice %arg5[%add3A_152, %dma_wait3A_157] : memref<4000x80xf32, #tpu.memory_space<hbm>> -> memref<1x80xf32, #tpu.memory_space<hbm>>
      %dma_wait3A_159 = tpu.memref_squeeze %dma_wait3A_158 : memref<1x80xf32, #tpu.memory_space<hbm>> -> memref<80xf32, #tpu.memory_space<hbm>>
      %dma_wait3A_160 = arith.constant 0 : i32
      %dma_wait3A_161 = tpu.memref_slice %arg11[%dma_wait3A_153, %dma_wait3A_160] : memref<2x80xf32, #tpu.memory_space<vmem>> -> memref<1x80xf32, #tpu.memory_space<vmem>>
      %dma_wait3A_162 = tpu.memref_squeeze %dma_wait3A_161 : memref<1x80xf32, #tpu.memory_space<vmem>> -> memref<80xf32, #tpu.memory_space<vmem>>
      %dma_wait3A_163 = arith.constant 0 : i32
      %dma_wait3A_164 = tpu.memref_slice %arg5[%add3A_152, %dma_wait3A_163] : memref<4000x80xf32, #tpu.memory_space<hbm>> -> memref<1x80xf32, #tpu.memory_space<hbm>>
      %dma_wait3A_165 = tpu.memref_squeeze %dma_wait3A_164 : memref<1x80xf32, #tpu.memory_space<hbm>> -> memref<80xf32, #tpu.memory_space<hbm>>
      tpu.wait_dma2 semaphore(%arg16 : memref<!tpu.dma_semaphore, #tpu.memory_space<semaphore_mem>>) src(%dma_wait3A_165 : memref<80xf32, #tpu.memory_space<hbm>>) dst(%dma_wait3A_162 : memref<80xf32, #tpu.memory_space<vmem>>)
      %dma_wait3A_166 = arith.constant 0 : i32
      %dma_wait3A_167 = arith.constant 0 : i32
      %dma_wait3A_168 = arith.constant 0 : i32
      %dma_wait3A_169 = tpu.memref_slice %arg13[%dma_wait3A_166, %dma_wait3A_167, %dma_wait3A_168] : memref<2x80x64xf32, #tpu.memory_space<vmem>> -> memref<1x80x64xf32, #tpu.memory_space<vmem>>
      %dma_wait3A_170 = tpu.memref_squeeze %dma_wait3A_169 : memref<1x80x64xf32, #tpu.memory_space<vmem>> -> memref<80x64xf32, #tpu.memory_space<vmem>>
      %dma_wait3A_171 = arith.constant 0 : i32
      %dma_wait3A_172 = tpu.memref_slice %arg9[%mul3A_84, %dma_wait3A_171] : memref<250x80xi32, #tpu.memory_space<vmem>> -> memref<1x80xi32, #tpu.memory_space<vmem>>
      %dma_wait3A_173 = tpu.memref_squeeze %dma_wait3A_172 : memref<1x80xi32, #tpu.memory_space<vmem>> -> memref<80xi32, #tpu.memory_space<vmem>>
      %dma_wait3A_174 = arith.constant 0 : i32
      %dma_wait3A_175 = arith.constant 0 : i32
      %dma_wait3A_176 = tpu.memref_slice %arg2[%dma_wait3A_174, %dma_wait3A_175] : memref<20000x64xf32, #tpu.memory_space<hbm>> -> memref<20000x64xf32, #tpu.memory_space<hbm>>
      tpu.wait_indirect_dma semaphore(%arg16 : memref<!tpu.dma_semaphore, #tpu.memory_space<semaphore_mem>>) src(%dma_wait3A_176 : memref<20000x64xf32, #tpu.memory_space<hbm>>) dst(%dma_wait3A_170 : memref<80x64xf32, #tpu.memory_space<vmem>>)
      %gt3A = arith.constant 0 : i32
      %gt3A_177 = arith.cmpi sgt, %scan3A_82, %gt3A : i32
      %convert_element_type3A = arith.extui %gt3A_177 : i1 to i32
      %cond3A = arith.constant 0 : i32
      %cond3A_178 = arith.cmpi ne, %convert_element_type3A, %cond3A : i32
      scf.if %cond3A_178 {
        %sub3A = arith.constant 2 : i32
        %sub3A_260 = arith.subi %mul3A_84, %sub3A : i32
        %dma_wait3A_261 = arith.constant 0 : i32
        %dma_wait3A_262 = arith.constant 0 : i32
        %dma_wait3A_263 = arith.constant 0 : i32
        %dma_wait3A_264 = tpu.memref_slice %arg14[%dma_wait3A_261, %dma_wait3A_262, %dma_wait3A_263] : memref<2x80x80xf32, #tpu.memory_space<vmem>> -> memref<1x80x80xf32, #tpu.memory_space<vmem>>
        %dma_wait3A_265 = tpu.memref_squeeze %dma_wait3A_264 : memref<1x80x80xf32, #tpu.memory_space<vmem>> -> memref<80x80xf32, #tpu.memory_space<vmem>>
        %dma_wait3A_266 = arith.constant 0 : i32
        %dma_wait3A_267 = tpu.memref_slice %arg10[%sub3A_260, %dma_wait3A_266] : memref<250x80xi32, #tpu.memory_space<vmem>> -> memref<1x80xi32, #tpu.memory_space<vmem>>
        %dma_wait3A_268 = tpu.memref_squeeze %dma_wait3A_267 : memref<1x80xi32, #tpu.memory_space<vmem>> -> memref<80xi32, #tpu.memory_space<vmem>>
        %dma_wait3A_269 = arith.constant 0 : i32
        %dma_wait3A_270 = arith.constant 0 : i32
        %dma_wait3A_271 = tpu.memref_slice %arg15[%dma_wait3A_269, %dma_wait3A_270] : memref<10240x80xf32, #tpu.memory_space<vmem_shared>> -> memref<10240x80xf32, #tpu.memory_space<vmem_shared>>
        tpu.wait_indirect_dma semaphore(%arg18 : memref<!tpu.dma_semaphore, #tpu.memory_space<semaphore_mem>>) src(%dma_wait3A_265 : memref<80x80xf32, #tpu.memory_space<vmem>>) dst(%dma_wait3A_271 : memref<10240x80xf32, #tpu.memory_space<vmem_shared>>)
      } else {
      }
      %parallel_loop3A = arith.constant 0 : i32
      %parallel_loop3A_179 = arith.constant 5 : i32
      %parallel_loop3A_180 = arith.constant 1 : i32
      scf.for %parallel_loop3A_260 = %parallel_loop3A to %parallel_loop3A_179 step %parallel_loop3A_180  : i32 {
        %parallel_loop3A_261 = arith.constant 16 : i32
        %parallel_loop3A_262 = arith.muli %parallel_loop3A_260, %parallel_loop3A_261 : i32
        %parallel_loop3A_263 = arith.constant 0 : i32
        %parallel_loop3A_264 = arith.index_cast %parallel_loop3A_263 : i32 to index
        %parallel_loop3A_265 = arith.index_cast %parallel_loop3A_262 : i32 to index
        %parallel_loop3A_266 = tpu.vector_load %arg11[%parallel_loop3A_264, %parallel_loop3A_265] {strides = array<i32>} : memref<2x80xf32, #tpu.memory_space<vmem>>, vector<16xf32>,
        %parallel_loop3A_267 = arith.constant 16 : i32
        %parallel_loop3A_268 = arith.muli %parallel_loop3A_260, %parallel_loop3A_267 : i32
        %parallel_loop3A_269 = arith.constant 0 : i32
        %parallel_loop3A_270 = arith.addi %parallel_loop3A_268, %parallel_loop3A_269 : i32
        %parallel_loop3A_271 = arith.constant 0 : i32
        %parallel_loop3A_272 = vector.broadcast %parallel_loop3A_271 : i32 to vector<16x1xi32>
        %parallel_loop3A_273 = vector.shape_cast %parallel_loop3A_272 : vector<16x1xi32> to vector<16xi32>
        %parallel_loop3A_274 = tpu.dynamic_gather %parallel_loop3A_266[%parallel_loop3A_273] in [0] : vector<16xf32>, vector<16xi32> -> vector<16xf32>
        %parallel_loop3A_275 = arith.constant 0 : i32
        %parallel_loop3A_276 = arith.index_cast %parallel_loop3A_275 : i32 to index
        %parallel_loop3A_277 = arith.index_cast %parallel_loop3A_270 : i32 to index
        %parallel_loop3A_278 = arith.constant 0 : index
        %parallel_loop3A_279 = tpu.vector_load %arg13[%parallel_loop3A_276, %parallel_loop3A_277, %parallel_loop3A_278] {strides = array<i32>} : memref<2x80x64xf32, #tpu.memory_space<vmem>>, vector<16xf32>,
        %parallel_loop3A_280 = arith.mulf %parallel_loop3A_279, %parallel_loop3A_274 : vector<16xf32>
        %parallel_loop3A_281 = arith.constant 0 : i32
        %parallel_loop3A_282 = arith.index_cast %parallel_loop3A_281 : i32 to index
        %parallel_loop3A_283 = arith.index_cast %parallel_loop3A_270 : i32 to index
        %parallel_loop3A_284 = arith.constant 0 : index
        %parallel_loop3A_285 = tpu.vector_load %arg14[%parallel_loop3A_282, %parallel_loop3A_283, %parallel_loop3A_284] {strides = array<i32>} : memref<2x80x80xf32, #tpu.memory_space<vmem>>, vector<16xf32>,
        tpu.vector_store %arg14[%parallel_loop3A_282, %parallel_loop3A_283, %parallel_loop3A_284], %parallel_loop3A_280 {strides = array<i32>} : memref<2x80x80xf32, #tpu.memory_space<vmem>>, vector<16xf32>,
        %parallel_loop3A_286 = arith.constant 0 : i32
        %parallel_loop3A_287 = arith.index_cast %parallel_loop3A_286 : i32 to index
        %parallel_loop3A_288 = arith.index_cast %parallel_loop3A_270 : i32 to index
        %parallel_loop3A_289 = arith.constant 16 : index
        %parallel_loop3A_290 = tpu.vector_load %arg13[%parallel_loop3A_287, %parallel_loop3A_288, %parallel_loop3A_289] {strides = array<i32>} : memref<2x80x64xf32, #tpu.memory_space<vmem>>, vector<16xf32>,
        %parallel_loop3A_291 = arith.mulf %parallel_loop3A_290, %parallel_loop3A_274 : vector<16xf32>
        %parallel_loop3A_292 = arith.constant 0 : i32
        %parallel_loop3A_293 = arith.index_cast %parallel_loop3A_292 : i32 to index
        %parallel_loop3A_294 = arith.index_cast %parallel_loop3A_270 : i32 to index
        %parallel_loop3A_295 = arith.constant 16 : index
        %parallel_loop3A_296 = tpu.vector_load %arg14[%parallel_loop3A_293, %parallel_loop3A_294, %parallel_loop3A_295] {strides = array<i32>} : memref<2x80x80xf32, #tpu.memory_space<vmem>>, vector<16xf32>,
        tpu.vector_store %arg14[%parallel_loop3A_293, %parallel_loop3A_294, %parallel_loop3A_295], %parallel_loop3A_291 {strides = array<i32>} : memref<2x80x80xf32, #tpu.memory_space<vmem>>, vector<16xf32>,
        %parallel_loop3A_297 = arith.constant 0 : i32
        %parallel_loop3A_298 = arith.index_cast %parallel_loop3A_297 : i32 to index
        %parallel_loop3A_299 = arith.index_cast %parallel_loop3A_270 : i32 to index
        %parallel_loop3A_300 = arith.constant 32 : index
        %parallel_loop3A_301 = tpu.vector_load %arg13[%parallel_loop3A_298, %parallel_loop3A_299, %parallel_loop3A_300] {strides = array<i32>} : memref<2x80x64xf32, #tpu.memory_space<vmem>>, vector<16xf32>,
        %parallel_loop3A_302 = arith.mulf %parallel_loop3A_301, %parallel_loop3A_274 : vector<16xf32>
        %parallel_loop3A_303 = arith.constant 0 : i32
        %parallel_loop3A_304 = arith.index_cast %parallel_loop3A_303 : i32 to index
        %parallel_loop3A_305 = arith.index_cast %parallel_loop3A_270 : i32 to index
        %parallel_loop3A_306 = arith.constant 32 : index
        %parallel_loop3A_307 = tpu.vector_load %arg14[%parallel_loop3A_304, %parallel_loop3A_305, %parallel_loop3A_306] {strides = array<i32>} : memref<2x80x80xf32, #tpu.memory_space<vmem>>, vector<16xf32>,
        tpu.vector_store %arg14[%parallel_loop3A_304, %parallel_loop3A_305, %parallel_loop3A_306], %parallel_loop3A_302 {strides = array<i32>} : memref<2x80x80xf32, #tpu.memory_space<vmem>>, vector<16xf32>,
        %parallel_loop3A_308 = arith.constant 0 : i32
        %parallel_loop3A_309 = arith.index_cast %parallel_loop3A_308 : i32 to index
        %parallel_loop3A_310 = arith.index_cast %parallel_loop3A_270 : i32 to index
        %parallel_loop3A_311 = arith.constant 48 : index
        %parallel_loop3A_312 = tpu.vector_load %arg13[%parallel_loop3A_309, %parallel_loop3A_310, %parallel_loop3A_311] {strides = array<i32>} : memref<2x80x64xf32, #tpu.memory_space<vmem>>, vector<16xf32>,
        %parallel_loop3A_313 = arith.mulf %parallel_loop3A_312, %parallel_loop3A_274 : vector<16xf32>
        %parallel_loop3A_314 = arith.constant 0 : i32
        %parallel_loop3A_315 = arith.index_cast %parallel_loop3A_314 : i32 to index
        %parallel_loop3A_316 = arith.index_cast %parallel_loop3A_270 : i32 to index
        %parallel_loop3A_317 = arith.constant 48 : index
        %parallel_loop3A_318 = tpu.vector_load %arg14[%parallel_loop3A_315, %parallel_loop3A_316, %parallel_loop3A_317] {strides = array<i32>} : memref<2x80x80xf32, #tpu.memory_space<vmem>>, vector<16xf32>,
        tpu.vector_store %arg14[%parallel_loop3A_315, %parallel_loop3A_316, %parallel_loop3A_317], %parallel_loop3A_313 {strides = array<i32>} : memref<2x80x80xf32, #tpu.memory_space<vmem>>, vector<16xf32>,
        %parallel_loop3A_319 = arith.constant 0 : i32
        %parallel_loop3A_320 = arith.index_cast %parallel_loop3A_319 : i32 to index
        %parallel_loop3A_321 = arith.index_cast %parallel_loop3A_270 : i32 to index
        %parallel_loop3A_322 = arith.constant 0 : index
        %parallel_loop3A_323 = tpu.vector_load %arg12[%parallel_loop3A_320, %parallel_loop3A_321, %parallel_loop3A_322] {strides = array<i32>} : memref<2x80x16xf32, #tpu.memory_space<vmem>>, vector<16xf32>,
        %parallel_loop3A_324 = arith.mulf %parallel_loop3A_323, %parallel_loop3A_274 : vector<16xf32>
        %parallel_loop3A_325 = arith.constant 0 : i32
        %parallel_loop3A_326 = arith.index_cast %parallel_loop3A_325 : i32 to index
        %parallel_loop3A_327 = arith.index_cast %parallel_loop3A_270 : i32 to index
        %parallel_loop3A_328 = arith.constant 64 : index
        %parallel_loop3A_329 = tpu.vector_load %arg14[%parallel_loop3A_326, %parallel_loop3A_327, %parallel_loop3A_328] {strides = array<i32>} : memref<2x80x80xf32, #tpu.memory_space<vmem>>, vector<16xf32>,
        tpu.vector_store %arg14[%parallel_loop3A_326, %parallel_loop3A_327, %parallel_loop3A_328], %parallel_loop3A_324 {strides = array<i32>} : memref<2x80x80xf32, #tpu.memory_space<vmem>>, vector<16xf32>,
        %parallel_loop3A_330 = arith.constant 16 : i32
        %parallel_loop3A_331 = arith.muli %parallel_loop3A_260, %parallel_loop3A_330 : i32
        %parallel_loop3A_332 = arith.constant 1 : i32
        %parallel_loop3A_333 = arith.addi %parallel_loop3A_331, %parallel_loop3A_332 : i32
        %parallel_loop3A_334 = arith.constant 1 : i32
        %parallel_loop3A_335 = vector.broadcast %parallel_loop3A_334 : i32 to vector<16x1xi32>
        %parallel_loop3A_336 = vector.shape_cast %parallel_loop3A_335 : vector<16x1xi32> to vector<16xi32>
        %parallel_loop3A_337 = tpu.dynamic_gather %parallel_loop3A_266[%parallel_loop3A_336] in [0] : vector<16xf32>, vector<16xi32> -> vector<16xf32>
        %parallel_loop3A_338 = arith.constant 0 : i32
        %parallel_loop3A_339 = arith.index_cast %parallel_loop3A_338 : i32 to index
        %parallel_loop3A_340 = arith.index_cast %parallel_loop3A_333 : i32 to index
        %parallel_loop3A_341 = arith.constant 0 : index
        %parallel_loop3A_342 = tpu.vector_load %arg13[%parallel_loop3A_339, %parallel_loop3A_340, %parallel_loop3A_341] {strides = array<i32>} : memref<2x80x64xf32, #tpu.memory_space<vmem>>, vector<16xf32>,
        %parallel_loop3A_343 = arith.mulf %parallel_loop3A_342, %parallel_loop3A_337 : vector<16xf32>
        %parallel_loop3A_344 = arith.constant 0 : i32
        %parallel_loop3A_345 = arith.index_cast %parallel_loop3A_344 : i32 to index
        %parallel_loop3A_346 = arith.index_cast %parallel_loop3A_333 : i32 to index
        %parallel_loop3A_347 = arith.constant 0 : index
        %parallel_loop3A_348 = tpu.vector_load %arg14[%parallel_loop3A_345, %parallel_loop3A_346, %parallel_loop3A_347] {strides = array<i32>} : memref<2x80x80xf32, #tpu.memory_space<vmem>>, vector<16xf32>,
        tpu.vector_store %arg14[%parallel_loop3A_345, %parallel_loop3A_346, %parallel_loop3A_347], %parallel_loop3A_343 {strides = array<i32>} : memref<2x80x80xf32, #tpu.memory_space<vmem>>, vector<16xf32>,
        %parallel_loop3A_349 = arith.constant 0 : i32
        %parallel_loop3A_350 = arith.index_cast %parallel_loop3A_349 : i32 to index
        %parallel_loop3A_351 = arith.index_cast %parallel_loop3A_333 : i32 to index
        %parallel_loop3A_352 = arith.constant 16 : index
        %parallel_loop3A_353 = tpu.vector_load %arg13[%parallel_loop3A_350, %parallel_loop3A_351, %parallel_loop3A_352] {strides = array<i32>} : memref<2x80x64xf32, #tpu.memory_space<vmem>>, vector<16xf32>,
        %parallel_loop3A_354 = arith.mulf %parallel_loop3A_353, %parallel_loop3A_337 : vector<16xf32>
        %parallel_loop3A_355 = arith.constant 0 : i32
        %parallel_loop3A_356 = arith.index_cast %parallel_loop3A_355 : i32 to index
        %parallel_loop3A_357 = arith.index_cast %parallel_loop3A_333 : i32 to index
        %parallel_loop3A_358 = arith.constant 16 : index
        %parallel_loop3A_359 = tpu.vector_load %arg14[%parallel_loop3A_356, %parallel_loop3A_357, %parallel_loop3A_358] {strides = array<i32>} : memref<2x80x80xf32, #tpu.memory_space<vmem>>, vector<16xf32>,
        tpu.vector_store %arg14[%parallel_loop3A_356, %parallel_loop3A_357, %parallel_loop3A_358], %parallel_loop3A_354 {strides = array<i32>} : memref<2x80x80xf32, #tpu.memory_space<vmem>>, vector<16xf32>,
        %parallel_loop3A_360 = arith.constant 0 : i32
        %parallel_loop3A_361 = arith.index_cast %parallel_loop3A_360 : i32 to index
        %parallel_loop3A_362 = arith.index_cast %parallel_loop3A_333 : i32 to index
        %parallel_loop3A_363 = arith.constant 32 : index
        %parallel_loop3A_364 = tpu.vector_load %arg13[%parallel_loop3A_361, %parallel_loop3A_362, %parallel_loop3A_363] {strides = array<i32>} : memref<2x80x64xf32, #tpu.memory_space<vmem>>, vector<16xf32>,
        %parallel_loop3A_365 = arith.mulf %parallel_loop3A_364, %parallel_loop3A_337 : vector<16xf32>
        %parallel_loop3A_366 = arith.constant 0 : i32
        %parallel_loop3A_367 = arith.index_cast %parallel_loop3A_366 : i32 to index
        %parallel_loop3A_368 = arith.index_cast %parallel_loop3A_333 : i32 to index
        %parallel_loop3A_369 = arith.constant 32 : index
        %parallel_loop3A_370 = tpu.vector_load %arg14[%parallel_loop3A_367, %parallel_loop3A_368, %parallel_loop3A_369] {strides = array<i32>} : memref<2x80x80xf32, #tpu.memory_space<vmem>>, vector<16xf32>,
        tpu.vector_store %arg14[%parallel_loop3A_367, %parallel_loop3A_368, %parallel_loop3A_369], %parallel_loop3A_365 {strides = array<i32>} : memref<2x80x80xf32, #tpu.memory_space<vmem>>, vector<16xf32>,
        %parallel_loop3A_371 = arith.constant 0 : i32
        %parallel_loop3A_372 = arith.index_cast %parallel_loop3A_371 : i32 to index
        %parallel_loop3A_373 = arith.index_cast %parallel_loop3A_333 : i32 to index
        %parallel_loop3A_374 = arith.constant 48 : index
        %parallel_loop3A_375 = tpu.vector_load %arg13[%parallel_loop3A_372, %parallel_loop3A_373, %parallel_loop3A_374] {strides = array<i32>} : memref<2x80x64xf32, #tpu.memory_space<vmem>>, vector<16xf32>,
        %parallel_loop3A_376 = arith.mulf %parallel_loop3A_375, %parallel_loop3A_337 : vector<16xf32>
        %parallel_loop3A_377 = arith.constant 0 : i32
        %parallel_loop3A_378 = arith.index_cast %parallel_loop3A_377 : i32 to index
        %parallel_loop3A_379 = arith.index_cast %parallel_loop3A_333 : i32 to index
        %parallel_loop3A_380 = arith.constant 48 : index
        %parallel_loop3A_381 = tpu.vector_load %arg14[%parallel_loop3A_378, %parallel_loop3A_379, %parallel_loop3A_380] {strides = array<i32>} : memref<2x80x80xf32, #tpu.memory_space<vmem>>, vector<16xf32>,
        tpu.vector_store %arg14[%parallel_loop3A_378, %parallel_loop3A_379, %parallel_loop3A_380], %parallel_loop3A_376 {strides = array<i32>} : memref<2x80x80xf32, #tpu.memory_space<vmem>>, vector<16xf32>,
        %parallel_loop3A_382 = arith.constant 0 : i32
        %parallel_loop3A_383 = arith.index_cast %parallel_loop3A_382 : i32 to index
        %parallel_loop3A_384 = arith.index_cast %parallel_loop3A_333 : i32 to index
        %parallel_loop3A_385 = arith.constant 0 : index
        %parallel_loop3A_386 = tpu.vector_load %arg12[%parallel_loop3A_383, %parallel_loop3A_384, %parallel_loop3A_385] {strides = array<i32>} : memref<2x80x16xf32, #tpu.memory_space<vmem>>, vector<16xf32>,
        %parallel_loop3A_387 = arith.mulf %parallel_loop3A_386, %parallel_loop3A_337 : vector<16xf32>
        %parallel_loop3A_388 = arith.constant 0 : i32
        %parallel_loop3A_389 = arith.index_cast %parallel_loop3A_388 : i32 to index
        %parallel_loop3A_390 = arith.index_cast %parallel_loop3A_333 : i32 to index
        %parallel_loop3A_391 = arith.constant 64 : index
        %parallel_loop3A_392 = tpu.vector_load %arg14[%parallel_loop3A_389, %parallel_loop3A_390, %parallel_loop3A_391] {strides = array<i32>} : memref<2x80x80xf32, #tpu.memory_space<vmem>>, vector<16xf32>,
        tpu.vector_store %arg14[%parallel_loop3A_389, %parallel_loop3A_390, %parallel_loop3A_391], %parallel_loop3A_387 {strides = array<i32>} : memref<2x80x80xf32, #tpu.memory_space<vmem>>, vector<16xf32>,
        %parallel_loop3A_393 = arith.constant 16 : i32
        %parallel_loop3A_394 = arith.muli %parallel_loop3A_260, %parallel_loop3A_393 : i32
        %parallel_loop3A_395 = arith.constant 2 : i32
        %parallel_loop3A_396 = arith.addi %parallel_loop3A_394, %parallel_loop3A_395 : i32
        %parallel_loop3A_397 = arith.constant 2 : i32
        %parallel_loop3A_398 = vector.broadcast %parallel_loop3A_397 : i32 to vector<16x1xi32>
        %parallel_loop3A_399 = vector.shape_cast %parallel_loop3A_398 : vector<16x1xi32> to vector<16xi32>
        %parallel_loop3A_400 = tpu.dynamic_gather %parallel_loop3A_266[%parallel_loop3A_399] in [0] : vector<16xf32>, vector<16xi32> -> vector<16xf32>
        %parallel_loop3A_401 = arith.constant 0 : i32
        %parallel_loop3A_402 = arith.index_cast %parallel_loop3A_401 : i32 to index
        %parallel_loop3A_403 = arith.index_cast %parallel_loop3A_396 : i32 to index
        %parallel_loop3A_404 = arith.constant 0 : index
        %parallel_loop3A_405 = tpu.vector_load %arg13[%parallel_loop3A_402, %parallel_loop3A_403, %parallel_loop3A_404] {strides = array<i32>} : memref<2x80x64xf32, #tpu.memory_space<vmem>>, vector<16xf32>,
        %parallel_loop3A_406 = arith.mulf %parallel_loop3A_405, %parallel_loop3A_400 : vector<16xf32>
        %parallel_loop3A_407 = arith.constant 0 : i32
        %parallel_loop3A_408 = arith.index_cast %parallel_loop3A_407 : i32 to index
        %parallel_loop3A_409 = arith.index_cast %parallel_loop3A_396 : i32 to index
        %parallel_loop3A_410 = arith.constant 0 : index
        %parallel_loop3A_411 = tpu.vector_load %arg14[%parallel_loop3A_408, %parallel_loop3A_409, %parallel_loop3A_410] {strides = array<i32>} : memref<2x80x80xf32, #tpu.memory_space<vmem>>, vector<16xf32>,
        tpu.vector_store %arg14[%parallel_loop3A_408, %parallel_loop3A_409, %parallel_loop3A_410], %parallel_loop3A_406 {strides = array<i32>} : memref<2x80x80xf32, #tpu.memory_space<vmem>>, vector<16xf32>,
        %parallel_loop3A_412 = arith.constant 0 : i32
        %parallel_loop3A_413 = arith.index_cast %parallel_loop3A_412 : i32 to index
        %parallel_loop3A_414 = arith.index_cast %parallel_loop3A_396 : i32 to index
        %parallel_loop3A_415 = arith.constant 16 : index
        %parallel_loop3A_416 = tpu.vector_load %arg13[%parallel_loop3A_413, %parallel_loop3A_414, %parallel_loop3A_415] {strides = array<i32>} : memref<2x80x64xf32, #tpu.memory_space<vmem>>, vector<16xf32>,
        %parallel_loop3A_417 = arith.mulf %parallel_loop3A_416, %parallel_loop3A_400 : vector<16xf32>
        %parallel_loop3A_418 = arith.constant 0 : i32
        %parallel_loop3A_419 = arith.index_cast %parallel_loop3A_418 : i32 to index
        %parallel_loop3A_420 = arith.index_cast %parallel_loop3A_396 : i32 to index
        %parallel_loop3A_421 = arith.constant 16 : index
        %parallel_loop3A_422 = tpu.vector_load %arg14[%parallel_loop3A_419, %parallel_loop3A_420, %parallel_loop3A_421] {strides = array<i32>} : memref<2x80x80xf32, #tpu.memory_space<vmem>>, vector<16xf32>,
        tpu.vector_store %arg14[%parallel_loop3A_419, %parallel_loop3A_420, %parallel_loop3A_421], %parallel_loop3A_417 {strides = array<i32>} : memref<2x80x80xf32, #tpu.memory_space<vmem>>, vector<16xf32>,
        %parallel_loop3A_423 = arith.constant 0 : i32
        %parallel_loop3A_424 = arith.index_cast %parallel_loop3A_423 : i32 to index
        %parallel_loop3A_425 = arith.index_cast %parallel_loop3A_396 : i32 to index
        %parallel_loop3A_426 = arith.constant 32 : index
        %parallel_loop3A_427 = tpu.vector_load %arg13[%parallel_loop3A_424, %parallel_loop3A_425, %parallel_loop3A_426] {strides = array<i32>} : memref<2x80x64xf32, #tpu.memory_space<vmem>>, vector<16xf32>,
        %parallel_loop3A_428 = arith.mulf %parallel_loop3A_427, %parallel_loop3A_400 : vector<16xf32>
        %parallel_loop3A_429 = arith.constant 0 : i32
        %parallel_loop3A_430 = arith.index_cast %parallel_loop3A_429 : i32 to index
        %parallel_loop3A_431 = arith.index_cast %parallel_loop3A_396 : i32 to index
        %parallel_loop3A_432 = arith.constant 32 : index
        %parallel_loop3A_433 = tpu.vector_load %arg14[%parallel_loop3A_430, %parallel_loop3A_431, %parallel_loop3A_432] {strides = array<i32>} : memref<2x80x80xf32, #tpu.memory_space<vmem>>, vector<16xf32>,
        tpu.vector_store %arg14[%parallel_loop3A_430, %parallel_loop3A_431, %parallel_loop3A_432], %parallel_loop3A_428 {strides = array<i32>} : memref<2x80x80xf32, #tpu.memory_space<vmem>>, vector<16xf32>,
        %parallel_loop3A_434 = arith.constant 0 : i32
        %parallel_loop3A_435 = arith.index_cast %parallel_loop3A_434 : i32 to index
        %parallel_loop3A_436 = arith.index_cast %parallel_loop3A_396 : i32 to index
        %parallel_loop3A_437 = arith.constant 48 : index
        %parallel_loop3A_438 = tpu.vector_load %arg13[%parallel_loop3A_435, %parallel_loop3A_436, %parallel_loop3A_437] {strides = array<i32>} : memref<2x80x64xf32, #tpu.memory_space<vmem>>, vector<16xf32>,
        %parallel_loop3A_439 = arith.mulf %parallel_loop3A_438, %parallel_loop3A_400 : vector<16xf32>
        %parallel_loop3A_440 = arith.constant 0 : i32
        %parallel_loop3A_441 = arith.index_cast %parallel_loop3A_440 : i32 to index
        %parallel_loop3A_442 = arith.index_cast %parallel_loop3A_396 : i32 to index
        %parallel_loop3A_443 = arith.constant 48 : index
        %parallel_loop3A_444 = tpu.vector_load %arg14[%parallel_loop3A_441, %parallel_loop3A_442, %parallel_loop3A_443] {strides = array<i32>} : memref<2x80x80xf32, #tpu.memory_space<vmem>>, vector<16xf32>,
        tpu.vector_store %arg14[%parallel_loop3A_441, %parallel_loop3A_442, %parallel_loop3A_443], %parallel_loop3A_439 {strides = array<i32>} : memref<2x80x80xf32, #tpu.memory_space<vmem>>, vector<16xf32>,
        %parallel_loop3A_445 = arith.constant 0 : i32
        %parallel_loop3A_446 = arith.index_cast %parallel_loop3A_445 : i32 to index
        %parallel_loop3A_447 = arith.index_cast %parallel_loop3A_396 : i32 to index
        %parallel_loop3A_448 = arith.constant 0 : index
        %parallel_loop3A_449 = tpu.vector_load %arg12[%parallel_loop3A_446, %parallel_loop3A_447, %parallel_loop3A_448] {strides = array<i32>} : memref<2x80x16xf32, #tpu.memory_space<vmem>>, vector<16xf32>,
        %parallel_loop3A_450 = arith.mulf %parallel_loop3A_449, %parallel_loop3A_400 : vector<16xf32>
        %parallel_loop3A_451 = arith.constant 0 : i32
        %parallel_loop3A_452 = arith.index_cast %parallel_loop3A_451 : i32 to index
        %parallel_loop3A_453 = arith.index_cast %parallel_loop3A_396 : i32 to index
        %parallel_loop3A_454 = arith.constant 64 : index
        %parallel_loop3A_455 = tpu.vector_load %arg14[%parallel_loop3A_452, %parallel_loop3A_453, %parallel_loop3A_454] {strides = array<i32>} : memref<2x80x80xf32, #tpu.memory_space<vmem>>, vector<16xf32>,
        tpu.vector_store %arg14[%parallel_loop3A_452, %parallel_loop3A_453, %parallel_loop3A_454], %parallel_loop3A_450 {strides = array<i32>} : memref<2x80x80xf32, #tpu.memory_space<vmem>>, vector<16xf32>,
        %parallel_loop3A_456 = arith.constant 16 : i32
        %parallel_loop3A_457 = arith.muli %parallel_loop3A_260, %parallel_loop3A_456 : i32
        %parallel_loop3A_458 = arith.constant 3 : i32
        %parallel_loop3A_459 = arith.addi %parallel_loop3A_457, %parallel_loop3A_458 : i32
        %parallel_loop3A_460 = arith.constant 3 : i32
        %parallel_loop3A_461 = vector.broadcast %parallel_loop3A_460 : i32 to vector<16x1xi32>
        %parallel_loop3A_462 = vector.shape_cast %parallel_loop3A_461 : vector<16x1xi32> to vector<16xi32>
        %parallel_loop3A_463 = tpu.dynamic_gather %parallel_loop3A_266[%parallel_loop3A_462] in [0] : vector<16xf32>, vector<16xi32> -> vector<16xf32>
        %parallel_loop3A_464 = arith.constant 0 : i32
        %parallel_loop3A_465 = arith.index_cast %parallel_loop3A_464 : i32 to index
        %parallel_loop3A_466 = arith.index_cast %parallel_loop3A_459 : i32 to index
        %parallel_loop3A_467 = arith.constant 0 : index
        %parallel_loop3A_468 = tpu.vector_load %arg13[%parallel_loop3A_465, %parallel_loop3A_466, %parallel_loop3A_467] {strides = array<i32>} : memref<2x80x64xf32, #tpu.memory_space<vmem>>, vector<16xf32>,
        %parallel_loop3A_469 = arith.mulf %parallel_loop3A_468, %parallel_loop3A_463 : vector<16xf32>
        %parallel_loop3A_470 = arith.constant 0 : i32
        %parallel_loop3A_471 = arith.index_cast %parallel_loop3A_470 : i32 to index
        %parallel_loop3A_472 = arith.index_cast %parallel_loop3A_459 : i32 to index
        %parallel_loop3A_473 = arith.constant 0 : index
        %parallel_loop3A_474 = tpu.vector_load %arg14[%parallel_loop3A_471, %parallel_loop3A_472, %parallel_loop3A_473] {strides = array<i32>} : memref<2x80x80xf32, #tpu.memory_space<vmem>>, vector<16xf32>,
        tpu.vector_store %arg14[%parallel_loop3A_471, %parallel_loop3A_472, %parallel_loop3A_473], %parallel_loop3A_469 {strides = array<i32>} : memref<2x80x80xf32, #tpu.memory_space<vmem>>, vector<16xf32>,
        %parallel_loop3A_475 = arith.constant 0 : i32
        %parallel_loop3A_476 = arith.index_cast %parallel_loop3A_475 : i32 to index
        %parallel_loop3A_477 = arith.index_cast %parallel_loop3A_459 : i32 to index
        %parallel_loop3A_478 = arith.constant 16 : index
        %parallel_loop3A_479 = tpu.vector_load %arg13[%parallel_loop3A_476, %parallel_loop3A_477, %parallel_loop3A_478] {strides = array<i32>} : memref<2x80x64xf32, #tpu.memory_space<vmem>>, vector<16xf32>,
        %parallel_loop3A_480 = arith.mulf %parallel_loop3A_479, %parallel_loop3A_463 : vector<16xf32>
        %parallel_loop3A_481 = arith.constant 0 : i32
        %parallel_loop3A_482 = arith.index_cast %parallel_loop3A_481 : i32 to index
        %parallel_loop3A_483 = arith.index_cast %parallel_loop3A_459 : i32 to index
        %parallel_loop3A_484 = arith.constant 16 : index
        %parallel_loop3A_485 = tpu.vector_load %arg14[%parallel_loop3A_482, %parallel_loop3A_483, %parallel_loop3A_484] {strides = array<i32>} : memref<2x80x80xf32, #tpu.memory_space<vmem>>, vector<16xf32>,
        tpu.vector_store %arg14[%parallel_loop3A_482, %parallel_loop3A_483, %parallel_loop3A_484], %parallel_loop3A_480 {strides = array<i32>} : memref<2x80x80xf32, #tpu.memory_space<vmem>>, vector<16xf32>,
        %parallel_loop3A_486 = arith.constant 0 : i32
        %parallel_loop3A_487 = arith.index_cast %parallel_loop3A_486 : i32 to index
        %parallel_loop3A_488 = arith.index_cast %parallel_loop3A_459 : i32 to index
        %parallel_loop3A_489 = arith.constant 32 : index
        %parallel_loop3A_490 = tpu.vector_load %arg13[%parallel_loop3A_487, %parallel_loop3A_488, %parallel_loop3A_489] {strides = array<i32>} : memref<2x80x64xf32, #tpu.memory_space<vmem>>, vector<16xf32>,
        %parallel_loop3A_491 = arith.mulf %parallel_loop3A_490, %parallel_loop3A_463 : vector<16xf32>
        %parallel_loop3A_492 = arith.constant 0 : i32
        %parallel_loop3A_493 = arith.index_cast %parallel_loop3A_492 : i32 to index
        %parallel_loop3A_494 = arith.index_cast %parallel_loop3A_459 : i32 to index
        %parallel_loop3A_495 = arith.constant 32 : index
        %parallel_loop3A_496 = tpu.vector_load %arg14[%parallel_loop3A_493, %parallel_loop3A_494, %parallel_loop3A_495] {strides = array<i32>} : memref<2x80x80xf32, #tpu.memory_space<vmem>>, vector<16xf32>,
        tpu.vector_store %arg14[%parallel_loop3A_493, %parallel_loop3A_494, %parallel_loop3A_495], %parallel_loop3A_491 {strides = array<i32>} : memref<2x80x80xf32, #tpu.memory_space<vmem>>, vector<16xf32>,
        %parallel_loop3A_497 = arith.constant 0 : i32
        %parallel_loop3A_498 = arith.index_cast %parallel_loop3A_497 : i32 to index
        %parallel_loop3A_499 = arith.index_cast %parallel_loop3A_459 : i32 to index
        %parallel_loop3A_500 = arith.constant 48 : index
        %parallel_loop3A_501 = tpu.vector_load %arg13[%parallel_loop3A_498, %parallel_loop3A_499, %parallel_loop3A_500] {strides = array<i32>} : memref<2x80x64xf32, #tpu.memory_space<vmem>>, vector<16xf32>,
        %parallel_loop3A_502 = arith.mulf %parallel_loop3A_501, %parallel_loop3A_463 : vector<16xf32>
        %parallel_loop3A_503 = arith.constant 0 : i32
        %parallel_loop3A_504 = arith.index_cast %parallel_loop3A_503 : i32 to index
        %parallel_loop3A_505 = arith.index_cast %parallel_loop3A_459 : i32 to index
        %parallel_loop3A_506 = arith.constant 48 : index
        %parallel_loop3A_507 = tpu.vector_load %arg14[%parallel_loop3A_504, %parallel_loop3A_505, %parallel_loop3A_506] {strides = array<i32>} : memref<2x80x80xf32, #tpu.memory_space<vmem>>, vector<16xf32>,
        tpu.vector_store %arg14[%parallel_loop3A_504, %parallel_loop3A_505, %parallel_loop3A_506], %parallel_loop3A_502 {strides = array<i32>} : memref<2x80x80xf32, #tpu.memory_space<vmem>>, vector<16xf32>,
        %parallel_loop3A_508 = arith.constant 0 : i32
        %parallel_loop3A_509 = arith.index_cast %parallel_loop3A_508 : i32 to index
        %parallel_loop3A_510 = arith.index_cast %parallel_loop3A_459 : i32 to index
        %parallel_loop3A_511 = arith.constant 0 : index
        %parallel_loop3A_512 = tpu.vector_load %arg12[%parallel_loop3A_509, %parallel_loop3A_510, %parallel_loop3A_511] {strides = array<i32>} : memref<2x80x16xf32, #tpu.memory_space<vmem>>, vector<16xf32>,
        %parallel_loop3A_513 = arith.mulf %parallel_loop3A_512, %parallel_loop3A_463 : vector<16xf32>
        %parallel_loop3A_514 = arith.constant 0 : i32
        %parallel_loop3A_515 = arith.index_cast %parallel_loop3A_514 : i32 to index
        %parallel_loop3A_516 = arith.index_cast %parallel_loop3A_459 : i32 to index
        %parallel_loop3A_517 = arith.constant 64 : index
        %parallel_loop3A_518 = tpu.vector_load %arg14[%parallel_loop3A_515, %parallel_loop3A_516, %parallel_loop3A_517] {strides = array<i32>} : memref<2x80x80xf32, #tpu.memory_space<vmem>>, vector<16xf32>,
        tpu.vector_store %arg14[%parallel_loop3A_515, %parallel_loop3A_516, %parallel_loop3A_517], %parallel_loop3A_513 {strides = array<i32>} : memref<2x80x80xf32, #tpu.memory_space<vmem>>, vector<16xf32>,
        %parallel_loop3A_519 = arith.constant 16 : i32
        %parallel_loop3A_520 = arith.muli %parallel_loop3A_260, %parallel_loop3A_519 : i32
        %parallel_loop3A_521 = arith.constant 4 : i32
        %parallel_loop3A_522 = arith.addi %parallel_loop3A_520, %parallel_loop3A_521 : i32
        %parallel_loop3A_523 = arith.constant 4 : i32
        %parallel_loop3A_524 = vector.broadcast %parallel_loop3A_523 : i32 to vector<16x1xi32>
        %parallel_loop3A_525 = vector.shape_cast %parallel_loop3A_524 : vector<16x1xi32> to vector<16xi32>
        %parallel_loop3A_526 = tpu.dynamic_gather %parallel_loop3A_266[%parallel_loop3A_525] in [0] : vector<16xf32>, vector<16xi32> -> vector<16xf32>
        %parallel_loop3A_527 = arith.constant 0 : i32
        %parallel_loop3A_528 = arith.index_cast %parallel_loop3A_527 : i32 to index
        %parallel_loop3A_529 = arith.index_cast %parallel_loop3A_522 : i32 to index
        %parallel_loop3A_530 = arith.constant 0 : index
        %parallel_loop3A_531 = tpu.vector_load %arg13[%parallel_loop3A_528, %parallel_loop3A_529, %parallel_loop3A_530] {strides = array<i32>} : memref<2x80x64xf32, #tpu.memory_space<vmem>>, vector<16xf32>,
        %parallel_loop3A_532 = arith.mulf %parallel_loop3A_531, %parallel_loop3A_526 : vector<16xf32>
        %parallel_loop3A_533 = arith.constant 0 : i32
        %parallel_loop3A_534 = arith.index_cast %parallel_loop3A_533 : i32 to index
        %parallel_loop3A_535 = arith.index_cast %parallel_loop3A_522 : i32 to index
        %parallel_loop3A_536 = arith.constant 0 : index
        %parallel_loop3A_537 = tpu.vector_load %arg14[%parallel_loop3A_534, %parallel_loop3A_535, %parallel_loop3A_536] {strides = array<i32>} : memref<2x80x80xf32, #tpu.memory_space<vmem>>, vector<16xf32>,
        tpu.vector_store %arg14[%parallel_loop3A_534, %parallel_loop3A_535, %parallel_loop3A_536], %parallel_loop3A_532 {strides = array<i32>} : memref<2x80x80xf32, #tpu.memory_space<vmem>>, vector<16xf32>,
        %parallel_loop3A_538 = arith.constant 0 : i32
        %parallel_loop3A_539 = arith.index_cast %parallel_loop3A_538 : i32 to index
        %parallel_loop3A_540 = arith.index_cast %parallel_loop3A_522 : i32 to index
        %parallel_loop3A_541 = arith.constant 16 : index
        %parallel_loop3A_542 = tpu.vector_load %arg13[%parallel_loop3A_539, %parallel_loop3A_540, %parallel_loop3A_541] {strides = array<i32>} : memref<2x80x64xf32, #tpu.memory_space<vmem>>, vector<16xf32>,
        %parallel_loop3A_543 = arith.mulf %parallel_loop3A_542, %parallel_loop3A_526 : vector<16xf32>
        %parallel_loop3A_544 = arith.constant 0 : i32
        %parallel_loop3A_545 = arith.index_cast %parallel_loop3A_544 : i32 to index
        %parallel_loop3A_546 = arith.index_cast %parallel_loop3A_522 : i32 to index
        %parallel_loop3A_547 = arith.constant 16 : index
        %parallel_loop3A_548 = tpu.vector_load %arg14[%parallel_loop3A_545, %parallel_loop3A_546, %parallel_loop3A_547] {strides = array<i32>} : memref<2x80x80xf32, #tpu.memory_space<vmem>>, vector<16xf32>,
        tpu.vector_store %arg14[%parallel_loop3A_545, %parallel_loop3A_546, %parallel_loop3A_547], %parallel_loop3A_543 {strides = array<i32>} : memref<2x80x80xf32, #tpu.memory_space<vmem>>, vector<16xf32>,
        %parallel_loop3A_549 = arith.constant 0 : i32
        %parallel_loop3A_550 = arith.index_cast %parallel_loop3A_549 : i32 to index
        %parallel_loop3A_551 = arith.index_cast %parallel_loop3A_522 : i32 to index
        %parallel_loop3A_552 = arith.constant 32 : index
        %parallel_loop3A_553 = tpu.vector_load %arg13[%parallel_loop3A_550, %parallel_loop3A_551, %parallel_loop3A_552] {strides = array<i32>} : memref<2x80x64xf32, #tpu.memory_space<vmem>>, vector<16xf32>,
        %parallel_loop3A_554 = arith.mulf %parallel_loop3A_553, %parallel_loop3A_526 : vector<16xf32>
        %parallel_loop3A_555 = arith.constant 0 : i32
        %parallel_loop3A_556 = arith.index_cast %parallel_loop3A_555 : i32 to index
        %parallel_loop3A_557 = arith.index_cast %parallel_loop3A_522 : i32 to index
        %parallel_loop3A_558 = arith.constant 32 : index
        %parallel_loop3A_559 = tpu.vector_load %arg14[%parallel_loop3A_556, %parallel_loop3A_557, %parallel_loop3A_558] {strides = array<i32>} : memref<2x80x80xf32, #tpu.memory_space<vmem>>, vector<16xf32>,
        tpu.vector_store %arg14[%parallel_loop3A_556, %parallel_loop3A_557, %parallel_loop3A_558], %parallel_loop3A_554 {strides = array<i32>} : memref<2x80x80xf32, #tpu.memory_space<vmem>>, vector<16xf32>,
        %parallel_loop3A_560 = arith.constant 0 : i32
        %parallel_loop3A_561 = arith.index_cast %parallel_loop3A_560 : i32 to index
        %parallel_loop3A_562 = arith.index_cast %parallel_loop3A_522 : i32 to index
        %parallel_loop3A_563 = arith.constant 48 : index
        %parallel_loop3A_564 = tpu.vector_load %arg13[%parallel_loop3A_561, %parallel_loop3A_562, %parallel_loop3A_563] {strides = array<i32>} : memref<2x80x64xf32, #tpu.memory_space<vmem>>, vector<16xf32>,
        %parallel_loop3A_565 = arith.mulf %parallel_loop3A_564, %parallel_loop3A_526 : vector<16xf32>
        %parallel_loop3A_566 = arith.constant 0 : i32
        %parallel_loop3A_567 = arith.index_cast %parallel_loop3A_566 : i32 to index
        %parallel_loop3A_568 = arith.index_cast %parallel_loop3A_522 : i32 to index
        %parallel_loop3A_569 = arith.constant 48 : index
        %parallel_loop3A_570 = tpu.vector_load %arg14[%parallel_loop3A_567, %parallel_loop3A_568, %parallel_loop3A_569] {strides = array<i32>} : memref<2x80x80xf32, #tpu.memory_space<vmem>>, vector<16xf32>,
        tpu.vector_store %arg14[%parallel_loop3A_567, %parallel_loop3A_568, %parallel_loop3A_569], %parallel_loop3A_565 {strides = array<i32>} : memref<2x80x80xf32, #tpu.memory_space<vmem>>, vector<16xf32>,
        %parallel_loop3A_571 = arith.constant 0 : i32
        %parallel_loop3A_572 = arith.index_cast %parallel_loop3A_571 : i32 to index
        %parallel_loop3A_573 = arith.index_cast %parallel_loop3A_522 : i32 to index
        %parallel_loop3A_574 = arith.constant 0 : index
        %parallel_loop3A_575 = tpu.vector_load %arg12[%parallel_loop3A_572, %parallel_loop3A_573, %parallel_loop3A_574] {strides = array<i32>} : memref<2x80x16xf32, #tpu.memory_space<vmem>>, vector<16xf32>,
        %parallel_loop3A_576 = arith.mulf %parallel_loop3A_575, %parallel_loop3A_526 : vector<16xf32>
        %parallel_loop3A_577 = arith.constant 0 : i32
        %parallel_loop3A_578 = arith.index_cast %parallel_loop3A_577 : i32 to index
        %parallel_loop3A_579 = arith.index_cast %parallel_loop3A_522 : i32 to index
        %parallel_loop3A_580 = arith.constant 64 : index
        %parallel_loop3A_581 = tpu.vector_load %arg14[%parallel_loop3A_578, %parallel_loop3A_579, %parallel_loop3A_580] {strides = array<i32>} : memref<2x80x80xf32, #tpu.memory_space<vmem>>, vector<16xf32>,
        tpu.vector_store %arg14[%parallel_loop3A_578, %parallel_loop3A_579, %parallel_loop3A_580], %parallel_loop3A_576 {strides = array<i32>} : memref<2x80x80xf32, #tpu.memory_space<vmem>>, vector<16xf32>,
        %parallel_loop3A_582 = arith.constant 16 : i32
        %parallel_loop3A_583 = arith.muli %parallel_loop3A_260, %parallel_loop3A_582 : i32
        %parallel_loop3A_584 = arith.constant 5 : i32
        %parallel_loop3A_585 = arith.addi %parallel_loop3A_583, %parallel_loop3A_584 : i32
        %parallel_loop3A_586 = arith.constant 5 : i32
        %parallel_loop3A_587 = vector.broadcast %parallel_loop3A_586 : i32 to vector<16x1xi32>
        %parallel_loop3A_588 = vector.shape_cast %parallel_loop3A_587 : vector<16x1xi32> to vector<16xi32>
        %parallel_loop3A_589 = tpu.dynamic_gather %parallel_loop3A_266[%parallel_loop3A_588] in [0] : vector<16xf32>, vector<16xi32> -> vector<16xf32>
        %parallel_loop3A_590 = arith.constant 0 : i32
        %parallel_loop3A_591 = arith.index_cast %parallel_loop3A_590 : i32 to index
        %parallel_loop3A_592 = arith.index_cast %parallel_loop3A_585 : i32 to index
        %parallel_loop3A_593 = arith.constant 0 : index
        %parallel_loop3A_594 = tpu.vector_load %arg13[%parallel_loop3A_591, %parallel_loop3A_592, %parallel_loop3A_593] {strides = array<i32>} : memref<2x80x64xf32, #tpu.memory_space<vmem>>, vector<16xf32>,
        %parallel_loop3A_595 = arith.mulf %parallel_loop3A_594, %parallel_loop3A_589 : vector<16xf32>
        %parallel_loop3A_596 = arith.constant 0 : i32
        %parallel_loop3A_597 = arith.index_cast %parallel_loop3A_596 : i32 to index
        %parallel_loop3A_598 = arith.index_cast %parallel_loop3A_585 : i32 to index
        %parallel_loop3A_599 = arith.constant 0 : index
        %parallel_loop3A_600 = tpu.vector_load %arg14[%parallel_loop3A_597, %parallel_loop3A_598, %parallel_loop3A_599] {strides = array<i32>} : memref<2x80x80xf32, #tpu.memory_space<vmem>>, vector<16xf32>,
        tpu.vector_store %arg14[%parallel_loop3A_597, %parallel_loop3A_598, %parallel_loop3A_599], %parallel_loop3A_595 {strides = array<i32>} : memref<2x80x80xf32, #tpu.memory_space<vmem>>, vector<16xf32>,
        %parallel_loop3A_601 = arith.constant 0 : i32
        %parallel_loop3A_602 = arith.index_cast %parallel_loop3A_601 : i32 to index
        %parallel_loop3A_603 = arith.index_cast %parallel_loop3A_585 : i32 to index
        %parallel_loop3A_604 = arith.constant 16 : index
        %parallel_loop3A_605 = tpu.vector_load %arg13[%parallel_loop3A_602, %parallel_loop3A_603, %parallel_loop3A_604] {strides = array<i32>} : memref<2x80x64xf32, #tpu.memory_space<vmem>>, vector<16xf32>,
        %parallel_loop3A_606 = arith.mulf %parallel_loop3A_605, %parallel_loop3A_589 : vector<16xf32>
        %parallel_loop3A_607 = arith.constant 0 : i32
        %parallel_loop3A_608 = arith.index_cast %parallel_loop3A_607 : i32 to index
        %parallel_loop3A_609 = arith.index_cast %parallel_loop3A_585 : i32 to index
        %parallel_loop3A_610 = arith.constant 16 : index
        %parallel_loop3A_611 = tpu.vector_load %arg14[%parallel_loop3A_608, %parallel_loop3A_609, %parallel_loop3A_610] {strides = array<i32>} : memref<2x80x80xf32, #tpu.memory_space<vmem>>, vector<16xf32>,
        tpu.vector_store %arg14[%parallel_loop3A_608, %parallel_loop3A_609, %parallel_loop3A_610], %parallel_loop3A_606 {strides = array<i32>} : memref<2x80x80xf32, #tpu.memory_space<vmem>>, vector<16xf32>,
        %parallel_loop3A_612 = arith.constant 0 : i32
        %parallel_loop3A_613 = arith.index_cast %parallel_loop3A_612 : i32 to index
        %parallel_loop3A_614 = arith.index_cast %parallel_loop3A_585 : i32 to index
        %parallel_loop3A_615 = arith.constant 32 : index
        %parallel_loop3A_616 = tpu.vector_load %arg13[%parallel_loop3A_613, %parallel_loop3A_614, %parallel_loop3A_615] {strides = array<i32>} : memref<2x80x64xf32, #tpu.memory_space<vmem>>, vector<16xf32>,
        %parallel_loop3A_617 = arith.mulf %parallel_loop3A_616, %parallel_loop3A_589 : vector<16xf32>
        %parallel_loop3A_618 = arith.constant 0 : i32
        %parallel_loop3A_619 = arith.index_cast %parallel_loop3A_618 : i32 to index
        %parallel_loop3A_620 = arith.index_cast %parallel_loop3A_585 : i32 to index
        %parallel_loop3A_621 = arith.constant 32 : index
        %parallel_loop3A_622 = tpu.vector_load %arg14[%parallel_loop3A_619, %parallel_loop3A_620, %parallel_loop3A_621] {strides = array<i32>} : memref<2x80x80xf32, #tpu.memory_space<vmem>>, vector<16xf32>,
        tpu.vector_store %arg14[%parallel_loop3A_619, %parallel_loop3A_620, %parallel_loop3A_621], %parallel_loop3A_617 {strides = array<i32>} : memref<2x80x80xf32, #tpu.memory_space<vmem>>, vector<16xf32>,
        %parallel_loop3A_623 = arith.constant 0 : i32
        %parallel_loop3A_624 = arith.index_cast %parallel_loop3A_623 : i32 to index
        %parallel_loop3A_625 = arith.index_cast %parallel_loop3A_585 : i32 to index
        %parallel_loop3A_626 = arith.constant 48 : index
        %parallel_loop3A_627 = tpu.vector_load %arg13[%parallel_loop3A_624, %parallel_loop3A_625, %parallel_loop3A_626] {strides = array<i32>} : memref<2x80x64xf32, #tpu.memory_space<vmem>>, vector<16xf32>,
        %parallel_loop3A_628 = arith.mulf %parallel_loop3A_627, %parallel_loop3A_589 : vector<16xf32>
        %parallel_loop3A_629 = arith.constant 0 : i32
        %parallel_loop3A_630 = arith.index_cast %parallel_loop3A_629 : i32 to index
        %parallel_loop3A_631 = arith.index_cast %parallel_loop3A_585 : i32 to index
        %parallel_loop3A_632 = arith.constant 48 : index
        %parallel_loop3A_633 = tpu.vector_load %arg14[%parallel_loop3A_630, %parallel_loop3A_631, %parallel_loop3A_632] {strides = array<i32>} : memref<2x80x80xf32, #tpu.memory_space<vmem>>, vector<16xf32>,
        tpu.vector_store %arg14[%parallel_loop3A_630, %parallel_loop3A_631, %parallel_loop3A_632], %parallel_loop3A_628 {strides = array<i32>} : memref<2x80x80xf32, #tpu.memory_space<vmem>>, vector<16xf32>,
        %parallel_loop3A_634 = arith.constant 0 : i32
        %parallel_loop3A_635 = arith.index_cast %parallel_loop3A_634 : i32 to index
        %parallel_loop3A_636 = arith.index_cast %parallel_loop3A_585 : i32 to index
        %parallel_loop3A_637 = arith.constant 0 : index
        %parallel_loop3A_638 = tpu.vector_load %arg12[%parallel_loop3A_635, %parallel_loop3A_636, %parallel_loop3A_637] {strides = array<i32>} : memref<2x80x16xf32, #tpu.memory_space<vmem>>, vector<16xf32>,
        %parallel_loop3A_639 = arith.mulf %parallel_loop3A_638, %parallel_loop3A_589 : vector<16xf32>
        %parallel_loop3A_640 = arith.constant 0 : i32
        %parallel_loop3A_641 = arith.index_cast %parallel_loop3A_640 : i32 to index
        %parallel_loop3A_642 = arith.index_cast %parallel_loop3A_585 : i32 to index
        %parallel_loop3A_643 = arith.constant 64 : index
        %parallel_loop3A_644 = tpu.vector_load %arg14[%parallel_loop3A_641, %parallel_loop3A_642, %parallel_loop3A_643] {strides = array<i32>} : memref<2x80x80xf32, #tpu.memory_space<vmem>>, vector<16xf32>,
        tpu.vector_store %arg14[%parallel_loop3A_641, %parallel_loop3A_642, %parallel_loop3A_643], %parallel_loop3A_639 {strides = array<i32>} : memref<2x80x80xf32, #tpu.memory_space<vmem>>, vector<16xf32>,
        %parallel_loop3A_645 = arith.constant 16 : i32
        %parallel_loop3A_646 = arith.muli %parallel_loop3A_260, %parallel_loop3A_645 : i32
        %parallel_loop3A_647 = arith.constant 6 : i32
        %parallel_loop3A_648 = arith.addi %parallel_loop3A_646, %parallel_loop3A_647 : i32
        %parallel_loop3A_649 = arith.constant 6 : i32
        %parallel_loop3A_650 = vector.broadcast %parallel_loop3A_649 : i32 to vector<16x1xi32>
        %parallel_loop3A_651 = vector.shape_cast %parallel_loop3A_650 : vector<16x1xi32> to vector<16xi32>
        %parallel_loop3A_652 = tpu.dynamic_gather %parallel_loop3A_266[%parallel_loop3A_651] in [0] : vector<16xf32>, vector<16xi32> -> vector<16xf32>
        %parallel_loop3A_653 = arith.constant 0 : i32
        %parallel_loop3A_654 = arith.index_cast %parallel_loop3A_653 : i32 to index
        %parallel_loop3A_655 = arith.index_cast %parallel_loop3A_648 : i32 to index
        %parallel_loop3A_656 = arith.constant 0 : index
        %parallel_loop3A_657 = tpu.vector_load %arg13[%parallel_loop3A_654, %parallel_loop3A_655, %parallel_loop3A_656] {strides = array<i32>} : memref<2x80x64xf32, #tpu.memory_space<vmem>>, vector<16xf32>,
        %parallel_loop3A_658 = arith.mulf %parallel_loop3A_657, %parallel_loop3A_652 : vector<16xf32>
        %parallel_loop3A_659 = arith.constant 0 : i32
        %parallel_loop3A_660 = arith.index_cast %parallel_loop3A_659 : i32 to index
        %parallel_loop3A_661 = arith.index_cast %parallel_loop3A_648 : i32 to index
        %parallel_loop3A_662 = arith.constant 0 : index
        %parallel_loop3A_663 = tpu.vector_load %arg14[%parallel_loop3A_660, %parallel_loop3A_661, %parallel_loop3A_662] {strides = array<i32>} : memref<2x80x80xf32, #tpu.memory_space<vmem>>, vector<16xf32>,
        tpu.vector_store %arg14[%parallel_loop3A_660, %parallel_loop3A_661, %parallel_loop3A_662], %parallel_loop3A_658 {strides = array<i32>} : memref<2x80x80xf32, #tpu.memory_space<vmem>>, vector<16xf32>,
        %parallel_loop3A_664 = arith.constant 0 : i32
        %parallel_loop3A_665 = arith.index_cast %parallel_loop3A_664 : i32 to index
        %parallel_loop3A_666 = arith.index_cast %parallel_loop3A_648 : i32 to index
        %parallel_loop3A_667 = arith.constant 16 : index
        %parallel_loop3A_668 = tpu.vector_load %arg13[%parallel_loop3A_665, %parallel_loop3A_666, %parallel_loop3A_667] {strides = array<i32>} : memref<2x80x64xf32, #tpu.memory_space<vmem>>, vector<16xf32>,
        %parallel_loop3A_669 = arith.mulf %parallel_loop3A_668, %parallel_loop3A_652 : vector<16xf32>
        %parallel_loop3A_670 = arith.constant 0 : i32
        %parallel_loop3A_671 = arith.index_cast %parallel_loop3A_670 : i32 to index
        %parallel_loop3A_672 = arith.index_cast %parallel_loop3A_648 : i32 to index
        %parallel_loop3A_673 = arith.constant 16 : index
        %parallel_loop3A_674 = tpu.vector_load %arg14[%parallel_loop3A_671, %parallel_loop3A_672, %parallel_loop3A_673] {strides = array<i32>} : memref<2x80x80xf32, #tpu.memory_space<vmem>>, vector<16xf32>,
        tpu.vector_store %arg14[%parallel_loop3A_671, %parallel_loop3A_672, %parallel_loop3A_673], %parallel_loop3A_669 {strides = array<i32>} : memref<2x80x80xf32, #tpu.memory_space<vmem>>, vector<16xf32>,
        %parallel_loop3A_675 = arith.constant 0 : i32
        %parallel_loop3A_676 = arith.index_cast %parallel_loop3A_675 : i32 to index
        %parallel_loop3A_677 = arith.index_cast %parallel_loop3A_648 : i32 to index
        %parallel_loop3A_678 = arith.constant 32 : index
        %parallel_loop3A_679 = tpu.vector_load %arg13[%parallel_loop3A_676, %parallel_loop3A_677, %parallel_loop3A_678] {strides = array<i32>} : memref<2x80x64xf32, #tpu.memory_space<vmem>>, vector<16xf32>,
        %parallel_loop3A_680 = arith.mulf %parallel_loop3A_679, %parallel_loop3A_652 : vector<16xf32>
        %parallel_loop3A_681 = arith.constant 0 : i32
        %parallel_loop3A_682 = arith.index_cast %parallel_loop3A_681 : i32 to index
        %parallel_loop3A_683 = arith.index_cast %parallel_loop3A_648 : i32 to index
        %parallel_loop3A_684 = arith.constant 32 : index
        %parallel_loop3A_685 = tpu.vector_load %arg14[%parallel_loop3A_682, %parallel_loop3A_683, %parallel_loop3A_684] {strides = array<i32>} : memref<2x80x80xf32, #tpu.memory_space<vmem>>, vector<16xf32>,
        tpu.vector_store %arg14[%parallel_loop3A_682, %parallel_loop3A_683, %parallel_loop3A_684], %parallel_loop3A_680 {strides = array<i32>} : memref<2x80x80xf32, #tpu.memory_space<vmem>>, vector<16xf32>,
        %parallel_loop3A_686 = arith.constant 0 : i32
        %parallel_loop3A_687 = arith.index_cast %parallel_loop3A_686 : i32 to index
        %parallel_loop3A_688 = arith.index_cast %parallel_loop3A_648 : i32 to index
        %parallel_loop3A_689 = arith.constant 48 : index
        %parallel_loop3A_690 = tpu.vector_load %arg13[%parallel_loop3A_687, %parallel_loop3A_688, %parallel_loop3A_689] {strides = array<i32>} : memref<2x80x64xf32, #tpu.memory_space<vmem>>, vector<16xf32>,
        %parallel_loop3A_691 = arith.mulf %parallel_loop3A_690, %parallel_loop3A_652 : vector<16xf32>
        %parallel_loop3A_692 = arith.constant 0 : i32
        %parallel_loop3A_693 = arith.index_cast %parallel_loop3A_692 : i32 to index
        %parallel_loop3A_694 = arith.index_cast %parallel_loop3A_648 : i32 to index
        %parallel_loop3A_695 = arith.constant 48 : index
        %parallel_loop3A_696 = tpu.vector_load %arg14[%parallel_loop3A_693, %parallel_loop3A_694, %parallel_loop3A_695] {strides = array<i32>} : memref<2x80x80xf32, #tpu.memory_space<vmem>>, vector<16xf32>,
        tpu.vector_store %arg14[%parallel_loop3A_693, %parallel_loop3A_694, %parallel_loop3A_695], %parallel_loop3A_691 {strides = array<i32>} : memref<2x80x80xf32, #tpu.memory_space<vmem>>, vector<16xf32>,
        %parallel_loop3A_697 = arith.constant 0 : i32
        %parallel_loop3A_698 = arith.index_cast %parallel_loop3A_697 : i32 to index
        %parallel_loop3A_699 = arith.index_cast %parallel_loop3A_648 : i32 to index
        %parallel_loop3A_700 = arith.constant 0 : index
        %parallel_loop3A_701 = tpu.vector_load %arg12[%parallel_loop3A_698, %parallel_loop3A_699, %parallel_loop3A_700] {strides = array<i32>} : memref<2x80x16xf32, #tpu.memory_space<vmem>>, vector<16xf32>,
        %parallel_loop3A_702 = arith.mulf %parallel_loop3A_701, %parallel_loop3A_652 : vector<16xf32>
        %parallel_loop3A_703 = arith.constant 0 : i32
        %parallel_loop3A_704 = arith.index_cast %parallel_loop3A_703 : i32 to index
        %parallel_loop3A_705 = arith.index_cast %parallel_loop3A_648 : i32 to index
        %parallel_loop3A_706 = arith.constant 64 : index
        %parallel_loop3A_707 = tpu.vector_load %arg14[%parallel_loop3A_704, %parallel_loop3A_705, %parallel_loop3A_706] {strides = array<i32>} : memref<2x80x80xf32, #tpu.memory_space<vmem>>, vector<16xf32>,
        tpu.vector_store %arg14[%parallel_loop3A_704, %parallel_loop3A_705, %parallel_loop3A_706], %parallel_loop3A_702 {strides = array<i32>} : memref<2x80x80xf32, #tpu.memory_space<vmem>>, vector<16xf32>,
        %parallel_loop3A_708 = arith.constant 16 : i32
        %parallel_loop3A_709 = arith.muli %parallel_loop3A_260, %parallel_loop3A_708 : i32
        %parallel_loop3A_710 = arith.constant 7 : i32
        %parallel_loop3A_711 = arith.addi %parallel_loop3A_709, %parallel_loop3A_710 : i32
        %parallel_loop3A_712 = arith.constant 7 : i32
        %parallel_loop3A_713 = vector.broadcast %parallel_loop3A_712 : i32 to vector<16x1xi32>
        %parallel_loop3A_714 = vector.shape_cast %parallel_loop3A_713 : vector<16x1xi32> to vector<16xi32>
        %parallel_loop3A_715 = tpu.dynamic_gather %parallel_loop3A_266[%parallel_loop3A_714] in [0] : vector<16xf32>, vector<16xi32> -> vector<16xf32>
        %parallel_loop3A_716 = arith.constant 0 : i32
        %parallel_loop3A_717 = arith.index_cast %parallel_loop3A_716 : i32 to index
        %parallel_loop3A_718 = arith.index_cast %parallel_loop3A_711 : i32 to index
        %parallel_loop3A_719 = arith.constant 0 : index
        %parallel_loop3A_720 = tpu.vector_load %arg13[%parallel_loop3A_717, %parallel_loop3A_718, %parallel_loop3A_719] {strides = array<i32>} : memref<2x80x64xf32, #tpu.memory_space<vmem>>, vector<16xf32>,
        %parallel_loop3A_721 = arith.mulf %parallel_loop3A_720, %parallel_loop3A_715 : vector<16xf32>
        %parallel_loop3A_722 = arith.constant 0 : i32
        %parallel_loop3A_723 = arith.index_cast %parallel_loop3A_722 : i32 to index
        %parallel_loop3A_724 = arith.index_cast %parallel_loop3A_711 : i32 to index
        %parallel_loop3A_725 = arith.constant 0 : index
        %parallel_loop3A_726 = tpu.vector_load %arg14[%parallel_loop3A_723, %parallel_loop3A_724, %parallel_loop3A_725] {strides = array<i32>} : memref<2x80x80xf32, #tpu.memory_space<vmem>>, vector<16xf32>,
        tpu.vector_store %arg14[%parallel_loop3A_723, %parallel_loop3A_724, %parallel_loop3A_725], %parallel_loop3A_721 {strides = array<i32>} : memref<2x80x80xf32, #tpu.memory_space<vmem>>, vector<16xf32>,
        %parallel_loop3A_727 = arith.constant 0 : i32
        %parallel_loop3A_728 = arith.index_cast %parallel_loop3A_727 : i32 to index
        %parallel_loop3A_729 = arith.index_cast %parallel_loop3A_711 : i32 to index
        %parallel_loop3A_730 = arith.constant 16 : index
        %parallel_loop3A_731 = tpu.vector_load %arg13[%parallel_loop3A_728, %parallel_loop3A_729, %parallel_loop3A_730] {strides = array<i32>} : memref<2x80x64xf32, #tpu.memory_space<vmem>>, vector<16xf32>,
        %parallel_loop3A_732 = arith.mulf %parallel_loop3A_731, %parallel_loop3A_715 : vector<16xf32>
        %parallel_loop3A_733 = arith.constant 0 : i32
        %parallel_loop3A_734 = arith.index_cast %parallel_loop3A_733 : i32 to index
        %parallel_loop3A_735 = arith.index_cast %parallel_loop3A_711 : i32 to index
        %parallel_loop3A_736 = arith.constant 16 : index
        %parallel_loop3A_737 = tpu.vector_load %arg14[%parallel_loop3A_734, %parallel_loop3A_735, %parallel_loop3A_736] {strides = array<i32>} : memref<2x80x80xf32, #tpu.memory_space<vmem>>, vector<16xf32>,
        tpu.vector_store %arg14[%parallel_loop3A_734, %parallel_loop3A_735, %parallel_loop3A_736], %parallel_loop3A_732 {strides = array<i32>} : memref<2x80x80xf32, #tpu.memory_space<vmem>>, vector<16xf32>,
        %parallel_loop3A_738 = arith.constant 0 : i32
        %parallel_loop3A_739 = arith.index_cast %parallel_loop3A_738 : i32 to index
        %parallel_loop3A_740 = arith.index_cast %parallel_loop3A_711 : i32 to index
        %parallel_loop3A_741 = arith.constant 32 : index
        %parallel_loop3A_742 = tpu.vector_load %arg13[%parallel_loop3A_739, %parallel_loop3A_740, %parallel_loop3A_741] {strides = array<i32>} : memref<2x80x64xf32, #tpu.memory_space<vmem>>, vector<16xf32>,
        %parallel_loop3A_743 = arith.mulf %parallel_loop3A_742, %parallel_loop3A_715 : vector<16xf32>
        %parallel_loop3A_744 = arith.constant 0 : i32
        %parallel_loop3A_745 = arith.index_cast %parallel_loop3A_744 : i32 to index
        %parallel_loop3A_746 = arith.index_cast %parallel_loop3A_711 : i32 to index
        %parallel_loop3A_747 = arith.constant 32 : index
        %parallel_loop3A_748 = tpu.vector_load %arg14[%parallel_loop3A_745, %parallel_loop3A_746, %parallel_loop3A_747] {strides = array<i32>} : memref<2x80x80xf32, #tpu.memory_space<vmem>>, vector<16xf32>,
        tpu.vector_store %arg14[%parallel_loop3A_745, %parallel_loop3A_746, %parallel_loop3A_747], %parallel_loop3A_743 {strides = array<i32>} : memref<2x80x80xf32, #tpu.memory_space<vmem>>, vector<16xf32>,
        %parallel_loop3A_749 = arith.constant 0 : i32
        %parallel_loop3A_750 = arith.index_cast %parallel_loop3A_749 : i32 to index
        %parallel_loop3A_751 = arith.index_cast %parallel_loop3A_711 : i32 to index
        %parallel_loop3A_752 = arith.constant 48 : index
        %parallel_loop3A_753 = tpu.vector_load %arg13[%parallel_loop3A_750, %parallel_loop3A_751, %parallel_loop3A_752] {strides = array<i32>} : memref<2x80x64xf32, #tpu.memory_space<vmem>>, vector<16xf32>,
        %parallel_loop3A_754 = arith.mulf %parallel_loop3A_753, %parallel_loop3A_715 : vector<16xf32>
        %parallel_loop3A_755 = arith.constant 0 : i32
        %parallel_loop3A_756 = arith.index_cast %parallel_loop3A_755 : i32 to index
        %parallel_loop3A_757 = arith.index_cast %parallel_loop3A_711 : i32 to index
        %parallel_loop3A_758 = arith.constant 48 : index
        %parallel_loop3A_759 = tpu.vector_load %arg14[%parallel_loop3A_756, %parallel_loop3A_757, %parallel_loop3A_758] {strides = array<i32>} : memref<2x80x80xf32, #tpu.memory_space<vmem>>, vector<16xf32>,
        tpu.vector_store %arg14[%parallel_loop3A_756, %parallel_loop3A_757, %parallel_loop3A_758], %parallel_loop3A_754 {strides = array<i32>} : memref<2x80x80xf32, #tpu.memory_space<vmem>>, vector<16xf32>,
        %parallel_loop3A_760 = arith.constant 0 : i32
        %parallel_loop3A_761 = arith.index_cast %parallel_loop3A_760 : i32 to index
        %parallel_loop3A_762 = arith.index_cast %parallel_loop3A_711 : i32 to index
        %parallel_loop3A_763 = arith.constant 0 : index
        %parallel_loop3A_764 = tpu.vector_load %arg12[%parallel_loop3A_761, %parallel_loop3A_762, %parallel_loop3A_763] {strides = array<i32>} : memref<2x80x16xf32, #tpu.memory_space<vmem>>, vector<16xf32>,
        %parallel_loop3A_765 = arith.mulf %parallel_loop3A_764, %parallel_loop3A_715 : vector<16xf32>
        %parallel_loop3A_766 = arith.constant 0 : i32
        %parallel_loop3A_767 = arith.index_cast %parallel_loop3A_766 : i32 to index
        %parallel_loop3A_768 = arith.index_cast %parallel_loop3A_711 : i32 to index
        %parallel_loop3A_769 = arith.constant 64 : index
        %parallel_loop3A_770 = tpu.vector_load %arg14[%parallel_loop3A_767, %parallel_loop3A_768, %parallel_loop3A_769] {strides = array<i32>} : memref<2x80x80xf32, #tpu.memory_space<vmem>>, vector<16xf32>,
        tpu.vector_store %arg14[%parallel_loop3A_767, %parallel_loop3A_768, %parallel_loop3A_769], %parallel_loop3A_765 {strides = array<i32>} : memref<2x80x80xf32, #tpu.memory_space<vmem>>, vector<16xf32>,
        %parallel_loop3A_771 = arith.constant 16 : i32
        %parallel_loop3A_772 = arith.muli %parallel_loop3A_260, %parallel_loop3A_771 : i32
        %parallel_loop3A_773 = arith.constant 8 : i32
        %parallel_loop3A_774 = arith.addi %parallel_loop3A_772, %parallel_loop3A_773 : i32
        %parallel_loop3A_775 = arith.constant 8 : i32
        %parallel_loop3A_776 = vector.broadcast %parallel_loop3A_775 : i32 to vector<16x1xi32>
        %parallel_loop3A_777 = vector.shape_cast %parallel_loop3A_776 : vector<16x1xi32> to vector<16xi32>
        %parallel_loop3A_778 = tpu.dynamic_gather %parallel_loop3A_266[%parallel_loop3A_777] in [0] : vector<16xf32>, vector<16xi32> -> vector<16xf32>
        %parallel_loop3A_779 = arith.constant 0 : i32
        %parallel_loop3A_780 = arith.index_cast %parallel_loop3A_779 : i32 to index
        %parallel_loop3A_781 = arith.index_cast %parallel_loop3A_774 : i32 to index
        %parallel_loop3A_782 = arith.constant 0 : index
        %parallel_loop3A_783 = tpu.vector_load %arg13[%parallel_loop3A_780, %parallel_loop3A_781, %parallel_loop3A_782] {strides = array<i32>} : memref<2x80x64xf32, #tpu.memory_space<vmem>>, vector<16xf32>,
        %parallel_loop3A_784 = arith.mulf %parallel_loop3A_783, %parallel_loop3A_778 : vector<16xf32>
        %parallel_loop3A_785 = arith.constant 0 : i32
        %parallel_loop3A_786 = arith.index_cast %parallel_loop3A_785 : i32 to index
        %parallel_loop3A_787 = arith.index_cast %parallel_loop3A_774 : i32 to index
        %parallel_loop3A_788 = arith.constant 0 : index
        %parallel_loop3A_789 = tpu.vector_load %arg14[%parallel_loop3A_786, %parallel_loop3A_787, %parallel_loop3A_788] {strides = array<i32>} : memref<2x80x80xf32, #tpu.memory_space<vmem>>, vector<16xf32>,
        tpu.vector_store %arg14[%parallel_loop3A_786, %parallel_loop3A_787, %parallel_loop3A_788], %parallel_loop3A_784 {strides = array<i32>} : memref<2x80x80xf32, #tpu.memory_space<vmem>>, vector<16xf32>,
        %parallel_loop3A_790 = arith.constant 0 : i32
        %parallel_loop3A_791 = arith.index_cast %parallel_loop3A_790 : i32 to index
        %parallel_loop3A_792 = arith.index_cast %parallel_loop3A_774 : i32 to index
        %parallel_loop3A_793 = arith.constant 16 : index
        %parallel_loop3A_794 = tpu.vector_load %arg13[%parallel_loop3A_791, %parallel_loop3A_792, %parallel_loop3A_793] {strides = array<i32>} : memref<2x80x64xf32, #tpu.memory_space<vmem>>, vector<16xf32>,
        %parallel_loop3A_795 = arith.mulf %parallel_loop3A_794, %parallel_loop3A_778 : vector<16xf32>
        %parallel_loop3A_796 = arith.constant 0 : i32
        %parallel_loop3A_797 = arith.index_cast %parallel_loop3A_796 : i32 to index
        %parallel_loop3A_798 = arith.index_cast %parallel_loop3A_774 : i32 to index
        %parallel_loop3A_799 = arith.constant 16 : index
        %parallel_loop3A_800 = tpu.vector_load %arg14[%parallel_loop3A_797, %parallel_loop3A_798, %parallel_loop3A_799] {strides = array<i32>} : memref<2x80x80xf32, #tpu.memory_space<vmem>>, vector<16xf32>,
        tpu.vector_store %arg14[%parallel_loop3A_797, %parallel_loop3A_798, %parallel_loop3A_799], %parallel_loop3A_795 {strides = array<i32>} : memref<2x80x80xf32, #tpu.memory_space<vmem>>, vector<16xf32>,
        %parallel_loop3A_801 = arith.constant 0 : i32
        %parallel_loop3A_802 = arith.index_cast %parallel_loop3A_801 : i32 to index
        %parallel_loop3A_803 = arith.index_cast %parallel_loop3A_774 : i32 to index
        %parallel_loop3A_804 = arith.constant 32 : index
        %parallel_loop3A_805 = tpu.vector_load %arg13[%parallel_loop3A_802, %parallel_loop3A_803, %parallel_loop3A_804] {strides = array<i32>} : memref<2x80x64xf32, #tpu.memory_space<vmem>>, vector<16xf32>,
        %parallel_loop3A_806 = arith.mulf %parallel_loop3A_805, %parallel_loop3A_778 : vector<16xf32>
        %parallel_loop3A_807 = arith.constant 0 : i32
        %parallel_loop3A_808 = arith.index_cast %parallel_loop3A_807 : i32 to index
        %parallel_loop3A_809 = arith.index_cast %parallel_loop3A_774 : i32 to index
        %parallel_loop3A_810 = arith.constant 32 : index
        %parallel_loop3A_811 = tpu.vector_load %arg14[%parallel_loop3A_808, %parallel_loop3A_809, %parallel_loop3A_810] {strides = array<i32>} : memref<2x80x80xf32, #tpu.memory_space<vmem>>, vector<16xf32>,
        tpu.vector_store %arg14[%parallel_loop3A_808, %parallel_loop3A_809, %parallel_loop3A_810], %parallel_loop3A_806 {strides = array<i32>} : memref<2x80x80xf32, #tpu.memory_space<vmem>>, vector<16xf32>,
        %parallel_loop3A_812 = arith.constant 0 : i32
        %parallel_loop3A_813 = arith.index_cast %parallel_loop3A_812 : i32 to index
        %parallel_loop3A_814 = arith.index_cast %parallel_loop3A_774 : i32 to index
        %parallel_loop3A_815 = arith.constant 48 : index
        %parallel_loop3A_816 = tpu.vector_load %arg13[%parallel_loop3A_813, %parallel_loop3A_814, %parallel_loop3A_815] {strides = array<i32>} : memref<2x80x64xf32, #tpu.memory_space<vmem>>, vector<16xf32>,
        %parallel_loop3A_817 = arith.mulf %parallel_loop3A_816, %parallel_loop3A_778 : vector<16xf32>
        %parallel_loop3A_818 = arith.constant 0 : i32
        %parallel_loop3A_819 = arith.index_cast %parallel_loop3A_818 : i32 to index
        %parallel_loop3A_820 = arith.index_cast %parallel_loop3A_774 : i32 to index
        %parallel_loop3A_821 = arith.constant 48 : index
        %parallel_loop3A_822 = tpu.vector_load %arg14[%parallel_loop3A_819, %parallel_loop3A_820, %parallel_loop3A_821] {strides = array<i32>} : memref<2x80x80xf32, #tpu.memory_space<vmem>>, vector<16xf32>,
        tpu.vector_store %arg14[%parallel_loop3A_819, %parallel_loop3A_820, %parallel_loop3A_821], %parallel_loop3A_817 {strides = array<i32>} : memref<2x80x80xf32, #tpu.memory_space<vmem>>, vector<16xf32>,
        %parallel_loop3A_823 = arith.constant 0 : i32
        %parallel_loop3A_824 = arith.index_cast %parallel_loop3A_823 : i32 to index
        %parallel_loop3A_825 = arith.index_cast %parallel_loop3A_774 : i32 to index
        %parallel_loop3A_826 = arith.constant 0 : index
        %parallel_loop3A_827 = tpu.vector_load %arg12[%parallel_loop3A_824, %parallel_loop3A_825, %parallel_loop3A_826] {strides = array<i32>} : memref<2x80x16xf32, #tpu.memory_space<vmem>>, vector<16xf32>,
        %parallel_loop3A_828 = arith.mulf %parallel_loop3A_827, %parallel_loop3A_778 : vector<16xf32>
        %parallel_loop3A_829 = arith.constant 0 : i32
        %parallel_loop3A_830 = arith.index_cast %parallel_loop3A_829 : i32 to index
        %parallel_loop3A_831 = arith.index_cast %parallel_loop3A_774 : i32 to index
        %parallel_loop3A_832 = arith.constant 64 : index
        %parallel_loop3A_833 = tpu.vector_load %arg14[%parallel_loop3A_830, %parallel_loop3A_831, %parallel_loop3A_832] {strides = array<i32>} : memref<2x80x80xf32, #tpu.memory_space<vmem>>, vector<16xf32>,
        tpu.vector_store %arg14[%parallel_loop3A_830, %parallel_loop3A_831, %parallel_loop3A_832], %parallel_loop3A_828 {strides = array<i32>} : memref<2x80x80xf32, #tpu.memory_space<vmem>>, vector<16xf32>,
        %parallel_loop3A_834 = arith.constant 16 : i32
        %parallel_loop3A_835 = arith.muli %parallel_loop3A_260, %parallel_loop3A_834 : i32
        %parallel_loop3A_836 = arith.constant 9 : i32
        %parallel_loop3A_837 = arith.addi %parallel_loop3A_835, %parallel_loop3A_836 : i32
        %parallel_loop3A_838 = arith.constant 9 : i32
        %parallel_loop3A_839 = vector.broadcast %parallel_loop3A_838 : i32 to vector<16x1xi32>
        %parallel_loop3A_840 = vector.shape_cast %parallel_loop3A_839 : vector<16x1xi32> to vector<16xi32>
        %parallel_loop3A_841 = tpu.dynamic_gather %parallel_loop3A_266[%parallel_loop3A_840] in [0] : vector<16xf32>, vector<16xi32> -> vector<16xf32>
        %parallel_loop3A_842 = arith.constant 0 : i32
        %parallel_loop3A_843 = arith.index_cast %parallel_loop3A_842 : i32 to index
        %parallel_loop3A_844 = arith.index_cast %parallel_loop3A_837 : i32 to index
        %parallel_loop3A_845 = arith.constant 0 : index
        %parallel_loop3A_846 = tpu.vector_load %arg13[%parallel_loop3A_843, %parallel_loop3A_844, %parallel_loop3A_845] {strides = array<i32>} : memref<2x80x64xf32, #tpu.memory_space<vmem>>, vector<16xf32>,
        %parallel_loop3A_847 = arith.mulf %parallel_loop3A_846, %parallel_loop3A_841 : vector<16xf32>
        %parallel_loop3A_848 = arith.constant 0 : i32
        %parallel_loop3A_849 = arith.index_cast %parallel_loop3A_848 : i32 to index
        %parallel_loop3A_850 = arith.index_cast %parallel_loop3A_837 : i32 to index
        %parallel_loop3A_851 = arith.constant 0 : index
        %parallel_loop3A_852 = tpu.vector_load %arg14[%parallel_loop3A_849, %parallel_loop3A_850, %parallel_loop3A_851] {strides = array<i32>} : memref<2x80x80xf32, #tpu.memory_space<vmem>>, vector<16xf32>,
        tpu.vector_store %arg14[%parallel_loop3A_849, %parallel_loop3A_850, %parallel_loop3A_851], %parallel_loop3A_847 {strides = array<i32>} : memref<2x80x80xf32, #tpu.memory_space<vmem>>, vector<16xf32>,
        %parallel_loop3A_853 = arith.constant 0 : i32
        %parallel_loop3A_854 = arith.index_cast %parallel_loop3A_853 : i32 to index
        %parallel_loop3A_855 = arith.index_cast %parallel_loop3A_837 : i32 to index
        %parallel_loop3A_856 = arith.constant 16 : index
        %parallel_loop3A_857 = tpu.vector_load %arg13[%parallel_loop3A_854, %parallel_loop3A_855, %parallel_loop3A_856] {strides = array<i32>} : memref<2x80x64xf32, #tpu.memory_space<vmem>>, vector<16xf32>,
        %parallel_loop3A_858 = arith.mulf %parallel_loop3A_857, %parallel_loop3A_841 : vector<16xf32>
        %parallel_loop3A_859 = arith.constant 0 : i32
        %parallel_loop3A_860 = arith.index_cast %parallel_loop3A_859 : i32 to index
        %parallel_loop3A_861 = arith.index_cast %parallel_loop3A_837 : i32 to index
        %parallel_loop3A_862 = arith.constant 16 : index
        %parallel_loop3A_863 = tpu.vector_load %arg14[%parallel_loop3A_860, %parallel_loop3A_861, %parallel_loop3A_862] {strides = array<i32>} : memref<2x80x80xf32, #tpu.memory_space<vmem>>, vector<16xf32>,
        tpu.vector_store %arg14[%parallel_loop3A_860, %parallel_loop3A_861, %parallel_loop3A_862], %parallel_loop3A_858 {strides = array<i32>} : memref<2x80x80xf32, #tpu.memory_space<vmem>>, vector<16xf32>,
        %parallel_loop3A_864 = arith.constant 0 : i32
        %parallel_loop3A_865 = arith.index_cast %parallel_loop3A_864 : i32 to index
        %parallel_loop3A_866 = arith.index_cast %parallel_loop3A_837 : i32 to index
        %parallel_loop3A_867 = arith.constant 32 : index
        %parallel_loop3A_868 = tpu.vector_load %arg13[%parallel_loop3A_865, %parallel_loop3A_866, %parallel_loop3A_867] {strides = array<i32>} : memref<2x80x64xf32, #tpu.memory_space<vmem>>, vector<16xf32>,
        %parallel_loop3A_869 = arith.mulf %parallel_loop3A_868, %parallel_loop3A_841 : vector<16xf32>
        %parallel_loop3A_870 = arith.constant 0 : i32
        %parallel_loop3A_871 = arith.index_cast %parallel_loop3A_870 : i32 to index
        %parallel_loop3A_872 = arith.index_cast %parallel_loop3A_837 : i32 to index
        %parallel_loop3A_873 = arith.constant 32 : index
        %parallel_loop3A_874 = tpu.vector_load %arg14[%parallel_loop3A_871, %parallel_loop3A_872, %parallel_loop3A_873] {strides = array<i32>} : memref<2x80x80xf32, #tpu.memory_space<vmem>>, vector<16xf32>,
        tpu.vector_store %arg14[%parallel_loop3A_871, %parallel_loop3A_872, %parallel_loop3A_873], %parallel_loop3A_869 {strides = array<i32>} : memref<2x80x80xf32, #tpu.memory_space<vmem>>, vector<16xf32>,
        %parallel_loop3A_875 = arith.constant 0 : i32
        %parallel_loop3A_876 = arith.index_cast %parallel_loop3A_875 : i32 to index
        %parallel_loop3A_877 = arith.index_cast %parallel_loop3A_837 : i32 to index
        %parallel_loop3A_878 = arith.constant 48 : index
        %parallel_loop3A_879 = tpu.vector_load %arg13[%parallel_loop3A_876, %parallel_loop3A_877, %parallel_loop3A_878] {strides = array<i32>} : memref<2x80x64xf32, #tpu.memory_space<vmem>>, vector<16xf32>,
        %parallel_loop3A_880 = arith.mulf %parallel_loop3A_879, %parallel_loop3A_841 : vector<16xf32>
        %parallel_loop3A_881 = arith.constant 0 : i32
        %parallel_loop3A_882 = arith.index_cast %parallel_loop3A_881 : i32 to index
        %parallel_loop3A_883 = arith.index_cast %parallel_loop3A_837 : i32 to index
        %parallel_loop3A_884 = arith.constant 48 : index
        %parallel_loop3A_885 = tpu.vector_load %arg14[%parallel_loop3A_882, %parallel_loop3A_883, %parallel_loop3A_884] {strides = array<i32>} : memref<2x80x80xf32, #tpu.memory_space<vmem>>, vector<16xf32>,
        tpu.vector_store %arg14[%parallel_loop3A_882, %parallel_loop3A_883, %parallel_loop3A_884], %parallel_loop3A_880 {strides = array<i32>} : memref<2x80x80xf32, #tpu.memory_space<vmem>>, vector<16xf32>,
        %parallel_loop3A_886 = arith.constant 0 : i32
        %parallel_loop3A_887 = arith.index_cast %parallel_loop3A_886 : i32 to index
        %parallel_loop3A_888 = arith.index_cast %parallel_loop3A_837 : i32 to index
        %parallel_loop3A_889 = arith.constant 0 : index
        %parallel_loop3A_890 = tpu.vector_load %arg12[%parallel_loop3A_887, %parallel_loop3A_888, %parallel_loop3A_889] {strides = array<i32>} : memref<2x80x16xf32, #tpu.memory_space<vmem>>, vector<16xf32>,
        %parallel_loop3A_891 = arith.mulf %parallel_loop3A_890, %parallel_loop3A_841 : vector<16xf32>
        %parallel_loop3A_892 = arith.constant 0 : i32
        %parallel_loop3A_893 = arith.index_cast %parallel_loop3A_892 : i32 to index
        %parallel_loop3A_894 = arith.index_cast %parallel_loop3A_837 : i32 to index
        %parallel_loop3A_895 = arith.constant 64 : index
        %parallel_loop3A_896 = tpu.vector_load %arg14[%parallel_loop3A_893, %parallel_loop3A_894, %parallel_loop3A_895] {strides = array<i32>} : memref<2x80x80xf32, #tpu.memory_space<vmem>>, vector<16xf32>,
        tpu.vector_store %arg14[%parallel_loop3A_893, %parallel_loop3A_894, %parallel_loop3A_895], %parallel_loop3A_891 {strides = array<i32>} : memref<2x80x80xf32, #tpu.memory_space<vmem>>, vector<16xf32>,
        %parallel_loop3A_897 = arith.constant 16 : i32
        %parallel_loop3A_898 = arith.muli %parallel_loop3A_260, %parallel_loop3A_897 : i32
        %parallel_loop3A_899 = arith.constant 10 : i32
        %parallel_loop3A_900 = arith.addi %parallel_loop3A_898, %parallel_loop3A_899 : i32
        %parallel_loop3A_901 = arith.constant 10 : i32
        %parallel_loop3A_902 = vector.broadcast %parallel_loop3A_901 : i32 to vector<16x1xi32>
        %parallel_loop3A_903 = vector.shape_cast %parallel_loop3A_902 : vector<16x1xi32> to vector<16xi32>
        %parallel_loop3A_904 = tpu.dynamic_gather %parallel_loop3A_266[%parallel_loop3A_903] in [0] : vector<16xf32>, vector<16xi32> -> vector<16xf32>
        %parallel_loop3A_905 = arith.constant 0 : i32
        %parallel_loop3A_906 = arith.index_cast %parallel_loop3A_905 : i32 to index
        %parallel_loop3A_907 = arith.index_cast %parallel_loop3A_900 : i32 to index
        %parallel_loop3A_908 = arith.constant 0 : index
        %parallel_loop3A_909 = tpu.vector_load %arg13[%parallel_loop3A_906, %parallel_loop3A_907, %parallel_loop3A_908] {strides = array<i32>} : memref<2x80x64xf32, #tpu.memory_space<vmem>>, vector<16xf32>,
        %parallel_loop3A_910 = arith.mulf %parallel_loop3A_909, %parallel_loop3A_904 : vector<16xf32>
        %parallel_loop3A_911 = arith.constant 0 : i32
        %parallel_loop3A_912 = arith.index_cast %parallel_loop3A_911 : i32 to index
        %parallel_loop3A_913 = arith.index_cast %parallel_loop3A_900 : i32 to index
        %parallel_loop3A_914 = arith.constant 0 : index
        %parallel_loop3A_915 = tpu.vector_load %arg14[%parallel_loop3A_912, %parallel_loop3A_913, %parallel_loop3A_914] {strides = array<i32>} : memref<2x80x80xf32, #tpu.memory_space<vmem>>, vector<16xf32>,
        tpu.vector_store %arg14[%parallel_loop3A_912, %parallel_loop3A_913, %parallel_loop3A_914], %parallel_loop3A_910 {strides = array<i32>} : memref<2x80x80xf32, #tpu.memory_space<vmem>>, vector<16xf32>,
        %parallel_loop3A_916 = arith.constant 0 : i32
        %parallel_loop3A_917 = arith.index_cast %parallel_loop3A_916 : i32 to index
        %parallel_loop3A_918 = arith.index_cast %parallel_loop3A_900 : i32 to index
        %parallel_loop3A_919 = arith.constant 16 : index
        %parallel_loop3A_920 = tpu.vector_load %arg13[%parallel_loop3A_917, %parallel_loop3A_918, %parallel_loop3A_919] {strides = array<i32>} : memref<2x80x64xf32, #tpu.memory_space<vmem>>, vector<16xf32>,
        %parallel_loop3A_921 = arith.mulf %parallel_loop3A_920, %parallel_loop3A_904 : vector<16xf32>
        %parallel_loop3A_922 = arith.constant 0 : i32
        %parallel_loop3A_923 = arith.index_cast %parallel_loop3A_922 : i32 to index
        %parallel_loop3A_924 = arith.index_cast %parallel_loop3A_900 : i32 to index
        %parallel_loop3A_925 = arith.constant 16 : index
        %parallel_loop3A_926 = tpu.vector_load %arg14[%parallel_loop3A_923, %parallel_loop3A_924, %parallel_loop3A_925] {strides = array<i32>} : memref<2x80x80xf32, #tpu.memory_space<vmem>>, vector<16xf32>,
        tpu.vector_store %arg14[%parallel_loop3A_923, %parallel_loop3A_924, %parallel_loop3A_925], %parallel_loop3A_921 {strides = array<i32>} : memref<2x80x80xf32, #tpu.memory_space<vmem>>, vector<16xf32>,
        %parallel_loop3A_927 = arith.constant 0 : i32
        %parallel_loop3A_928 = arith.index_cast %parallel_loop3A_927 : i32 to index
        %parallel_loop3A_929 = arith.index_cast %parallel_loop3A_900 : i32 to index
        %parallel_loop3A_930 = arith.constant 32 : index
        %parallel_loop3A_931 = tpu.vector_load %arg13[%parallel_loop3A_928, %parallel_loop3A_929, %parallel_loop3A_930] {strides = array<i32>} : memref<2x80x64xf32, #tpu.memory_space<vmem>>, vector<16xf32>,
        %parallel_loop3A_932 = arith.mulf %parallel_loop3A_931, %parallel_loop3A_904 : vector<16xf32>
        %parallel_loop3A_933 = arith.constant 0 : i32
        %parallel_loop3A_934 = arith.index_cast %parallel_loop3A_933 : i32 to index
        %parallel_loop3A_935 = arith.index_cast %parallel_loop3A_900 : i32 to index
        %parallel_loop3A_936 = arith.constant 32 : index
        %parallel_loop3A_937 = tpu.vector_load %arg14[%parallel_loop3A_934, %parallel_loop3A_935, %parallel_loop3A_936] {strides = array<i32>} : memref<2x80x80xf32, #tpu.memory_space<vmem>>, vector<16xf32>,
        tpu.vector_store %arg14[%parallel_loop3A_934, %parallel_loop3A_935, %parallel_loop3A_936], %parallel_loop3A_932 {strides = array<i32>} : memref<2x80x80xf32, #tpu.memory_space<vmem>>, vector<16xf32>,
        %parallel_loop3A_938 = arith.constant 0 : i32
        %parallel_loop3A_939 = arith.index_cast %parallel_loop3A_938 : i32 to index
        %parallel_loop3A_940 = arith.index_cast %parallel_loop3A_900 : i32 to index
        %parallel_loop3A_941 = arith.constant 48 : index
        %parallel_loop3A_942 = tpu.vector_load %arg13[%parallel_loop3A_939, %parallel_loop3A_940, %parallel_loop3A_941] {strides = array<i32>} : memref<2x80x64xf32, #tpu.memory_space<vmem>>, vector<16xf32>,
        %parallel_loop3A_943 = arith.mulf %parallel_loop3A_942, %parallel_loop3A_904 : vector<16xf32>
        %parallel_loop3A_944 = arith.constant 0 : i32
        %parallel_loop3A_945 = arith.index_cast %parallel_loop3A_944 : i32 to index
        %parallel_loop3A_946 = arith.index_cast %parallel_loop3A_900 : i32 to index
        %parallel_loop3A_947 = arith.constant 48 : index
        %parallel_loop3A_948 = tpu.vector_load %arg14[%parallel_loop3A_945, %parallel_loop3A_946, %parallel_loop3A_947] {strides = array<i32>} : memref<2x80x80xf32, #tpu.memory_space<vmem>>, vector<16xf32>,
        tpu.vector_store %arg14[%parallel_loop3A_945, %parallel_loop3A_946, %parallel_loop3A_947], %parallel_loop3A_943 {strides = array<i32>} : memref<2x80x80xf32, #tpu.memory_space<vmem>>, vector<16xf32>,
        %parallel_loop3A_949 = arith.constant 0 : i32
        %parallel_loop3A_950 = arith.index_cast %parallel_loop3A_949 : i32 to index
        %parallel_loop3A_951 = arith.index_cast %parallel_loop3A_900 : i32 to index
        %parallel_loop3A_952 = arith.constant 0 : index
        %parallel_loop3A_953 = tpu.vector_load %arg12[%parallel_loop3A_950, %parallel_loop3A_951, %parallel_loop3A_952] {strides = array<i32>} : memref<2x80x16xf32, #tpu.memory_space<vmem>>, vector<16xf32>,
        %parallel_loop3A_954 = arith.mulf %parallel_loop3A_953, %parallel_loop3A_904 : vector<16xf32>
        %parallel_loop3A_955 = arith.constant 0 : i32
        %parallel_loop3A_956 = arith.index_cast %parallel_loop3A_955 : i32 to index
        %parallel_loop3A_957 = arith.index_cast %parallel_loop3A_900 : i32 to index
        %parallel_loop3A_958 = arith.constant 64 : index
        %parallel_loop3A_959 = tpu.vector_load %arg14[%parallel_loop3A_956, %parallel_loop3A_957, %parallel_loop3A_958] {strides = array<i32>} : memref<2x80x80xf32, #tpu.memory_space<vmem>>, vector<16xf32>,
        tpu.vector_store %arg14[%parallel_loop3A_956, %parallel_loop3A_957, %parallel_loop3A_958], %parallel_loop3A_954 {strides = array<i32>} : memref<2x80x80xf32, #tpu.memory_space<vmem>>, vector<16xf32>,
        %parallel_loop3A_960 = arith.constant 16 : i32
        %parallel_loop3A_961 = arith.muli %parallel_loop3A_260, %parallel_loop3A_960 : i32
        %parallel_loop3A_962 = arith.constant 11 : i32
        %parallel_loop3A_963 = arith.addi %parallel_loop3A_961, %parallel_loop3A_962 : i32
        %parallel_loop3A_964 = arith.constant 11 : i32
        %parallel_loop3A_965 = vector.broadcast %parallel_loop3A_964 : i32 to vector<16x1xi32>
        %parallel_loop3A_966 = vector.shape_cast %parallel_loop3A_965 : vector<16x1xi32> to vector<16xi32>
        %parallel_loop3A_967 = tpu.dynamic_gather %parallel_loop3A_266[%parallel_loop3A_966] in [0] : vector<16xf32>, vector<16xi32> -> vector<16xf32>
        %parallel_loop3A_968 = arith.constant 0 : i32
        %parallel_loop3A_969 = arith.index_cast %parallel_loop3A_968 : i32 to index
        %parallel_loop3A_970 = arith.index_cast %parallel_loop3A_963 : i32 to index
        %parallel_loop3A_971 = arith.constant 0 : index
        %parallel_loop3A_972 = tpu.vector_load %arg13[%parallel_loop3A_969, %parallel_loop3A_970, %parallel_loop3A_971] {strides = array<i32>} : memref<2x80x64xf32, #tpu.memory_space<vmem>>, vector<16xf32>,
        %parallel_loop3A_973 = arith.mulf %parallel_loop3A_972, %parallel_loop3A_967 : vector<16xf32>
        %parallel_loop3A_974 = arith.constant 0 : i32
        %parallel_loop3A_975 = arith.index_cast %parallel_loop3A_974 : i32 to index
        %parallel_loop3A_976 = arith.index_cast %parallel_loop3A_963 : i32 to index
        %parallel_loop3A_977 = arith.constant 0 : index
        %parallel_loop3A_978 = tpu.vector_load %arg14[%parallel_loop3A_975, %parallel_loop3A_976, %parallel_loop3A_977] {strides = array<i32>} : memref<2x80x80xf32, #tpu.memory_space<vmem>>, vector<16xf32>,
        tpu.vector_store %arg14[%parallel_loop3A_975, %parallel_loop3A_976, %parallel_loop3A_977], %parallel_loop3A_973 {strides = array<i32>} : memref<2x80x80xf32, #tpu.memory_space<vmem>>, vector<16xf32>,
        %parallel_loop3A_979 = arith.constant 0 : i32
        %parallel_loop3A_980 = arith.index_cast %parallel_loop3A_979 : i32 to index
        %parallel_loop3A_981 = arith.index_cast %parallel_loop3A_963 : i32 to index
        %parallel_loop3A_982 = arith.constant 16 : index
        %parallel_loop3A_983 = tpu.vector_load %arg13[%parallel_loop3A_980, %parallel_loop3A_981, %parallel_loop3A_982] {strides = array<i32>} : memref<2x80x64xf32, #tpu.memory_space<vmem>>, vector<16xf32>,
        %parallel_loop3A_984 = arith.mulf %parallel_loop3A_983, %parallel_loop3A_967 : vector<16xf32>
        %parallel_loop3A_985 = arith.constant 0 : i32
        %parallel_loop3A_986 = arith.index_cast %parallel_loop3A_985 : i32 to index
        %parallel_loop3A_987 = arith.index_cast %parallel_loop3A_963 : i32 to index
        %parallel_loop3A_988 = arith.constant 16 : index
        %parallel_loop3A_989 = tpu.vector_load %arg14[%parallel_loop3A_986, %parallel_loop3A_987, %parallel_loop3A_988] {strides = array<i32>} : memref<2x80x80xf32, #tpu.memory_space<vmem>>, vector<16xf32>,
        tpu.vector_store %arg14[%parallel_loop3A_986, %parallel_loop3A_987, %parallel_loop3A_988], %parallel_loop3A_984 {strides = array<i32>} : memref<2x80x80xf32, #tpu.memory_space<vmem>>, vector<16xf32>,
        %parallel_loop3A_990 = arith.constant 0 : i32
        %parallel_loop3A_991 = arith.index_cast %parallel_loop3A_990 : i32 to index
        %parallel_loop3A_992 = arith.index_cast %parallel_loop3A_963 : i32 to index
        %parallel_loop3A_993 = arith.constant 32 : index
        %parallel_loop3A_994 = tpu.vector_load %arg13[%parallel_loop3A_991, %parallel_loop3A_992, %parallel_loop3A_993] {strides = array<i32>} : memref<2x80x64xf32, #tpu.memory_space<vmem>>, vector<16xf32>,
        %parallel_loop3A_995 = arith.mulf %parallel_loop3A_994, %parallel_loop3A_967 : vector<16xf32>
        %parallel_loop3A_996 = arith.constant 0 : i32
        %parallel_loop3A_997 = arith.index_cast %parallel_loop3A_996 : i32 to index
        %parallel_loop3A_998 = arith.index_cast %parallel_loop3A_963 : i32 to index
        %parallel_loop3A_999 = arith.constant 32 : index
        %parallel_loop3A_1000 = tpu.vector_load %arg14[%parallel_loop3A_997, %parallel_loop3A_998, %parallel_loop3A_999] {strides = array<i32>} : memref<2x80x80xf32, #tpu.memory_space<vmem>>, vector<16xf32>,
        tpu.vector_store %arg14[%parallel_loop3A_997, %parallel_loop3A_998, %parallel_loop3A_999], %parallel_loop3A_995 {strides = array<i32>} : memref<2x80x80xf32, #tpu.memory_space<vmem>>, vector<16xf32>,
        %parallel_loop3A_1001 = arith.constant 0 : i32
        %parallel_loop3A_1002 = arith.index_cast %parallel_loop3A_1001 : i32 to index
        %parallel_loop3A_1003 = arith.index_cast %parallel_loop3A_963 : i32 to index
        %parallel_loop3A_1004 = arith.constant 48 : index
        %parallel_loop3A_1005 = tpu.vector_load %arg13[%parallel_loop3A_1002, %parallel_loop3A_1003, %parallel_loop3A_1004] {strides = array<i32>} : memref<2x80x64xf32, #tpu.memory_space<vmem>>, vector<16xf32>,
        %parallel_loop3A_1006 = arith.mulf %parallel_loop3A_1005, %parallel_loop3A_967 : vector<16xf32>
        %parallel_loop3A_1007 = arith.constant 0 : i32
        %parallel_loop3A_1008 = arith.index_cast %parallel_loop3A_1007 : i32 to index
        %parallel_loop3A_1009 = arith.index_cast %parallel_loop3A_963 : i32 to index
        %parallel_loop3A_1010 = arith.constant 48 : index
        %parallel_loop3A_1011 = tpu.vector_load %arg14[%parallel_loop3A_1008, %parallel_loop3A_1009, %parallel_loop3A_1010] {strides = array<i32>} : memref<2x80x80xf32, #tpu.memory_space<vmem>>, vector<16xf32>,
        tpu.vector_store %arg14[%parallel_loop3A_1008, %parallel_loop3A_1009, %parallel_loop3A_1010], %parallel_loop3A_1006 {strides = array<i32>} : memref<2x80x80xf32, #tpu.memory_space<vmem>>, vector<16xf32>,
        %parallel_loop3A_1012 = arith.constant 0 : i32
        %parallel_loop3A_1013 = arith.index_cast %parallel_loop3A_1012 : i32 to index
        %parallel_loop3A_1014 = arith.index_cast %parallel_loop3A_963 : i32 to index
        %parallel_loop3A_1015 = arith.constant 0 : index
        %parallel_loop3A_1016 = tpu.vector_load %arg12[%parallel_loop3A_1013, %parallel_loop3A_1014, %parallel_loop3A_1015] {strides = array<i32>} : memref<2x80x16xf32, #tpu.memory_space<vmem>>, vector<16xf32>,
        %parallel_loop3A_1017 = arith.mulf %parallel_loop3A_1016, %parallel_loop3A_967 : vector<16xf32>
        %parallel_loop3A_1018 = arith.constant 0 : i32
        %parallel_loop3A_1019 = arith.index_cast %parallel_loop3A_1018 : i32 to index
        %parallel_loop3A_1020 = arith.index_cast %parallel_loop3A_963 : i32 to index
        %parallel_loop3A_1021 = arith.constant 64 : index
        %parallel_loop3A_1022 = tpu.vector_load %arg14[%parallel_loop3A_1019, %parallel_loop3A_1020, %parallel_loop3A_1021] {strides = array<i32>} : memref<2x80x80xf32, #tpu.memory_space<vmem>>, vector<16xf32>,
        tpu.vector_store %arg14[%parallel_loop3A_1019, %parallel_loop3A_1020, %parallel_loop3A_1021], %parallel_loop3A_1017 {strides = array<i32>} : memref<2x80x80xf32, #tpu.memory_space<vmem>>, vector<16xf32>,
        %parallel_loop3A_1023 = arith.constant 16 : i32
        %parallel_loop3A_1024 = arith.muli %parallel_loop3A_260, %parallel_loop3A_1023 : i32
        %parallel_loop3A_1025 = arith.constant 12 : i32
        %parallel_loop3A_1026 = arith.addi %parallel_loop3A_1024, %parallel_loop3A_1025 : i32
        %parallel_loop3A_1027 = arith.constant 12 : i32
        %parallel_loop3A_1028 = vector.broadcast %parallel_loop3A_1027 : i32 to vector<16x1xi32>
        %parallel_loop3A_1029 = vector.shape_cast %parallel_loop3A_1028 : vector<16x1xi32> to vector<16xi32>
        %parallel_loop3A_1030 = tpu.dynamic_gather %parallel_loop3A_266[%parallel_loop3A_1029] in [0] : vector<16xf32>, vector<16xi32> -> vector<16xf32>
        %parallel_loop3A_1031 = arith.constant 0 : i32
        %parallel_loop3A_1032 = arith.index_cast %parallel_loop3A_1031 : i32 to index
        %parallel_loop3A_1033 = arith.index_cast %parallel_loop3A_1026 : i32 to index
        %parallel_loop3A_1034 = arith.constant 0 : index
        %parallel_loop3A_1035 = tpu.vector_load %arg13[%parallel_loop3A_1032, %parallel_loop3A_1033, %parallel_loop3A_1034] {strides = array<i32>} : memref<2x80x64xf32, #tpu.memory_space<vmem>>, vector<16xf32>,
        %parallel_loop3A_1036 = arith.mulf %parallel_loop3A_1035, %parallel_loop3A_1030 : vector<16xf32>
        %parallel_loop3A_1037 = arith.constant 0 : i32
        %parallel_loop3A_1038 = arith.index_cast %parallel_loop3A_1037 : i32 to index
        %parallel_loop3A_1039 = arith.index_cast %parallel_loop3A_1026 : i32 to index
        %parallel_loop3A_1040 = arith.constant 0 : index
        %parallel_loop3A_1041 = tpu.vector_load %arg14[%parallel_loop3A_1038, %parallel_loop3A_1039, %parallel_loop3A_1040] {strides = array<i32>} : memref<2x80x80xf32, #tpu.memory_space<vmem>>, vector<16xf32>,
        tpu.vector_store %arg14[%parallel_loop3A_1038, %parallel_loop3A_1039, %parallel_loop3A_1040], %parallel_loop3A_1036 {strides = array<i32>} : memref<2x80x80xf32, #tpu.memory_space<vmem>>, vector<16xf32>,
        %parallel_loop3A_1042 = arith.constant 0 : i32
        %parallel_loop3A_1043 = arith.index_cast %parallel_loop3A_1042 : i32 to index
        %parallel_loop3A_1044 = arith.index_cast %parallel_loop3A_1026 : i32 to index
        %parallel_loop3A_1045 = arith.constant 16 : index
        %parallel_loop3A_1046 = tpu.vector_load %arg13[%parallel_loop3A_1043, %parallel_loop3A_1044, %parallel_loop3A_1045] {strides = array<i32>} : memref<2x80x64xf32, #tpu.memory_space<vmem>>, vector<16xf32>,
        %parallel_loop3A_1047 = arith.mulf %parallel_loop3A_1046, %parallel_loop3A_1030 : vector<16xf32>
        %parallel_loop3A_1048 = arith.constant 0 : i32
        %parallel_loop3A_1049 = arith.index_cast %parallel_loop3A_1048 : i32 to index
        %parallel_loop3A_1050 = arith.index_cast %parallel_loop3A_1026 : i32 to index
        %parallel_loop3A_1051 = arith.constant 16 : index
        %parallel_loop3A_1052 = tpu.vector_load %arg14[%parallel_loop3A_1049, %parallel_loop3A_1050, %parallel_loop3A_1051] {strides = array<i32>} : memref<2x80x80xf32, #tpu.memory_space<vmem>>, vector<16xf32>,
        tpu.vector_store %arg14[%parallel_loop3A_1049, %parallel_loop3A_1050, %parallel_loop3A_1051], %parallel_loop3A_1047 {strides = array<i32>} : memref<2x80x80xf32, #tpu.memory_space<vmem>>, vector<16xf32>,
        %parallel_loop3A_1053 = arith.constant 0 : i32
        %parallel_loop3A_1054 = arith.index_cast %parallel_loop3A_1053 : i32 to index
        %parallel_loop3A_1055 = arith.index_cast %parallel_loop3A_1026 : i32 to index
        %parallel_loop3A_1056 = arith.constant 32 : index
        %parallel_loop3A_1057 = tpu.vector_load %arg13[%parallel_loop3A_1054, %parallel_loop3A_1055, %parallel_loop3A_1056] {strides = array<i32>} : memref<2x80x64xf32, #tpu.memory_space<vmem>>, vector<16xf32>,
        %parallel_loop3A_1058 = arith.mulf %parallel_loop3A_1057, %parallel_loop3A_1030 : vector<16xf32>
        %parallel_loop3A_1059 = arith.constant 0 : i32
        %parallel_loop3A_1060 = arith.index_cast %parallel_loop3A_1059 : i32 to index
        %parallel_loop3A_1061 = arith.index_cast %parallel_loop3A_1026 : i32 to index
        %parallel_loop3A_1062 = arith.constant 32 : index
        %parallel_loop3A_1063 = tpu.vector_load %arg14[%parallel_loop3A_1060, %parallel_loop3A_1061, %parallel_loop3A_1062] {strides = array<i32>} : memref<2x80x80xf32, #tpu.memory_space<vmem>>, vector<16xf32>,
        tpu.vector_store %arg14[%parallel_loop3A_1060, %parallel_loop3A_1061, %parallel_loop3A_1062], %parallel_loop3A_1058 {strides = array<i32>} : memref<2x80x80xf32, #tpu.memory_space<vmem>>, vector<16xf32>,
        %parallel_loop3A_1064 = arith.constant 0 : i32
        %parallel_loop3A_1065 = arith.index_cast %parallel_loop3A_1064 : i32 to index
        %parallel_loop3A_1066 = arith.index_cast %parallel_loop3A_1026 : i32 to index
        %parallel_loop3A_1067 = arith.constant 48 : index
        %parallel_loop3A_1068 = tpu.vector_load %arg13[%parallel_loop3A_1065, %parallel_loop3A_1066, %parallel_loop3A_1067] {strides = array<i32>} : memref<2x80x64xf32, #tpu.memory_space<vmem>>, vector<16xf32>,
        %parallel_loop3A_1069 = arith.mulf %parallel_loop3A_1068, %parallel_loop3A_1030 : vector<16xf32>
        %parallel_loop3A_1070 = arith.constant 0 : i32
        %parallel_loop3A_1071 = arith.index_cast %parallel_loop3A_1070 : i32 to index
        %parallel_loop3A_1072 = arith.index_cast %parallel_loop3A_1026 : i32 to index
        %parallel_loop3A_1073 = arith.constant 48 : index
        %parallel_loop3A_1074 = tpu.vector_load %arg14[%parallel_loop3A_1071, %parallel_loop3A_1072, %parallel_loop3A_1073] {strides = array<i32>} : memref<2x80x80xf32, #tpu.memory_space<vmem>>, vector<16xf32>,
        tpu.vector_store %arg14[%parallel_loop3A_1071, %parallel_loop3A_1072, %parallel_loop3A_1073], %parallel_loop3A_1069 {strides = array<i32>} : memref<2x80x80xf32, #tpu.memory_space<vmem>>, vector<16xf32>,
        %parallel_loop3A_1075 = arith.constant 0 : i32
        %parallel_loop3A_1076 = arith.index_cast %parallel_loop3A_1075 : i32 to index
        %parallel_loop3A_1077 = arith.index_cast %parallel_loop3A_1026 : i32 to index
        %parallel_loop3A_1078 = arith.constant 0 : index
        %parallel_loop3A_1079 = tpu.vector_load %arg12[%parallel_loop3A_1076, %parallel_loop3A_1077, %parallel_loop3A_1078] {strides = array<i32>} : memref<2x80x16xf32, #tpu.memory_space<vmem>>, vector<16xf32>,
        %parallel_loop3A_1080 = arith.mulf %parallel_loop3A_1079, %parallel_loop3A_1030 : vector<16xf32>
        %parallel_loop3A_1081 = arith.constant 0 : i32
        %parallel_loop3A_1082 = arith.index_cast %parallel_loop3A_1081 : i32 to index
        %parallel_loop3A_1083 = arith.index_cast %parallel_loop3A_1026 : i32 to index
        %parallel_loop3A_1084 = arith.constant 64 : index
        %parallel_loop3A_1085 = tpu.vector_load %arg14[%parallel_loop3A_1082, %parallel_loop3A_1083, %parallel_loop3A_1084] {strides = array<i32>} : memref<2x80x80xf32, #tpu.memory_space<vmem>>, vector<16xf32>,
        tpu.vector_store %arg14[%parallel_loop3A_1082, %parallel_loop3A_1083, %parallel_loop3A_1084], %parallel_loop3A_1080 {strides = array<i32>} : memref<2x80x80xf32, #tpu.memory_space<vmem>>, vector<16xf32>,
        %parallel_loop3A_1086 = arith.constant 16 : i32
        %parallel_loop3A_1087 = arith.muli %parallel_loop3A_260, %parallel_loop3A_1086 : i32
        %parallel_loop3A_1088 = arith.constant 13 : i32
        %parallel_loop3A_1089 = arith.addi %parallel_loop3A_1087, %parallel_loop3A_1088 : i32
        %parallel_loop3A_1090 = arith.constant 13 : i32
        %parallel_loop3A_1091 = vector.broadcast %parallel_loop3A_1090 : i32 to vector<16x1xi32>
        %parallel_loop3A_1092 = vector.shape_cast %parallel_loop3A_1091 : vector<16x1xi32> to vector<16xi32>
        %parallel_loop3A_1093 = tpu.dynamic_gather %parallel_loop3A_266[%parallel_loop3A_1092] in [0] : vector<16xf32>, vector<16xi32> -> vector<16xf32>
        %parallel_loop3A_1094 = arith.constant 0 : i32
        %parallel_loop3A_1095 = arith.index_cast %parallel_loop3A_1094 : i32 to index
        %parallel_loop3A_1096 = arith.index_cast %parallel_loop3A_1089 : i32 to index
        %parallel_loop3A_1097 = arith.constant 0 : index
        %parallel_loop3A_1098 = tpu.vector_load %arg13[%parallel_loop3A_1095, %parallel_loop3A_1096, %parallel_loop3A_1097] {strides = array<i32>} : memref<2x80x64xf32, #tpu.memory_space<vmem>>, vector<16xf32>,
        %parallel_loop3A_1099 = arith.mulf %parallel_loop3A_1098, %parallel_loop3A_1093 : vector<16xf32>
        %parallel_loop3A_1100 = arith.constant 0 : i32
        %parallel_loop3A_1101 = arith.index_cast %parallel_loop3A_1100 : i32 to index
        %parallel_loop3A_1102 = arith.index_cast %parallel_loop3A_1089 : i32 to index
        %parallel_loop3A_1103 = arith.constant 0 : index
        %parallel_loop3A_1104 = tpu.vector_load %arg14[%parallel_loop3A_1101, %parallel_loop3A_1102, %parallel_loop3A_1103] {strides = array<i32>} : memref<2x80x80xf32, #tpu.memory_space<vmem>>, vector<16xf32>,
        tpu.vector_store %arg14[%parallel_loop3A_1101, %parallel_loop3A_1102, %parallel_loop3A_1103], %parallel_loop3A_1099 {strides = array<i32>} : memref<2x80x80xf32, #tpu.memory_space<vmem>>, vector<16xf32>,
        %parallel_loop3A_1105 = arith.constant 0 : i32
        %parallel_loop3A_1106 = arith.index_cast %parallel_loop3A_1105 : i32 to index
        %parallel_loop3A_1107 = arith.index_cast %parallel_loop3A_1089 : i32 to index
        %parallel_loop3A_1108 = arith.constant 16 : index
        %parallel_loop3A_1109 = tpu.vector_load %arg13[%parallel_loop3A_1106, %parallel_loop3A_1107, %parallel_loop3A_1108] {strides = array<i32>} : memref<2x80x64xf32, #tpu.memory_space<vmem>>, vector<16xf32>,
        %parallel_loop3A_1110 = arith.mulf %parallel_loop3A_1109, %parallel_loop3A_1093 : vector<16xf32>
        %parallel_loop3A_1111 = arith.constant 0 : i32
        %parallel_loop3A_1112 = arith.index_cast %parallel_loop3A_1111 : i32 to index
        %parallel_loop3A_1113 = arith.index_cast %parallel_loop3A_1089 : i32 to index
        %parallel_loop3A_1114 = arith.constant 16 : index
        %parallel_loop3A_1115 = tpu.vector_load %arg14[%parallel_loop3A_1112, %parallel_loop3A_1113, %parallel_loop3A_1114] {strides = array<i32>} : memref<2x80x80xf32, #tpu.memory_space<vmem>>, vector<16xf32>,
        tpu.vector_store %arg14[%parallel_loop3A_1112, %parallel_loop3A_1113, %parallel_loop3A_1114], %parallel_loop3A_1110 {strides = array<i32>} : memref<2x80x80xf32, #tpu.memory_space<vmem>>, vector<16xf32>,
        %parallel_loop3A_1116 = arith.constant 0 : i32
        %parallel_loop3A_1117 = arith.index_cast %parallel_loop3A_1116 : i32 to index
        %parallel_loop3A_1118 = arith.index_cast %parallel_loop3A_1089 : i32 to index
        %parallel_loop3A_1119 = arith.constant 32 : index
        %parallel_loop3A_1120 = tpu.vector_load %arg13[%parallel_loop3A_1117, %parallel_loop3A_1118, %parallel_loop3A_1119] {strides = array<i32>} : memref<2x80x64xf32, #tpu.memory_space<vmem>>, vector<16xf32>,
        %parallel_loop3A_1121 = arith.mulf %parallel_loop3A_1120, %parallel_loop3A_1093 : vector<16xf32>
        %parallel_loop3A_1122 = arith.constant 0 : i32
        %parallel_loop3A_1123 = arith.index_cast %parallel_loop3A_1122 : i32 to index
        %parallel_loop3A_1124 = arith.index_cast %parallel_loop3A_1089 : i32 to index
        %parallel_loop3A_1125 = arith.constant 32 : index
        %parallel_loop3A_1126 = tpu.vector_load %arg14[%parallel_loop3A_1123, %parallel_loop3A_1124, %parallel_loop3A_1125] {strides = array<i32>} : memref<2x80x80xf32, #tpu.memory_space<vmem>>, vector<16xf32>,
        tpu.vector_store %arg14[%parallel_loop3A_1123, %parallel_loop3A_1124, %parallel_loop3A_1125], %parallel_loop3A_1121 {strides = array<i32>} : memref<2x80x80xf32, #tpu.memory_space<vmem>>, vector<16xf32>,
        %parallel_loop3A_1127 = arith.constant 0 : i32
        %parallel_loop3A_1128 = arith.index_cast %parallel_loop3A_1127 : i32 to index
        %parallel_loop3A_1129 = arith.index_cast %parallel_loop3A_1089 : i32 to index
        %parallel_loop3A_1130 = arith.constant 48 : index
        %parallel_loop3A_1131 = tpu.vector_load %arg13[%parallel_loop3A_1128, %parallel_loop3A_1129, %parallel_loop3A_1130] {strides = array<i32>} : memref<2x80x64xf32, #tpu.memory_space<vmem>>, vector<16xf32>,
        %parallel_loop3A_1132 = arith.mulf %parallel_loop3A_1131, %parallel_loop3A_1093 : vector<16xf32>
        %parallel_loop3A_1133 = arith.constant 0 : i32
        %parallel_loop3A_1134 = arith.index_cast %parallel_loop3A_1133 : i32 to index
        %parallel_loop3A_1135 = arith.index_cast %parallel_loop3A_1089 : i32 to index
        %parallel_loop3A_1136 = arith.constant 48 : index
        %parallel_loop3A_1137 = tpu.vector_load %arg14[%parallel_loop3A_1134, %parallel_loop3A_1135, %parallel_loop3A_1136] {strides = array<i32>} : memref<2x80x80xf32, #tpu.memory_space<vmem>>, vector<16xf32>,
        tpu.vector_store %arg14[%parallel_loop3A_1134, %parallel_loop3A_1135, %parallel_loop3A_1136], %parallel_loop3A_1132 {strides = array<i32>} : memref<2x80x80xf32, #tpu.memory_space<vmem>>, vector<16xf32>,
        %parallel_loop3A_1138 = arith.constant 0 : i32
        %parallel_loop3A_1139 = arith.index_cast %parallel_loop3A_1138 : i32 to index
        %parallel_loop3A_1140 = arith.index_cast %parallel_loop3A_1089 : i32 to index
        %parallel_loop3A_1141 = arith.constant 0 : index
        %parallel_loop3A_1142 = tpu.vector_load %arg12[%parallel_loop3A_1139, %parallel_loop3A_1140, %parallel_loop3A_1141] {strides = array<i32>} : memref<2x80x16xf32, #tpu.memory_space<vmem>>, vector<16xf32>,
        %parallel_loop3A_1143 = arith.mulf %parallel_loop3A_1142, %parallel_loop3A_1093 : vector<16xf32>
        %parallel_loop3A_1144 = arith.constant 0 : i32
        %parallel_loop3A_1145 = arith.index_cast %parallel_loop3A_1144 : i32 to index
        %parallel_loop3A_1146 = arith.index_cast %parallel_loop3A_1089 : i32 to index
        %parallel_loop3A_1147 = arith.constant 64 : index
        %parallel_loop3A_1148 = tpu.vector_load %arg14[%parallel_loop3A_1145, %parallel_loop3A_1146, %parallel_loop3A_1147] {strides = array<i32>} : memref<2x80x80xf32, #tpu.memory_space<vmem>>, vector<16xf32>,
        tpu.vector_store %arg14[%parallel_loop3A_1145, %parallel_loop3A_1146, %parallel_loop3A_1147], %parallel_loop3A_1143 {strides = array<i32>} : memref<2x80x80xf32, #tpu.memory_space<vmem>>, vector<16xf32>,
        %parallel_loop3A_1149 = arith.constant 16 : i32
        %parallel_loop3A_1150 = arith.muli %parallel_loop3A_260, %parallel_loop3A_1149 : i32
        %parallel_loop3A_1151 = arith.constant 14 : i32
        %parallel_loop3A_1152 = arith.addi %parallel_loop3A_1150, %parallel_loop3A_1151 : i32
        %parallel_loop3A_1153 = arith.constant 14 : i32
        %parallel_loop3A_1154 = vector.broadcast %parallel_loop3A_1153 : i32 to vector<16x1xi32>
        %parallel_loop3A_1155 = vector.shape_cast %parallel_loop3A_1154 : vector<16x1xi32> to vector<16xi32>
        %parallel_loop3A_1156 = tpu.dynamic_gather %parallel_loop3A_266[%parallel_loop3A_1155] in [0] : vector<16xf32>, vector<16xi32> -> vector<16xf32>
        %parallel_loop3A_1157 = arith.constant 0 : i32
        %parallel_loop3A_1158 = arith.index_cast %parallel_loop3A_1157 : i32 to index
        %parallel_loop3A_1159 = arith.index_cast %parallel_loop3A_1152 : i32 to index
        %parallel_loop3A_1160 = arith.constant 0 : index
        %parallel_loop3A_1161 = tpu.vector_load %arg13[%parallel_loop3A_1158, %parallel_loop3A_1159, %parallel_loop3A_1160] {strides = array<i32>} : memref<2x80x64xf32, #tpu.memory_space<vmem>>, vector<16xf32>,
        %parallel_loop3A_1162 = arith.mulf %parallel_loop3A_1161, %parallel_loop3A_1156 : vector<16xf32>
        %parallel_loop3A_1163 = arith.constant 0 : i32
        %parallel_loop3A_1164 = arith.index_cast %parallel_loop3A_1163 : i32 to index
        %parallel_loop3A_1165 = arith.index_cast %parallel_loop3A_1152 : i32 to index
        %parallel_loop3A_1166 = arith.constant 0 : index
        %parallel_loop3A_1167 = tpu.vector_load %arg14[%parallel_loop3A_1164, %parallel_loop3A_1165, %parallel_loop3A_1166] {strides = array<i32>} : memref<2x80x80xf32, #tpu.memory_space<vmem>>, vector<16xf32>,
        tpu.vector_store %arg14[%parallel_loop3A_1164, %parallel_loop3A_1165, %parallel_loop3A_1166], %parallel_loop3A_1162 {strides = array<i32>} : memref<2x80x80xf32, #tpu.memory_space<vmem>>, vector<16xf32>,
        %parallel_loop3A_1168 = arith.constant 0 : i32
        %parallel_loop3A_1169 = arith.index_cast %parallel_loop3A_1168 : i32 to index
        %parallel_loop3A_1170 = arith.index_cast %parallel_loop3A_1152 : i32 to index
        %parallel_loop3A_1171 = arith.constant 16 : index
        %parallel_loop3A_1172 = tpu.vector_load %arg13[%parallel_loop3A_1169, %parallel_loop3A_1170, %parallel_loop3A_1171] {strides = array<i32>} : memref<2x80x64xf32, #tpu.memory_space<vmem>>, vector<16xf32>,
        %parallel_loop3A_1173 = arith.mulf %parallel_loop3A_1172, %parallel_loop3A_1156 : vector<16xf32>
        %parallel_loop3A_1174 = arith.constant 0 : i32
        %parallel_loop3A_1175 = arith.index_cast %parallel_loop3A_1174 : i32 to index
        %parallel_loop3A_1176 = arith.index_cast %parallel_loop3A_1152 : i32 to index
        %parallel_loop3A_1177 = arith.constant 16 : index
        %parallel_loop3A_1178 = tpu.vector_load %arg14[%parallel_loop3A_1175, %parallel_loop3A_1176, %parallel_loop3A_1177] {strides = array<i32>} : memref<2x80x80xf32, #tpu.memory_space<vmem>>, vector<16xf32>,
        tpu.vector_store %arg14[%parallel_loop3A_1175, %parallel_loop3A_1176, %parallel_loop3A_1177], %parallel_loop3A_1173 {strides = array<i32>} : memref<2x80x80xf32, #tpu.memory_space<vmem>>, vector<16xf32>,
        %parallel_loop3A_1179 = arith.constant 0 : i32
        %parallel_loop3A_1180 = arith.index_cast %parallel_loop3A_1179 : i32 to index
        %parallel_loop3A_1181 = arith.index_cast %parallel_loop3A_1152 : i32 to index
        %parallel_loop3A_1182 = arith.constant 32 : index
        %parallel_loop3A_1183 = tpu.vector_load %arg13[%parallel_loop3A_1180, %parallel_loop3A_1181, %parallel_loop3A_1182] {strides = array<i32>} : memref<2x80x64xf32, #tpu.memory_space<vmem>>, vector<16xf32>,
        %parallel_loop3A_1184 = arith.mulf %parallel_loop3A_1183, %parallel_loop3A_1156 : vector<16xf32>
        %parallel_loop3A_1185 = arith.constant 0 : i32
        %parallel_loop3A_1186 = arith.index_cast %parallel_loop3A_1185 : i32 to index
        %parallel_loop3A_1187 = arith.index_cast %parallel_loop3A_1152 : i32 to index
        %parallel_loop3A_1188 = arith.constant 32 : index
        %parallel_loop3A_1189 = tpu.vector_load %arg14[%parallel_loop3A_1186, %parallel_loop3A_1187, %parallel_loop3A_1188] {strides = array<i32>} : memref<2x80x80xf32, #tpu.memory_space<vmem>>, vector<16xf32>,
        tpu.vector_store %arg14[%parallel_loop3A_1186, %parallel_loop3A_1187, %parallel_loop3A_1188], %parallel_loop3A_1184 {strides = array<i32>} : memref<2x80x80xf32, #tpu.memory_space<vmem>>, vector<16xf32>,
        %parallel_loop3A_1190 = arith.constant 0 : i32
        %parallel_loop3A_1191 = arith.index_cast %parallel_loop3A_1190 : i32 to index
        %parallel_loop3A_1192 = arith.index_cast %parallel_loop3A_1152 : i32 to index
        %parallel_loop3A_1193 = arith.constant 48 : index
        %parallel_loop3A_1194 = tpu.vector_load %arg13[%parallel_loop3A_1191, %parallel_loop3A_1192, %parallel_loop3A_1193] {strides = array<i32>} : memref<2x80x64xf32, #tpu.memory_space<vmem>>, vector<16xf32>,
        %parallel_loop3A_1195 = arith.mulf %parallel_loop3A_1194, %parallel_loop3A_1156 : vector<16xf32>
        %parallel_loop3A_1196 = arith.constant 0 : i32
        %parallel_loop3A_1197 = arith.index_cast %parallel_loop3A_1196 : i32 to index
        %parallel_loop3A_1198 = arith.index_cast %parallel_loop3A_1152 : i32 to index
        %parallel_loop3A_1199 = arith.constant 48 : index
        %parallel_loop3A_1200 = tpu.vector_load %arg14[%parallel_loop3A_1197, %parallel_loop3A_1198, %parallel_loop3A_1199] {strides = array<i32>} : memref<2x80x80xf32, #tpu.memory_space<vmem>>, vector<16xf32>,
        tpu.vector_store %arg14[%parallel_loop3A_1197, %parallel_loop3A_1198, %parallel_loop3A_1199], %parallel_loop3A_1195 {strides = array<i32>} : memref<2x80x80xf32, #tpu.memory_space<vmem>>, vector<16xf32>,
        %parallel_loop3A_1201 = arith.constant 0 : i32
        %parallel_loop3A_1202 = arith.index_cast %parallel_loop3A_1201 : i32 to index
        %parallel_loop3A_1203 = arith.index_cast %parallel_loop3A_1152 : i32 to index
        %parallel_loop3A_1204 = arith.constant 0 : index
        %parallel_loop3A_1205 = tpu.vector_load %arg12[%parallel_loop3A_1202, %parallel_loop3A_1203, %parallel_loop3A_1204] {strides = array<i32>} : memref<2x80x16xf32, #tpu.memory_space<vmem>>, vector<16xf32>,
        %parallel_loop3A_1206 = arith.mulf %parallel_loop3A_1205, %parallel_loop3A_1156 : vector<16xf32>
        %parallel_loop3A_1207 = arith.constant 0 : i32
        %parallel_loop3A_1208 = arith.index_cast %parallel_loop3A_1207 : i32 to index
        %parallel_loop3A_1209 = arith.index_cast %parallel_loop3A_1152 : i32 to index
        %parallel_loop3A_1210 = arith.constant 64 : index
        %parallel_loop3A_1211 = tpu.vector_load %arg14[%parallel_loop3A_1208, %parallel_loop3A_1209, %parallel_loop3A_1210] {strides = array<i32>} : memref<2x80x80xf32, #tpu.memory_space<vmem>>, vector<16xf32>,
        tpu.vector_store %arg14[%parallel_loop3A_1208, %parallel_loop3A_1209, %parallel_loop3A_1210], %parallel_loop3A_1206 {strides = array<i32>} : memref<2x80x80xf32, #tpu.memory_space<vmem>>, vector<16xf32>,
        %parallel_loop3A_1212 = arith.constant 16 : i32
        %parallel_loop3A_1213 = arith.muli %parallel_loop3A_260, %parallel_loop3A_1212 : i32
        %parallel_loop3A_1214 = arith.constant 15 : i32
        %parallel_loop3A_1215 = arith.addi %parallel_loop3A_1213, %parallel_loop3A_1214 : i32
        %parallel_loop3A_1216 = arith.constant 15 : i32
        %parallel_loop3A_1217 = vector.broadcast %parallel_loop3A_1216 : i32 to vector<16x1xi32>
        %parallel_loop3A_1218 = vector.shape_cast %parallel_loop3A_1217 : vector<16x1xi32> to vector<16xi32>
        %parallel_loop3A_1219 = tpu.dynamic_gather %parallel_loop3A_266[%parallel_loop3A_1218] in [0] : vector<16xf32>, vector<16xi32> -> vector<16xf32>
        %parallel_loop3A_1220 = arith.constant 0 : i32
        %parallel_loop3A_1221 = arith.index_cast %parallel_loop3A_1220 : i32 to index
        %parallel_loop3A_1222 = arith.index_cast %parallel_loop3A_1215 : i32 to index
        %parallel_loop3A_1223 = arith.constant 0 : index
        %parallel_loop3A_1224 = tpu.vector_load %arg13[%parallel_loop3A_1221, %parallel_loop3A_1222, %parallel_loop3A_1223] {strides = array<i32>} : memref<2x80x64xf32, #tpu.memory_space<vmem>>, vector<16xf32>,
        %parallel_loop3A_1225 = arith.mulf %parallel_loop3A_1224, %parallel_loop3A_1219 : vector<16xf32>
        %parallel_loop3A_1226 = arith.constant 0 : i32
        %parallel_loop3A_1227 = arith.index_cast %parallel_loop3A_1226 : i32 to index
        %parallel_loop3A_1228 = arith.index_cast %parallel_loop3A_1215 : i32 to index
        %parallel_loop3A_1229 = arith.constant 0 : index
        %parallel_loop3A_1230 = tpu.vector_load %arg14[%parallel_loop3A_1227, %parallel_loop3A_1228, %parallel_loop3A_1229] {strides = array<i32>} : memref<2x80x80xf32, #tpu.memory_space<vmem>>, vector<16xf32>,
        tpu.vector_store %arg14[%parallel_loop3A_1227, %parallel_loop3A_1228, %parallel_loop3A_1229], %parallel_loop3A_1225 {strides = array<i32>} : memref<2x80x80xf32, #tpu.memory_space<vmem>>, vector<16xf32>,
        %parallel_loop3A_1231 = arith.constant 0 : i32
        %parallel_loop3A_1232 = arith.index_cast %parallel_loop3A_1231 : i32 to index
        %parallel_loop3A_1233 = arith.index_cast %parallel_loop3A_1215 : i32 to index
        %parallel_loop3A_1234 = arith.constant 16 : index
        %parallel_loop3A_1235 = tpu.vector_load %arg13[%parallel_loop3A_1232, %parallel_loop3A_1233, %parallel_loop3A_1234] {strides = array<i32>} : memref<2x80x64xf32, #tpu.memory_space<vmem>>, vector<16xf32>,
        %parallel_loop3A_1236 = arith.mulf %parallel_loop3A_1235, %parallel_loop3A_1219 : vector<16xf32>
        %parallel_loop3A_1237 = arith.constant 0 : i32
        %parallel_loop3A_1238 = arith.index_cast %parallel_loop3A_1237 : i32 to index
        %parallel_loop3A_1239 = arith.index_cast %parallel_loop3A_1215 : i32 to index
        %parallel_loop3A_1240 = arith.constant 16 : index
        %parallel_loop3A_1241 = tpu.vector_load %arg14[%parallel_loop3A_1238, %parallel_loop3A_1239, %parallel_loop3A_1240] {strides = array<i32>} : memref<2x80x80xf32, #tpu.memory_space<vmem>>, vector<16xf32>,
        tpu.vector_store %arg14[%parallel_loop3A_1238, %parallel_loop3A_1239, %parallel_loop3A_1240], %parallel_loop3A_1236 {strides = array<i32>} : memref<2x80x80xf32, #tpu.memory_space<vmem>>, vector<16xf32>,
        %parallel_loop3A_1242 = arith.constant 0 : i32
        %parallel_loop3A_1243 = arith.index_cast %parallel_loop3A_1242 : i32 to index
        %parallel_loop3A_1244 = arith.index_cast %parallel_loop3A_1215 : i32 to index
        %parallel_loop3A_1245 = arith.constant 32 : index
        %parallel_loop3A_1246 = tpu.vector_load %arg13[%parallel_loop3A_1243, %parallel_loop3A_1244, %parallel_loop3A_1245] {strides = array<i32>} : memref<2x80x64xf32, #tpu.memory_space<vmem>>, vector<16xf32>,
        %parallel_loop3A_1247 = arith.mulf %parallel_loop3A_1246, %parallel_loop3A_1219 : vector<16xf32>
        %parallel_loop3A_1248 = arith.constant 0 : i32
        %parallel_loop3A_1249 = arith.index_cast %parallel_loop3A_1248 : i32 to index
        %parallel_loop3A_1250 = arith.index_cast %parallel_loop3A_1215 : i32 to index
        %parallel_loop3A_1251 = arith.constant 32 : index
        %parallel_loop3A_1252 = tpu.vector_load %arg14[%parallel_loop3A_1249, %parallel_loop3A_1250, %parallel_loop3A_1251] {strides = array<i32>} : memref<2x80x80xf32, #tpu.memory_space<vmem>>, vector<16xf32>,
        tpu.vector_store %arg14[%parallel_loop3A_1249, %parallel_loop3A_1250, %parallel_loop3A_1251], %parallel_loop3A_1247 {strides = array<i32>} : memref<2x80x80xf32, #tpu.memory_space<vmem>>, vector<16xf32>,
        %parallel_loop3A_1253 = arith.constant 0 : i32
        %parallel_loop3A_1254 = arith.index_cast %parallel_loop3A_1253 : i32 to index
        %parallel_loop3A_1255 = arith.index_cast %parallel_loop3A_1215 : i32 to index
        %parallel_loop3A_1256 = arith.constant 48 : index
        %parallel_loop3A_1257 = tpu.vector_load %arg13[%parallel_loop3A_1254, %parallel_loop3A_1255, %parallel_loop3A_1256] {strides = array<i32>} : memref<2x80x64xf32, #tpu.memory_space<vmem>>, vector<16xf32>,
        %parallel_loop3A_1258 = arith.mulf %parallel_loop3A_1257, %parallel_loop3A_1219 : vector<16xf32>
        %parallel_loop3A_1259 = arith.constant 0 : i32
        %parallel_loop3A_1260 = arith.index_cast %parallel_loop3A_1259 : i32 to index
        %parallel_loop3A_1261 = arith.index_cast %parallel_loop3A_1215 : i32 to index
        %parallel_loop3A_1262 = arith.constant 48 : index
        %parallel_loop3A_1263 = tpu.vector_load %arg14[%parallel_loop3A_1260, %parallel_loop3A_1261, %parallel_loop3A_1262] {strides = array<i32>} : memref<2x80x80xf32, #tpu.memory_space<vmem>>, vector<16xf32>,
        tpu.vector_store %arg14[%parallel_loop3A_1260, %parallel_loop3A_1261, %parallel_loop3A_1262], %parallel_loop3A_1258 {strides = array<i32>} : memref<2x80x80xf32, #tpu.memory_space<vmem>>, vector<16xf32>,
        %parallel_loop3A_1264 = arith.constant 0 : i32
        %parallel_loop3A_1265 = arith.index_cast %parallel_loop3A_1264 : i32 to index
        %parallel_loop3A_1266 = arith.index_cast %parallel_loop3A_1215 : i32 to index
        %parallel_loop3A_1267 = arith.constant 0 : index
        %parallel_loop3A_1268 = tpu.vector_load %arg12[%parallel_loop3A_1265, %parallel_loop3A_1266, %parallel_loop3A_1267] {strides = array<i32>} : memref<2x80x16xf32, #tpu.memory_space<vmem>>, vector<16xf32>,
        %parallel_loop3A_1269 = arith.mulf %parallel_loop3A_1268, %parallel_loop3A_1219 : vector<16xf32>
        %parallel_loop3A_1270 = arith.constant 0 : i32
        %parallel_loop3A_1271 = arith.index_cast %parallel_loop3A_1270 : i32 to index
        %parallel_loop3A_1272 = arith.index_cast %parallel_loop3A_1215 : i32 to index
        %parallel_loop3A_1273 = arith.constant 64 : index
        %parallel_loop3A_1274 = tpu.vector_load %arg14[%parallel_loop3A_1271, %parallel_loop3A_1272, %parallel_loop3A_1273] {strides = array<i32>} : memref<2x80x80xf32, #tpu.memory_space<vmem>>, vector<16xf32>,
        tpu.vector_store %arg14[%parallel_loop3A_1271, %parallel_loop3A_1272, %parallel_loop3A_1273], %parallel_loop3A_1269 {strides = array<i32>} : memref<2x80x80xf32, #tpu.memory_space<vmem>>, vector<16xf32>,
      } {sc.loop_unroll_factor = 5 : i64, sc.parallel_access}
      %dma_start3A_181 = arith.constant 0 : i32
      %dma_start3A_182 = arith.constant 0 : i32
      %dma_start3A_183 = arith.constant 0 : i32
      %dma_start3A_184 = tpu.memref_slice %arg14[%dma_start3A_181, %dma_start3A_182, %dma_start3A_183] : memref<2x80x80xf32, #tpu.memory_space<vmem>> -> memref<1x80x80xf32, #tpu.memory_space<vmem>>
      %dma_start3A_185 = tpu.memref_squeeze %dma_start3A_184 : memref<1x80x80xf32, #tpu.memory_space<vmem>> -> memref<80x80xf32, #tpu.memory_space<vmem>>
      %dma_start3A_186 = arith.constant 0 : i32
      %dma_start3A_187 = tpu.memref_slice %arg10[%mul3A_84, %dma_start3A_186] : memref<250x80xi32, #tpu.memory_space<vmem>> -> memref<1x80xi32, #tpu.memory_space<vmem>>
      %dma_start3A_188 = tpu.memref_squeeze %dma_start3A_187 : memref<1x80xi32, #tpu.memory_space<vmem>> -> memref<80xi32, #tpu.memory_space<vmem>>
      %dma_start3A_189 = arith.constant 0 : i32
      %dma_start3A_190 = arith.constant 0 : i32
      %dma_start3A_191 = tpu.memref_slice %arg15[%dma_start3A_189, %dma_start3A_190] : memref<10240x80xf32, #tpu.memory_space<vmem_shared>> -> memref<10240x80xf32, #tpu.memory_space<vmem_shared>>
      tpu.enqueue_indirect_dma source(%dma_start3A_185 : memref<80x80xf32, #tpu.memory_space<vmem>>) target(%dma_start3A_191 : memref<10240x80xf32, #tpu.memory_space<vmem_shared>>) offsets(%dma_start3A_188 : memref<80xi32, #tpu.memory_space<vmem>>) semaphore(%arg18 : memref<!tpu.dma_semaphore, #tpu.memory_space<semaphore_mem>>) {add = true}
      %lt3A = arith.constant 124 : i32
      %lt3A_192 = arith.cmpi slt, %scan3A_82, %lt3A : i32
      %convert_element_type3A_193 = arith.extui %lt3A_192 : i1 to i32
      %cond3A_194 = arith.constant 0 : i32
      %cond3A_195 = arith.cmpi ne, %convert_element_type3A_193, %cond3A_194 : i32
      scf.if %cond3A_195 {
        %add3A_260 = arith.constant 2 : i32
        %add3A_261 = arith.addi %mul3A_84, %add3A_260 : i32
        %mul3A_262 = arith.constant 20000 : i32
        %mul3A_263 = arith.muli %arg1, %mul3A_262 : i32
        %mul3A_264 = arith.constant 80 : i32
        %mul3A_265 = arith.muli %add3A_261, %mul3A_264 : i32
        %add3A_266 = arith.addi %mul3A_263, %mul3A_265 : i32
        %dma_start3A_267 = arith.constant 0 : i32
        %dma_start3A_268 = arith.constant 0 : i32
        %dma_start3A_269 = arith.constant 0 : i32
        %dma_start3A_270 = tpu.memref_slice %arg12[%dma_start3A_267, %dma_start3A_268, %dma_start3A_269] : memref<2x80x16xf32, #tpu.memory_space<vmem>> -> memref<1x80x16xf32, #tpu.memory_space<vmem>>
        %dma_start3A_271 = tpu.memref_squeeze %dma_start3A_270 : memref<1x80x16xf32, #tpu.memory_space<vmem>> -> memref<80x16xf32, #tpu.memory_space<vmem>>
        %dma_start3A_272 = arith.constant 0 : i32
        %dma_start3A_273 = tpu.memref_slice %arg6[%add3A_266, %dma_start3A_272] : memref<320000x16xf32, #tpu.memory_space<hbm>> -> memref<80x16xf32, #tpu.memory_space<hbm>>
        %dma_start3A_274 = arith.constant 0 : i32
        %dma_start3A_275 = arith.constant 0 : i32
        %dma_start3A_276 = tpu.memref_slice %arg12[%dma_start3A_267, %dma_start3A_274, %dma_start3A_275] : memref<2x80x16xf32, #tpu.memory_space<vmem>> -> memref<1x80x16xf32, #tpu.memory_space<vmem>>
        %dma_start3A_277 = tpu.memref_squeeze %dma_start3A_276 : memref<1x80x16xf32, #tpu.memory_space<vmem>> -> memref<80x16xf32, #tpu.memory_space<vmem>>
        %dma_start3A_278 = arith.constant 0 : i32
        %dma_start3A_279 = tpu.memref_slice %arg6[%add3A_266, %dma_start3A_278] : memref<320000x16xf32, #tpu.memory_space<hbm>> -> memref<80x16xf32, #tpu.memory_space<hbm>>
        tpu.enqueue_dma source(%dma_start3A_279 : memref<80x16xf32, #tpu.memory_space<hbm>>) target(%dma_start3A_277 : memref<80x16xf32, #tpu.memory_space<vmem>>) target_semaphore(%arg16 : memref<!tpu.dma_semaphore, #tpu.memory_space<semaphore_mem>>)
        %mul3A_280 = arith.constant 250 : i32
        %mul3A_281 = arith.muli %arg1, %mul3A_280 : i32
        %add3A_282 = arith.addi %mul3A_281, %add3A_261 : i32
        %dma_start3A_283 = arith.constant 0 : i32
        %dma_start3A_284 = arith.constant 0 : i32
        %dma_start3A_285 = tpu.memref_slice %arg11[%dma_start3A_283, %dma_start3A_284] : memref<2x80xf32, #tpu.memory_space<vmem>> -> memref<1x80xf32, #tpu.memory_space<vmem>>
        %dma_start3A_286 = tpu.memref_squeeze %dma_start3A_285 : memref<1x80xf32, #tpu.memory_space<vmem>> -> memref<80xf32, #tpu.memory_space<vmem>>
        %dma_start3A_287 = arith.constant 0 : i32
        %dma_start3A_288 = tpu.memref_slice %arg5[%add3A_282, %dma_start3A_287] : memref<4000x80xf32, #tpu.memory_space<hbm>> -> memref<1x80xf32, #tpu.memory_space<hbm>>
        %dma_start3A_289 = tpu.memref_squeeze %dma_start3A_288 : memref<1x80xf32, #tpu.memory_space<hbm>> -> memref<80xf32, #tpu.memory_space<hbm>>
        %dma_start3A_290 = arith.constant 0 : i32
        %dma_start3A_291 = tpu.memref_slice %arg11[%dma_start3A_283, %dma_start3A_290] : memref<2x80xf32, #tpu.memory_space<vmem>> -> memref<1x80xf32, #tpu.memory_space<vmem>>
        %dma_start3A_292 = tpu.memref_squeeze %dma_start3A_291 : memref<1x80xf32, #tpu.memory_space<vmem>> -> memref<80xf32, #tpu.memory_space<vmem>>
        %dma_start3A_293 = arith.constant 0 : i32
        %dma_start3A_294 = tpu.memref_slice %arg5[%add3A_282, %dma_start3A_293] : memref<4000x80xf32, #tpu.memory_space<hbm>> -> memref<1x80xf32, #tpu.memory_space<hbm>>
        %dma_start3A_295 = tpu.memref_squeeze %dma_start3A_294 : memref<1x80xf32, #tpu.memory_space<hbm>> -> memref<80xf32, #tpu.memory_space<hbm>>
        tpu.enqueue_dma source(%dma_start3A_295 : memref<80xf32, #tpu.memory_space<hbm>>) target(%dma_start3A_292 : memref<80xf32, #tpu.memory_space<vmem>>) target_semaphore(%arg16 : memref<!tpu.dma_semaphore, #tpu.memory_space<semaphore_mem>>)
        %dma_start3A_296 = arith.constant 0 : i32
        %dma_start3A_297 = arith.constant 0 : i32
        %dma_start3A_298 = arith.constant 0 : i32
        %dma_start3A_299 = tpu.memref_slice %arg13[%dma_start3A_296, %dma_start3A_297, %dma_start3A_298] : memref<2x80x64xf32, #tpu.memory_space<vmem>> -> memref<1x80x64xf32, #tpu.memory_space<vmem>>
        %dma_start3A_300 = tpu.memref_squeeze %dma_start3A_299 : memref<1x80x64xf32, #tpu.memory_space<vmem>> -> memref<80x64xf32, #tpu.memory_space<vmem>>
        %dma_start3A_301 = arith.constant 0 : i32
        %dma_start3A_302 = tpu.memref_slice %arg9[%add3A_261, %dma_start3A_301] : memref<250x80xi32, #tpu.memory_space<vmem>> -> memref<1x80xi32, #tpu.memory_space<vmem>>
        %dma_start3A_303 = tpu.memref_squeeze %dma_start3A_302 : memref<1x80xi32, #tpu.memory_space<vmem>> -> memref<80xi32, #tpu.memory_space<vmem>>
        %dma_start3A_304 = arith.constant 0 : i32
        %dma_start3A_305 = arith.constant 0 : i32
        %dma_start3A_306 = tpu.memref_slice %arg2[%dma_start3A_304, %dma_start3A_305] : memref<20000x64xf32, #tpu.memory_space<hbm>> -> memref<20000x64xf32, #tpu.memory_space<hbm>>
        tpu.enqueue_indirect_dma source(%dma_start3A_306 : memref<20000x64xf32, #tpu.memory_space<hbm>>) target(%dma_start3A_300 : memref<80x64xf32, #tpu.memory_space<vmem>>) offsets(%dma_start3A_303 : memref<80xi32, #tpu.memory_space<vmem>>) semaphore(%arg16 : memref<!tpu.dma_semaphore, #tpu.memory_space<semaphore_mem>>)
      } else {
      }
      %mul3A_196 = arith.constant 20000 : i32
      %mul3A_197 = arith.muli %arg1, %mul3A_196 : i32
      %mul3A_198 = arith.constant 80 : i32
      %mul3A_199 = arith.muli %add3A_86, %mul3A_198 : i32
      %add3A_200 = arith.addi %mul3A_197, %mul3A_199 : i32
      %dma_wait3A_201 = arith.constant 1 : i32
      %dma_wait3A_202 = arith.constant 0 : i32
      %dma_wait3A_203 = arith.constant 0 : i32
      %dma_wait3A_204 = tpu.memref_slice %arg12[%dma_wait3A_201, %dma_wait3A_202, %dma_wait3A_203] : memref<2x80x16xf32, #tpu.memory_space<vmem>> -> memref<1x80x16xf32, #tpu.memory_space<vmem>>
      %dma_wait3A_205 = tpu.memref_squeeze %dma_wait3A_204 : memref<1x80x16xf32, #tpu.memory_space<vmem>> -> memref<80x16xf32, #tpu.memory_space<vmem>>
      %dma_wait3A_206 = arith.constant 0 : i32
      %dma_wait3A_207 = tpu.memref_slice %arg6[%add3A_200, %dma_wait3A_206] : memref<320000x16xf32, #tpu.memory_space<hbm>> -> memref<80x16xf32, #tpu.memory_space<hbm>>
      %dma_wait3A_208 = arith.constant 0 : i32
      %dma_wait3A_209 = arith.constant 0 : i32
      %dma_wait3A_210 = tpu.memref_slice %arg12[%dma_wait3A_201, %dma_wait3A_208, %dma_wait3A_209] : memref<2x80x16xf32, #tpu.memory_space<vmem>> -> memref<1x80x16xf32, #tpu.memory_space<vmem>>
      %dma_wait3A_211 = tpu.memref_squeeze %dma_wait3A_210 : memref<1x80x16xf32, #tpu.memory_space<vmem>> -> memref<80x16xf32, #tpu.memory_space<vmem>>
      %dma_wait3A_212 = arith.constant 0 : i32
      %dma_wait3A_213 = tpu.memref_slice %arg6[%add3A_200, %dma_wait3A_212] : memref<320000x16xf32, #tpu.memory_space<hbm>> -> memref<80x16xf32, #tpu.memory_space<hbm>>
      tpu.wait_dma2 semaphore(%arg17 : memref<!tpu.dma_semaphore, #tpu.memory_space<semaphore_mem>>) src(%dma_wait3A_213 : memref<80x16xf32, #tpu.memory_space<hbm>>) dst(%dma_wait3A_211 : memref<80x16xf32, #tpu.memory_space<vmem>>)
      %mul3A_214 = arith.constant 250 : i32
      %mul3A_215 = arith.muli %arg1, %mul3A_214 : i32
      %add3A_216 = arith.addi %mul3A_215, %add3A_86 : i32
      %dma_wait3A_217 = arith.constant 1 : i32
      %dma_wait3A_218 = arith.constant 0 : i32
      %dma_wait3A_219 = tpu.memref_slice %arg11[%dma_wait3A_217, %dma_wait3A_218] : memref<2x80xf32, #tpu.memory_space<vmem>> -> memref<1x80xf32, #tpu.memory_space<vmem>>
      %dma_wait3A_220 = tpu.memref_squeeze %dma_wait3A_219 : memref<1x80xf32, #tpu.memory_space<vmem>> -> memref<80xf32, #tpu.memory_space<vmem>>
      %dma_wait3A_221 = arith.constant 0 : i32
      %dma_wait3A_222 = tpu.memref_slice %arg5[%add3A_216, %dma_wait3A_221] : memref<4000x80xf32, #tpu.memory_space<hbm>> -> memref<1x80xf32, #tpu.memory_space<hbm>>
      %dma_wait3A_223 = tpu.memref_squeeze %dma_wait3A_222 : memref<1x80xf32, #tpu.memory_space<hbm>> -> memref<80xf32, #tpu.memory_space<hbm>>
      %dma_wait3A_224 = arith.constant 0 : i32
      %dma_wait3A_225 = tpu.memref_slice %arg11[%dma_wait3A_217, %dma_wait3A_224] : memref<2x80xf32, #tpu.memory_space<vmem>> -> memref<1x80xf32, #tpu.memory_space<vmem>>
      %dma_wait3A_226 = tpu.memref_squeeze %dma_wait3A_225 : memref<1x80xf32, #tpu.memory_space<vmem>> -> memref<80xf32, #tpu.memory_space<vmem>>
      %dma_wait3A_227 = arith.constant 0 : i32
      %dma_wait3A_228 = tpu.memref_slice %arg5[%add3A_216, %dma_wait3A_227] : memref<4000x80xf32, #tpu.memory_space<hbm>> -> memref<1x80xf32, #tpu.memory_space<hbm>>
      %dma_wait3A_229 = tpu.memref_squeeze %dma_wait3A_228 : memref<1x80xf32, #tpu.memory_space<hbm>> -> memref<80xf32, #tpu.memory_space<hbm>>
      tpu.wait_dma2 semaphore(%arg17 : memref<!tpu.dma_semaphore, #tpu.memory_space<semaphore_mem>>) src(%dma_wait3A_229 : memref<80xf32, #tpu.memory_space<hbm>>) dst(%dma_wait3A_226 : memref<80xf32, #tpu.memory_space<vmem>>)
      %dma_wait3A_230 = arith.constant 1 : i32
      %dma_wait3A_231 = arith.constant 0 : i32
      %dma_wait3A_232 = arith.constant 0 : i32
      %dma_wait3A_233 = tpu.memref_slice %arg13[%dma_wait3A_230, %dma_wait3A_231, %dma_wait3A_232] : memref<2x80x64xf32, #tpu.memory_space<vmem>> -> memref<1x80x64xf32, #tpu.memory_space<vmem>>
      %dma_wait3A_234 = tpu.memref_squeeze %dma_wait3A_233 : memref<1x80x64xf32, #tpu.memory_space<vmem>> -> memref<80x64xf32, #tpu.memory_space<vmem>>
      %dma_wait3A_235 = arith.constant 0 : i32
      %dma_wait3A_236 = tpu.memref_slice %arg9[%add3A_86, %dma_wait3A_235] : memref<250x80xi32, #tpu.memory_space<vmem>> -> memref<1x80xi32, #tpu.memory_space<vmem>>
      %dma_wait3A_237 = tpu.memref_squeeze %dma_wait3A_236 : memref<1x80xi32, #tpu.memory_space<vmem>> -> memref<80xi32, #tpu.memory_space<vmem>>
      %dma_wait3A_238 = arith.constant 0 : i32
      %dma_wait3A_239 = arith.constant 0 : i32
      %dma_wait3A_240 = tpu.memref_slice %arg2[%dma_wait3A_238, %dma_wait3A_239] : memref<20000x64xf32, #tpu.memory_space<hbm>> -> memref<20000x64xf32, #tpu.memory_space<hbm>>
      tpu.wait_indirect_dma semaphore(%arg17 : memref<!tpu.dma_semaphore, #tpu.memory_space<semaphore_mem>>) src(%dma_wait3A_240 : memref<20000x64xf32, #tpu.memory_space<hbm>>) dst(%dma_wait3A_234 : memref<80x64xf32, #tpu.memory_space<vmem>>)
      %gt3A_241 = arith.constant 0 : i32
      %gt3A_242 = arith.cmpi sgt, %scan3A_82, %gt3A_241 : i32
      %convert_element_type3A_243 = arith.extui %gt3A_242 : i1 to i32
      %cond3A_244 = arith.constant 0 : i32
      %cond3A_245 = arith.cmpi ne, %convert_element_type3A_243, %cond3A_244 : i32
      scf.if %cond3A_245 {
        %sub3A = arith.constant 2 : i32
        %sub3A_260 = arith.subi %add3A_86, %sub3A : i32
        %dma_wait3A_261 = arith.constant 1 : i32
        %dma_wait3A_262 = arith.constant 0 : i32
        %dma_wait3A_263 = arith.constant 0 : i32
        %dma_wait3A_264 = tpu.memref_slice %arg14[%dma_wait3A_261, %dma_wait3A_262, %dma_wait3A_263] : memref<2x80x80xf32, #tpu.memory_space<vmem>> -> memref<1x80x80xf32, #tpu.memory_space<vmem>>
        %dma_wait3A_265 = tpu.memref_squeeze %dma_wait3A_264 : memref<1x80x80xf32, #tpu.memory_space<vmem>> -> memref<80x80xf32, #tpu.memory_space<vmem>>
        %dma_wait3A_266 = arith.constant 0 : i32
        %dma_wait3A_267 = tpu.memref_slice %arg10[%sub3A_260, %dma_wait3A_266] : memref<250x80xi32, #tpu.memory_space<vmem>> -> memref<1x80xi32, #tpu.memory_space<vmem>>
        %dma_wait3A_268 = tpu.memref_squeeze %dma_wait3A_267 : memref<1x80xi32, #tpu.memory_space<vmem>> -> memref<80xi32, #tpu.memory_space<vmem>>
        %dma_wait3A_269 = arith.constant 0 : i32
        %dma_wait3A_270 = arith.constant 0 : i32
        %dma_wait3A_271 = tpu.memref_slice %arg15[%dma_wait3A_269, %dma_wait3A_270] : memref<10240x80xf32, #tpu.memory_space<vmem_shared>> -> memref<10240x80xf32, #tpu.memory_space<vmem_shared>>
        tpu.wait_indirect_dma semaphore(%arg19 : memref<!tpu.dma_semaphore, #tpu.memory_space<semaphore_mem>>) src(%dma_wait3A_265 : memref<80x80xf32, #tpu.memory_space<vmem>>) dst(%dma_wait3A_271 : memref<10240x80xf32, #tpu.memory_space<vmem_shared>>)
      } else {
      }
      %parallel_loop3A_246 = arith.constant 0 : i32
      %parallel_loop3A_247 = arith.constant 5 : i32
      %parallel_loop3A_248 = arith.constant 1 : i32
      scf.for %parallel_loop3A_260 = %parallel_loop3A_246 to %parallel_loop3A_247 step %parallel_loop3A_248  : i32 {
        %parallel_loop3A_261 = arith.constant 16 : i32
        %parallel_loop3A_262 = arith.muli %parallel_loop3A_260, %parallel_loop3A_261 : i32
        %parallel_loop3A_263 = arith.constant 1 : i32
        %parallel_loop3A_264 = arith.index_cast %parallel_loop3A_263 : i32 to index
        %parallel_loop3A_265 = arith.index_cast %parallel_loop3A_262 : i32 to index
        %parallel_loop3A_266 = tpu.vector_load %arg11[%parallel_loop3A_264, %parallel_loop3A_265] {strides = array<i32>} : memref<2x80xf32, #tpu.memory_space<vmem>>, vector<16xf32>,
        %parallel_loop3A_267 = arith.constant 16 : i32
        %parallel_loop3A_268 = arith.muli %parallel_loop3A_260, %parallel_loop3A_267 : i32
        %parallel_loop3A_269 = arith.constant 0 : i32
        %parallel_loop3A_270 = arith.addi %parallel_loop3A_268, %parallel_loop3A_269 : i32
        %parallel_loop3A_271 = arith.constant 0 : i32
        %parallel_loop3A_272 = vector.broadcast %parallel_loop3A_271 : i32 to vector<16x1xi32>
        %parallel_loop3A_273 = vector.shape_cast %parallel_loop3A_272 : vector<16x1xi32> to vector<16xi32>
        %parallel_loop3A_274 = tpu.dynamic_gather %parallel_loop3A_266[%parallel_loop3A_273] in [0] : vector<16xf32>, vector<16xi32> -> vector<16xf32>
        %parallel_loop3A_275 = arith.constant 1 : i32
        %parallel_loop3A_276 = arith.index_cast %parallel_loop3A_275 : i32 to index
        %parallel_loop3A_277 = arith.index_cast %parallel_loop3A_270 : i32 to index
        %parallel_loop3A_278 = arith.constant 0 : index
        %parallel_loop3A_279 = tpu.vector_load %arg13[%parallel_loop3A_276, %parallel_loop3A_277, %parallel_loop3A_278] {strides = array<i32>} : memref<2x80x64xf32, #tpu.memory_space<vmem>>, vector<16xf32>,
        %parallel_loop3A_280 = arith.mulf %parallel_loop3A_279, %parallel_loop3A_274 : vector<16xf32>
        %parallel_loop3A_281 = arith.constant 1 : i32
        %parallel_loop3A_282 = arith.index_cast %parallel_loop3A_281 : i32 to index
        %parallel_loop3A_283 = arith.index_cast %parallel_loop3A_270 : i32 to index
        %parallel_loop3A_284 = arith.constant 0 : index
        %parallel_loop3A_285 = tpu.vector_load %arg14[%parallel_loop3A_282, %parallel_loop3A_283, %parallel_loop3A_284] {strides = array<i32>} : memref<2x80x80xf32, #tpu.memory_space<vmem>>, vector<16xf32>,
        tpu.vector_store %arg14[%parallel_loop3A_282, %parallel_loop3A_283, %parallel_loop3A_284], %parallel_loop3A_280 {strides = array<i32>} : memref<2x80x80xf32, #tpu.memory_space<vmem>>, vector<16xf32>,
        %parallel_loop3A_286 = arith.constant 1 : i32
        %parallel_loop3A_287 = arith.index_cast %parallel_loop3A_286 : i32 to index
        %parallel_loop3A_288 = arith.index_cast %parallel_loop3A_270 : i32 to index
        %parallel_loop3A_289 = arith.constant 16 : index
        %parallel_loop3A_290 = tpu.vector_load %arg13[%parallel_loop3A_287, %parallel_loop3A_288, %parallel_loop3A_289] {strides = array<i32>} : memref<2x80x64xf32, #tpu.memory_space<vmem>>, vector<16xf32>,
        %parallel_loop3A_291 = arith.mulf %parallel_loop3A_290, %parallel_loop3A_274 : vector<16xf32>
        %parallel_loop3A_292 = arith.constant 1 : i32
        %parallel_loop3A_293 = arith.index_cast %parallel_loop3A_292 : i32 to index
        %parallel_loop3A_294 = arith.index_cast %parallel_loop3A_270 : i32 to index
        %parallel_loop3A_295 = arith.constant 16 : index
        %parallel_loop3A_296 = tpu.vector_load %arg14[%parallel_loop3A_293, %parallel_loop3A_294, %parallel_loop3A_295] {strides = array<i32>} : memref<2x80x80xf32, #tpu.memory_space<vmem>>, vector<16xf32>,
        tpu.vector_store %arg14[%parallel_loop3A_293, %parallel_loop3A_294, %parallel_loop3A_295], %parallel_loop3A_291 {strides = array<i32>} : memref<2x80x80xf32, #tpu.memory_space<vmem>>, vector<16xf32>,
        %parallel_loop3A_297 = arith.constant 1 : i32
        %parallel_loop3A_298 = arith.index_cast %parallel_loop3A_297 : i32 to index
        %parallel_loop3A_299 = arith.index_cast %parallel_loop3A_270 : i32 to index
        %parallel_loop3A_300 = arith.constant 32 : index
        %parallel_loop3A_301 = tpu.vector_load %arg13[%parallel_loop3A_298, %parallel_loop3A_299, %parallel_loop3A_300] {strides = array<i32>} : memref<2x80x64xf32, #tpu.memory_space<vmem>>, vector<16xf32>,
        %parallel_loop3A_302 = arith.mulf %parallel_loop3A_301, %parallel_loop3A_274 : vector<16xf32>
        %parallel_loop3A_303 = arith.constant 1 : i32
        %parallel_loop3A_304 = arith.index_cast %parallel_loop3A_303 : i32 to index
        %parallel_loop3A_305 = arith.index_cast %parallel_loop3A_270 : i32 to index
        %parallel_loop3A_306 = arith.constant 32 : index
        %parallel_loop3A_307 = tpu.vector_load %arg14[%parallel_loop3A_304, %parallel_loop3A_305, %parallel_loop3A_306] {strides = array<i32>} : memref<2x80x80xf32, #tpu.memory_space<vmem>>, vector<16xf32>,
        tpu.vector_store %arg14[%parallel_loop3A_304, %parallel_loop3A_305, %parallel_loop3A_306], %parallel_loop3A_302 {strides = array<i32>} : memref<2x80x80xf32, #tpu.memory_space<vmem>>, vector<16xf32>,
        %parallel_loop3A_308 = arith.constant 1 : i32
        %parallel_loop3A_309 = arith.index_cast %parallel_loop3A_308 : i32 to index
        %parallel_loop3A_310 = arith.index_cast %parallel_loop3A_270 : i32 to index
        %parallel_loop3A_311 = arith.constant 48 : index
        %parallel_loop3A_312 = tpu.vector_load %arg13[%parallel_loop3A_309, %parallel_loop3A_310, %parallel_loop3A_311] {strides = array<i32>} : memref<2x80x64xf32, #tpu.memory_space<vmem>>, vector<16xf32>,
        %parallel_loop3A_313 = arith.mulf %parallel_loop3A_312, %parallel_loop3A_274 : vector<16xf32>
        %parallel_loop3A_314 = arith.constant 1 : i32
        %parallel_loop3A_315 = arith.index_cast %parallel_loop3A_314 : i32 to index
        %parallel_loop3A_316 = arith.index_cast %parallel_loop3A_270 : i32 to index
        %parallel_loop3A_317 = arith.constant 48 : index
        %parallel_loop3A_318 = tpu.vector_load %arg14[%parallel_loop3A_315, %parallel_loop3A_316, %parallel_loop3A_317] {strides = array<i32>} : memref<2x80x80xf32, #tpu.memory_space<vmem>>, vector<16xf32>,
        tpu.vector_store %arg14[%parallel_loop3A_315, %parallel_loop3A_316, %parallel_loop3A_317], %parallel_loop3A_313 {strides = array<i32>} : memref<2x80x80xf32, #tpu.memory_space<vmem>>, vector<16xf32>,
        %parallel_loop3A_319 = arith.constant 1 : i32
        %parallel_loop3A_320 = arith.index_cast %parallel_loop3A_319 : i32 to index
        %parallel_loop3A_321 = arith.index_cast %parallel_loop3A_270 : i32 to index
        %parallel_loop3A_322 = arith.constant 0 : index
        %parallel_loop3A_323 = tpu.vector_load %arg12[%parallel_loop3A_320, %parallel_loop3A_321, %parallel_loop3A_322] {strides = array<i32>} : memref<2x80x16xf32, #tpu.memory_space<vmem>>, vector<16xf32>,
        %parallel_loop3A_324 = arith.mulf %parallel_loop3A_323, %parallel_loop3A_274 : vector<16xf32>
        %parallel_loop3A_325 = arith.constant 1 : i32
        %parallel_loop3A_326 = arith.index_cast %parallel_loop3A_325 : i32 to index
        %parallel_loop3A_327 = arith.index_cast %parallel_loop3A_270 : i32 to index
        %parallel_loop3A_328 = arith.constant 64 : index
        %parallel_loop3A_329 = tpu.vector_load %arg14[%parallel_loop3A_326, %parallel_loop3A_327, %parallel_loop3A_328] {strides = array<i32>} : memref<2x80x80xf32, #tpu.memory_space<vmem>>, vector<16xf32>,
        tpu.vector_store %arg14[%parallel_loop3A_326, %parallel_loop3A_327, %parallel_loop3A_328], %parallel_loop3A_324 {strides = array<i32>} : memref<2x80x80xf32, #tpu.memory_space<vmem>>, vector<16xf32>,
        %parallel_loop3A_330 = arith.constant 16 : i32
        %parallel_loop3A_331 = arith.muli %parallel_loop3A_260, %parallel_loop3A_330 : i32
        %parallel_loop3A_332 = arith.constant 1 : i32
        %parallel_loop3A_333 = arith.addi %parallel_loop3A_331, %parallel_loop3A_332 : i32
        %parallel_loop3A_334 = arith.constant 1 : i32
        %parallel_loop3A_335 = vector.broadcast %parallel_loop3A_334 : i32 to vector<16x1xi32>
        %parallel_loop3A_336 = vector.shape_cast %parallel_loop3A_335 : vector<16x1xi32> to vector<16xi32>
        %parallel_loop3A_337 = tpu.dynamic_gather %parallel_loop3A_266[%parallel_loop3A_336] in [0] : vector<16xf32>, vector<16xi32> -> vector<16xf32>
        %parallel_loop3A_338 = arith.constant 1 : i32
        %parallel_loop3A_339 = arith.index_cast %parallel_loop3A_338 : i32 to index
        %parallel_loop3A_340 = arith.index_cast %parallel_loop3A_333 : i32 to index
        %parallel_loop3A_341 = arith.constant 0 : index
        %parallel_loop3A_342 = tpu.vector_load %arg13[%parallel_loop3A_339, %parallel_loop3A_340, %parallel_loop3A_341] {strides = array<i32>} : memref<2x80x64xf32, #tpu.memory_space<vmem>>, vector<16xf32>,
        %parallel_loop3A_343 = arith.mulf %parallel_loop3A_342, %parallel_loop3A_337 : vector<16xf32>
        %parallel_loop3A_344 = arith.constant 1 : i32
        %parallel_loop3A_345 = arith.index_cast %parallel_loop3A_344 : i32 to index
        %parallel_loop3A_346 = arith.index_cast %parallel_loop3A_333 : i32 to index
        %parallel_loop3A_347 = arith.constant 0 : index
        %parallel_loop3A_348 = tpu.vector_load %arg14[%parallel_loop3A_345, %parallel_loop3A_346, %parallel_loop3A_347] {strides = array<i32>} : memref<2x80x80xf32, #tpu.memory_space<vmem>>, vector<16xf32>,
        tpu.vector_store %arg14[%parallel_loop3A_345, %parallel_loop3A_346, %parallel_loop3A_347], %parallel_loop3A_343 {strides = array<i32>} : memref<2x80x80xf32, #tpu.memory_space<vmem>>, vector<16xf32>,
        %parallel_loop3A_349 = arith.constant 1 : i32
        %parallel_loop3A_350 = arith.index_cast %parallel_loop3A_349 : i32 to index
        %parallel_loop3A_351 = arith.index_cast %parallel_loop3A_333 : i32 to index
        %parallel_loop3A_352 = arith.constant 16 : index
        %parallel_loop3A_353 = tpu.vector_load %arg13[%parallel_loop3A_350, %parallel_loop3A_351, %parallel_loop3A_352] {strides = array<i32>} : memref<2x80x64xf32, #tpu.memory_space<vmem>>, vector<16xf32>,
        %parallel_loop3A_354 = arith.mulf %parallel_loop3A_353, %parallel_loop3A_337 : vector<16xf32>
        %parallel_loop3A_355 = arith.constant 1 : i32
        %parallel_loop3A_356 = arith.index_cast %parallel_loop3A_355 : i32 to index
        %parallel_loop3A_357 = arith.index_cast %parallel_loop3A_333 : i32 to index
        %parallel_loop3A_358 = arith.constant 16 : index
        %parallel_loop3A_359 = tpu.vector_load %arg14[%parallel_loop3A_356, %parallel_loop3A_357, %parallel_loop3A_358] {strides = array<i32>} : memref<2x80x80xf32, #tpu.memory_space<vmem>>, vector<16xf32>,
        tpu.vector_store %arg14[%parallel_loop3A_356, %parallel_loop3A_357, %parallel_loop3A_358], %parallel_loop3A_354 {strides = array<i32>} : memref<2x80x80xf32, #tpu.memory_space<vmem>>, vector<16xf32>,
        %parallel_loop3A_360 = arith.constant 1 : i32
        %parallel_loop3A_361 = arith.index_cast %parallel_loop3A_360 : i32 to index
        %parallel_loop3A_362 = arith.index_cast %parallel_loop3A_333 : i32 to index
        %parallel_loop3A_363 = arith.constant 32 : index
        %parallel_loop3A_364 = tpu.vector_load %arg13[%parallel_loop3A_361, %parallel_loop3A_362, %parallel_loop3A_363] {strides = array<i32>} : memref<2x80x64xf32, #tpu.memory_space<vmem>>, vector<16xf32>,
        %parallel_loop3A_365 = arith.mulf %parallel_loop3A_364, %parallel_loop3A_337 : vector<16xf32>
        %parallel_loop3A_366 = arith.constant 1 : i32
        %parallel_loop3A_367 = arith.index_cast %parallel_loop3A_366 : i32 to index
        %parallel_loop3A_368 = arith.index_cast %parallel_loop3A_333 : i32 to index
        %parallel_loop3A_369 = arith.constant 32 : index
        %parallel_loop3A_370 = tpu.vector_load %arg14[%parallel_loop3A_367, %parallel_loop3A_368, %parallel_loop3A_369] {strides = array<i32>} : memref<2x80x80xf32, #tpu.memory_space<vmem>>, vector<16xf32>,
        tpu.vector_store %arg14[%parallel_loop3A_367, %parallel_loop3A_368, %parallel_loop3A_369], %parallel_loop3A_365 {strides = array<i32>} : memref<2x80x80xf32, #tpu.memory_space<vmem>>, vector<16xf32>,
        %parallel_loop3A_371 = arith.constant 1 : i32
        %parallel_loop3A_372 = arith.index_cast %parallel_loop3A_371 : i32 to index
        %parallel_loop3A_373 = arith.index_cast %parallel_loop3A_333 : i32 to index
        %parallel_loop3A_374 = arith.constant 48 : index
        %parallel_loop3A_375 = tpu.vector_load %arg13[%parallel_loop3A_372, %parallel_loop3A_373, %parallel_loop3A_374] {strides = array<i32>} : memref<2x80x64xf32, #tpu.memory_space<vmem>>, vector<16xf32>,
        %parallel_loop3A_376 = arith.mulf %parallel_loop3A_375, %parallel_loop3A_337 : vector<16xf32>
        %parallel_loop3A_377 = arith.constant 1 : i32
        %parallel_loop3A_378 = arith.index_cast %parallel_loop3A_377 : i32 to index
        %parallel_loop3A_379 = arith.index_cast %parallel_loop3A_333 : i32 to index
        %parallel_loop3A_380 = arith.constant 48 : index
        %parallel_loop3A_381 = tpu.vector_load %arg14[%parallel_loop3A_378, %parallel_loop3A_379, %parallel_loop3A_380] {strides = array<i32>} : memref<2x80x80xf32, #tpu.memory_space<vmem>>, vector<16xf32>,
        tpu.vector_store %arg14[%parallel_loop3A_378, %parallel_loop3A_379, %parallel_loop3A_380], %parallel_loop3A_376 {strides = array<i32>} : memref<2x80x80xf32, #tpu.memory_space<vmem>>, vector<16xf32>,
        %parallel_loop3A_382 = arith.constant 1 : i32
        %parallel_loop3A_383 = arith.index_cast %parallel_loop3A_382 : i32 to index
        %parallel_loop3A_384 = arith.index_cast %parallel_loop3A_333 : i32 to index
        %parallel_loop3A_385 = arith.constant 0 : index
        %parallel_loop3A_386 = tpu.vector_load %arg12[%parallel_loop3A_383, %parallel_loop3A_384, %parallel_loop3A_385] {strides = array<i32>} : memref<2x80x16xf32, #tpu.memory_space<vmem>>, vector<16xf32>,
        %parallel_loop3A_387 = arith.mulf %parallel_loop3A_386, %parallel_loop3A_337 : vector<16xf32>
        %parallel_loop3A_388 = arith.constant 1 : i32
        %parallel_loop3A_389 = arith.index_cast %parallel_loop3A_388 : i32 to index
        %parallel_loop3A_390 = arith.index_cast %parallel_loop3A_333 : i32 to index
        %parallel_loop3A_391 = arith.constant 64 : index
        %parallel_loop3A_392 = tpu.vector_load %arg14[%parallel_loop3A_389, %parallel_loop3A_390, %parallel_loop3A_391] {strides = array<i32>} : memref<2x80x80xf32, #tpu.memory_space<vmem>>, vector<16xf32>,
        tpu.vector_store %arg14[%parallel_loop3A_389, %parallel_loop3A_390, %parallel_loop3A_391], %parallel_loop3A_387 {strides = array<i32>} : memref<2x80x80xf32, #tpu.memory_space<vmem>>, vector<16xf32>,
        %parallel_loop3A_393 = arith.constant 16 : i32
        %parallel_loop3A_394 = arith.muli %parallel_loop3A_260, %parallel_loop3A_393 : i32
        %parallel_loop3A_395 = arith.constant 2 : i32
        %parallel_loop3A_396 = arith.addi %parallel_loop3A_394, %parallel_loop3A_395 : i32
        %parallel_loop3A_397 = arith.constant 2 : i32
        %parallel_loop3A_398 = vector.broadcast %parallel_loop3A_397 : i32 to vector<16x1xi32>
        %parallel_loop3A_399 = vector.shape_cast %parallel_loop3A_398 : vector<16x1xi32> to vector<16xi32>
        %parallel_loop3A_400 = tpu.dynamic_gather %parallel_loop3A_266[%parallel_loop3A_399] in [0] : vector<16xf32>, vector<16xi32> -> vector<16xf32>
        %parallel_loop3A_401 = arith.constant 1 : i32
        %parallel_loop3A_402 = arith.index_cast %parallel_loop3A_401 : i32 to index
        %parallel_loop3A_403 = arith.index_cast %parallel_loop3A_396 : i32 to index
        %parallel_loop3A_404 = arith.constant 0 : index
        %parallel_loop3A_405 = tpu.vector_load %arg13[%parallel_loop3A_402, %parallel_loop3A_403, %parallel_loop3A_404] {strides = array<i32>} : memref<2x80x64xf32, #tpu.memory_space<vmem>>, vector<16xf32>,
        %parallel_loop3A_406 = arith.mulf %parallel_loop3A_405, %parallel_loop3A_400 : vector<16xf32>
        %parallel_loop3A_407 = arith.constant 1 : i32
        %parallel_loop3A_408 = arith.index_cast %parallel_loop3A_407 : i32 to index
        %parallel_loop3A_409 = arith.index_cast %parallel_loop3A_396 : i32 to index
        %parallel_loop3A_410 = arith.constant 0 : index
        %parallel_loop3A_411 = tpu.vector_load %arg14[%parallel_loop3A_408, %parallel_loop3A_409, %parallel_loop3A_410] {strides = array<i32>} : memref<2x80x80xf32, #tpu.memory_space<vmem>>, vector<16xf32>,
        tpu.vector_store %arg14[%parallel_loop3A_408, %parallel_loop3A_409, %parallel_loop3A_410], %parallel_loop3A_406 {strides = array<i32>} : memref<2x80x80xf32, #tpu.memory_space<vmem>>, vector<16xf32>,
        %parallel_loop3A_412 = arith.constant 1 : i32
        %parallel_loop3A_413 = arith.index_cast %parallel_loop3A_412 : i32 to index
        %parallel_loop3A_414 = arith.index_cast %parallel_loop3A_396 : i32 to index
        %parallel_loop3A_415 = arith.constant 16 : index
        %parallel_loop3A_416 = tpu.vector_load %arg13[%parallel_loop3A_413, %parallel_loop3A_414, %parallel_loop3A_415] {strides = array<i32>} : memref<2x80x64xf32, #tpu.memory_space<vmem>>, vector<16xf32>,
        %parallel_loop3A_417 = arith.mulf %parallel_loop3A_416, %parallel_loop3A_400 : vector<16xf32>
        %parallel_loop3A_418 = arith.constant 1 : i32
        %parallel_loop3A_419 = arith.index_cast %parallel_loop3A_418 : i32 to index
        %parallel_loop3A_420 = arith.index_cast %parallel_loop3A_396 : i32 to index
        %parallel_loop3A_421 = arith.constant 16 : index
        %parallel_loop3A_422 = tpu.vector_load %arg14[%parallel_loop3A_419, %parallel_loop3A_420, %parallel_loop3A_421] {strides = array<i32>} : memref<2x80x80xf32, #tpu.memory_space<vmem>>, vector<16xf32>,
        tpu.vector_store %arg14[%parallel_loop3A_419, %parallel_loop3A_420, %parallel_loop3A_421], %parallel_loop3A_417 {strides = array<i32>} : memref<2x80x80xf32, #tpu.memory_space<vmem>>, vector<16xf32>,
        %parallel_loop3A_423 = arith.constant 1 : i32
        %parallel_loop3A_424 = arith.index_cast %parallel_loop3A_423 : i32 to index
        %parallel_loop3A_425 = arith.index_cast %parallel_loop3A_396 : i32 to index
        %parallel_loop3A_426 = arith.constant 32 : index
        %parallel_loop3A_427 = tpu.vector_load %arg13[%parallel_loop3A_424, %parallel_loop3A_425, %parallel_loop3A_426] {strides = array<i32>} : memref<2x80x64xf32, #tpu.memory_space<vmem>>, vector<16xf32>,
        %parallel_loop3A_428 = arith.mulf %parallel_loop3A_427, %parallel_loop3A_400 : vector<16xf32>
        %parallel_loop3A_429 = arith.constant 1 : i32
        %parallel_loop3A_430 = arith.index_cast %parallel_loop3A_429 : i32 to index
        %parallel_loop3A_431 = arith.index_cast %parallel_loop3A_396 : i32 to index
        %parallel_loop3A_432 = arith.constant 32 : index
        %parallel_loop3A_433 = tpu.vector_load %arg14[%parallel_loop3A_430, %parallel_loop3A_431, %parallel_loop3A_432] {strides = array<i32>} : memref<2x80x80xf32, #tpu.memory_space<vmem>>, vector<16xf32>,
        tpu.vector_store %arg14[%parallel_loop3A_430, %parallel_loop3A_431, %parallel_loop3A_432], %parallel_loop3A_428 {strides = array<i32>} : memref<2x80x80xf32, #tpu.memory_space<vmem>>, vector<16xf32>,
        %parallel_loop3A_434 = arith.constant 1 : i32
        %parallel_loop3A_435 = arith.index_cast %parallel_loop3A_434 : i32 to index
        %parallel_loop3A_436 = arith.index_cast %parallel_loop3A_396 : i32 to index
        %parallel_loop3A_437 = arith.constant 48 : index
        %parallel_loop3A_438 = tpu.vector_load %arg13[%parallel_loop3A_435, %parallel_loop3A_436, %parallel_loop3A_437] {strides = array<i32>} : memref<2x80x64xf32, #tpu.memory_space<vmem>>, vector<16xf32>,
        %parallel_loop3A_439 = arith.mulf %parallel_loop3A_438, %parallel_loop3A_400 : vector<16xf32>
        %parallel_loop3A_440 = arith.constant 1 : i32
        %parallel_loop3A_441 = arith.index_cast %parallel_loop3A_440 : i32 to index
        %parallel_loop3A_442 = arith.index_cast %parallel_loop3A_396 : i32 to index
        %parallel_loop3A_443 = arith.constant 48 : index
        %parallel_loop3A_444 = tpu.vector_load %arg14[%parallel_loop3A_441, %parallel_loop3A_442, %parallel_loop3A_443] {strides = array<i32>} : memref<2x80x80xf32, #tpu.memory_space<vmem>>, vector<16xf32>,
        tpu.vector_store %arg14[%parallel_loop3A_441, %parallel_loop3A_442, %parallel_loop3A_443], %parallel_loop3A_439 {strides = array<i32>} : memref<2x80x80xf32, #tpu.memory_space<vmem>>, vector<16xf32>,
        %parallel_loop3A_445 = arith.constant 1 : i32
        %parallel_loop3A_446 = arith.index_cast %parallel_loop3A_445 : i32 to index
        %parallel_loop3A_447 = arith.index_cast %parallel_loop3A_396 : i32 to index
        %parallel_loop3A_448 = arith.constant 0 : index
        %parallel_loop3A_449 = tpu.vector_load %arg12[%parallel_loop3A_446, %parallel_loop3A_447, %parallel_loop3A_448] {strides = array<i32>} : memref<2x80x16xf32, #tpu.memory_space<vmem>>, vector<16xf32>,
        %parallel_loop3A_450 = arith.mulf %parallel_loop3A_449, %parallel_loop3A_400 : vector<16xf32>
        %parallel_loop3A_451 = arith.constant 1 : i32
        %parallel_loop3A_452 = arith.index_cast %parallel_loop3A_451 : i32 to index
        %parallel_loop3A_453 = arith.index_cast %parallel_loop3A_396 : i32 to index
        %parallel_loop3A_454 = arith.constant 64 : index
        %parallel_loop3A_455 = tpu.vector_load %arg14[%parallel_loop3A_452, %parallel_loop3A_453, %parallel_loop3A_454] {strides = array<i32>} : memref<2x80x80xf32, #tpu.memory_space<vmem>>, vector<16xf32>,
        tpu.vector_store %arg14[%parallel_loop3A_452, %parallel_loop3A_453, %parallel_loop3A_454], %parallel_loop3A_450 {strides = array<i32>} : memref<2x80x80xf32, #tpu.memory_space<vmem>>, vector<16xf32>,
        %parallel_loop3A_456 = arith.constant 16 : i32
        %parallel_loop3A_457 = arith.muli %parallel_loop3A_260, %parallel_loop3A_456 : i32
        %parallel_loop3A_458 = arith.constant 3 : i32
        %parallel_loop3A_459 = arith.addi %parallel_loop3A_457, %parallel_loop3A_458 : i32
        %parallel_loop3A_460 = arith.constant 3 : i32
        %parallel_loop3A_461 = vector.broadcast %parallel_loop3A_460 : i32 to vector<16x1xi32>
        %parallel_loop3A_462 = vector.shape_cast %parallel_loop3A_461 : vector<16x1xi32> to vector<16xi32>
        %parallel_loop3A_463 = tpu.dynamic_gather %parallel_loop3A_266[%parallel_loop3A_462] in [0] : vector<16xf32>, vector<16xi32> -> vector<16xf32>
        %parallel_loop3A_464 = arith.constant 1 : i32
        %parallel_loop3A_465 = arith.index_cast %parallel_loop3A_464 : i32 to index
        %parallel_loop3A_466 = arith.index_cast %parallel_loop3A_459 : i32 to index
        %parallel_loop3A_467 = arith.constant 0 : index
        %parallel_loop3A_468 = tpu.vector_load %arg13[%parallel_loop3A_465, %parallel_loop3A_466, %parallel_loop3A_467] {strides = array<i32>} : memref<2x80x64xf32, #tpu.memory_space<vmem>>, vector<16xf32>,
        %parallel_loop3A_469 = arith.mulf %parallel_loop3A_468, %parallel_loop3A_463 : vector<16xf32>
        %parallel_loop3A_470 = arith.constant 1 : i32
        %parallel_loop3A_471 = arith.index_cast %parallel_loop3A_470 : i32 to index
        %parallel_loop3A_472 = arith.index_cast %parallel_loop3A_459 : i32 to index
        %parallel_loop3A_473 = arith.constant 0 : index
        %parallel_loop3A_474 = tpu.vector_load %arg14[%parallel_loop3A_471, %parallel_loop3A_472, %parallel_loop3A_473] {strides = array<i32>} : memref<2x80x80xf32, #tpu.memory_space<vmem>>, vector<16xf32>,
        tpu.vector_store %arg14[%parallel_loop3A_471, %parallel_loop3A_472, %parallel_loop3A_473], %parallel_loop3A_469 {strides = array<i32>} : memref<2x80x80xf32, #tpu.memory_space<vmem>>, vector<16xf32>,
        %parallel_loop3A_475 = arith.constant 1 : i32
        %parallel_loop3A_476 = arith.index_cast %parallel_loop3A_475 : i32 to index
        %parallel_loop3A_477 = arith.index_cast %parallel_loop3A_459 : i32 to index
        %parallel_loop3A_478 = arith.constant 16 : index
        %parallel_loop3A_479 = tpu.vector_load %arg13[%parallel_loop3A_476, %parallel_loop3A_477, %parallel_loop3A_478] {strides = array<i32>} : memref<2x80x64xf32, #tpu.memory_space<vmem>>, vector<16xf32>,
        %parallel_loop3A_480 = arith.mulf %parallel_loop3A_479, %parallel_loop3A_463 : vector<16xf32>
        %parallel_loop3A_481 = arith.constant 1 : i32
        %parallel_loop3A_482 = arith.index_cast %parallel_loop3A_481 : i32 to index
        %parallel_loop3A_483 = arith.index_cast %parallel_loop3A_459 : i32 to index
        %parallel_loop3A_484 = arith.constant 16 : index
        %parallel_loop3A_485 = tpu.vector_load %arg14[%parallel_loop3A_482, %parallel_loop3A_483, %parallel_loop3A_484] {strides = array<i32>} : memref<2x80x80xf32, #tpu.memory_space<vmem>>, vector<16xf32>,
        tpu.vector_store %arg14[%parallel_loop3A_482, %parallel_loop3A_483, %parallel_loop3A_484], %parallel_loop3A_480 {strides = array<i32>} : memref<2x80x80xf32, #tpu.memory_space<vmem>>, vector<16xf32>,
        %parallel_loop3A_486 = arith.constant 1 : i32
        %parallel_loop3A_487 = arith.index_cast %parallel_loop3A_486 : i32 to index
        %parallel_loop3A_488 = arith.index_cast %parallel_loop3A_459 : i32 to index
        %parallel_loop3A_489 = arith.constant 32 : index
        %parallel_loop3A_490 = tpu.vector_load %arg13[%parallel_loop3A_487, %parallel_loop3A_488, %parallel_loop3A_489] {strides = array<i32>} : memref<2x80x64xf32, #tpu.memory_space<vmem>>, vector<16xf32>,
        %parallel_loop3A_491 = arith.mulf %parallel_loop3A_490, %parallel_loop3A_463 : vector<16xf32>
        %parallel_loop3A_492 = arith.constant 1 : i32
        %parallel_loop3A_493 = arith.index_cast %parallel_loop3A_492 : i32 to index
        %parallel_loop3A_494 = arith.index_cast %parallel_loop3A_459 : i32 to index
        %parallel_loop3A_495 = arith.constant 32 : index
        %parallel_loop3A_496 = tpu.vector_load %arg14[%parallel_loop3A_493, %parallel_loop3A_494, %parallel_loop3A_495] {strides = array<i32>} : memref<2x80x80xf32, #tpu.memory_space<vmem>>, vector<16xf32>,
        tpu.vector_store %arg14[%parallel_loop3A_493, %parallel_loop3A_494, %parallel_loop3A_495], %parallel_loop3A_491 {strides = array<i32>} : memref<2x80x80xf32, #tpu.memory_space<vmem>>, vector<16xf32>,
        %parallel_loop3A_497 = arith.constant 1 : i32
        %parallel_loop3A_498 = arith.index_cast %parallel_loop3A_497 : i32 to index
        %parallel_loop3A_499 = arith.index_cast %parallel_loop3A_459 : i32 to index
        %parallel_loop3A_500 = arith.constant 48 : index
        %parallel_loop3A_501 = tpu.vector_load %arg13[%parallel_loop3A_498, %parallel_loop3A_499, %parallel_loop3A_500] {strides = array<i32>} : memref<2x80x64xf32, #tpu.memory_space<vmem>>, vector<16xf32>,
        %parallel_loop3A_502 = arith.mulf %parallel_loop3A_501, %parallel_loop3A_463 : vector<16xf32>
        %parallel_loop3A_503 = arith.constant 1 : i32
        %parallel_loop3A_504 = arith.index_cast %parallel_loop3A_503 : i32 to index
        %parallel_loop3A_505 = arith.index_cast %parallel_loop3A_459 : i32 to index
        %parallel_loop3A_506 = arith.constant 48 : index
        %parallel_loop3A_507 = tpu.vector_load %arg14[%parallel_loop3A_504, %parallel_loop3A_505, %parallel_loop3A_506] {strides = array<i32>} : memref<2x80x80xf32, #tpu.memory_space<vmem>>, vector<16xf32>,
        tpu.vector_store %arg14[%parallel_loop3A_504, %parallel_loop3A_505, %parallel_loop3A_506], %parallel_loop3A_502 {strides = array<i32>} : memref<2x80x80xf32, #tpu.memory_space<vmem>>, vector<16xf32>,
        %parallel_loop3A_508 = arith.constant 1 : i32
        %parallel_loop3A_509 = arith.index_cast %parallel_loop3A_508 : i32 to index
        %parallel_loop3A_510 = arith.index_cast %parallel_loop3A_459 : i32 to index
        %parallel_loop3A_511 = arith.constant 0 : index
        %parallel_loop3A_512 = tpu.vector_load %arg12[%parallel_loop3A_509, %parallel_loop3A_510, %parallel_loop3A_511] {strides = array<i32>} : memref<2x80x16xf32, #tpu.memory_space<vmem>>, vector<16xf32>,
        %parallel_loop3A_513 = arith.mulf %parallel_loop3A_512, %parallel_loop3A_463 : vector<16xf32>
        %parallel_loop3A_514 = arith.constant 1 : i32
        %parallel_loop3A_515 = arith.index_cast %parallel_loop3A_514 : i32 to index
        %parallel_loop3A_516 = arith.index_cast %parallel_loop3A_459 : i32 to index
        %parallel_loop3A_517 = arith.constant 64 : index
        %parallel_loop3A_518 = tpu.vector_load %arg14[%parallel_loop3A_515, %parallel_loop3A_516, %parallel_loop3A_517] {strides = array<i32>} : memref<2x80x80xf32, #tpu.memory_space<vmem>>, vector<16xf32>,
        tpu.vector_store %arg14[%parallel_loop3A_515, %parallel_loop3A_516, %parallel_loop3A_517], %parallel_loop3A_513 {strides = array<i32>} : memref<2x80x80xf32, #tpu.memory_space<vmem>>, vector<16xf32>,
        %parallel_loop3A_519 = arith.constant 16 : i32
        %parallel_loop3A_520 = arith.muli %parallel_loop3A_260, %parallel_loop3A_519 : i32
        %parallel_loop3A_521 = arith.constant 4 : i32
        %parallel_loop3A_522 = arith.addi %parallel_loop3A_520, %parallel_loop3A_521 : i32
        %parallel_loop3A_523 = arith.constant 4 : i32
        %parallel_loop3A_524 = vector.broadcast %parallel_loop3A_523 : i32 to vector<16x1xi32>
        %parallel_loop3A_525 = vector.shape_cast %parallel_loop3A_524 : vector<16x1xi32> to vector<16xi32>
        %parallel_loop3A_526 = tpu.dynamic_gather %parallel_loop3A_266[%parallel_loop3A_525] in [0] : vector<16xf32>, vector<16xi32> -> vector<16xf32>
        %parallel_loop3A_527 = arith.constant 1 : i32
        %parallel_loop3A_528 = arith.index_cast %parallel_loop3A_527 : i32 to index
        %parallel_loop3A_529 = arith.index_cast %parallel_loop3A_522 : i32 to index
        %parallel_loop3A_530 = arith.constant 0 : index
        %parallel_loop3A_531 = tpu.vector_load %arg13[%parallel_loop3A_528, %parallel_loop3A_529, %parallel_loop3A_530] {strides = array<i32>} : memref<2x80x64xf32, #tpu.memory_space<vmem>>, vector<16xf32>,
        %parallel_loop3A_532 = arith.mulf %parallel_loop3A_531, %parallel_loop3A_526 : vector<16xf32>
        %parallel_loop3A_533 = arith.constant 1 : i32
        %parallel_loop3A_534 = arith.index_cast %parallel_loop3A_533 : i32 to index
        %parallel_loop3A_535 = arith.index_cast %parallel_loop3A_522 : i32 to index
        %parallel_loop3A_536 = arith.constant 0 : index
        %parallel_loop3A_537 = tpu.vector_load %arg14[%parallel_loop3A_534, %parallel_loop3A_535, %parallel_loop3A_536] {strides = array<i32>} : memref<2x80x80xf32, #tpu.memory_space<vmem>>, vector<16xf32>,
        tpu.vector_store %arg14[%parallel_loop3A_534, %parallel_loop3A_535, %parallel_loop3A_536], %parallel_loop3A_532 {strides = array<i32>} : memref<2x80x80xf32, #tpu.memory_space<vmem>>, vector<16xf32>,
        %parallel_loop3A_538 = arith.constant 1 : i32
        %parallel_loop3A_539 = arith.index_cast %parallel_loop3A_538 : i32 to index
        %parallel_loop3A_540 = arith.index_cast %parallel_loop3A_522 : i32 to index
        %parallel_loop3A_541 = arith.constant 16 : index
        %parallel_loop3A_542 = tpu.vector_load %arg13[%parallel_loop3A_539, %parallel_loop3A_540, %parallel_loop3A_541] {strides = array<i32>} : memref<2x80x64xf32, #tpu.memory_space<vmem>>, vector<16xf32>,
        %parallel_loop3A_543 = arith.mulf %parallel_loop3A_542, %parallel_loop3A_526 : vector<16xf32>
        %parallel_loop3A_544 = arith.constant 1 : i32
        %parallel_loop3A_545 = arith.index_cast %parallel_loop3A_544 : i32 to index
        %parallel_loop3A_546 = arith.index_cast %parallel_loop3A_522 : i32 to index
        %parallel_loop3A_547 = arith.constant 16 : index
        %parallel_loop3A_548 = tpu.vector_load %arg14[%parallel_loop3A_545, %parallel_loop3A_546, %parallel_loop3A_547] {strides = array<i32>} : memref<2x80x80xf32, #tpu.memory_space<vmem>>, vector<16xf32>,
        tpu.vector_store %arg14[%parallel_loop3A_545, %parallel_loop3A_546, %parallel_loop3A_547], %parallel_loop3A_543 {strides = array<i32>} : memref<2x80x80xf32, #tpu.memory_space<vmem>>, vector<16xf32>,
        %parallel_loop3A_549 = arith.constant 1 : i32
        %parallel_loop3A_550 = arith.index_cast %parallel_loop3A_549 : i32 to index
        %parallel_loop3A_551 = arith.index_cast %parallel_loop3A_522 : i32 to index
        %parallel_loop3A_552 = arith.constant 32 : index
        %parallel_loop3A_553 = tpu.vector_load %arg13[%parallel_loop3A_550, %parallel_loop3A_551, %parallel_loop3A_552] {strides = array<i32>} : memref<2x80x64xf32, #tpu.memory_space<vmem>>, vector<16xf32>,
        %parallel_loop3A_554 = arith.mulf %parallel_loop3A_553, %parallel_loop3A_526 : vector<16xf32>
        %parallel_loop3A_555 = arith.constant 1 : i32
        %parallel_loop3A_556 = arith.index_cast %parallel_loop3A_555 : i32 to index
        %parallel_loop3A_557 = arith.index_cast %parallel_loop3A_522 : i32 to index
        %parallel_loop3A_558 = arith.constant 32 : index
        %parallel_loop3A_559 = tpu.vector_load %arg14[%parallel_loop3A_556, %parallel_loop3A_557, %parallel_loop3A_558] {strides = array<i32>} : memref<2x80x80xf32, #tpu.memory_space<vmem>>, vector<16xf32>,
        tpu.vector_store %arg14[%parallel_loop3A_556, %parallel_loop3A_557, %parallel_loop3A_558], %parallel_loop3A_554 {strides = array<i32>} : memref<2x80x80xf32, #tpu.memory_space<vmem>>, vector<16xf32>,
        %parallel_loop3A_560 = arith.constant 1 : i32
        %parallel_loop3A_561 = arith.index_cast %parallel_loop3A_560 : i32 to index
        %parallel_loop3A_562 = arith.index_cast %parallel_loop3A_522 : i32 to index
        %parallel_loop3A_563 = arith.constant 48 : index
        %parallel_loop3A_564 = tpu.vector_load %arg13[%parallel_loop3A_561, %parallel_loop3A_562, %parallel_loop3A_563] {strides = array<i32>} : memref<2x80x64xf32, #tpu.memory_space<vmem>>, vector<16xf32>,
        %parallel_loop3A_565 = arith.mulf %parallel_loop3A_564, %parallel_loop3A_526 : vector<16xf32>
        %parallel_loop3A_566 = arith.constant 1 : i32
        %parallel_loop3A_567 = arith.index_cast %parallel_loop3A_566 : i32 to index
        %parallel_loop3A_568 = arith.index_cast %parallel_loop3A_522 : i32 to index
        %parallel_loop3A_569 = arith.constant 48 : index
        %parallel_loop3A_570 = tpu.vector_load %arg14[%parallel_loop3A_567, %parallel_loop3A_568, %parallel_loop3A_569] {strides = array<i32>} : memref<2x80x80xf32, #tpu.memory_space<vmem>>, vector<16xf32>,
        tpu.vector_store %arg14[%parallel_loop3A_567, %parallel_loop3A_568, %parallel_loop3A_569], %parallel_loop3A_565 {strides = array<i32>} : memref<2x80x80xf32, #tpu.memory_space<vmem>>, vector<16xf32>,
        %parallel_loop3A_571 = arith.constant 1 : i32
        %parallel_loop3A_572 = arith.index_cast %parallel_loop3A_571 : i32 to index
        %parallel_loop3A_573 = arith.index_cast %parallel_loop3A_522 : i32 to index
        %parallel_loop3A_574 = arith.constant 0 : index
        %parallel_loop3A_575 = tpu.vector_load %arg12[%parallel_loop3A_572, %parallel_loop3A_573, %parallel_loop3A_574] {strides = array<i32>} : memref<2x80x16xf32, #tpu.memory_space<vmem>>, vector<16xf32>,
        %parallel_loop3A_576 = arith.mulf %parallel_loop3A_575, %parallel_loop3A_526 : vector<16xf32>
        %parallel_loop3A_577 = arith.constant 1 : i32
        %parallel_loop3A_578 = arith.index_cast %parallel_loop3A_577 : i32 to index
        %parallel_loop3A_579 = arith.index_cast %parallel_loop3A_522 : i32 to index
        %parallel_loop3A_580 = arith.constant 64 : index
        %parallel_loop3A_581 = tpu.vector_load %arg14[%parallel_loop3A_578, %parallel_loop3A_579, %parallel_loop3A_580] {strides = array<i32>} : memref<2x80x80xf32, #tpu.memory_space<vmem>>, vector<16xf32>,
        tpu.vector_store %arg14[%parallel_loop3A_578, %parallel_loop3A_579, %parallel_loop3A_580], %parallel_loop3A_576 {strides = array<i32>} : memref<2x80x80xf32, #tpu.memory_space<vmem>>, vector<16xf32>,
        %parallel_loop3A_582 = arith.constant 16 : i32
        %parallel_loop3A_583 = arith.muli %parallel_loop3A_260, %parallel_loop3A_582 : i32
        %parallel_loop3A_584 = arith.constant 5 : i32
        %parallel_loop3A_585 = arith.addi %parallel_loop3A_583, %parallel_loop3A_584 : i32
        %parallel_loop3A_586 = arith.constant 5 : i32
        %parallel_loop3A_587 = vector.broadcast %parallel_loop3A_586 : i32 to vector<16x1xi32>
        %parallel_loop3A_588 = vector.shape_cast %parallel_loop3A_587 : vector<16x1xi32> to vector<16xi32>
        %parallel_loop3A_589 = tpu.dynamic_gather %parallel_loop3A_266[%parallel_loop3A_588] in [0] : vector<16xf32>, vector<16xi32> -> vector<16xf32>
        %parallel_loop3A_590 = arith.constant 1 : i32
        %parallel_loop3A_591 = arith.index_cast %parallel_loop3A_590 : i32 to index
        %parallel_loop3A_592 = arith.index_cast %parallel_loop3A_585 : i32 to index
        %parallel_loop3A_593 = arith.constant 0 : index
        %parallel_loop3A_594 = tpu.vector_load %arg13[%parallel_loop3A_591, %parallel_loop3A_592, %parallel_loop3A_593] {strides = array<i32>} : memref<2x80x64xf32, #tpu.memory_space<vmem>>, vector<16xf32>,
        %parallel_loop3A_595 = arith.mulf %parallel_loop3A_594, %parallel_loop3A_589 : vector<16xf32>
        %parallel_loop3A_596 = arith.constant 1 : i32
        %parallel_loop3A_597 = arith.index_cast %parallel_loop3A_596 : i32 to index
        %parallel_loop3A_598 = arith.index_cast %parallel_loop3A_585 : i32 to index
        %parallel_loop3A_599 = arith.constant 0 : index
        %parallel_loop3A_600 = tpu.vector_load %arg14[%parallel_loop3A_597, %parallel_loop3A_598, %parallel_loop3A_599] {strides = array<i32>} : memref<2x80x80xf32, #tpu.memory_space<vmem>>, vector<16xf32>,
        tpu.vector_store %arg14[%parallel_loop3A_597, %parallel_loop3A_598, %parallel_loop3A_599], %parallel_loop3A_595 {strides = array<i32>} : memref<2x80x80xf32, #tpu.memory_space<vmem>>, vector<16xf32>,
        %parallel_loop3A_601 = arith.constant 1 : i32
        %parallel_loop3A_602 = arith.index_cast %parallel_loop3A_601 : i32 to index
        %parallel_loop3A_603 = arith.index_cast %parallel_loop3A_585 : i32 to index
        %parallel_loop3A_604 = arith.constant 16 : index
        %parallel_loop3A_605 = tpu.vector_load %arg13[%parallel_loop3A_602, %parallel_loop3A_603, %parallel_loop3A_604] {strides = array<i32>} : memref<2x80x64xf32, #tpu.memory_space<vmem>>, vector<16xf32>,
        %parallel_loop3A_606 = arith.mulf %parallel_loop3A_605, %parallel_loop3A_589 : vector<16xf32>
        %parallel_loop3A_607 = arith.constant 1 : i32
        %parallel_loop3A_608 = arith.index_cast %parallel_loop3A_607 : i32 to index
        %parallel_loop3A_609 = arith.index_cast %parallel_loop3A_585 : i32 to index
        %parallel_loop3A_610 = arith.constant 16 : index
        %parallel_loop3A_611 = tpu.vector_load %arg14[%parallel_loop3A_608, %parallel_loop3A_609, %parallel_loop3A_610] {strides = array<i32>} : memref<2x80x80xf32, #tpu.memory_space<vmem>>, vector<16xf32>,
        tpu.vector_store %arg14[%parallel_loop3A_608, %parallel_loop3A_609, %parallel_loop3A_610], %parallel_loop3A_606 {strides = array<i32>} : memref<2x80x80xf32, #tpu.memory_space<vmem>>, vector<16xf32>,
        %parallel_loop3A_612 = arith.constant 1 : i32
        %parallel_loop3A_613 = arith.index_cast %parallel_loop3A_612 : i32 to index
        %parallel_loop3A_614 = arith.index_cast %parallel_loop3A_585 : i32 to index
        %parallel_loop3A_615 = arith.constant 32 : index
        %parallel_loop3A_616 = tpu.vector_load %arg13[%parallel_loop3A_613, %parallel_loop3A_614, %parallel_loop3A_615] {strides = array<i32>} : memref<2x80x64xf32, #tpu.memory_space<vmem>>, vector<16xf32>,
        %parallel_loop3A_617 = arith.mulf %parallel_loop3A_616, %parallel_loop3A_589 : vector<16xf32>
        %parallel_loop3A_618 = arith.constant 1 : i32
        %parallel_loop3A_619 = arith.index_cast %parallel_loop3A_618 : i32 to index
        %parallel_loop3A_620 = arith.index_cast %parallel_loop3A_585 : i32 to index
        %parallel_loop3A_621 = arith.constant 32 : index
        %parallel_loop3A_622 = tpu.vector_load %arg14[%parallel_loop3A_619, %parallel_loop3A_620, %parallel_loop3A_621] {strides = array<i32>} : memref<2x80x80xf32, #tpu.memory_space<vmem>>, vector<16xf32>,
        tpu.vector_store %arg14[%parallel_loop3A_619, %parallel_loop3A_620, %parallel_loop3A_621], %parallel_loop3A_617 {strides = array<i32>} : memref<2x80x80xf32, #tpu.memory_space<vmem>>, vector<16xf32>,
        %parallel_loop3A_623 = arith.constant 1 : i32
        %parallel_loop3A_624 = arith.index_cast %parallel_loop3A_623 : i32 to index
        %parallel_loop3A_625 = arith.index_cast %parallel_loop3A_585 : i32 to index
        %parallel_loop3A_626 = arith.constant 48 : index
        %parallel_loop3A_627 = tpu.vector_load %arg13[%parallel_loop3A_624, %parallel_loop3A_625, %parallel_loop3A_626] {strides = array<i32>} : memref<2x80x64xf32, #tpu.memory_space<vmem>>, vector<16xf32>,
        %parallel_loop3A_628 = arith.mulf %parallel_loop3A_627, %parallel_loop3A_589 : vector<16xf32>
        %parallel_loop3A_629 = arith.constant 1 : i32
        %parallel_loop3A_630 = arith.index_cast %parallel_loop3A_629 : i32 to index
        %parallel_loop3A_631 = arith.index_cast %parallel_loop3A_585 : i32 to index
        %parallel_loop3A_632 = arith.constant 48 : index
        %parallel_loop3A_633 = tpu.vector_load %arg14[%parallel_loop3A_630, %parallel_loop3A_631, %parallel_loop3A_632] {strides = array<i32>} : memref<2x80x80xf32, #tpu.memory_space<vmem>>, vector<16xf32>,
        tpu.vector_store %arg14[%parallel_loop3A_630, %parallel_loop3A_631, %parallel_loop3A_632], %parallel_loop3A_628 {strides = array<i32>} : memref<2x80x80xf32, #tpu.memory_space<vmem>>, vector<16xf32>,
        %parallel_loop3A_634 = arith.constant 1 : i32
        %parallel_loop3A_635 = arith.index_cast %parallel_loop3A_634 : i32 to index
        %parallel_loop3A_636 = arith.index_cast %parallel_loop3A_585 : i32 to index
        %parallel_loop3A_637 = arith.constant 0 : index
        %parallel_loop3A_638 = tpu.vector_load %arg12[%parallel_loop3A_635, %parallel_loop3A_636, %parallel_loop3A_637] {strides = array<i32>} : memref<2x80x16xf32, #tpu.memory_space<vmem>>, vector<16xf32>,
        %parallel_loop3A_639 = arith.mulf %parallel_loop3A_638, %parallel_loop3A_589 : vector<16xf32>
        %parallel_loop3A_640 = arith.constant 1 : i32
        %parallel_loop3A_641 = arith.index_cast %parallel_loop3A_640 : i32 to index
        %parallel_loop3A_642 = arith.index_cast %parallel_loop3A_585 : i32 to index
        %parallel_loop3A_643 = arith.constant 64 : index
        %parallel_loop3A_644 = tpu.vector_load %arg14[%parallel_loop3A_641, %parallel_loop3A_642, %parallel_loop3A_643] {strides = array<i32>} : memref<2x80x80xf32, #tpu.memory_space<vmem>>, vector<16xf32>,
        tpu.vector_store %arg14[%parallel_loop3A_641, %parallel_loop3A_642, %parallel_loop3A_643], %parallel_loop3A_639 {strides = array<i32>} : memref<2x80x80xf32, #tpu.memory_space<vmem>>, vector<16xf32>,
        %parallel_loop3A_645 = arith.constant 16 : i32
        %parallel_loop3A_646 = arith.muli %parallel_loop3A_260, %parallel_loop3A_645 : i32
        %parallel_loop3A_647 = arith.constant 6 : i32
        %parallel_loop3A_648 = arith.addi %parallel_loop3A_646, %parallel_loop3A_647 : i32
        %parallel_loop3A_649 = arith.constant 6 : i32
        %parallel_loop3A_650 = vector.broadcast %parallel_loop3A_649 : i32 to vector<16x1xi32>
        %parallel_loop3A_651 = vector.shape_cast %parallel_loop3A_650 : vector<16x1xi32> to vector<16xi32>
        %parallel_loop3A_652 = tpu.dynamic_gather %parallel_loop3A_266[%parallel_loop3A_651] in [0] : vector<16xf32>, vector<16xi32> -> vector<16xf32>
        %parallel_loop3A_653 = arith.constant 1 : i32
        %parallel_loop3A_654 = arith.index_cast %parallel_loop3A_653 : i32 to index
        %parallel_loop3A_655 = arith.index_cast %parallel_loop3A_648 : i32 to index
        %parallel_loop3A_656 = arith.constant 0 : index
        %parallel_loop3A_657 = tpu.vector_load %arg13[%parallel_loop3A_654, %parallel_loop3A_655, %parallel_loop3A_656] {strides = array<i32>} : memref<2x80x64xf32, #tpu.memory_space<vmem>>, vector<16xf32>,
        %parallel_loop3A_658 = arith.mulf %parallel_loop3A_657, %parallel_loop3A_652 : vector<16xf32>
        %parallel_loop3A_659 = arith.constant 1 : i32
        %parallel_loop3A_660 = arith.index_cast %parallel_loop3A_659 : i32 to index
        %parallel_loop3A_661 = arith.index_cast %parallel_loop3A_648 : i32 to index
        %parallel_loop3A_662 = arith.constant 0 : index
        %parallel_loop3A_663 = tpu.vector_load %arg14[%parallel_loop3A_660, %parallel_loop3A_661, %parallel_loop3A_662] {strides = array<i32>} : memref<2x80x80xf32, #tpu.memory_space<vmem>>, vector<16xf32>,
        tpu.vector_store %arg14[%parallel_loop3A_660, %parallel_loop3A_661, %parallel_loop3A_662], %parallel_loop3A_658 {strides = array<i32>} : memref<2x80x80xf32, #tpu.memory_space<vmem>>, vector<16xf32>,
        %parallel_loop3A_664 = arith.constant 1 : i32
        %parallel_loop3A_665 = arith.index_cast %parallel_loop3A_664 : i32 to index
        %parallel_loop3A_666 = arith.index_cast %parallel_loop3A_648 : i32 to index
        %parallel_loop3A_667 = arith.constant 16 : index
        %parallel_loop3A_668 = tpu.vector_load %arg13[%parallel_loop3A_665, %parallel_loop3A_666, %parallel_loop3A_667] {strides = array<i32>} : memref<2x80x64xf32, #tpu.memory_space<vmem>>, vector<16xf32>,
        %parallel_loop3A_669 = arith.mulf %parallel_loop3A_668, %parallel_loop3A_652 : vector<16xf32>
        %parallel_loop3A_670 = arith.constant 1 : i32
        %parallel_loop3A_671 = arith.index_cast %parallel_loop3A_670 : i32 to index
        %parallel_loop3A_672 = arith.index_cast %parallel_loop3A_648 : i32 to index
        %parallel_loop3A_673 = arith.constant 16 : index
        %parallel_loop3A_674 = tpu.vector_load %arg14[%parallel_loop3A_671, %parallel_loop3A_672, %parallel_loop3A_673] {strides = array<i32>} : memref<2x80x80xf32, #tpu.memory_space<vmem>>, vector<16xf32>,
        tpu.vector_store %arg14[%parallel_loop3A_671, %parallel_loop3A_672, %parallel_loop3A_673], %parallel_loop3A_669 {strides = array<i32>} : memref<2x80x80xf32, #tpu.memory_space<vmem>>, vector<16xf32>,
        %parallel_loop3A_675 = arith.constant 1 : i32
        %parallel_loop3A_676 = arith.index_cast %parallel_loop3A_675 : i32 to index
        %parallel_loop3A_677 = arith.index_cast %parallel_loop3A_648 : i32 to index
        %parallel_loop3A_678 = arith.constant 32 : index
        %parallel_loop3A_679 = tpu.vector_load %arg13[%parallel_loop3A_676, %parallel_loop3A_677, %parallel_loop3A_678] {strides = array<i32>} : memref<2x80x64xf32, #tpu.memory_space<vmem>>, vector<16xf32>,
        %parallel_loop3A_680 = arith.mulf %parallel_loop3A_679, %parallel_loop3A_652 : vector<16xf32>
        %parallel_loop3A_681 = arith.constant 1 : i32
        %parallel_loop3A_682 = arith.index_cast %parallel_loop3A_681 : i32 to index
        %parallel_loop3A_683 = arith.index_cast %parallel_loop3A_648 : i32 to index
        %parallel_loop3A_684 = arith.constant 32 : index
        %parallel_loop3A_685 = tpu.vector_load %arg14[%parallel_loop3A_682, %parallel_loop3A_683, %parallel_loop3A_684] {strides = array<i32>} : memref<2x80x80xf32, #tpu.memory_space<vmem>>, vector<16xf32>,
        tpu.vector_store %arg14[%parallel_loop3A_682, %parallel_loop3A_683, %parallel_loop3A_684], %parallel_loop3A_680 {strides = array<i32>} : memref<2x80x80xf32, #tpu.memory_space<vmem>>, vector<16xf32>,
        %parallel_loop3A_686 = arith.constant 1 : i32
        %parallel_loop3A_687 = arith.index_cast %parallel_loop3A_686 : i32 to index
        %parallel_loop3A_688 = arith.index_cast %parallel_loop3A_648 : i32 to index
        %parallel_loop3A_689 = arith.constant 48 : index
        %parallel_loop3A_690 = tpu.vector_load %arg13[%parallel_loop3A_687, %parallel_loop3A_688, %parallel_loop3A_689] {strides = array<i32>} : memref<2x80x64xf32, #tpu.memory_space<vmem>>, vector<16xf32>,
        %parallel_loop3A_691 = arith.mulf %parallel_loop3A_690, %parallel_loop3A_652 : vector<16xf32>
        %parallel_loop3A_692 = arith.constant 1 : i32
        %parallel_loop3A_693 = arith.index_cast %parallel_loop3A_692 : i32 to index
        %parallel_loop3A_694 = arith.index_cast %parallel_loop3A_648 : i32 to index
        %parallel_loop3A_695 = arith.constant 48 : index
        %parallel_loop3A_696 = tpu.vector_load %arg14[%parallel_loop3A_693, %parallel_loop3A_694, %parallel_loop3A_695] {strides = array<i32>} : memref<2x80x80xf32, #tpu.memory_space<vmem>>, vector<16xf32>,
        tpu.vector_store %arg14[%parallel_loop3A_693, %parallel_loop3A_694, %parallel_loop3A_695], %parallel_loop3A_691 {strides = array<i32>} : memref<2x80x80xf32, #tpu.memory_space<vmem>>, vector<16xf32>,
        %parallel_loop3A_697 = arith.constant 1 : i32
        %parallel_loop3A_698 = arith.index_cast %parallel_loop3A_697 : i32 to index
        %parallel_loop3A_699 = arith.index_cast %parallel_loop3A_648 : i32 to index
        %parallel_loop3A_700 = arith.constant 0 : index
        %parallel_loop3A_701 = tpu.vector_load %arg12[%parallel_loop3A_698, %parallel_loop3A_699, %parallel_loop3A_700] {strides = array<i32>} : memref<2x80x16xf32, #tpu.memory_space<vmem>>, vector<16xf32>,
        %parallel_loop3A_702 = arith.mulf %parallel_loop3A_701, %parallel_loop3A_652 : vector<16xf32>
        %parallel_loop3A_703 = arith.constant 1 : i32
        %parallel_loop3A_704 = arith.index_cast %parallel_loop3A_703 : i32 to index
        %parallel_loop3A_705 = arith.index_cast %parallel_loop3A_648 : i32 to index
        %parallel_loop3A_706 = arith.constant 64 : index
        %parallel_loop3A_707 = tpu.vector_load %arg14[%parallel_loop3A_704, %parallel_loop3A_705, %parallel_loop3A_706] {strides = array<i32>} : memref<2x80x80xf32, #tpu.memory_space<vmem>>, vector<16xf32>,
        tpu.vector_store %arg14[%parallel_loop3A_704, %parallel_loop3A_705, %parallel_loop3A_706], %parallel_loop3A_702 {strides = array<i32>} : memref<2x80x80xf32, #tpu.memory_space<vmem>>, vector<16xf32>,
        %parallel_loop3A_708 = arith.constant 16 : i32
        %parallel_loop3A_709 = arith.muli %parallel_loop3A_260, %parallel_loop3A_708 : i32
        %parallel_loop3A_710 = arith.constant 7 : i32
        %parallel_loop3A_711 = arith.addi %parallel_loop3A_709, %parallel_loop3A_710 : i32
        %parallel_loop3A_712 = arith.constant 7 : i32
        %parallel_loop3A_713 = vector.broadcast %parallel_loop3A_712 : i32 to vector<16x1xi32>
        %parallel_loop3A_714 = vector.shape_cast %parallel_loop3A_713 : vector<16x1xi32> to vector<16xi32>
        %parallel_loop3A_715 = tpu.dynamic_gather %parallel_loop3A_266[%parallel_loop3A_714] in [0] : vector<16xf32>, vector<16xi32> -> vector<16xf32>
        %parallel_loop3A_716 = arith.constant 1 : i32
        %parallel_loop3A_717 = arith.index_cast %parallel_loop3A_716 : i32 to index
        %parallel_loop3A_718 = arith.index_cast %parallel_loop3A_711 : i32 to index
        %parallel_loop3A_719 = arith.constant 0 : index
        %parallel_loop3A_720 = tpu.vector_load %arg13[%parallel_loop3A_717, %parallel_loop3A_718, %parallel_loop3A_719] {strides = array<i32>} : memref<2x80x64xf32, #tpu.memory_space<vmem>>, vector<16xf32>,
        %parallel_loop3A_721 = arith.mulf %parallel_loop3A_720, %parallel_loop3A_715 : vector<16xf32>
        %parallel_loop3A_722 = arith.constant 1 : i32
        %parallel_loop3A_723 = arith.index_cast %parallel_loop3A_722 : i32 to index
        %parallel_loop3A_724 = arith.index_cast %parallel_loop3A_711 : i32 to index
        %parallel_loop3A_725 = arith.constant 0 : index
        %parallel_loop3A_726 = tpu.vector_load %arg14[%parallel_loop3A_723, %parallel_loop3A_724, %parallel_loop3A_725] {strides = array<i32>} : memref<2x80x80xf32, #tpu.memory_space<vmem>>, vector<16xf32>,
        tpu.vector_store %arg14[%parallel_loop3A_723, %parallel_loop3A_724, %parallel_loop3A_725], %parallel_loop3A_721 {strides = array<i32>} : memref<2x80x80xf32, #tpu.memory_space<vmem>>, vector<16xf32>,
        %parallel_loop3A_727 = arith.constant 1 : i32
        %parallel_loop3A_728 = arith.index_cast %parallel_loop3A_727 : i32 to index
        %parallel_loop3A_729 = arith.index_cast %parallel_loop3A_711 : i32 to index
        %parallel_loop3A_730 = arith.constant 16 : index
        %parallel_loop3A_731 = tpu.vector_load %arg13[%parallel_loop3A_728, %parallel_loop3A_729, %parallel_loop3A_730] {strides = array<i32>} : memref<2x80x64xf32, #tpu.memory_space<vmem>>, vector<16xf32>,
        %parallel_loop3A_732 = arith.mulf %parallel_loop3A_731, %parallel_loop3A_715 : vector<16xf32>
        %parallel_loop3A_733 = arith.constant 1 : i32
        %parallel_loop3A_734 = arith.index_cast %parallel_loop3A_733 : i32 to index
        %parallel_loop3A_735 = arith.index_cast %parallel_loop3A_711 : i32 to index
        %parallel_loop3A_736 = arith.constant 16 : index
        %parallel_loop3A_737 = tpu.vector_load %arg14[%parallel_loop3A_734, %parallel_loop3A_735, %parallel_loop3A_736] {strides = array<i32>} : memref<2x80x80xf32, #tpu.memory_space<vmem>>, vector<16xf32>,
        tpu.vector_store %arg14[%parallel_loop3A_734, %parallel_loop3A_735, %parallel_loop3A_736], %parallel_loop3A_732 {strides = array<i32>} : memref<2x80x80xf32, #tpu.memory_space<vmem>>, vector<16xf32>,
        %parallel_loop3A_738 = arith.constant 1 : i32
        %parallel_loop3A_739 = arith.index_cast %parallel_loop3A_738 : i32 to index
        %parallel_loop3A_740 = arith.index_cast %parallel_loop3A_711 : i32 to index
        %parallel_loop3A_741 = arith.constant 32 : index
        %parallel_loop3A_742 = tpu.vector_load %arg13[%parallel_loop3A_739, %parallel_loop3A_740, %parallel_loop3A_741] {strides = array<i32>} : memref<2x80x64xf32, #tpu.memory_space<vmem>>, vector<16xf32>,
        %parallel_loop3A_743 = arith.mulf %parallel_loop3A_742, %parallel_loop3A_715 : vector<16xf32>
        %parallel_loop3A_744 = arith.constant 1 : i32
        %parallel_loop3A_745 = arith.index_cast %parallel_loop3A_744 : i32 to index
        %parallel_loop3A_746 = arith.index_cast %parallel_loop3A_711 : i32 to index
        %parallel_loop3A_747 = arith.constant 32 : index
        %parallel_loop3A_748 = tpu.vector_load %arg14[%parallel_loop3A_745, %parallel_loop3A_746, %parallel_loop3A_747] {strides = array<i32>} : memref<2x80x80xf32, #tpu.memory_space<vmem>>, vector<16xf32>,
        tpu.vector_store %arg14[%parallel_loop3A_745, %parallel_loop3A_746, %parallel_loop3A_747], %parallel_loop3A_743 {strides = array<i32>} : memref<2x80x80xf32, #tpu.memory_space<vmem>>, vector<16xf32>,
        %parallel_loop3A_749 = arith.constant 1 : i32
        %parallel_loop3A_750 = arith.index_cast %parallel_loop3A_749 : i32 to index
        %parallel_loop3A_751 = arith.index_cast %parallel_loop3A_711 : i32 to index
        %parallel_loop3A_752 = arith.constant 48 : index
        %parallel_loop3A_753 = tpu.vector_load %arg13[%parallel_loop3A_750, %parallel_loop3A_751, %parallel_loop3A_752] {strides = array<i32>} : memref<2x80x64xf32, #tpu.memory_space<vmem>>, vector<16xf32>,
        %parallel_loop3A_754 = arith.mulf %parallel_loop3A_753, %parallel_loop3A_715 : vector<16xf32>
        %parallel_loop3A_755 = arith.constant 1 : i32
        %parallel_loop3A_756 = arith.index_cast %parallel_loop3A_755 : i32 to index
        %parallel_loop3A_757 = arith.index_cast %parallel_loop3A_711 : i32 to index
        %parallel_loop3A_758 = arith.constant 48 : index
        %parallel_loop3A_759 = tpu.vector_load %arg14[%parallel_loop3A_756, %parallel_loop3A_757, %parallel_loop3A_758] {strides = array<i32>} : memref<2x80x80xf32, #tpu.memory_space<vmem>>, vector<16xf32>,
        tpu.vector_store %arg14[%parallel_loop3A_756, %parallel_loop3A_757, %parallel_loop3A_758], %parallel_loop3A_754 {strides = array<i32>} : memref<2x80x80xf32, #tpu.memory_space<vmem>>, vector<16xf32>,
        %parallel_loop3A_760 = arith.constant 1 : i32
        %parallel_loop3A_761 = arith.index_cast %parallel_loop3A_760 : i32 to index
        %parallel_loop3A_762 = arith.index_cast %parallel_loop3A_711 : i32 to index
        %parallel_loop3A_763 = arith.constant 0 : index
        %parallel_loop3A_764 = tpu.vector_load %arg12[%parallel_loop3A_761, %parallel_loop3A_762, %parallel_loop3A_763] {strides = array<i32>} : memref<2x80x16xf32, #tpu.memory_space<vmem>>, vector<16xf32>,
        %parallel_loop3A_765 = arith.mulf %parallel_loop3A_764, %parallel_loop3A_715 : vector<16xf32>
        %parallel_loop3A_766 = arith.constant 1 : i32
        %parallel_loop3A_767 = arith.index_cast %parallel_loop3A_766 : i32 to index
        %parallel_loop3A_768 = arith.index_cast %parallel_loop3A_711 : i32 to index
        %parallel_loop3A_769 = arith.constant 64 : index
        %parallel_loop3A_770 = tpu.vector_load %arg14[%parallel_loop3A_767, %parallel_loop3A_768, %parallel_loop3A_769] {strides = array<i32>} : memref<2x80x80xf32, #tpu.memory_space<vmem>>, vector<16xf32>,
        tpu.vector_store %arg14[%parallel_loop3A_767, %parallel_loop3A_768, %parallel_loop3A_769], %parallel_loop3A_765 {strides = array<i32>} : memref<2x80x80xf32, #tpu.memory_space<vmem>>, vector<16xf32>,
        %parallel_loop3A_771 = arith.constant 16 : i32
        %parallel_loop3A_772 = arith.muli %parallel_loop3A_260, %parallel_loop3A_771 : i32
        %parallel_loop3A_773 = arith.constant 8 : i32
        %parallel_loop3A_774 = arith.addi %parallel_loop3A_772, %parallel_loop3A_773 : i32
        %parallel_loop3A_775 = arith.constant 8 : i32
        %parallel_loop3A_776 = vector.broadcast %parallel_loop3A_775 : i32 to vector<16x1xi32>
        %parallel_loop3A_777 = vector.shape_cast %parallel_loop3A_776 : vector<16x1xi32> to vector<16xi32>
        %parallel_loop3A_778 = tpu.dynamic_gather %parallel_loop3A_266[%parallel_loop3A_777] in [0] : vector<16xf32>, vector<16xi32> -> vector<16xf32>
        %parallel_loop3A_779 = arith.constant 1 : i32
        %parallel_loop3A_780 = arith.index_cast %parallel_loop3A_779 : i32 to index
        %parallel_loop3A_781 = arith.index_cast %parallel_loop3A_774 : i32 to index
        %parallel_loop3A_782 = arith.constant 0 : index
        %parallel_loop3A_783 = tpu.vector_load %arg13[%parallel_loop3A_780, %parallel_loop3A_781, %parallel_loop3A_782] {strides = array<i32>} : memref<2x80x64xf32, #tpu.memory_space<vmem>>, vector<16xf32>,
        %parallel_loop3A_784 = arith.mulf %parallel_loop3A_783, %parallel_loop3A_778 : vector<16xf32>
        %parallel_loop3A_785 = arith.constant 1 : i32
        %parallel_loop3A_786 = arith.index_cast %parallel_loop3A_785 : i32 to index
        %parallel_loop3A_787 = arith.index_cast %parallel_loop3A_774 : i32 to index
        %parallel_loop3A_788 = arith.constant 0 : index
        %parallel_loop3A_789 = tpu.vector_load %arg14[%parallel_loop3A_786, %parallel_loop3A_787, %parallel_loop3A_788] {strides = array<i32>} : memref<2x80x80xf32, #tpu.memory_space<vmem>>, vector<16xf32>,
        tpu.vector_store %arg14[%parallel_loop3A_786, %parallel_loop3A_787, %parallel_loop3A_788], %parallel_loop3A_784 {strides = array<i32>} : memref<2x80x80xf32, #tpu.memory_space<vmem>>, vector<16xf32>,
        %parallel_loop3A_790 = arith.constant 1 : i32
        %parallel_loop3A_791 = arith.index_cast %parallel_loop3A_790 : i32 to index
        %parallel_loop3A_792 = arith.index_cast %parallel_loop3A_774 : i32 to index
        %parallel_loop3A_793 = arith.constant 16 : index
        %parallel_loop3A_794 = tpu.vector_load %arg13[%parallel_loop3A_791, %parallel_loop3A_792, %parallel_loop3A_793] {strides = array<i32>} : memref<2x80x64xf32, #tpu.memory_space<vmem>>, vector<16xf32>,
        %parallel_loop3A_795 = arith.mulf %parallel_loop3A_794, %parallel_loop3A_778 : vector<16xf32>
        %parallel_loop3A_796 = arith.constant 1 : i32
        %parallel_loop3A_797 = arith.index_cast %parallel_loop3A_796 : i32 to index
        %parallel_loop3A_798 = arith.index_cast %parallel_loop3A_774 : i32 to index
        %parallel_loop3A_799 = arith.constant 16 : index
        %parallel_loop3A_800 = tpu.vector_load %arg14[%parallel_loop3A_797, %parallel_loop3A_798, %parallel_loop3A_799] {strides = array<i32>} : memref<2x80x80xf32, #tpu.memory_space<vmem>>, vector<16xf32>,
        tpu.vector_store %arg14[%parallel_loop3A_797, %parallel_loop3A_798, %parallel_loop3A_799], %parallel_loop3A_795 {strides = array<i32>} : memref<2x80x80xf32, #tpu.memory_space<vmem>>, vector<16xf32>,
        %parallel_loop3A_801 = arith.constant 1 : i32
        %parallel_loop3A_802 = arith.index_cast %parallel_loop3A_801 : i32 to index
        %parallel_loop3A_803 = arith.index_cast %parallel_loop3A_774 : i32 to index
        %parallel_loop3A_804 = arith.constant 32 : index
        %parallel_loop3A_805 = tpu.vector_load %arg13[%parallel_loop3A_802, %parallel_loop3A_803, %parallel_loop3A_804] {strides = array<i32>} : memref<2x80x64xf32, #tpu.memory_space<vmem>>, vector<16xf32>,
        %parallel_loop3A_806 = arith.mulf %parallel_loop3A_805, %parallel_loop3A_778 : vector<16xf32>
        %parallel_loop3A_807 = arith.constant 1 : i32
        %parallel_loop3A_808 = arith.index_cast %parallel_loop3A_807 : i32 to index
        %parallel_loop3A_809 = arith.index_cast %parallel_loop3A_774 : i32 to index
        %parallel_loop3A_810 = arith.constant 32 : index
        %parallel_loop3A_811 = tpu.vector_load %arg14[%parallel_loop3A_808, %parallel_loop3A_809, %parallel_loop3A_810] {strides = array<i32>} : memref<2x80x80xf32, #tpu.memory_space<vmem>>, vector<16xf32>,
        tpu.vector_store %arg14[%parallel_loop3A_808, %parallel_loop3A_809, %parallel_loop3A_810], %parallel_loop3A_806 {strides = array<i32>} : memref<2x80x80xf32, #tpu.memory_space<vmem>>, vector<16xf32>,
        %parallel_loop3A_812 = arith.constant 1 : i32
        %parallel_loop3A_813 = arith.index_cast %parallel_loop3A_812 : i32 to index
        %parallel_loop3A_814 = arith.index_cast %parallel_loop3A_774 : i32 to index
        %parallel_loop3A_815 = arith.constant 48 : index
        %parallel_loop3A_816 = tpu.vector_load %arg13[%parallel_loop3A_813, %parallel_loop3A_814, %parallel_loop3A_815] {strides = array<i32>} : memref<2x80x64xf32, #tpu.memory_space<vmem>>, vector<16xf32>,
        %parallel_loop3A_817 = arith.mulf %parallel_loop3A_816, %parallel_loop3A_778 : vector<16xf32>
        %parallel_loop3A_818 = arith.constant 1 : i32
        %parallel_loop3A_819 = arith.index_cast %parallel_loop3A_818 : i32 to index
        %parallel_loop3A_820 = arith.index_cast %parallel_loop3A_774 : i32 to index
        %parallel_loop3A_821 = arith.constant 48 : index
        %parallel_loop3A_822 = tpu.vector_load %arg14[%parallel_loop3A_819, %parallel_loop3A_820, %parallel_loop3A_821] {strides = array<i32>} : memref<2x80x80xf32, #tpu.memory_space<vmem>>, vector<16xf32>,
        tpu.vector_store %arg14[%parallel_loop3A_819, %parallel_loop3A_820, %parallel_loop3A_821], %parallel_loop3A_817 {strides = array<i32>} : memref<2x80x80xf32, #tpu.memory_space<vmem>>, vector<16xf32>,
        %parallel_loop3A_823 = arith.constant 1 : i32
        %parallel_loop3A_824 = arith.index_cast %parallel_loop3A_823 : i32 to index
        %parallel_loop3A_825 = arith.index_cast %parallel_loop3A_774 : i32 to index
        %parallel_loop3A_826 = arith.constant 0 : index
        %parallel_loop3A_827 = tpu.vector_load %arg12[%parallel_loop3A_824, %parallel_loop3A_825, %parallel_loop3A_826] {strides = array<i32>} : memref<2x80x16xf32, #tpu.memory_space<vmem>>, vector<16xf32>,
        %parallel_loop3A_828 = arith.mulf %parallel_loop3A_827, %parallel_loop3A_778 : vector<16xf32>
        %parallel_loop3A_829 = arith.constant 1 : i32
        %parallel_loop3A_830 = arith.index_cast %parallel_loop3A_829 : i32 to index
        %parallel_loop3A_831 = arith.index_cast %parallel_loop3A_774 : i32 to index
        %parallel_loop3A_832 = arith.constant 64 : index
        %parallel_loop3A_833 = tpu.vector_load %arg14[%parallel_loop3A_830, %parallel_loop3A_831, %parallel_loop3A_832] {strides = array<i32>} : memref<2x80x80xf32, #tpu.memory_space<vmem>>, vector<16xf32>,
        tpu.vector_store %arg14[%parallel_loop3A_830, %parallel_loop3A_831, %parallel_loop3A_832], %parallel_loop3A_828 {strides = array<i32>} : memref<2x80x80xf32, #tpu.memory_space<vmem>>, vector<16xf32>,
        %parallel_loop3A_834 = arith.constant 16 : i32
        %parallel_loop3A_835 = arith.muli %parallel_loop3A_260, %parallel_loop3A_834 : i32
        %parallel_loop3A_836 = arith.constant 9 : i32
        %parallel_loop3A_837 = arith.addi %parallel_loop3A_835, %parallel_loop3A_836 : i32
        %parallel_loop3A_838 = arith.constant 9 : i32
        %parallel_loop3A_839 = vector.broadcast %parallel_loop3A_838 : i32 to vector<16x1xi32>
        %parallel_loop3A_840 = vector.shape_cast %parallel_loop3A_839 : vector<16x1xi32> to vector<16xi32>
        %parallel_loop3A_841 = tpu.dynamic_gather %parallel_loop3A_266[%parallel_loop3A_840] in [0] : vector<16xf32>, vector<16xi32> -> vector<16xf32>
        %parallel_loop3A_842 = arith.constant 1 : i32
        %parallel_loop3A_843 = arith.index_cast %parallel_loop3A_842 : i32 to index
        %parallel_loop3A_844 = arith.index_cast %parallel_loop3A_837 : i32 to index
        %parallel_loop3A_845 = arith.constant 0 : index
        %parallel_loop3A_846 = tpu.vector_load %arg13[%parallel_loop3A_843, %parallel_loop3A_844, %parallel_loop3A_845] {strides = array<i32>} : memref<2x80x64xf32, #tpu.memory_space<vmem>>, vector<16xf32>,
        %parallel_loop3A_847 = arith.mulf %parallel_loop3A_846, %parallel_loop3A_841 : vector<16xf32>
        %parallel_loop3A_848 = arith.constant 1 : i32
        %parallel_loop3A_849 = arith.index_cast %parallel_loop3A_848 : i32 to index
        %parallel_loop3A_850 = arith.index_cast %parallel_loop3A_837 : i32 to index
        %parallel_loop3A_851 = arith.constant 0 : index
        %parallel_loop3A_852 = tpu.vector_load %arg14[%parallel_loop3A_849, %parallel_loop3A_850, %parallel_loop3A_851] {strides = array<i32>} : memref<2x80x80xf32, #tpu.memory_space<vmem>>, vector<16xf32>,
        tpu.vector_store %arg14[%parallel_loop3A_849, %parallel_loop3A_850, %parallel_loop3A_851], %parallel_loop3A_847 {strides = array<i32>} : memref<2x80x80xf32, #tpu.memory_space<vmem>>, vector<16xf32>,
        %parallel_loop3A_853 = arith.constant 1 : i32
        %parallel_loop3A_854 = arith.index_cast %parallel_loop3A_853 : i32 to index
        %parallel_loop3A_855 = arith.index_cast %parallel_loop3A_837 : i32 to index
        %parallel_loop3A_856 = arith.constant 16 : index
        %parallel_loop3A_857 = tpu.vector_load %arg13[%parallel_loop3A_854, %parallel_loop3A_855, %parallel_loop3A_856] {strides = array<i32>} : memref<2x80x64xf32, #tpu.memory_space<vmem>>, vector<16xf32>,
        %parallel_loop3A_858 = arith.mulf %parallel_loop3A_857, %parallel_loop3A_841 : vector<16xf32>
        %parallel_loop3A_859 = arith.constant 1 : i32
        %parallel_loop3A_860 = arith.index_cast %parallel_loop3A_859 : i32 to index
        %parallel_loop3A_861 = arith.index_cast %parallel_loop3A_837 : i32 to index
        %parallel_loop3A_862 = arith.constant 16 : index
        %parallel_loop3A_863 = tpu.vector_load %arg14[%parallel_loop3A_860, %parallel_loop3A_861, %parallel_loop3A_862] {strides = array<i32>} : memref<2x80x80xf32, #tpu.memory_space<vmem>>, vector<16xf32>,
        tpu.vector_store %arg14[%parallel_loop3A_860, %parallel_loop3A_861, %parallel_loop3A_862], %parallel_loop3A_858 {strides = array<i32>} : memref<2x80x80xf32, #tpu.memory_space<vmem>>, vector<16xf32>,
        %parallel_loop3A_864 = arith.constant 1 : i32
        %parallel_loop3A_865 = arith.index_cast %parallel_loop3A_864 : i32 to index
        %parallel_loop3A_866 = arith.index_cast %parallel_loop3A_837 : i32 to index
        %parallel_loop3A_867 = arith.constant 32 : index
        %parallel_loop3A_868 = tpu.vector_load %arg13[%parallel_loop3A_865, %parallel_loop3A_866, %parallel_loop3A_867] {strides = array<i32>} : memref<2x80x64xf32, #tpu.memory_space<vmem>>, vector<16xf32>,
        %parallel_loop3A_869 = arith.mulf %parallel_loop3A_868, %parallel_loop3A_841 : vector<16xf32>
        %parallel_loop3A_870 = arith.constant 1 : i32
        %parallel_loop3A_871 = arith.index_cast %parallel_loop3A_870 : i32 to index
        %parallel_loop3A_872 = arith.index_cast %parallel_loop3A_837 : i32 to index
        %parallel_loop3A_873 = arith.constant 32 : index
        %parallel_loop3A_874 = tpu.vector_load %arg14[%parallel_loop3A_871, %parallel_loop3A_872, %parallel_loop3A_873] {strides = array<i32>} : memref<2x80x80xf32, #tpu.memory_space<vmem>>, vector<16xf32>,
        tpu.vector_store %arg14[%parallel_loop3A_871, %parallel_loop3A_872, %parallel_loop3A_873], %parallel_loop3A_869 {strides = array<i32>} : memref<2x80x80xf32, #tpu.memory_space<vmem>>, vector<16xf32>,
        %parallel_loop3A_875 = arith.constant 1 : i32
        %parallel_loop3A_876 = arith.index_cast %parallel_loop3A_875 : i32 to index
        %parallel_loop3A_877 = arith.index_cast %parallel_loop3A_837 : i32 to index
        %parallel_loop3A_878 = arith.constant 48 : index
        %parallel_loop3A_879 = tpu.vector_load %arg13[%parallel_loop3A_876, %parallel_loop3A_877, %parallel_loop3A_878] {strides = array<i32>} : memref<2x80x64xf32, #tpu.memory_space<vmem>>, vector<16xf32>,
        %parallel_loop3A_880 = arith.mulf %parallel_loop3A_879, %parallel_loop3A_841 : vector<16xf32>
        %parallel_loop3A_881 = arith.constant 1 : i32
        %parallel_loop3A_882 = arith.index_cast %parallel_loop3A_881 : i32 to index
        %parallel_loop3A_883 = arith.index_cast %parallel_loop3A_837 : i32 to index
        %parallel_loop3A_884 = arith.constant 48 : index
        %parallel_loop3A_885 = tpu.vector_load %arg14[%parallel_loop3A_882, %parallel_loop3A_883, %parallel_loop3A_884] {strides = array<i32>} : memref<2x80x80xf32, #tpu.memory_space<vmem>>, vector<16xf32>,
        tpu.vector_store %arg14[%parallel_loop3A_882, %parallel_loop3A_883, %parallel_loop3A_884], %parallel_loop3A_880 {strides = array<i32>} : memref<2x80x80xf32, #tpu.memory_space<vmem>>, vector<16xf32>,
        %parallel_loop3A_886 = arith.constant 1 : i32
        %parallel_loop3A_887 = arith.index_cast %parallel_loop3A_886 : i32 to index
        %parallel_loop3A_888 = arith.index_cast %parallel_loop3A_837 : i32 to index
        %parallel_loop3A_889 = arith.constant 0 : index
        %parallel_loop3A_890 = tpu.vector_load %arg12[%parallel_loop3A_887, %parallel_loop3A_888, %parallel_loop3A_889] {strides = array<i32>} : memref<2x80x16xf32, #tpu.memory_space<vmem>>, vector<16xf32>,
        %parallel_loop3A_891 = arith.mulf %parallel_loop3A_890, %parallel_loop3A_841 : vector<16xf32>
        %parallel_loop3A_892 = arith.constant 1 : i32
        %parallel_loop3A_893 = arith.index_cast %parallel_loop3A_892 : i32 to index
        %parallel_loop3A_894 = arith.index_cast %parallel_loop3A_837 : i32 to index
        %parallel_loop3A_895 = arith.constant 64 : index
        %parallel_loop3A_896 = tpu.vector_load %arg14[%parallel_loop3A_893, %parallel_loop3A_894, %parallel_loop3A_895] {strides = array<i32>} : memref<2x80x80xf32, #tpu.memory_space<vmem>>, vector<16xf32>,
        tpu.vector_store %arg14[%parallel_loop3A_893, %parallel_loop3A_894, %parallel_loop3A_895], %parallel_loop3A_891 {strides = array<i32>} : memref<2x80x80xf32, #tpu.memory_space<vmem>>, vector<16xf32>,
        %parallel_loop3A_897 = arith.constant 16 : i32
        %parallel_loop3A_898 = arith.muli %parallel_loop3A_260, %parallel_loop3A_897 : i32
        %parallel_loop3A_899 = arith.constant 10 : i32
        %parallel_loop3A_900 = arith.addi %parallel_loop3A_898, %parallel_loop3A_899 : i32
        %parallel_loop3A_901 = arith.constant 10 : i32
        %parallel_loop3A_902 = vector.broadcast %parallel_loop3A_901 : i32 to vector<16x1xi32>
        %parallel_loop3A_903 = vector.shape_cast %parallel_loop3A_902 : vector<16x1xi32> to vector<16xi32>
        %parallel_loop3A_904 = tpu.dynamic_gather %parallel_loop3A_266[%parallel_loop3A_903] in [0] : vector<16xf32>, vector<16xi32> -> vector<16xf32>
        %parallel_loop3A_905 = arith.constant 1 : i32
        %parallel_loop3A_906 = arith.index_cast %parallel_loop3A_905 : i32 to index
        %parallel_loop3A_907 = arith.index_cast %parallel_loop3A_900 : i32 to index
        %parallel_loop3A_908 = arith.constant 0 : index
        %parallel_loop3A_909 = tpu.vector_load %arg13[%parallel_loop3A_906, %parallel_loop3A_907, %parallel_loop3A_908] {strides = array<i32>} : memref<2x80x64xf32, #tpu.memory_space<vmem>>, vector<16xf32>,
        %parallel_loop3A_910 = arith.mulf %parallel_loop3A_909, %parallel_loop3A_904 : vector<16xf32>
        %parallel_loop3A_911 = arith.constant 1 : i32
        %parallel_loop3A_912 = arith.index_cast %parallel_loop3A_911 : i32 to index
        %parallel_loop3A_913 = arith.index_cast %parallel_loop3A_900 : i32 to index
        %parallel_loop3A_914 = arith.constant 0 : index
        %parallel_loop3A_915 = tpu.vector_load %arg14[%parallel_loop3A_912, %parallel_loop3A_913, %parallel_loop3A_914] {strides = array<i32>} : memref<2x80x80xf32, #tpu.memory_space<vmem>>, vector<16xf32>,
        tpu.vector_store %arg14[%parallel_loop3A_912, %parallel_loop3A_913, %parallel_loop3A_914], %parallel_loop3A_910 {strides = array<i32>} : memref<2x80x80xf32, #tpu.memory_space<vmem>>, vector<16xf32>,
        %parallel_loop3A_916 = arith.constant 1 : i32
        %parallel_loop3A_917 = arith.index_cast %parallel_loop3A_916 : i32 to index
        %parallel_loop3A_918 = arith.index_cast %parallel_loop3A_900 : i32 to index
        %parallel_loop3A_919 = arith.constant 16 : index
        %parallel_loop3A_920 = tpu.vector_load %arg13[%parallel_loop3A_917, %parallel_loop3A_918, %parallel_loop3A_919] {strides = array<i32>} : memref<2x80x64xf32, #tpu.memory_space<vmem>>, vector<16xf32>,
        %parallel_loop3A_921 = arith.mulf %parallel_loop3A_920, %parallel_loop3A_904 : vector<16xf32>
        %parallel_loop3A_922 = arith.constant 1 : i32
        %parallel_loop3A_923 = arith.index_cast %parallel_loop3A_922 : i32 to index
        %parallel_loop3A_924 = arith.index_cast %parallel_loop3A_900 : i32 to index
        %parallel_loop3A_925 = arith.constant 16 : index
        %parallel_loop3A_926 = tpu.vector_load %arg14[%parallel_loop3A_923, %parallel_loop3A_924, %parallel_loop3A_925] {strides = array<i32>} : memref<2x80x80xf32, #tpu.memory_space<vmem>>, vector<16xf32>,
        tpu.vector_store %arg14[%parallel_loop3A_923, %parallel_loop3A_924, %parallel_loop3A_925], %parallel_loop3A_921 {strides = array<i32>} : memref<2x80x80xf32, #tpu.memory_space<vmem>>, vector<16xf32>,
        %parallel_loop3A_927 = arith.constant 1 : i32
        %parallel_loop3A_928 = arith.index_cast %parallel_loop3A_927 : i32 to index
        %parallel_loop3A_929 = arith.index_cast %parallel_loop3A_900 : i32 to index
        %parallel_loop3A_930 = arith.constant 32 : index
        %parallel_loop3A_931 = tpu.vector_load %arg13[%parallel_loop3A_928, %parallel_loop3A_929, %parallel_loop3A_930] {strides = array<i32>} : memref<2x80x64xf32, #tpu.memory_space<vmem>>, vector<16xf32>,
        %parallel_loop3A_932 = arith.mulf %parallel_loop3A_931, %parallel_loop3A_904 : vector<16xf32>
        %parallel_loop3A_933 = arith.constant 1 : i32
        %parallel_loop3A_934 = arith.index_cast %parallel_loop3A_933 : i32 to index
        %parallel_loop3A_935 = arith.index_cast %parallel_loop3A_900 : i32 to index
        %parallel_loop3A_936 = arith.constant 32 : index
        %parallel_loop3A_937 = tpu.vector_load %arg14[%parallel_loop3A_934, %parallel_loop3A_935, %parallel_loop3A_936] {strides = array<i32>} : memref<2x80x80xf32, #tpu.memory_space<vmem>>, vector<16xf32>,
        tpu.vector_store %arg14[%parallel_loop3A_934, %parallel_loop3A_935, %parallel_loop3A_936], %parallel_loop3A_932 {strides = array<i32>} : memref<2x80x80xf32, #tpu.memory_space<vmem>>, vector<16xf32>,
        %parallel_loop3A_938 = arith.constant 1 : i32
        %parallel_loop3A_939 = arith.index_cast %parallel_loop3A_938 : i32 to index
        %parallel_loop3A_940 = arith.index_cast %parallel_loop3A_900 : i32 to index
        %parallel_loop3A_941 = arith.constant 48 : index
        %parallel_loop3A_942 = tpu.vector_load %arg13[%parallel_loop3A_939, %parallel_loop3A_940, %parallel_loop3A_941] {strides = array<i32>} : memref<2x80x64xf32, #tpu.memory_space<vmem>>, vector<16xf32>,
        %parallel_loop3A_943 = arith.mulf %parallel_loop3A_942, %parallel_loop3A_904 : vector<16xf32>
        %parallel_loop3A_944 = arith.constant 1 : i32
        %parallel_loop3A_945 = arith.index_cast %parallel_loop3A_944 : i32 to index
        %parallel_loop3A_946 = arith.index_cast %parallel_loop3A_900 : i32 to index
        %parallel_loop3A_947 = arith.constant 48 : index
        %parallel_loop3A_948 = tpu.vector_load %arg14[%parallel_loop3A_945, %parallel_loop3A_946, %parallel_loop3A_947] {strides = array<i32>} : memref<2x80x80xf32, #tpu.memory_space<vmem>>, vector<16xf32>,
        tpu.vector_store %arg14[%parallel_loop3A_945, %parallel_loop3A_946, %parallel_loop3A_947], %parallel_loop3A_943 {strides = array<i32>} : memref<2x80x80xf32, #tpu.memory_space<vmem>>, vector<16xf32>,
        %parallel_loop3A_949 = arith.constant 1 : i32
        %parallel_loop3A_950 = arith.index_cast %parallel_loop3A_949 : i32 to index
        %parallel_loop3A_951 = arith.index_cast %parallel_loop3A_900 : i32 to index
        %parallel_loop3A_952 = arith.constant 0 : index
        %parallel_loop3A_953 = tpu.vector_load %arg12[%parallel_loop3A_950, %parallel_loop3A_951, %parallel_loop3A_952] {strides = array<i32>} : memref<2x80x16xf32, #tpu.memory_space<vmem>>, vector<16xf32>,
        %parallel_loop3A_954 = arith.mulf %parallel_loop3A_953, %parallel_loop3A_904 : vector<16xf32>
        %parallel_loop3A_955 = arith.constant 1 : i32
        %parallel_loop3A_956 = arith.index_cast %parallel_loop3A_955 : i32 to index
        %parallel_loop3A_957 = arith.index_cast %parallel_loop3A_900 : i32 to index
        %parallel_loop3A_958 = arith.constant 64 : index
        %parallel_loop3A_959 = tpu.vector_load %arg14[%parallel_loop3A_956, %parallel_loop3A_957, %parallel_loop3A_958] {strides = array<i32>} : memref<2x80x80xf32, #tpu.memory_space<vmem>>, vector<16xf32>,
        tpu.vector_store %arg14[%parallel_loop3A_956, %parallel_loop3A_957, %parallel_loop3A_958], %parallel_loop3A_954 {strides = array<i32>} : memref<2x80x80xf32, #tpu.memory_space<vmem>>, vector<16xf32>,
        %parallel_loop3A_960 = arith.constant 16 : i32
        %parallel_loop3A_961 = arith.muli %parallel_loop3A_260, %parallel_loop3A_960 : i32
        %parallel_loop3A_962 = arith.constant 11 : i32
        %parallel_loop3A_963 = arith.addi %parallel_loop3A_961, %parallel_loop3A_962 : i32
        %parallel_loop3A_964 = arith.constant 11 : i32
        %parallel_loop3A_965 = vector.broadcast %parallel_loop3A_964 : i32 to vector<16x1xi32>
        %parallel_loop3A_966 = vector.shape_cast %parallel_loop3A_965 : vector<16x1xi32> to vector<16xi32>
        %parallel_loop3A_967 = tpu.dynamic_gather %parallel_loop3A_266[%parallel_loop3A_966] in [0] : vector<16xf32>, vector<16xi32> -> vector<16xf32>
        %parallel_loop3A_968 = arith.constant 1 : i32
        %parallel_loop3A_969 = arith.index_cast %parallel_loop3A_968 : i32 to index
        %parallel_loop3A_970 = arith.index_cast %parallel_loop3A_963 : i32 to index
        %parallel_loop3A_971 = arith.constant 0 : index
        %parallel_loop3A_972 = tpu.vector_load %arg13[%parallel_loop3A_969, %parallel_loop3A_970, %parallel_loop3A_971] {strides = array<i32>} : memref<2x80x64xf32, #tpu.memory_space<vmem>>, vector<16xf32>,
        %parallel_loop3A_973 = arith.mulf %parallel_loop3A_972, %parallel_loop3A_967 : vector<16xf32>
        %parallel_loop3A_974 = arith.constant 1 : i32
        %parallel_loop3A_975 = arith.index_cast %parallel_loop3A_974 : i32 to index
        %parallel_loop3A_976 = arith.index_cast %parallel_loop3A_963 : i32 to index
        %parallel_loop3A_977 = arith.constant 0 : index
        %parallel_loop3A_978 = tpu.vector_load %arg14[%parallel_loop3A_975, %parallel_loop3A_976, %parallel_loop3A_977] {strides = array<i32>} : memref<2x80x80xf32, #tpu.memory_space<vmem>>, vector<16xf32>,
        tpu.vector_store %arg14[%parallel_loop3A_975, %parallel_loop3A_976, %parallel_loop3A_977], %parallel_loop3A_973 {strides = array<i32>} : memref<2x80x80xf32, #tpu.memory_space<vmem>>, vector<16xf32>,
        %parallel_loop3A_979 = arith.constant 1 : i32
        %parallel_loop3A_980 = arith.index_cast %parallel_loop3A_979 : i32 to index
        %parallel_loop3A_981 = arith.index_cast %parallel_loop3A_963 : i32 to index
        %parallel_loop3A_982 = arith.constant 16 : index
        %parallel_loop3A_983 = tpu.vector_load %arg13[%parallel_loop3A_980, %parallel_loop3A_981, %parallel_loop3A_982] {strides = array<i32>} : memref<2x80x64xf32, #tpu.memory_space<vmem>>, vector<16xf32>,
        %parallel_loop3A_984 = arith.mulf %parallel_loop3A_983, %parallel_loop3A_967 : vector<16xf32>
        %parallel_loop3A_985 = arith.constant 1 : i32
        %parallel_loop3A_986 = arith.index_cast %parallel_loop3A_985 : i32 to index
        %parallel_loop3A_987 = arith.index_cast %parallel_loop3A_963 : i32 to index
        %parallel_loop3A_988 = arith.constant 16 : index
        %parallel_loop3A_989 = tpu.vector_load %arg14[%parallel_loop3A_986, %parallel_loop3A_987, %parallel_loop3A_988] {strides = array<i32>} : memref<2x80x80xf32, #tpu.memory_space<vmem>>, vector<16xf32>,
        tpu.vector_store %arg14[%parallel_loop3A_986, %parallel_loop3A_987, %parallel_loop3A_988], %parallel_loop3A_984 {strides = array<i32>} : memref<2x80x80xf32, #tpu.memory_space<vmem>>, vector<16xf32>,
        %parallel_loop3A_990 = arith.constant 1 : i32
        %parallel_loop3A_991 = arith.index_cast %parallel_loop3A_990 : i32 to index
        %parallel_loop3A_992 = arith.index_cast %parallel_loop3A_963 : i32 to index
        %parallel_loop3A_993 = arith.constant 32 : index
        %parallel_loop3A_994 = tpu.vector_load %arg13[%parallel_loop3A_991, %parallel_loop3A_992, %parallel_loop3A_993] {strides = array<i32>} : memref<2x80x64xf32, #tpu.memory_space<vmem>>, vector<16xf32>,
        %parallel_loop3A_995 = arith.mulf %parallel_loop3A_994, %parallel_loop3A_967 : vector<16xf32>
        %parallel_loop3A_996 = arith.constant 1 : i32
        %parallel_loop3A_997 = arith.index_cast %parallel_loop3A_996 : i32 to index
        %parallel_loop3A_998 = arith.index_cast %parallel_loop3A_963 : i32 to index
        %parallel_loop3A_999 = arith.constant 32 : index
        %parallel_loop3A_1000 = tpu.vector_load %arg14[%parallel_loop3A_997, %parallel_loop3A_998, %parallel_loop3A_999] {strides = array<i32>} : memref<2x80x80xf32, #tpu.memory_space<vmem>>, vector<16xf32>,
        tpu.vector_store %arg14[%parallel_loop3A_997, %parallel_loop3A_998, %parallel_loop3A_999], %parallel_loop3A_995 {strides = array<i32>} : memref<2x80x80xf32, #tpu.memory_space<vmem>>, vector<16xf32>,
        %parallel_loop3A_1001 = arith.constant 1 : i32
        %parallel_loop3A_1002 = arith.index_cast %parallel_loop3A_1001 : i32 to index
        %parallel_loop3A_1003 = arith.index_cast %parallel_loop3A_963 : i32 to index
        %parallel_loop3A_1004 = arith.constant 48 : index
        %parallel_loop3A_1005 = tpu.vector_load %arg13[%parallel_loop3A_1002, %parallel_loop3A_1003, %parallel_loop3A_1004] {strides = array<i32>} : memref<2x80x64xf32, #tpu.memory_space<vmem>>, vector<16xf32>,
        %parallel_loop3A_1006 = arith.mulf %parallel_loop3A_1005, %parallel_loop3A_967 : vector<16xf32>
        %parallel_loop3A_1007 = arith.constant 1 : i32
        %parallel_loop3A_1008 = arith.index_cast %parallel_loop3A_1007 : i32 to index
        %parallel_loop3A_1009 = arith.index_cast %parallel_loop3A_963 : i32 to index
        %parallel_loop3A_1010 = arith.constant 48 : index
        %parallel_loop3A_1011 = tpu.vector_load %arg14[%parallel_loop3A_1008, %parallel_loop3A_1009, %parallel_loop3A_1010] {strides = array<i32>} : memref<2x80x80xf32, #tpu.memory_space<vmem>>, vector<16xf32>,
        tpu.vector_store %arg14[%parallel_loop3A_1008, %parallel_loop3A_1009, %parallel_loop3A_1010], %parallel_loop3A_1006 {strides = array<i32>} : memref<2x80x80xf32, #tpu.memory_space<vmem>>, vector<16xf32>,
        %parallel_loop3A_1012 = arith.constant 1 : i32
        %parallel_loop3A_1013 = arith.index_cast %parallel_loop3A_1012 : i32 to index
        %parallel_loop3A_1014 = arith.index_cast %parallel_loop3A_963 : i32 to index
        %parallel_loop3A_1015 = arith.constant 0 : index
        %parallel_loop3A_1016 = tpu.vector_load %arg12[%parallel_loop3A_1013, %parallel_loop3A_1014, %parallel_loop3A_1015] {strides = array<i32>} : memref<2x80x16xf32, #tpu.memory_space<vmem>>, vector<16xf32>,
        %parallel_loop3A_1017 = arith.mulf %parallel_loop3A_1016, %parallel_loop3A_967 : vector<16xf32>
        %parallel_loop3A_1018 = arith.constant 1 : i32
        %parallel_loop3A_1019 = arith.index_cast %parallel_loop3A_1018 : i32 to index
        %parallel_loop3A_1020 = arith.index_cast %parallel_loop3A_963 : i32 to index
        %parallel_loop3A_1021 = arith.constant 64 : index
        %parallel_loop3A_1022 = tpu.vector_load %arg14[%parallel_loop3A_1019, %parallel_loop3A_1020, %parallel_loop3A_1021] {strides = array<i32>} : memref<2x80x80xf32, #tpu.memory_space<vmem>>, vector<16xf32>,
        tpu.vector_store %arg14[%parallel_loop3A_1019, %parallel_loop3A_1020, %parallel_loop3A_1021], %parallel_loop3A_1017 {strides = array<i32>} : memref<2x80x80xf32, #tpu.memory_space<vmem>>, vector<16xf32>,
        %parallel_loop3A_1023 = arith.constant 16 : i32
        %parallel_loop3A_1024 = arith.muli %parallel_loop3A_260, %parallel_loop3A_1023 : i32
        %parallel_loop3A_1025 = arith.constant 12 : i32
        %parallel_loop3A_1026 = arith.addi %parallel_loop3A_1024, %parallel_loop3A_1025 : i32
        %parallel_loop3A_1027 = arith.constant 12 : i32
        %parallel_loop3A_1028 = vector.broadcast %parallel_loop3A_1027 : i32 to vector<16x1xi32>
        %parallel_loop3A_1029 = vector.shape_cast %parallel_loop3A_1028 : vector<16x1xi32> to vector<16xi32>
        %parallel_loop3A_1030 = tpu.dynamic_gather %parallel_loop3A_266[%parallel_loop3A_1029] in [0] : vector<16xf32>, vector<16xi32> -> vector<16xf32>
        %parallel_loop3A_1031 = arith.constant 1 : i32
        %parallel_loop3A_1032 = arith.index_cast %parallel_loop3A_1031 : i32 to index
        %parallel_loop3A_1033 = arith.index_cast %parallel_loop3A_1026 : i32 to index
        %parallel_loop3A_1034 = arith.constant 0 : index
        %parallel_loop3A_1035 = tpu.vector_load %arg13[%parallel_loop3A_1032, %parallel_loop3A_1033, %parallel_loop3A_1034] {strides = array<i32>} : memref<2x80x64xf32, #tpu.memory_space<vmem>>, vector<16xf32>,
        %parallel_loop3A_1036 = arith.mulf %parallel_loop3A_1035, %parallel_loop3A_1030 : vector<16xf32>
        %parallel_loop3A_1037 = arith.constant 1 : i32
        %parallel_loop3A_1038 = arith.index_cast %parallel_loop3A_1037 : i32 to index
        %parallel_loop3A_1039 = arith.index_cast %parallel_loop3A_1026 : i32 to index
        %parallel_loop3A_1040 = arith.constant 0 : index
        %parallel_loop3A_1041 = tpu.vector_load %arg14[%parallel_loop3A_1038, %parallel_loop3A_1039, %parallel_loop3A_1040] {strides = array<i32>} : memref<2x80x80xf32, #tpu.memory_space<vmem>>, vector<16xf32>,
        tpu.vector_store %arg14[%parallel_loop3A_1038, %parallel_loop3A_1039, %parallel_loop3A_1040], %parallel_loop3A_1036 {strides = array<i32>} : memref<2x80x80xf32, #tpu.memory_space<vmem>>, vector<16xf32>,
        %parallel_loop3A_1042 = arith.constant 1 : i32
        %parallel_loop3A_1043 = arith.index_cast %parallel_loop3A_1042 : i32 to index
        %parallel_loop3A_1044 = arith.index_cast %parallel_loop3A_1026 : i32 to index
        %parallel_loop3A_1045 = arith.constant 16 : index
        %parallel_loop3A_1046 = tpu.vector_load %arg13[%parallel_loop3A_1043, %parallel_loop3A_1044, %parallel_loop3A_1045] {strides = array<i32>} : memref<2x80x64xf32, #tpu.memory_space<vmem>>, vector<16xf32>,
        %parallel_loop3A_1047 = arith.mulf %parallel_loop3A_1046, %parallel_loop3A_1030 : vector<16xf32>
        %parallel_loop3A_1048 = arith.constant 1 : i32
        %parallel_loop3A_1049 = arith.index_cast %parallel_loop3A_1048 : i32 to index
        %parallel_loop3A_1050 = arith.index_cast %parallel_loop3A_1026 : i32 to index
        %parallel_loop3A_1051 = arith.constant 16 : index
        %parallel_loop3A_1052 = tpu.vector_load %arg14[%parallel_loop3A_1049, %parallel_loop3A_1050, %parallel_loop3A_1051] {strides = array<i32>} : memref<2x80x80xf32, #tpu.memory_space<vmem>>, vector<16xf32>,
        tpu.vector_store %arg14[%parallel_loop3A_1049, %parallel_loop3A_1050, %parallel_loop3A_1051], %parallel_loop3A_1047 {strides = array<i32>} : memref<2x80x80xf32, #tpu.memory_space<vmem>>, vector<16xf32>,
        %parallel_loop3A_1053 = arith.constant 1 : i32
        %parallel_loop3A_1054 = arith.index_cast %parallel_loop3A_1053 : i32 to index
        %parallel_loop3A_1055 = arith.index_cast %parallel_loop3A_1026 : i32 to index
        %parallel_loop3A_1056 = arith.constant 32 : index
        %parallel_loop3A_1057 = tpu.vector_load %arg13[%parallel_loop3A_1054, %parallel_loop3A_1055, %parallel_loop3A_1056] {strides = array<i32>} : memref<2x80x64xf32, #tpu.memory_space<vmem>>, vector<16xf32>,
        %parallel_loop3A_1058 = arith.mulf %parallel_loop3A_1057, %parallel_loop3A_1030 : vector<16xf32>
        %parallel_loop3A_1059 = arith.constant 1 : i32
        %parallel_loop3A_1060 = arith.index_cast %parallel_loop3A_1059 : i32 to index
        %parallel_loop3A_1061 = arith.index_cast %parallel_loop3A_1026 : i32 to index
        %parallel_loop3A_1062 = arith.constant 32 : index
        %parallel_loop3A_1063 = tpu.vector_load %arg14[%parallel_loop3A_1060, %parallel_loop3A_1061, %parallel_loop3A_1062] {strides = array<i32>} : memref<2x80x80xf32, #tpu.memory_space<vmem>>, vector<16xf32>,
        tpu.vector_store %arg14[%parallel_loop3A_1060, %parallel_loop3A_1061, %parallel_loop3A_1062], %parallel_loop3A_1058 {strides = array<i32>} : memref<2x80x80xf32, #tpu.memory_space<vmem>>, vector<16xf32>,
        %parallel_loop3A_1064 = arith.constant 1 : i32
        %parallel_loop3A_1065 = arith.index_cast %parallel_loop3A_1064 : i32 to index
        %parallel_loop3A_1066 = arith.index_cast %parallel_loop3A_1026 : i32 to index
        %parallel_loop3A_1067 = arith.constant 48 : index
        %parallel_loop3A_1068 = tpu.vector_load %arg13[%parallel_loop3A_1065, %parallel_loop3A_1066, %parallel_loop3A_1067] {strides = array<i32>} : memref<2x80x64xf32, #tpu.memory_space<vmem>>, vector<16xf32>,
        %parallel_loop3A_1069 = arith.mulf %parallel_loop3A_1068, %parallel_loop3A_1030 : vector<16xf32>
        %parallel_loop3A_1070 = arith.constant 1 : i32
        %parallel_loop3A_1071 = arith.index_cast %parallel_loop3A_1070 : i32 to index
        %parallel_loop3A_1072 = arith.index_cast %parallel_loop3A_1026 : i32 to index
        %parallel_loop3A_1073 = arith.constant 48 : index
        %parallel_loop3A_1074 = tpu.vector_load %arg14[%parallel_loop3A_1071, %parallel_loop3A_1072, %parallel_loop3A_1073] {strides = array<i32>} : memref<2x80x80xf32, #tpu.memory_space<vmem>>, vector<16xf32>,
        tpu.vector_store %arg14[%parallel_loop3A_1071, %parallel_loop3A_1072, %parallel_loop3A_1073], %parallel_loop3A_1069 {strides = array<i32>} : memref<2x80x80xf32, #tpu.memory_space<vmem>>, vector<16xf32>,
        %parallel_loop3A_1075 = arith.constant 1 : i32
        %parallel_loop3A_1076 = arith.index_cast %parallel_loop3A_1075 : i32 to index
        %parallel_loop3A_1077 = arith.index_cast %parallel_loop3A_1026 : i32 to index
        %parallel_loop3A_1078 = arith.constant 0 : index
        %parallel_loop3A_1079 = tpu.vector_load %arg12[%parallel_loop3A_1076, %parallel_loop3A_1077, %parallel_loop3A_1078] {strides = array<i32>} : memref<2x80x16xf32, #tpu.memory_space<vmem>>, vector<16xf32>,
        %parallel_loop3A_1080 = arith.mulf %parallel_loop3A_1079, %parallel_loop3A_1030 : vector<16xf32>
        %parallel_loop3A_1081 = arith.constant 1 : i32
        %parallel_loop3A_1082 = arith.index_cast %parallel_loop3A_1081 : i32 to index
        %parallel_loop3A_1083 = arith.index_cast %parallel_loop3A_1026 : i32 to index
        %parallel_loop3A_1084 = arith.constant 64 : index
        %parallel_loop3A_1085 = tpu.vector_load %arg14[%parallel_loop3A_1082, %parallel_loop3A_1083, %parallel_loop3A_1084] {strides = array<i32>} : memref<2x80x80xf32, #tpu.memory_space<vmem>>, vector<16xf32>,
        tpu.vector_store %arg14[%parallel_loop3A_1082, %parallel_loop3A_1083, %parallel_loop3A_1084], %parallel_loop3A_1080 {strides = array<i32>} : memref<2x80x80xf32, #tpu.memory_space<vmem>>, vector<16xf32>,
        %parallel_loop3A_1086 = arith.constant 16 : i32
        %parallel_loop3A_1087 = arith.muli %parallel_loop3A_260, %parallel_loop3A_1086 : i32
        %parallel_loop3A_1088 = arith.constant 13 : i32
        %parallel_loop3A_1089 = arith.addi %parallel_loop3A_1087, %parallel_loop3A_1088 : i32
        %parallel_loop3A_1090 = arith.constant 13 : i32
        %parallel_loop3A_1091 = vector.broadcast %parallel_loop3A_1090 : i32 to vector<16x1xi32>
        %parallel_loop3A_1092 = vector.shape_cast %parallel_loop3A_1091 : vector<16x1xi32> to vector<16xi32>
        %parallel_loop3A_1093 = tpu.dynamic_gather %parallel_loop3A_266[%parallel_loop3A_1092] in [0] : vector<16xf32>, vector<16xi32> -> vector<16xf32>
        %parallel_loop3A_1094 = arith.constant 1 : i32
        %parallel_loop3A_1095 = arith.index_cast %parallel_loop3A_1094 : i32 to index
        %parallel_loop3A_1096 = arith.index_cast %parallel_loop3A_1089 : i32 to index
        %parallel_loop3A_1097 = arith.constant 0 : index
        %parallel_loop3A_1098 = tpu.vector_load %arg13[%parallel_loop3A_1095, %parallel_loop3A_1096, %parallel_loop3A_1097] {strides = array<i32>} : memref<2x80x64xf32, #tpu.memory_space<vmem>>, vector<16xf32>,
        %parallel_loop3A_1099 = arith.mulf %parallel_loop3A_1098, %parallel_loop3A_1093 : vector<16xf32>
        %parallel_loop3A_1100 = arith.constant 1 : i32
        %parallel_loop3A_1101 = arith.index_cast %parallel_loop3A_1100 : i32 to index
        %parallel_loop3A_1102 = arith.index_cast %parallel_loop3A_1089 : i32 to index
        %parallel_loop3A_1103 = arith.constant 0 : index
        %parallel_loop3A_1104 = tpu.vector_load %arg14[%parallel_loop3A_1101, %parallel_loop3A_1102, %parallel_loop3A_1103] {strides = array<i32>} : memref<2x80x80xf32, #tpu.memory_space<vmem>>, vector<16xf32>,
        tpu.vector_store %arg14[%parallel_loop3A_1101, %parallel_loop3A_1102, %parallel_loop3A_1103], %parallel_loop3A_1099 {strides = array<i32>} : memref<2x80x80xf32, #tpu.memory_space<vmem>>, vector<16xf32>,
        %parallel_loop3A_1105 = arith.constant 1 : i32
        %parallel_loop3A_1106 = arith.index_cast %parallel_loop3A_1105 : i32 to index
        %parallel_loop3A_1107 = arith.index_cast %parallel_loop3A_1089 : i32 to index
        %parallel_loop3A_1108 = arith.constant 16 : index
        %parallel_loop3A_1109 = tpu.vector_load %arg13[%parallel_loop3A_1106, %parallel_loop3A_1107, %parallel_loop3A_1108] {strides = array<i32>} : memref<2x80x64xf32, #tpu.memory_space<vmem>>, vector<16xf32>,
        %parallel_loop3A_1110 = arith.mulf %parallel_loop3A_1109, %parallel_loop3A_1093 : vector<16xf32>
        %parallel_loop3A_1111 = arith.constant 1 : i32
        %parallel_loop3A_1112 = arith.index_cast %parallel_loop3A_1111 : i32 to index
        %parallel_loop3A_1113 = arith.index_cast %parallel_loop3A_1089 : i32 to index
        %parallel_loop3A_1114 = arith.constant 16 : index
        %parallel_loop3A_1115 = tpu.vector_load %arg14[%parallel_loop3A_1112, %parallel_loop3A_1113, %parallel_loop3A_1114] {strides = array<i32>} : memref<2x80x80xf32, #tpu.memory_space<vmem>>, vector<16xf32>,
        tpu.vector_store %arg14[%parallel_loop3A_1112, %parallel_loop3A_1113, %parallel_loop3A_1114], %parallel_loop3A_1110 {strides = array<i32>} : memref<2x80x80xf32, #tpu.memory_space<vmem>>, vector<16xf32>,
        %parallel_loop3A_1116 = arith.constant 1 : i32
        %parallel_loop3A_1117 = arith.index_cast %parallel_loop3A_1116 : i32 to index
        %parallel_loop3A_1118 = arith.index_cast %parallel_loop3A_1089 : i32 to index
        %parallel_loop3A_1119 = arith.constant 32 : index
        %parallel_loop3A_1120 = tpu.vector_load %arg13[%parallel_loop3A_1117, %parallel_loop3A_1118, %parallel_loop3A_1119] {strides = array<i32>} : memref<2x80x64xf32, #tpu.memory_space<vmem>>, vector<16xf32>,
        %parallel_loop3A_1121 = arith.mulf %parallel_loop3A_1120, %parallel_loop3A_1093 : vector<16xf32>
        %parallel_loop3A_1122 = arith.constant 1 : i32
        %parallel_loop3A_1123 = arith.index_cast %parallel_loop3A_1122 : i32 to index
        %parallel_loop3A_1124 = arith.index_cast %parallel_loop3A_1089 : i32 to index
        %parallel_loop3A_1125 = arith.constant 32 : index
        %parallel_loop3A_1126 = tpu.vector_load %arg14[%parallel_loop3A_1123, %parallel_loop3A_1124, %parallel_loop3A_1125] {strides = array<i32>} : memref<2x80x80xf32, #tpu.memory_space<vmem>>, vector<16xf32>,
        tpu.vector_store %arg14[%parallel_loop3A_1123, %parallel_loop3A_1124, %parallel_loop3A_1125], %parallel_loop3A_1121 {strides = array<i32>} : memref<2x80x80xf32, #tpu.memory_space<vmem>>, vector<16xf32>,
        %parallel_loop3A_1127 = arith.constant 1 : i32
        %parallel_loop3A_1128 = arith.index_cast %parallel_loop3A_1127 : i32 to index
        %parallel_loop3A_1129 = arith.index_cast %parallel_loop3A_1089 : i32 to index
        %parallel_loop3A_1130 = arith.constant 48 : index
        %parallel_loop3A_1131 = tpu.vector_load %arg13[%parallel_loop3A_1128, %parallel_loop3A_1129, %parallel_loop3A_1130] {strides = array<i32>} : memref<2x80x64xf32, #tpu.memory_space<vmem>>, vector<16xf32>,
        %parallel_loop3A_1132 = arith.mulf %parallel_loop3A_1131, %parallel_loop3A_1093 : vector<16xf32>
        %parallel_loop3A_1133 = arith.constant 1 : i32
        %parallel_loop3A_1134 = arith.index_cast %parallel_loop3A_1133 : i32 to index
        %parallel_loop3A_1135 = arith.index_cast %parallel_loop3A_1089 : i32 to index
        %parallel_loop3A_1136 = arith.constant 48 : index
        %parallel_loop3A_1137 = tpu.vector_load %arg14[%parallel_loop3A_1134, %parallel_loop3A_1135, %parallel_loop3A_1136] {strides = array<i32>} : memref<2x80x80xf32, #tpu.memory_space<vmem>>, vector<16xf32>,
        tpu.vector_store %arg14[%parallel_loop3A_1134, %parallel_loop3A_1135, %parallel_loop3A_1136], %parallel_loop3A_1132 {strides = array<i32>} : memref<2x80x80xf32, #tpu.memory_space<vmem>>, vector<16xf32>,
        %parallel_loop3A_1138 = arith.constant 1 : i32
        %parallel_loop3A_1139 = arith.index_cast %parallel_loop3A_1138 : i32 to index
        %parallel_loop3A_1140 = arith.index_cast %parallel_loop3A_1089 : i32 to index
        %parallel_loop3A_1141 = arith.constant 0 : index
        %parallel_loop3A_1142 = tpu.vector_load %arg12[%parallel_loop3A_1139, %parallel_loop3A_1140, %parallel_loop3A_1141] {strides = array<i32>} : memref<2x80x16xf32, #tpu.memory_space<vmem>>, vector<16xf32>,
        %parallel_loop3A_1143 = arith.mulf %parallel_loop3A_1142, %parallel_loop3A_1093 : vector<16xf32>
        %parallel_loop3A_1144 = arith.constant 1 : i32
        %parallel_loop3A_1145 = arith.index_cast %parallel_loop3A_1144 : i32 to index
        %parallel_loop3A_1146 = arith.index_cast %parallel_loop3A_1089 : i32 to index
        %parallel_loop3A_1147 = arith.constant 64 : index
        %parallel_loop3A_1148 = tpu.vector_load %arg14[%parallel_loop3A_1145, %parallel_loop3A_1146, %parallel_loop3A_1147] {strides = array<i32>} : memref<2x80x80xf32, #tpu.memory_space<vmem>>, vector<16xf32>,
        tpu.vector_store %arg14[%parallel_loop3A_1145, %parallel_loop3A_1146, %parallel_loop3A_1147], %parallel_loop3A_1143 {strides = array<i32>} : memref<2x80x80xf32, #tpu.memory_space<vmem>>, vector<16xf32>,
        %parallel_loop3A_1149 = arith.constant 16 : i32
        %parallel_loop3A_1150 = arith.muli %parallel_loop3A_260, %parallel_loop3A_1149 : i32
        %parallel_loop3A_1151 = arith.constant 14 : i32
        %parallel_loop3A_1152 = arith.addi %parallel_loop3A_1150, %parallel_loop3A_1151 : i32
        %parallel_loop3A_1153 = arith.constant 14 : i32
        %parallel_loop3A_1154 = vector.broadcast %parallel_loop3A_1153 : i32 to vector<16x1xi32>
        %parallel_loop3A_1155 = vector.shape_cast %parallel_loop3A_1154 : vector<16x1xi32> to vector<16xi32>
        %parallel_loop3A_1156 = tpu.dynamic_gather %parallel_loop3A_266[%parallel_loop3A_1155] in [0] : vector<16xf32>, vector<16xi32> -> vector<16xf32>
        %parallel_loop3A_1157 = arith.constant 1 : i32
        %parallel_loop3A_1158 = arith.index_cast %parallel_loop3A_1157 : i32 to index
        %parallel_loop3A_1159 = arith.index_cast %parallel_loop3A_1152 : i32 to index
        %parallel_loop3A_1160 = arith.constant 0 : index
        %parallel_loop3A_1161 = tpu.vector_load %arg13[%parallel_loop3A_1158, %parallel_loop3A_1159, %parallel_loop3A_1160] {strides = array<i32>} : memref<2x80x64xf32, #tpu.memory_space<vmem>>, vector<16xf32>,
        %parallel_loop3A_1162 = arith.mulf %parallel_loop3A_1161, %parallel_loop3A_1156 : vector<16xf32>
        %parallel_loop3A_1163 = arith.constant 1 : i32
        %parallel_loop3A_1164 = arith.index_cast %parallel_loop3A_1163 : i32 to index
        %parallel_loop3A_1165 = arith.index_cast %parallel_loop3A_1152 : i32 to index
        %parallel_loop3A_1166 = arith.constant 0 : index
        %parallel_loop3A_1167 = tpu.vector_load %arg14[%parallel_loop3A_1164, %parallel_loop3A_1165, %parallel_loop3A_1166] {strides = array<i32>} : memref<2x80x80xf32, #tpu.memory_space<vmem>>, vector<16xf32>,
        tpu.vector_store %arg14[%parallel_loop3A_1164, %parallel_loop3A_1165, %parallel_loop3A_1166], %parallel_loop3A_1162 {strides = array<i32>} : memref<2x80x80xf32, #tpu.memory_space<vmem>>, vector<16xf32>,
        %parallel_loop3A_1168 = arith.constant 1 : i32
        %parallel_loop3A_1169 = arith.index_cast %parallel_loop3A_1168 : i32 to index
        %parallel_loop3A_1170 = arith.index_cast %parallel_loop3A_1152 : i32 to index
        %parallel_loop3A_1171 = arith.constant 16 : index
        %parallel_loop3A_1172 = tpu.vector_load %arg13[%parallel_loop3A_1169, %parallel_loop3A_1170, %parallel_loop3A_1171] {strides = array<i32>} : memref<2x80x64xf32, #tpu.memory_space<vmem>>, vector<16xf32>,
        %parallel_loop3A_1173 = arith.mulf %parallel_loop3A_1172, %parallel_loop3A_1156 : vector<16xf32>
        %parallel_loop3A_1174 = arith.constant 1 : i32
        %parallel_loop3A_1175 = arith.index_cast %parallel_loop3A_1174 : i32 to index
        %parallel_loop3A_1176 = arith.index_cast %parallel_loop3A_1152 : i32 to index
        %parallel_loop3A_1177 = arith.constant 16 : index
        %parallel_loop3A_1178 = tpu.vector_load %arg14[%parallel_loop3A_1175, %parallel_loop3A_1176, %parallel_loop3A_1177] {strides = array<i32>} : memref<2x80x80xf32, #tpu.memory_space<vmem>>, vector<16xf32>,
        tpu.vector_store %arg14[%parallel_loop3A_1175, %parallel_loop3A_1176, %parallel_loop3A_1177], %parallel_loop3A_1173 {strides = array<i32>} : memref<2x80x80xf32, #tpu.memory_space<vmem>>, vector<16xf32>,
        %parallel_loop3A_1179 = arith.constant 1 : i32
        %parallel_loop3A_1180 = arith.index_cast %parallel_loop3A_1179 : i32 to index
        %parallel_loop3A_1181 = arith.index_cast %parallel_loop3A_1152 : i32 to index
        %parallel_loop3A_1182 = arith.constant 32 : index
        %parallel_loop3A_1183 = tpu.vector_load %arg13[%parallel_loop3A_1180, %parallel_loop3A_1181, %parallel_loop3A_1182] {strides = array<i32>} : memref<2x80x64xf32, #tpu.memory_space<vmem>>, vector<16xf32>,
        %parallel_loop3A_1184 = arith.mulf %parallel_loop3A_1183, %parallel_loop3A_1156 : vector<16xf32>
        %parallel_loop3A_1185 = arith.constant 1 : i32
        %parallel_loop3A_1186 = arith.index_cast %parallel_loop3A_1185 : i32 to index
        %parallel_loop3A_1187 = arith.index_cast %parallel_loop3A_1152 : i32 to index
        %parallel_loop3A_1188 = arith.constant 32 : index
        %parallel_loop3A_1189 = tpu.vector_load %arg14[%parallel_loop3A_1186, %parallel_loop3A_1187, %parallel_loop3A_1188] {strides = array<i32>} : memref<2x80x80xf32, #tpu.memory_space<vmem>>, vector<16xf32>,
        tpu.vector_store %arg14[%parallel_loop3A_1186, %parallel_loop3A_1187, %parallel_loop3A_1188], %parallel_loop3A_1184 {strides = array<i32>} : memref<2x80x80xf32, #tpu.memory_space<vmem>>, vector<16xf32>,
        %parallel_loop3A_1190 = arith.constant 1 : i32
        %parallel_loop3A_1191 = arith.index_cast %parallel_loop3A_1190 : i32 to index
        %parallel_loop3A_1192 = arith.index_cast %parallel_loop3A_1152 : i32 to index
        %parallel_loop3A_1193 = arith.constant 48 : index
        %parallel_loop3A_1194 = tpu.vector_load %arg13[%parallel_loop3A_1191, %parallel_loop3A_1192, %parallel_loop3A_1193] {strides = array<i32>} : memref<2x80x64xf32, #tpu.memory_space<vmem>>, vector<16xf32>,
        %parallel_loop3A_1195 = arith.mulf %parallel_loop3A_1194, %parallel_loop3A_1156 : vector<16xf32>
        %parallel_loop3A_1196 = arith.constant 1 : i32
        %parallel_loop3A_1197 = arith.index_cast %parallel_loop3A_1196 : i32 to index
        %parallel_loop3A_1198 = arith.index_cast %parallel_loop3A_1152 : i32 to index
        %parallel_loop3A_1199 = arith.constant 48 : index
        %parallel_loop3A_1200 = tpu.vector_load %arg14[%parallel_loop3A_1197, %parallel_loop3A_1198, %parallel_loop3A_1199] {strides = array<i32>} : memref<2x80x80xf32, #tpu.memory_space<vmem>>, vector<16xf32>,
        tpu.vector_store %arg14[%parallel_loop3A_1197, %parallel_loop3A_1198, %parallel_loop3A_1199], %parallel_loop3A_1195 {strides = array<i32>} : memref<2x80x80xf32, #tpu.memory_space<vmem>>, vector<16xf32>,
        %parallel_loop3A_1201 = arith.constant 1 : i32
        %parallel_loop3A_1202 = arith.index_cast %parallel_loop3A_1201 : i32 to index
        %parallel_loop3A_1203 = arith.index_cast %parallel_loop3A_1152 : i32 to index
        %parallel_loop3A_1204 = arith.constant 0 : index
        %parallel_loop3A_1205 = tpu.vector_load %arg12[%parallel_loop3A_1202, %parallel_loop3A_1203, %parallel_loop3A_1204] {strides = array<i32>} : memref<2x80x16xf32, #tpu.memory_space<vmem>>, vector<16xf32>,
        %parallel_loop3A_1206 = arith.mulf %parallel_loop3A_1205, %parallel_loop3A_1156 : vector<16xf32>
        %parallel_loop3A_1207 = arith.constant 1 : i32
        %parallel_loop3A_1208 = arith.index_cast %parallel_loop3A_1207 : i32 to index
        %parallel_loop3A_1209 = arith.index_cast %parallel_loop3A_1152 : i32 to index
        %parallel_loop3A_1210 = arith.constant 64 : index
        %parallel_loop3A_1211 = tpu.vector_load %arg14[%parallel_loop3A_1208, %parallel_loop3A_1209, %parallel_loop3A_1210] {strides = array<i32>} : memref<2x80x80xf32, #tpu.memory_space<vmem>>, vector<16xf32>,
        tpu.vector_store %arg14[%parallel_loop3A_1208, %parallel_loop3A_1209, %parallel_loop3A_1210], %parallel_loop3A_1206 {strides = array<i32>} : memref<2x80x80xf32, #tpu.memory_space<vmem>>, vector<16xf32>,
        %parallel_loop3A_1212 = arith.constant 16 : i32
        %parallel_loop3A_1213 = arith.muli %parallel_loop3A_260, %parallel_loop3A_1212 : i32
        %parallel_loop3A_1214 = arith.constant 15 : i32
        %parallel_loop3A_1215 = arith.addi %parallel_loop3A_1213, %parallel_loop3A_1214 : i32
        %parallel_loop3A_1216 = arith.constant 15 : i32
        %parallel_loop3A_1217 = vector.broadcast %parallel_loop3A_1216 : i32 to vector<16x1xi32>
        %parallel_loop3A_1218 = vector.shape_cast %parallel_loop3A_1217 : vector<16x1xi32> to vector<16xi32>
        %parallel_loop3A_1219 = tpu.dynamic_gather %parallel_loop3A_266[%parallel_loop3A_1218] in [0] : vector<16xf32>, vector<16xi32> -> vector<16xf32>
        %parallel_loop3A_1220 = arith.constant 1 : i32
        %parallel_loop3A_1221 = arith.index_cast %parallel_loop3A_1220 : i32 to index
        %parallel_loop3A_1222 = arith.index_cast %parallel_loop3A_1215 : i32 to index
        %parallel_loop3A_1223 = arith.constant 0 : index
        %parallel_loop3A_1224 = tpu.vector_load %arg13[%parallel_loop3A_1221, %parallel_loop3A_1222, %parallel_loop3A_1223] {strides = array<i32>} : memref<2x80x64xf32, #tpu.memory_space<vmem>>, vector<16xf32>,
        %parallel_loop3A_1225 = arith.mulf %parallel_loop3A_1224, %parallel_loop3A_1219 : vector<16xf32>
        %parallel_loop3A_1226 = arith.constant 1 : i32
        %parallel_loop3A_1227 = arith.index_cast %parallel_loop3A_1226 : i32 to index
        %parallel_loop3A_1228 = arith.index_cast %parallel_loop3A_1215 : i32 to index
        %parallel_loop3A_1229 = arith.constant 0 : index
        %parallel_loop3A_1230 = tpu.vector_load %arg14[%parallel_loop3A_1227, %parallel_loop3A_1228, %parallel_loop3A_1229] {strides = array<i32>} : memref<2x80x80xf32, #tpu.memory_space<vmem>>, vector<16xf32>,
        tpu.vector_store %arg14[%parallel_loop3A_1227, %parallel_loop3A_1228, %parallel_loop3A_1229], %parallel_loop3A_1225 {strides = array<i32>} : memref<2x80x80xf32, #tpu.memory_space<vmem>>, vector<16xf32>,
        %parallel_loop3A_1231 = arith.constant 1 : i32
        %parallel_loop3A_1232 = arith.index_cast %parallel_loop3A_1231 : i32 to index
        %parallel_loop3A_1233 = arith.index_cast %parallel_loop3A_1215 : i32 to index
        %parallel_loop3A_1234 = arith.constant 16 : index
        %parallel_loop3A_1235 = tpu.vector_load %arg13[%parallel_loop3A_1232, %parallel_loop3A_1233, %parallel_loop3A_1234] {strides = array<i32>} : memref<2x80x64xf32, #tpu.memory_space<vmem>>, vector<16xf32>,
        %parallel_loop3A_1236 = arith.mulf %parallel_loop3A_1235, %parallel_loop3A_1219 : vector<16xf32>
        %parallel_loop3A_1237 = arith.constant 1 : i32
        %parallel_loop3A_1238 = arith.index_cast %parallel_loop3A_1237 : i32 to index
        %parallel_loop3A_1239 = arith.index_cast %parallel_loop3A_1215 : i32 to index
        %parallel_loop3A_1240 = arith.constant 16 : index
        %parallel_loop3A_1241 = tpu.vector_load %arg14[%parallel_loop3A_1238, %parallel_loop3A_1239, %parallel_loop3A_1240] {strides = array<i32>} : memref<2x80x80xf32, #tpu.memory_space<vmem>>, vector<16xf32>,
        tpu.vector_store %arg14[%parallel_loop3A_1238, %parallel_loop3A_1239, %parallel_loop3A_1240], %parallel_loop3A_1236 {strides = array<i32>} : memref<2x80x80xf32, #tpu.memory_space<vmem>>, vector<16xf32>,
        %parallel_loop3A_1242 = arith.constant 1 : i32
        %parallel_loop3A_1243 = arith.index_cast %parallel_loop3A_1242 : i32 to index
        %parallel_loop3A_1244 = arith.index_cast %parallel_loop3A_1215 : i32 to index
        %parallel_loop3A_1245 = arith.constant 32 : index
        %parallel_loop3A_1246 = tpu.vector_load %arg13[%parallel_loop3A_1243, %parallel_loop3A_1244, %parallel_loop3A_1245] {strides = array<i32>} : memref<2x80x64xf32, #tpu.memory_space<vmem>>, vector<16xf32>,
        %parallel_loop3A_1247 = arith.mulf %parallel_loop3A_1246, %parallel_loop3A_1219 : vector<16xf32>
        %parallel_loop3A_1248 = arith.constant 1 : i32
        %parallel_loop3A_1249 = arith.index_cast %parallel_loop3A_1248 : i32 to index
        %parallel_loop3A_1250 = arith.index_cast %parallel_loop3A_1215 : i32 to index
        %parallel_loop3A_1251 = arith.constant 32 : index
        %parallel_loop3A_1252 = tpu.vector_load %arg14[%parallel_loop3A_1249, %parallel_loop3A_1250, %parallel_loop3A_1251] {strides = array<i32>} : memref<2x80x80xf32, #tpu.memory_space<vmem>>, vector<16xf32>,
        tpu.vector_store %arg14[%parallel_loop3A_1249, %parallel_loop3A_1250, %parallel_loop3A_1251], %parallel_loop3A_1247 {strides = array<i32>} : memref<2x80x80xf32, #tpu.memory_space<vmem>>, vector<16xf32>,
        %parallel_loop3A_1253 = arith.constant 1 : i32
        %parallel_loop3A_1254 = arith.index_cast %parallel_loop3A_1253 : i32 to index
        %parallel_loop3A_1255 = arith.index_cast %parallel_loop3A_1215 : i32 to index
        %parallel_loop3A_1256 = arith.constant 48 : index
        %parallel_loop3A_1257 = tpu.vector_load %arg13[%parallel_loop3A_1254, %parallel_loop3A_1255, %parallel_loop3A_1256] {strides = array<i32>} : memref<2x80x64xf32, #tpu.memory_space<vmem>>, vector<16xf32>,
        %parallel_loop3A_1258 = arith.mulf %parallel_loop3A_1257, %parallel_loop3A_1219 : vector<16xf32>
        %parallel_loop3A_1259 = arith.constant 1 : i32
        %parallel_loop3A_1260 = arith.index_cast %parallel_loop3A_1259 : i32 to index
        %parallel_loop3A_1261 = arith.index_cast %parallel_loop3A_1215 : i32 to index
        %parallel_loop3A_1262 = arith.constant 48 : index
        %parallel_loop3A_1263 = tpu.vector_load %arg14[%parallel_loop3A_1260, %parallel_loop3A_1261, %parallel_loop3A_1262] {strides = array<i32>} : memref<2x80x80xf32, #tpu.memory_space<vmem>>, vector<16xf32>,
        tpu.vector_store %arg14[%parallel_loop3A_1260, %parallel_loop3A_1261, %parallel_loop3A_1262], %parallel_loop3A_1258 {strides = array<i32>} : memref<2x80x80xf32, #tpu.memory_space<vmem>>, vector<16xf32>,
        %parallel_loop3A_1264 = arith.constant 1 : i32
        %parallel_loop3A_1265 = arith.index_cast %parallel_loop3A_1264 : i32 to index
        %parallel_loop3A_1266 = arith.index_cast %parallel_loop3A_1215 : i32 to index
        %parallel_loop3A_1267 = arith.constant 0 : index
        %parallel_loop3A_1268 = tpu.vector_load %arg12[%parallel_loop3A_1265, %parallel_loop3A_1266, %parallel_loop3A_1267] {strides = array<i32>} : memref<2x80x16xf32, #tpu.memory_space<vmem>>, vector<16xf32>,
        %parallel_loop3A_1269 = arith.mulf %parallel_loop3A_1268, %parallel_loop3A_1219 : vector<16xf32>
        %parallel_loop3A_1270 = arith.constant 1 : i32
        %parallel_loop3A_1271 = arith.index_cast %parallel_loop3A_1270 : i32 to index
        %parallel_loop3A_1272 = arith.index_cast %parallel_loop3A_1215 : i32 to index
        %parallel_loop3A_1273 = arith.constant 64 : index
        %parallel_loop3A_1274 = tpu.vector_load %arg14[%parallel_loop3A_1271, %parallel_loop3A_1272, %parallel_loop3A_1273] {strides = array<i32>} : memref<2x80x80xf32, #tpu.memory_space<vmem>>, vector<16xf32>,
        tpu.vector_store %arg14[%parallel_loop3A_1271, %parallel_loop3A_1272, %parallel_loop3A_1273], %parallel_loop3A_1269 {strides = array<i32>} : memref<2x80x80xf32, #tpu.memory_space<vmem>>, vector<16xf32>,
      } {sc.loop_unroll_factor = 5 : i64, sc.parallel_access}
      %dma_start3A_249 = arith.constant 1 : i32
      %dma_start3A_250 = arith.constant 0 : i32
      %dma_start3A_251 = arith.constant 0 : i32
      %dma_start3A_252 = tpu.memref_slice %arg14[%dma_start3A_249, %dma_start3A_250, %dma_start3A_251] : memref<2x80x80xf32, #tpu.memory_space<vmem>> -> memref<1x80x80xf32, #tpu.memory_space<vmem>>
      %dma_start3A_253 = tpu.memref_squeeze %dma_start3A_252 : memref<1x80x80xf32, #tpu.memory_space<vmem>> -> memref<80x80xf32, #tpu.memory_space<vmem>>
      %dma_start3A_254 = arith.constant 0 : i32
      %dma_start3A_255 = tpu.memref_slice %arg10[%add3A_86, %dma_start3A_254] : memref<250x80xi32, #tpu.memory_space<vmem>> -> memref<1x80xi32, #tpu.memory_space<vmem>>
      %dma_start3A_256 = tpu.memref_squeeze %dma_start3A_255 : memref<1x80xi32, #tpu.memory_space<vmem>> -> memref<80xi32, #tpu.memory_space<vmem>>
      %dma_start3A_257 = arith.constant 0 : i32
      %dma_start3A_258 = arith.constant 0 : i32
      %dma_start3A_259 = tpu.memref_slice %arg15[%dma_start3A_257, %dma_start3A_258] : memref<10240x80xf32, #tpu.memory_space<vmem_shared>> -> memref<10240x80xf32, #tpu.memory_space<vmem_shared>>
      tpu.enqueue_indirect_dma source(%dma_start3A_253 : memref<80x80xf32, #tpu.memory_space<vmem>>) target(%dma_start3A_259 : memref<10240x80xf32, #tpu.memory_space<vmem_shared>>) offsets(%dma_start3A_256 : memref<80xi32, #tpu.memory_space<vmem>>) semaphore(%arg19 : memref<!tpu.dma_semaphore, #tpu.memory_space<semaphore_mem>>) {add = true}
    }
    %scan3A_57 = arith.constant 125 : i32
    %dma_wait3A = arith.constant 0 : i32
    %dma_wait3A_58 = arith.constant 248 : i32
    %dma_wait3A_59 = arith.constant 0 : i32
    %dma_wait3A_60 = arith.constant 0 : i32
    %dma_wait3A_61 = tpu.memref_slice %arg14[%dma_wait3A, %dma_wait3A_59, %dma_wait3A_60] : memref<2x80x80xf32, #tpu.memory_space<vmem>> -> memref<1x80x80xf32, #tpu.memory_space<vmem>>
    %dma_wait3A_62 = tpu.memref_squeeze %dma_wait3A_61 : memref<1x80x80xf32, #tpu.memory_space<vmem>> -> memref<80x80xf32, #tpu.memory_space<vmem>>
    %dma_wait3A_63 = arith.constant 0 : i32
    %dma_wait3A_64 = tpu.memref_slice %arg10[%dma_wait3A_58, %dma_wait3A_63] : memref<250x80xi32, #tpu.memory_space<vmem>> -> memref<1x80xi32, #tpu.memory_space<vmem>>
    %dma_wait3A_65 = tpu.memref_squeeze %dma_wait3A_64 : memref<1x80xi32, #tpu.memory_space<vmem>> -> memref<80xi32, #tpu.memory_space<vmem>>
    %dma_wait3A_66 = arith.constant 0 : i32
    %dma_wait3A_67 = arith.constant 0 : i32
    %dma_wait3A_68 = tpu.memref_slice %arg15[%dma_wait3A_66, %dma_wait3A_67] : memref<10240x80xf32, #tpu.memory_space<vmem_shared>> -> memref<10240x80xf32, #tpu.memory_space<vmem_shared>>
    tpu.wait_indirect_dma semaphore(%arg18 : memref<!tpu.dma_semaphore, #tpu.memory_space<semaphore_mem>>) src(%dma_wait3A_62 : memref<80x80xf32, #tpu.memory_space<vmem>>) dst(%dma_wait3A_68 : memref<10240x80xf32, #tpu.memory_space<vmem_shared>>)
    %dma_wait3A_69 = arith.constant 1 : i32
    %dma_wait3A_70 = arith.constant 249 : i32
    %dma_wait3A_71 = arith.constant 0 : i32
    %dma_wait3A_72 = arith.constant 0 : i32
    %dma_wait3A_73 = tpu.memref_slice %arg14[%dma_wait3A_69, %dma_wait3A_71, %dma_wait3A_72] : memref<2x80x80xf32, #tpu.memory_space<vmem>> -> memref<1x80x80xf32, #tpu.memory_space<vmem>>
    %dma_wait3A_74 = tpu.memref_squeeze %dma_wait3A_73 : memref<1x80x80xf32, #tpu.memory_space<vmem>> -> memref<80x80xf32, #tpu.memory_space<vmem>>
    %dma_wait3A_75 = arith.constant 0 : i32
    %dma_wait3A_76 = tpu.memref_slice %arg10[%dma_wait3A_70, %dma_wait3A_75] : memref<250x80xi32, #tpu.memory_space<vmem>> -> memref<1x80xi32, #tpu.memory_space<vmem>>
    %dma_wait3A_77 = tpu.memref_squeeze %dma_wait3A_76 : memref<1x80xi32, #tpu.memory_space<vmem>> -> memref<80xi32, #tpu.memory_space<vmem>>
    %dma_wait3A_78 = arith.constant 0 : i32
    %dma_wait3A_79 = arith.constant 0 : i32
    %dma_wait3A_80 = tpu.memref_slice %arg15[%dma_wait3A_78, %dma_wait3A_79] : memref<10240x80xf32, #tpu.memory_space<vmem_shared>> -> memref<10240x80xf32, #tpu.memory_space<vmem_shared>>
    tpu.wait_indirect_dma semaphore(%arg19 : memref<!tpu.dma_semaphore, #tpu.memory_space<semaphore_mem>>) src(%dma_wait3A_74 : memref<80x80xf32, #tpu.memory_space<vmem>>) dst(%dma_wait3A_80 : memref<10240x80xf32, #tpu.memory_space<vmem_shared>>)
    %barrier3A_81 = arith.constant 0 : index
    tpu.barrier barrier_id(%barrier3A_81)
    "tpu.region"() ({
      %run_scoped3A = tpu.sem_alloc : memref<!tpu.dma_semaphore, #tpu.memory_space<semaphore_mem>>
      %dma_start3A_82 = arith.constant 0 : i32
      %dma_start3A_83 = tpu.memref_slice %arg8[%arg0, %mul3A_0, %dma_start3A_82] : memref<2x10240x80xf32, #tpu.memory_space<hbm>> -> memref<1x640x80xf32, #tpu.memory_space<hbm>>
      %dma_start3A_84 = tpu.memref_squeeze %dma_start3A_83 : memref<1x640x80xf32, #tpu.memory_space<hbm>> -> memref<640x80xf32, #tpu.memory_space<hbm>>
      %dma_start3A_85 = arith.constant 0 : i32
      %dma_start3A_86 = tpu.memref_slice %arg15[%mul3A_0, %dma_start3A_85] : memref<10240x80xf32, #tpu.memory_space<vmem_shared>> -> memref<640x80xf32, #tpu.memory_space<vmem_shared>>
      tpu.enqueue_dma source(%dma_start3A_86 : memref<640x80xf32, #tpu.memory_space<vmem_shared>>) target(%dma_start3A_84 : memref<640x80xf32, #tpu.memory_space<hbm>>) target_semaphore(%run_scoped3A : memref<!tpu.dma_semaphore, #tpu.memory_space<semaphore_mem>>)
      %dma_wait3A_87 = arith.constant 0 : i32
      %dma_wait3A_88 = tpu.memref_slice %arg8[%arg0, %mul3A_0, %dma_wait3A_87] : memref<2x10240x80xf32, #tpu.memory_space<hbm>> -> memref<1x640x80xf32, #tpu.memory_space<hbm>>
      %dma_wait3A_89 = tpu.memref_squeeze %dma_wait3A_88 : memref<1x640x80xf32, #tpu.memory_space<hbm>> -> memref<640x80xf32, #tpu.memory_space<hbm>>
      %dma_wait3A_90 = arith.constant 0 : i32
      %dma_wait3A_91 = tpu.memref_slice %arg15[%mul3A_0, %dma_wait3A_90] : memref<10240x80xf32, #tpu.memory_space<vmem_shared>> -> memref<640x80xf32, #tpu.memory_space<vmem_shared>>
      tpu.wait_dma2 semaphore(%run_scoped3A : memref<!tpu.dma_semaphore, #tpu.memory_space<semaphore_mem>>) src(%dma_wait3A_91 : memref<640x80xf32, #tpu.memory_space<vmem_shared>>) dst(%dma_wait3A_89 : memref<640x80xf32, #tpu.memory_space<hbm>>)
      tpu.yield
    }) : () -> ()
    return
  }
}

#map = affine_map<(d0, d1) -> (0)>
module attributes {stable_mosaic.version = 14 : i64} {
  func.func @_edge_logits(%arg0: i32, %arg1: i32, %arg2: memref<320000xi32, #tpu.memory_space<hbm>>, %arg3: memref<320000xi32, #tpu.memory_space<hbm>>, %arg4: memref<320000xf32, #tpu.memory_space<hbm>>, %arg5: memref<10000xf32, #tpu.memory_space<hbm>>, %arg6: memref<10000xf32, #tpu.memory_space<hbm>>, %arg7: memref<320000xf32, #tpu.memory_space<hbm>>, %arg8: memref<10000xf32, #tpu.memory_space<vmem>>, %arg9: memref<10000xf32, #tpu.memory_space<vmem>>, %arg10: memref<10000xi32, #tpu.memory_space<vmem>>, %arg11: memref<10000xi32, #tpu.memory_space<vmem>>, %arg12: memref<10000xf32, #tpu.memory_space<vmem>>, %arg13: memref<10000xf32, #tpu.memory_space<vmem>>) attributes {dimension_semantics = [#tpu.dimension_semantics<core_parallel>, #tpu.dimension_semantics<subcore_parallel>], iteration_bounds = array<i64: 2, 16>, scalar_prefetch = 0 : i64, scratch_operands = 6 : i64, tpu.core_type = #tpu.core_type<sc_vector_subcore>, window_params = [{transform_indices = #map}, {transform_indices = #map}, {transform_indices = #map}, {transform_indices = #map}, {transform_indices = #map}, {transform_indices = #map}]} {
    %mul3A = arith.constant 16 : i32
    %mul3A_0 = arith.muli %arg0, %mul3A : i32
    %add3A = arith.addi %mul3A_0, %arg1 : i32
    %mul3A_1 = arith.constant 10000 : i32
    %mul3A_2 = arith.muli %add3A, %mul3A_1 : i32
    "tpu.region"() ({
      %run_scoped3A = tpu.sem_alloc : memref<!tpu.dma_semaphore, #tpu.memory_space<semaphore_mem>>
      tpu.enqueue_dma source(%arg5 : memref<10000xf32, #tpu.memory_space<hbm>>) target(%arg8 : memref<10000xf32, #tpu.memory_space<vmem>>) target_semaphore(%run_scoped3A : memref<!tpu.dma_semaphore, #tpu.memory_space<semaphore_mem>>)
      tpu.wait_dma2 semaphore(%run_scoped3A : memref<!tpu.dma_semaphore, #tpu.memory_space<semaphore_mem>>) src(%arg5 : memref<10000xf32, #tpu.memory_space<hbm>>) dst(%arg8 : memref<10000xf32, #tpu.memory_space<vmem>>)
      tpu.yield
    }) : () -> ()
    "tpu.region"() ({
      %run_scoped3A = tpu.sem_alloc : memref<!tpu.dma_semaphore, #tpu.memory_space<semaphore_mem>>
      tpu.enqueue_dma source(%arg6 : memref<10000xf32, #tpu.memory_space<hbm>>) target(%arg9 : memref<10000xf32, #tpu.memory_space<vmem>>) target_semaphore(%run_scoped3A : memref<!tpu.dma_semaphore, #tpu.memory_space<semaphore_mem>>)
      tpu.wait_dma2 semaphore(%run_scoped3A : memref<!tpu.dma_semaphore, #tpu.memory_space<semaphore_mem>>) src(%arg6 : memref<10000xf32, #tpu.memory_space<hbm>>) dst(%arg9 : memref<10000xf32, #tpu.memory_space<vmem>>)
      tpu.yield
    }) : () -> ()
    "tpu.region"() ({
      %run_scoped3A = tpu.sem_alloc : memref<!tpu.dma_semaphore, #tpu.memory_space<semaphore_mem>>
      %dma_start3A = tpu.memref_slice %arg2[%mul3A_2] : memref<320000xi32, #tpu.memory_space<hbm>> -> memref<10000xi32, #tpu.memory_space<hbm>>
      %dma_start3A_8 = tpu.memref_slice %arg2[%mul3A_2] : memref<320000xi32, #tpu.memory_space<hbm>> -> memref<10000xi32, #tpu.memory_space<hbm>>
      tpu.enqueue_dma source(%dma_start3A_8 : memref<10000xi32, #tpu.memory_space<hbm>>) target(%arg10 : memref<10000xi32, #tpu.memory_space<vmem>>) target_semaphore(%run_scoped3A : memref<!tpu.dma_semaphore, #tpu.memory_space<semaphore_mem>>)
      %dma_wait3A = tpu.memref_slice %arg2[%mul3A_2] : memref<320000xi32, #tpu.memory_space<hbm>> -> memref<10000xi32, #tpu.memory_space<hbm>>
      %dma_wait3A_9 = tpu.memref_slice %arg2[%mul3A_2] : memref<320000xi32, #tpu.memory_space<hbm>> -> memref<10000xi32, #tpu.memory_space<hbm>>
      tpu.wait_dma2 semaphore(%run_scoped3A : memref<!tpu.dma_semaphore, #tpu.memory_space<semaphore_mem>>) src(%dma_wait3A_9 : memref<10000xi32, #tpu.memory_space<hbm>>) dst(%arg10 : memref<10000xi32, #tpu.memory_space<vmem>>)
      tpu.yield
    }) : () -> ()
    "tpu.region"() ({
      %run_scoped3A = tpu.sem_alloc : memref<!tpu.dma_semaphore, #tpu.memory_space<semaphore_mem>>
      %dma_start3A = tpu.memref_slice %arg3[%mul3A_2] : memref<320000xi32, #tpu.memory_space<hbm>> -> memref<10000xi32, #tpu.memory_space<hbm>>
      %dma_start3A_8 = tpu.memref_slice %arg3[%mul3A_2] : memref<320000xi32, #tpu.memory_space<hbm>> -> memref<10000xi32, #tpu.memory_space<hbm>>
      tpu.enqueue_dma source(%dma_start3A_8 : memref<10000xi32, #tpu.memory_space<hbm>>) target(%arg11 : memref<10000xi32, #tpu.memory_space<vmem>>) target_semaphore(%run_scoped3A : memref<!tpu.dma_semaphore, #tpu.memory_space<semaphore_mem>>)
      %dma_wait3A = tpu.memref_slice %arg3[%mul3A_2] : memref<320000xi32, #tpu.memory_space<hbm>> -> memref<10000xi32, #tpu.memory_space<hbm>>
      %dma_wait3A_9 = tpu.memref_slice %arg3[%mul3A_2] : memref<320000xi32, #tpu.memory_space<hbm>> -> memref<10000xi32, #tpu.memory_space<hbm>>
      tpu.wait_dma2 semaphore(%run_scoped3A : memref<!tpu.dma_semaphore, #tpu.memory_space<semaphore_mem>>) src(%dma_wait3A_9 : memref<10000xi32, #tpu.memory_space<hbm>>) dst(%arg11 : memref<10000xi32, #tpu.memory_space<vmem>>)
      tpu.yield
    }) : () -> ()
    "tpu.region"() ({
      %run_scoped3A = tpu.sem_alloc : memref<!tpu.dma_semaphore, #tpu.memory_space<semaphore_mem>>
      %dma_start3A = tpu.memref_slice %arg4[%mul3A_2] : memref<320000xf32, #tpu.memory_space<hbm>> -> memref<10000xf32, #tpu.memory_space<hbm>>
      %dma_start3A_8 = tpu.memref_slice %arg4[%mul3A_2] : memref<320000xf32, #tpu.memory_space<hbm>> -> memref<10000xf32, #tpu.memory_space<hbm>>
      tpu.enqueue_dma source(%dma_start3A_8 : memref<10000xf32, #tpu.memory_space<hbm>>) target(%arg12 : memref<10000xf32, #tpu.memory_space<vmem>>) target_semaphore(%run_scoped3A : memref<!tpu.dma_semaphore, #tpu.memory_space<semaphore_mem>>)
      %dma_wait3A = tpu.memref_slice %arg4[%mul3A_2] : memref<320000xf32, #tpu.memory_space<hbm>> -> memref<10000xf32, #tpu.memory_space<hbm>>
      %dma_wait3A_9 = tpu.memref_slice %arg4[%mul3A_2] : memref<320000xf32, #tpu.memory_space<hbm>> -> memref<10000xf32, #tpu.memory_space<hbm>>
      tpu.wait_dma2 semaphore(%run_scoped3A : memref<!tpu.dma_semaphore, #tpu.memory_space<semaphore_mem>>) src(%dma_wait3A_9 : memref<10000xf32, #tpu.memory_space<hbm>>) dst(%arg12 : memref<10000xf32, #tpu.memory_space<vmem>>)
      tpu.yield
    }) : () -> ()
    %scan3A = arith.constant 0 : i32
    %scan3A_3 = arith.constant 0 : i32
    %scan3A_4 = arith.constant 625 : i32
    %scan3A_5 = arith.addi %scan3A_3, %scan3A_4 : i32
    %scan3A_6 = arith.constant 1 : i32
    scf.for %scan3A_8 = %scan3A_3 to %scan3A_5 step %scan3A_6  : i32 {
      %mul3A_9 = arith.constant 16 : i32
      %mul3A_10 = arith.muli %scan3A_8, %mul3A_9 : i32
      %get3A = arith.index_cast %mul3A_10 : i32 to index
      %get3A_11 = tpu.vector_load %arg10[%get3A] {strides = array<i32>} : memref<10000xi32, #tpu.memory_space<vmem>>, vector<16xi32>,
      %gather3A = tpu.vector_load_idx %arg8[%get3A_11] : memref<10000xf32, #tpu.memory_space<vmem>>[vector<16xi32>], vector<16xf32>,
      %get3A_12 = arith.index_cast %mul3A_10 : i32 to index
      %get3A_13 = tpu.vector_load %arg11[%get3A_12] {strides = array<i32>} : memref<10000xi32, #tpu.memory_space<vmem>>, vector<16xi32>,
      %gather3A_14 = tpu.vector_load_idx %arg9[%get3A_13] : memref<10000xf32, #tpu.memory_space<vmem>>[vector<16xi32>], vector<16xf32>,
      %add3A_15 = arith.addf %gather3A, %gather3A_14 : vector<16xf32>
      %get3A_16 = arith.index_cast %mul3A_10 : i32 to index
      %get3A_17 = tpu.vector_load %arg12[%get3A_16] {strides = array<i32>} : memref<10000xf32, #tpu.memory_space<vmem>>, vector<16xf32>,
      %add3A_18 = arith.addf %add3A_15, %get3A_17 : vector<16xf32>
      %ge3A = arith.constant 0.000000e+00 : f32
      %ge3A_19 = vector.broadcast %ge3A : f32 to vector<16xf32>
      %ge3A_20 = arith.cmpf oge, %add3A_18, %ge3A_19 : vector<16xf32>
      %mul3A_21 = arith.constant 2.000000e-01 : f32
      %mul3A_22 = vector.broadcast %mul3A_21 : f32 to vector<16xf32>
      %mul3A_23 = arith.mulf %mul3A_22, %add3A_18 : vector<16xf32>
      %select_n3A = arith.select %ge3A_20, %add3A_18, %mul3A_23 : vector<16xi1>, vector<16xf32>
      %swap3A = arith.index_cast %mul3A_10 : i32 to index
      %swap3A_24 = tpu.vector_load %arg13[%swap3A] {strides = array<i32>} : memref<10000xf32, #tpu.memory_space<vmem>>, vector<16xf32>,
      tpu.vector_store %arg13[%swap3A], %select_n3A {strides = array<i32>} : memref<10000xf32, #tpu.memory_space<vmem>>, vector<16xf32>,
    }
    %scan3A_7 = arith.constant 625 : i32
    "tpu.region"() ({
      %run_scoped3A = tpu.sem_alloc : memref<!tpu.dma_semaphore, #tpu.memory_space<semaphore_mem>>
      %dma_start3A = tpu.memref_slice %arg7[%mul3A_2] : memref<320000xf32, #tpu.memory_space<hbm>> -> memref<10000xf32, #tpu.memory_space<hbm>>
      %dma_start3A_8 = tpu.memref_slice %arg7[%mul3A_2] : memref<320000xf32, #tpu.memory_space<hbm>> -> memref<10000xf32, #tpu.memory_space<hbm>>
      tpu.enqueue_dma source(%arg13 : memref<10000xf32, #tpu.memory_space<vmem>>) target(%dma_start3A_8 : memref<10000xf32, #tpu.memory_space<hbm>>) target_semaphore(%run_scoped3A : memref<!tpu.dma_semaphore, #tpu.memory_space<semaphore_mem>>)
      %dma_wait3A = tpu.memref_slice %arg7[%mul3A_2] : memref<320000xf32, #tpu.memory_space<hbm>> -> memref<10000xf32, #tpu.memory_space<hbm>>
      %dma_wait3A_9 = tpu.memref_slice %arg7[%mul3A_2] : memref<320000xf32, #tpu.memory_space<hbm>> -> memref<10000xf32, #tpu.memory_space<hbm>>
      tpu.wait_dma2 semaphore(%run_scoped3A : memref<!tpu.dma_semaphore, #tpu.memory_space<semaphore_mem>>) src(%arg13 : memref<10000xf32, #tpu.memory_space<vmem>>) dst(%dma_wait3A_9 : memref<10000xf32, #tpu.memory_space<hbm>>)
      tpu.yield
    }) : () -> ()
    return
  }
}

module attributes {stable_mosaic.version = 14 : i64} {
  func.func @_edge_bias_body(%arg0: i32, %arg1: memref<8000x16xf32, #tpu.memory_space<vmem>>, %arg2: memref<16x128xf32, #tpu.memory_space<vmem>>, %arg3: memref<128x1xf32, #tpu.memory_space<vmem>>, %arg4: memref<1x1x8000xf32, #tpu.memory_space<vmem>>) attributes {dimension_semantics = [#tpu.dimension_semantics<arbitrary>], iteration_bounds = array<i64: 40>, scalar_prefetch = 0 : i64, scratch_operands = 0 : i64, tpu.core_type = #tpu.core_type<tc>, window_params = [{transform_indices = @transform_0, window_bounds = array<i64: 8000, 16>}, {pipeline_mode = #tpu.pipeline_mode<synchronous>, transform_indices = @transform_1, window_bounds = array<i64: 16, 128>}, {pipeline_mode = #tpu.pipeline_mode<synchronous>, transform_indices = @transform_2, window_bounds = array<i64: 128, 1>}, {transform_indices = @transform_3, window_bounds = array<i64: 1, 1, 8000>}]} {
    %get3A = arith.constant 0 : index
    %get3A_0 = arith.constant 0 : index
    %get3A_1 = vector.load %arg2[%get3A, %get3A_0] : memref<16x128xf32, #tpu.memory_space<vmem>>, vector<16x128xf32>
    %get3A_2 = arith.constant 0 : index
    %get3A_3 = arith.constant 0 : index
    %get3A_4 = vector.load %arg3[%get3A_2, %get3A_3] : memref<128x1xf32, #tpu.memory_space<vmem>>, vector<128x1xf32>
    %dot_general3A = arith.constant dense<0.000000e+00> : vector<16x1xf32>
    %dot_general3A_5 = tpu.matmul %get3A_1, %get3A_4, %dot_general3A {dimension_numbers = #tpu.dot_dimension_numbers<[1], [0], [0], [1], [0, 0, 1, 1], [], []>, precision = #tpu.contract_precision<fp32>, transpose_lhs_hint = false} : vector<16x128xf32>, vector<128x1xf32>, vector<16x1xf32> -> vector<16x1xf32>
    %get3A_6 = arith.constant 0 : index
    %get3A_7 = arith.constant 0 : index
    %get3A_8 = vector.load %arg1[%get3A_6, %get3A_7] : memref<8000x16xf32, #tpu.memory_space<vmem>>, vector<8000x16xf32>
    %dot_general3A_9 = arith.constant dense<0.000000e+00> : vector<1x8000xf32>
    %dot_general3A_10 = tpu.matmul %dot_general3A_5, %get3A_8, %dot_general3A_9 {dimension_numbers = #tpu.dot_dimension_numbers<[0], [1], [1], [0], [0, 1, 1, 0], [], []>, precision = #tpu.contract_precision<fp32>, transpose_lhs_hint = false} : vector<16x1xf32>, vector<8000x16xf32>, vector<1x8000xf32> -> vector<1x8000xf32>
    %reshape3A = vector.shape_cast %dot_general3A_10 : vector<1x8000xf32> to vector<1x1x8000xf32>
    %swap3A = arith.constant 0 : index
    %swap3A_11 = arith.constant 0 : index
    %swap3A_12 = arith.constant 0 : index
    %swap3A_13 = vector.load %arg4[%swap3A, %swap3A_11, %swap3A_12] : memref<1x1x8000xf32, #tpu.memory_space<vmem>>, vector<1x1x8000xf32>
    tpu.vector_store %arg4[%swap3A, %swap3A_11, %swap3A_12], %reshape3A {strides = array<i32>} : memref<1x1x8000xf32, #tpu.memory_space<vmem>>, vector<1x1x8000xf32>,
    return
  }
  func.func @transform_0(%arg0: i32) -> (i32, i32) {
    %c0_i32 = arith.constant 0 : i32
    %c0_i32_0 = arith.constant 0 : i32
    return %arg0, %c0_i32 : i32, i32
  }
  func.func @transform_1(%arg0: i32) -> (i32, i32) {
    %c0_i32 = arith.constant 0 : i32
    %c0_i32_0 = arith.constant 0 : i32
    %c0_i32_1 = arith.constant 0 : i32
    return %c0_i32, %c0_i32_0 : i32, i32
  }
  func.func @transform_2(%arg0: i32) -> (i32, i32) {
    %c0_i32 = arith.constant 0 : i32
    %c0_i32_0 = arith.constant 0 : i32
    %c0_i32_1 = arith.constant 0 : i32
    return %c0_i32, %c0_i32_0 : i32, i32
  }
  func.func @transform_3(%arg0: i32) -> (i32, i32, i32) {
    %c0_i32 = arith.constant 0 : i32
    %c0_i32_0 = arith.constant 0 : i32
    %c0_i32_1 = arith.constant 0 : i32
    return %arg0, %c0_i32, %c0_i32_0 : i32, i32, i32
  }
}

module attributes {stable_mosaic.version = 14 : i64} {
  func.func @_node_body(%arg0: i32, %arg1: memref<1000x128xf32, #tpu.memory_space<vmem>>, %arg2: memref<1000x128xf32, #tpu.memory_space<vmem>>, %arg3: memref<128x128xf32, #tpu.memory_space<vmem>>, %arg4: memref<128x128xf32, #tpu.memory_space<vmem>>, %arg5: memref<128x1xf32, #tpu.memory_space<vmem>>, %arg6: memref<128x1xf32, #tpu.memory_space<vmem>>, %arg7: memref<128x1xf32, #tpu.memory_space<vmem>>, %arg8: memref<1000x128xf32, #tpu.memory_space<vmem>>, %arg9: memref<2x1000x64xf32, #tpu.memory_space<vmem>>, %arg10: memref<1000x1xf32, #tpu.memory_space<vmem>>, %arg11: memref<1000x1xf32, #tpu.memory_space<vmem>>, %arg12: memref<1000x1xf32, #tpu.memory_space<vmem>>) attributes {dimension_semantics = [#tpu.dimension_semantics<arbitrary>], iteration_bounds = array<i64: 10>, scalar_prefetch = 0 : i64, scratch_operands = 0 : i64, tpu.core_type = #tpu.core_type<tc>, window_params = [{transform_indices = @transform_0, window_bounds = array<i64: 1000, 128>}, {transform_indices = @transform_1, window_bounds = array<i64: 1000, 128>}, {pipeline_mode = #tpu.pipeline_mode<synchronous>, transform_indices = @transform_2, window_bounds = array<i64: 128, 128>}, {pipeline_mode = #tpu.pipeline_mode<synchronous>, transform_indices = @transform_3, window_bounds = array<i64: 128, 128>}, {pipeline_mode = #tpu.pipeline_mode<synchronous>, transform_indices = @transform_4, window_bounds = array<i64: 128, 1>}, {pipeline_mode = #tpu.pipeline_mode<synchronous>, transform_indices = @transform_5, window_bounds = array<i64: 128, 1>}, {pipeline_mode = #tpu.pipeline_mode<synchronous>, transform_indices = @transform_6, window_bounds = array<i64: 128, 1>}, {transform_indices = @transform_7, window_bounds = array<i64: 1000, 128>}, {transform_indices = @transform_8, window_bounds = array<i64: 2, 1000, 64>}, {transform_indices = @transform_9, window_bounds = array<i64: 1000, 1>}, {transform_indices = @transform_10, window_bounds = array<i64: 1000, 1>}, {transform_indices = @transform_11, window_bounds = array<i64: 1000, 1>}]} {
    %get3A = arith.constant 0 : index
    %get3A_0 = arith.constant 0 : index
    %get3A_1 = vector.load %arg1[%get3A, %get3A_0] : memref<1000x128xf32, #tpu.memory_space<vmem>>, vector<1000x128xf32>
    %get3A_2 = arith.constant 0 : index
    %get3A_3 = arith.constant 0 : index
    %get3A_4 = vector.load %arg3[%get3A_2, %get3A_3] : memref<128x128xf32, #tpu.memory_space<vmem>>, vector<128x128xf32>
    %dot_general3A = arith.constant dense<0.000000e+00> : vector<1000x128xf32>
    %dot_general3A_5 = tpu.matmul %get3A_1, %get3A_4, %dot_general3A {dimension_numbers = #tpu.dot_dimension_numbers<[1], [0], [0], [1], [0, 0, 1, 1], [], []>, precision = #tpu.contract_precision<fp32>, transpose_lhs_hint = false} : vector<1000x128xf32>, vector<128x128xf32>, vector<1000x128xf32> -> vector<1000x128xf32>
    %get3A_6 = arith.constant 0 : index
    %get3A_7 = arith.constant 0 : index
    %get3A_8 = vector.load %arg2[%get3A_6, %get3A_7] : memref<1000x128xf32, #tpu.memory_space<vmem>>, vector<1000x128xf32>
    %get3A_9 = arith.constant 0 : index
    %get3A_10 = arith.constant 0 : index
    %get3A_11 = vector.load %arg4[%get3A_9, %get3A_10] : memref<128x128xf32, #tpu.memory_space<vmem>>, vector<128x128xf32>
    %dot_general3A_12 = arith.constant dense<0.000000e+00> : vector<1000x128xf32>
    %dot_general3A_13 = tpu.matmul %get3A_8, %get3A_11, %dot_general3A_12 {dimension_numbers = #tpu.dot_dimension_numbers<[1], [0], [0], [1], [0, 0, 1, 1], [], []>, precision = #tpu.contract_precision<fp32>, transpose_lhs_hint = false} : vector<1000x128xf32>, vector<128x128xf32>, vector<1000x128xf32> -> vector<1000x128xf32>
    %swap3A = arith.constant 0 : index
    %swap3A_14 = arith.constant 0 : index
    %swap3A_15 = vector.load %arg8[%swap3A, %swap3A_14] : memref<1000x128xf32, #tpu.memory_space<vmem>>, vector<1000x128xf32>
    tpu.vector_store %arg8[%swap3A, %swap3A_14], %dot_general3A_5 {strides = array<i32>} : memref<1000x128xf32, #tpu.memory_space<vmem>>, vector<1000x128xf32>,
    %slice3A = vector.extract_strided_slice %dot_general3A_13 {offsets = [0, 0], sizes = [1000, 64], strides = [1, 1]} : vector<1000x128xf32> to vector<1000x64xf32>
    %slice3A_16 = vector.extract_strided_slice %dot_general3A_13 {offsets = [0, 64], sizes = [1000, 64], strides = [1, 1]} : vector<1000x128xf32> to vector<1000x64xf32>
    %stack3A = vector.shape_cast %slice3A : vector<1000x64xf32> to vector<1x1000x64xf32>
    %stack3A_17 = vector.shape_cast %slice3A_16 : vector<1000x64xf32> to vector<1x1000x64xf32>
    %stack3A_18 = tpu.concatenate %stack3A, %stack3A_17 in 0 : vector<1x1000x64xf32>, vector<1x1000x64xf32> -> vector<2x1000x64xf32>
    %swap3A_19 = arith.constant 0 : index
    %swap3A_20 = arith.constant 0 : index
    %swap3A_21 = arith.constant 0 : index
    %swap3A_22 = vector.load %arg9[%swap3A_19, %swap3A_20, %swap3A_21] : memref<2x1000x64xf32, #tpu.memory_space<vmem>>, vector<2x1000x64xf32>
    tpu.vector_store %arg9[%swap3A_19, %swap3A_20, %swap3A_21], %stack3A_18 {strides = array<i32>} : memref<2x1000x64xf32, #tpu.memory_space<vmem>>, vector<2x1000x64xf32>,
    %get3A_23 = arith.constant 0 : index
    %get3A_24 = arith.constant 0 : index
    %get3A_25 = vector.load %arg6[%get3A_23, %get3A_24] : memref<128x1xf32, #tpu.memory_space<vmem>>, vector<128x1xf32>
    %dot_general3A_26 = arith.constant dense<0.000000e+00> : vector<1000x1xf32>
    %dot_general3A_27 = tpu.matmul %dot_general3A_5, %get3A_25, %dot_general3A_26 {dimension_numbers = #tpu.dot_dimension_numbers<[1], [0], [0], [1], [0, 0, 1, 1], [], []>, precision = #tpu.contract_precision<fp32>, transpose_lhs_hint = false} : vector<1000x128xf32>, vector<128x1xf32>, vector<1000x1xf32> -> vector<1000x1xf32>
    %swap3A_28 = arith.constant 0 : index
    %swap3A_29 = arith.constant 0 : index
    %swap3A_30 = vector.load %arg10[%swap3A_28, %swap3A_29] : memref<1000x1xf32, #tpu.memory_space<vmem>>, vector<1000x1xf32>
    tpu.vector_store %arg10[%swap3A_28, %swap3A_29], %dot_general3A_27 {strides = array<i32>} : memref<1000x1xf32, #tpu.memory_space<vmem>>, vector<1000x1xf32>,
    %get3A_31 = arith.constant 0 : index
    %get3A_32 = arith.constant 0 : index
    %get3A_33 = vector.load %arg7[%get3A_31, %get3A_32] : memref<128x1xf32, #tpu.memory_space<vmem>>, vector<128x1xf32>
    %dot_general3A_34 = arith.constant dense<0.000000e+00> : vector<1000x1xf32>
    %dot_general3A_35 = tpu.matmul %dot_general3A_13, %get3A_33, %dot_general3A_34 {dimension_numbers = #tpu.dot_dimension_numbers<[1], [0], [0], [1], [0, 0, 1, 1], [], []>, precision = #tpu.contract_precision<fp32>, transpose_lhs_hint = false} : vector<1000x128xf32>, vector<128x1xf32>, vector<1000x1xf32> -> vector<1000x1xf32>
    %swap3A_36 = arith.constant 0 : index
    %swap3A_37 = arith.constant 0 : index
    %swap3A_38 = vector.load %arg11[%swap3A_36, %swap3A_37] : memref<1000x1xf32, #tpu.memory_space<vmem>>, vector<1000x1xf32>
    tpu.vector_store %arg11[%swap3A_36, %swap3A_37], %dot_general3A_35 {strides = array<i32>} : memref<1000x1xf32, #tpu.memory_space<vmem>>, vector<1000x1xf32>,
    %get3A_39 = arith.constant 0 : index
    %get3A_40 = arith.constant 0 : index
    %get3A_41 = vector.load %arg5[%get3A_39, %get3A_40] : memref<128x1xf32, #tpu.memory_space<vmem>>, vector<128x1xf32>
    %dot_general3A_42 = arith.constant dense<0.000000e+00> : vector<1000x1xf32>
    %dot_general3A_43 = tpu.matmul %dot_general3A_5, %get3A_41, %dot_general3A_42 {dimension_numbers = #tpu.dot_dimension_numbers<[1], [0], [0], [1], [0, 0, 1, 1], [], []>, precision = #tpu.contract_precision<fp32>, transpose_lhs_hint = false} : vector<1000x128xf32>, vector<128x1xf32>, vector<1000x1xf32> -> vector<1000x1xf32>
    %ge3A = arith.constant 0.000000e+00 : f32
    %ge3A_44 = vector.broadcast %ge3A : f32 to vector<1000x1xf32>
    %ge3A_45 = arith.cmpf oge, %dot_general3A_43, %ge3A_44 : vector<1000x1xf32>
    %mul3A = arith.constant 2.000000e-01 : f32
    %mul3A_46 = vector.broadcast %mul3A : f32 to vector<1000x1xf32>
    %mul3A_47 = arith.mulf %mul3A_46, %dot_general3A_43 : vector<1000x1xf32>
    %select_n3A = arith.select %ge3A_45, %dot_general3A_43, %mul3A_47 : vector<1000x1xi1>, vector<1000x1xf32>
    %swap3A_48 = arith.constant 0 : index
    %swap3A_49 = arith.constant 0 : index
    %swap3A_50 = vector.load %arg12[%swap3A_48, %swap3A_49] : memref<1000x1xf32, #tpu.memory_space<vmem>>, vector<1000x1xf32>
    tpu.vector_store %arg12[%swap3A_48, %swap3A_49], %select_n3A {strides = array<i32>} : memref<1000x1xf32, #tpu.memory_space<vmem>>, vector<1000x1xf32>,
    return
  }
  func.func @transform_0(%arg0: i32) -> (i32, i32) {
    %c0_i32 = arith.constant 0 : i32
    %c0_i32_0 = arith.constant 0 : i32
    return %arg0, %c0_i32 : i32, i32
  }
  func.func @transform_1(%arg0: i32) -> (i32, i32) {
    %c0_i32 = arith.constant 0 : i32
    %c0_i32_0 = arith.constant 0 : i32
    return %arg0, %c0_i32 : i32, i32
  }
  func.func @transform_2(%arg0: i32) -> (i32, i32) {
    %c0_i32 = arith.constant 0 : i32
    %c0_i32_0 = arith.constant 0 : i32
    %c0_i32_1 = arith.constant 0 : i32
    return %c0_i32, %c0_i32_0 : i32, i32
  }
  func.func @transform_3(%arg0: i32) -> (i32, i32) {
    %c0_i32 = arith.constant 0 : i32
    %c0_i32_0 = arith.constant 0 : i32
    %c0_i32_1 = arith.constant 0 : i32
    return %c0_i32, %c0_i32_0 : i32, i32
  }
  func.func @transform_4(%arg0: i32) -> (i32, i32) {
    %c0_i32 = arith.constant 0 : i32
    %c0_i32_0 = arith.constant 0 : i32
    %c0_i32_1 = arith.constant 0 : i32
    return %c0_i32, %c0_i32_0 : i32, i32
  }
  func.func @transform_5(%arg0: i32) -> (i32, i32) {
    %c0_i32 = arith.constant 0 : i32
    %c0_i32_0 = arith.constant 0 : i32
    %c0_i32_1 = arith.constant 0 : i32
    return %c0_i32, %c0_i32_0 : i32, i32
  }
  func.func @transform_6(%arg0: i32) -> (i32, i32) {
    %c0_i32 = arith.constant 0 : i32
    %c0_i32_0 = arith.constant 0 : i32
    %c0_i32_1 = arith.constant 0 : i32
    return %c0_i32, %c0_i32_0 : i32, i32
  }
  func.func @transform_7(%arg0: i32) -> (i32, i32) {
    %c0_i32 = arith.constant 0 : i32
    %c0_i32_0 = arith.constant 0 : i32
    return %arg0, %c0_i32 : i32, i32
  }
  func.func @transform_8(%arg0: i32) -> (i32, i32, i32) {
    %c0_i32 = arith.constant 0 : i32
    %c0_i32_0 = arith.constant 0 : i32
    %c0_i32_1 = arith.constant 0 : i32
    return %c0_i32, %arg0, %c0_i32_0 : i32, i32, i32
  }
  func.func @transform_9(%arg0: i32) -> (i32, i32) {
    %c0_i32 = arith.constant 0 : i32
    %c0_i32_0 = arith.constant 0 : i32
    return %arg0, %c0_i32 : i32, i32
  }
  func.func @transform_10(%arg0: i32) -> (i32, i32) {
    %c0_i32 = arith.constant 0 : i32
    %c0_i32_0 = arith.constant 0 : i32
    return %arg0, %c0_i32 : i32, i32
  }
  func.func @transform_11(%arg0: i32) -> (i32, i32) {
    %c0_i32 = arith.constant 0 : i32
    %c0_i32_0 = arith.constant 0 : i32
    return %arg0, %c0_i32 : i32, i32
  }
}

module attributes {stable_mosaic.version = 14 : i64} {
  func.func @_softmax_body(%arg0: memref<2500x128xf32, #tpu.memory_space<vmem>>, %arg1: memref<10000x1xf32, #tpu.memory_space<vmem>>, %arg2: memref<2500x128xf32, #tpu.memory_space<vmem>>, %arg3: memref<10000x1xf32, #tpu.memory_space<vmem>>) attributes {dimension_semantics = [], scalar_prefetch = 0 : i64, scratch_operands = 0 : i64, tpu.core_type = #tpu.core_type<tc>} {
    %get3A = arith.constant 0 : index
    %get3A_0 = arith.constant 0 : index
    %get3A_1 = vector.load %arg0[%get3A, %get3A_0] : memref<2500x128xf32, #tpu.memory_space<vmem>>, vector<2500x128xf32>
    %get3A_2 = arith.constant 0 : index
    %get3A_3 = arith.constant 0 : index
    %get3A_4 = vector.load %arg1[%get3A_2, %get3A_3] : memref<10000x1xf32, #tpu.memory_space<vmem>>, vector<10000x1xf32>
    %reduce_max3A = vector.shape_cast %get3A_1 : vector<2500x128xf32> to vector<1x2500x128xf32>
    %reduce_max3A_5 = arith.constant dense<0xFF800000> : vector<1xf32>
    %reduce_max3A_6 = vector.multi_reduction <maximumf>, %reduce_max3A, %reduce_max3A_5 [1, 2] : vector<1x2500x128xf32> to vector<1xf32>
    %reduce_max3A_7 = vector.shape_cast %reduce_max3A_6 : vector<1xf32> to vector<1x1x1xf32>
    %reduce_max3A_8 = vector.extract %reduce_max3A_7[0, 0, 0] : f32 from vector<1x1x1xf32>
    %reduce_max3A_9 = vector.shape_cast %get3A_4 : vector<10000x1xf32> to vector<1x10000x1xf32>
    %reduce_max3A_10 = arith.constant dense<0xFF800000> : vector<1xf32>
    %reduce_max3A_11 = vector.multi_reduction <maximumf>, %reduce_max3A_9, %reduce_max3A_10 [1, 2] : vector<1x10000x1xf32> to vector<1xf32>
    %reduce_max3A_12 = vector.shape_cast %reduce_max3A_11 : vector<1xf32> to vector<1x1x1xf32>
    %reduce_max3A_13 = vector.extract %reduce_max3A_12[0, 0, 0] : f32 from vector<1x1x1xf32>
    %max3A = arith.maximumf %reduce_max3A_8, %reduce_max3A_13 : f32
    %sub3A = vector.broadcast %max3A : f32 to vector<2500x128xf32>
    %sub3A_14 = arith.subf %get3A_1, %sub3A : vector<2500x128xf32>
    %exp3A = math.exp %sub3A_14 : vector<2500x128xf32>
    %sub3A_15 = vector.broadcast %max3A : f32 to vector<10000x1xf32>
    %sub3A_16 = arith.subf %get3A_4, %sub3A_15 : vector<10000x1xf32>
    %exp3A_17 = math.exp %sub3A_16 : vector<10000x1xf32>
    %reduce_sum3A = vector.shape_cast %exp3A : vector<2500x128xf32> to vector<1x2500x128xf32>
    %reduce_sum3A_18 = arith.constant dense<0.000000e+00> : vector<1xf32>
    %reduce_sum3A_19 = vector.multi_reduction <add>, %reduce_sum3A, %reduce_sum3A_18 [1, 2] : vector<1x2500x128xf32> to vector<1xf32>
    %reduce_sum3A_20 = vector.shape_cast %reduce_sum3A_19 : vector<1xf32> to vector<1x1x1xf32>
    %reduce_sum3A_21 = vector.extract %reduce_sum3A_20[0, 0, 0] : f32 from vector<1x1x1xf32>
    %reduce_sum3A_22 = vector.shape_cast %exp3A_17 : vector<10000x1xf32> to vector<1x10000x1xf32>
    %reduce_sum3A_23 = arith.constant dense<0.000000e+00> : vector<1xf32>
    %reduce_sum3A_24 = vector.multi_reduction <add>, %reduce_sum3A_22, %reduce_sum3A_23 [1, 2] : vector<1x10000x1xf32> to vector<1xf32>
    %reduce_sum3A_25 = vector.shape_cast %reduce_sum3A_24 : vector<1xf32> to vector<1x1x1xf32>
    %reduce_sum3A_26 = vector.extract %reduce_sum3A_25[0, 0, 0] : f32 from vector<1x1x1xf32>
    %add3A = arith.addf %reduce_sum3A_21, %reduce_sum3A_26 : f32
    %div3A = vector.broadcast %add3A : f32 to vector<2500x128xf32>
    %div3A_27 = arith.divf %exp3A, %div3A : vector<2500x128xf32>
    %swap3A = arith.constant 0 : index
    %swap3A_28 = arith.constant 0 : index
    %swap3A_29 = vector.load %arg2[%swap3A, %swap3A_28] : memref<2500x128xf32, #tpu.memory_space<vmem>>, vector<2500x128xf32>
    tpu.vector_store %arg2[%swap3A, %swap3A_28], %div3A_27 {strides = array<i32>} : memref<2500x128xf32, #tpu.memory_space<vmem>>, vector<2500x128xf32>,
    %div3A_30 = vector.broadcast %add3A : f32 to vector<10000x1xf32>
    %div3A_31 = arith.divf %exp3A_17, %div3A_30 : vector<10000x1xf32>
    %swap3A_32 = arith.constant 0 : index
    %swap3A_33 = arith.constant 0 : index
    %swap3A_34 = vector.load %arg3[%swap3A_32, %swap3A_33] : memref<10000x1xf32, #tpu.memory_space<vmem>>, vector<10000x1xf32>
    tpu.vector_store %arg3[%swap3A_32, %swap3A_33], %div3A_31 {strides = array<i32>} : memref<10000x1xf32, #tpu.memory_space<vmem>>, vector<10000x1xf32>,
    return
  }
}

module attributes {stable_mosaic.version = 14 : i64} {
  func.func @_combine_body(%arg0: i32, %arg1: memref<1000x128xf32, #tpu.memory_space<vmem>>, %arg2: memref<1000x1xf32, #tpu.memory_space<vmem>>, %arg3: memref<2x1000x80xf32, #tpu.memory_space<vmem>>, %arg4: memref<16x128xf32, #tpu.memory_space<vmem>>, %arg5: memref<1000x128xf32, #tpu.memory_space<vmem>>) attributes {dimension_semantics = [#tpu.dimension_semantics<arbitrary>], iteration_bounds = array<i64: 10>, scalar_prefetch = 0 : i64, scratch_operands = 0 : i64, tpu.core_type = #tpu.core_type<tc>, window_params = [{transform_indices = @transform_0, window_bounds = array<i64: 1000, 128>}, {transform_indices = @transform_1, window_bounds = array<i64: 1000, 1>}, {transform_indices = @transform_2, window_bounds = array<i64: 2, 1000, 80>}, {pipeline_mode = #tpu.pipeline_mode<synchronous>, transform_indices = @transform_3, window_bounds = array<i64: 16, 128>}, {transform_indices = @transform_4, window_bounds = array<i64: 1000, 128>}]} {
    %get3A = arith.constant 0 : index
    %get3A_0 = arith.constant 0 : index
    %get3A_1 = arith.constant 0 : index
    %get3A_2 = vector.load %arg3[%get3A, %get3A_0, %get3A_1] : memref<2x1000x80xf32, #tpu.memory_space<vmem>>, vector<1x1000x64xf32>
    %get3A_3 = vector.shape_cast %get3A_2 : vector<1x1000x64xf32> to vector<1000x64xf32>
    %get3A_4 = arith.constant 1 : index
    %get3A_5 = arith.constant 0 : index
    %get3A_6 = arith.constant 0 : index
    %get3A_7 = vector.load %arg3[%get3A_4, %get3A_5, %get3A_6] : memref<2x1000x80xf32, #tpu.memory_space<vmem>>, vector<1x1000x64xf32>
    %get3A_8 = vector.shape_cast %get3A_7 : vector<1x1000x64xf32> to vector<1000x64xf32>
    %concatenate3A = tpu.concatenate %get3A_3, %get3A_8 in 1 : vector<1000x64xf32>, vector<1000x64xf32> -> vector<1000x128xf32>
    %get3A_9 = arith.constant 0 : index
    %get3A_10 = arith.constant 0 : index
    %get3A_11 = arith.constant 64 : index
    %get3A_12 = vector.load %arg3[%get3A_9, %get3A_10, %get3A_11] : memref<2x1000x80xf32, #tpu.memory_space<vmem>>, vector<1x1000x16xf32>
    %get3A_13 = vector.shape_cast %get3A_12 : vector<1x1000x16xf32> to vector<1000x16xf32>
    %get3A_14 = arith.constant 0 : index
    %get3A_15 = arith.constant 0 : index
    %get3A_16 = vector.load %arg2[%get3A_14, %get3A_15] : memref<1000x1xf32, #tpu.memory_space<vmem>>, vector<1000x1xf32>
    %get3A_17 = arith.constant 0 : index
    %get3A_18 = arith.constant 0 : index
    %get3A_19 = vector.load %arg1[%get3A_17, %get3A_18] : memref<1000x128xf32, #tpu.memory_space<vmem>>, vector<1000x128xf32>
    %mul3A = vector.broadcast %get3A_16 : vector<1000x1xf32> to vector<1000x128xf32>
    %mul3A_20 = arith.mulf %mul3A, %get3A_19 : vector<1000x128xf32>
    %add3A = arith.addf %mul3A_20, %concatenate3A : vector<1000x128xf32>
    %get3A_21 = arith.constant 0 : index
    %get3A_22 = arith.constant 0 : index
    %get3A_23 = vector.load %arg4[%get3A_21, %get3A_22] : memref<16x128xf32, #tpu.memory_space<vmem>>, vector<16x128xf32>
    %dot_general3A = arith.constant dense<0.000000e+00> : vector<1000x128xf32>
    %dot_general3A_24 = tpu.matmul %get3A_13, %get3A_23, %dot_general3A {dimension_numbers = #tpu.dot_dimension_numbers<[1], [0], [0], [1], [0, 0, 1, 1], [], []>, precision = #tpu.contract_precision<fp32>, transpose_lhs_hint = false} : vector<1000x16xf32>, vector<16x128xf32>, vector<1000x128xf32> -> vector<1000x128xf32>
    %add3A_25 = arith.addf %add3A, %dot_general3A_24 : vector<1000x128xf32>
    %gt3A = arith.constant 0.000000e+00 : f32
    %gt3A_26 = vector.broadcast %gt3A : f32 to vector<1000x128xf32>
    %gt3A_27 = arith.cmpf ogt, %add3A_25, %gt3A_26 : vector<1000x128xf32>
    %min3A = arith.constant 0.000000e+00 : f32
    %min3A_28 = vector.broadcast %min3A : f32 to vector<1000x128xf32>
    %min3A_29 = arith.minimumf %add3A_25, %min3A_28 : vector<1000x128xf32>
    %exp3A = math.exp %min3A_29 : vector<1000x128xf32>
    %sub3A = arith.constant 1.000000e+00 : f32
    %sub3A_30 = vector.broadcast %sub3A : f32 to vector<1000x128xf32>
    %sub3A_31 = arith.subf %exp3A, %sub3A_30 : vector<1000x128xf32>
    %select_n3A = arith.select %gt3A_27, %add3A_25, %sub3A_31 : vector<1000x128xi1>, vector<1000x128xf32>
    %swap3A = arith.constant 0 : index
    %swap3A_32 = arith.constant 0 : index
    %swap3A_33 = vector.load %arg5[%swap3A, %swap3A_32] : memref<1000x128xf32, #tpu.memory_space<vmem>>, vector<1000x128xf32>
    tpu.vector_store %arg5[%swap3A, %swap3A_32], %select_n3A {strides = array<i32>} : memref<1000x128xf32, #tpu.memory_space<vmem>>, vector<1000x128xf32>,
    return
  }
  func.func @transform_0(%arg0: i32) -> (i32, i32) {
    %c0_i32 = arith.constant 0 : i32
    %c0_i32_0 = arith.constant 0 : i32
    return %arg0, %c0_i32 : i32, i32
  }
  func.func @transform_1(%arg0: i32) -> (i32, i32) {
    %c0_i32 = arith.constant 0 : i32
    %c0_i32_0 = arith.constant 0 : i32
    return %arg0, %c0_i32 : i32, i32
  }
  func.func @transform_2(%arg0: i32) -> (i32, i32, i32) {
    %c0_i32 = arith.constant 0 : i32
    %c0_i32_0 = arith.constant 0 : i32
    %c0_i32_1 = arith.constant 0 : i32
    return %c0_i32, %arg0, %c0_i32_0 : i32, i32, i32
  }
  func.func @transform_3(%arg0: i32) -> (i32, i32) {
    %c0_i32 = arith.constant 0 : i32
    %c0_i32_0 = arith.constant 0 : i32
    %c0_i32_1 = arith.constant 0 : i32
    return %c0_i32, %c0_i32_0 : i32, i32
  }
  func.func @transform_4(%arg0: i32) -> (i32, i32) {
    %c0_i32 = arith.constant 0 : i32
    %c0_i32_0 = arith.constant 0 : i32
    return %arg0, %c0_i32 : i32, i32
  }
}

</mosaic_0001>

<sc_bundles>
// kernel: kernel.11.cloned.1.call-start
scs
__scs_entry_jumppad:
0x0: {  	(pc) =	sbr.rel $0x88, $3  }
0x1: {  	(tag) =	ssettag $0x0;
	lr =	simm.s32 $0x1  }
0x2: {  	[smem:$0x3F99] =	sst lr;
	_ =	strace $0xD0000000  }
0x3: {  	_ = 	snop  }
0x4: {  	_ = 	snop  }
0x5: {  	_ = 	snop  }
0x6: {  	_ = 	snop  }
0x7: {  	_ = 	snop  }
__scs_overlays_trampoline_lowered:
0x8: {  	[smem:$0x3FA8] =	sst s0  }
0x9: {  	[smem:$0x3FA9] =	sst s1  }
0xa: {  	[smem:$0x3FAA] =	sst s2  }
0xb: {  	[smem:$0x3FAB] =	sst s3  }
0xc: {  	[smem:$0x3FAC] =	sst s4  }
0xd: {  	[smem:$0x3FAD] =	sst s5  }
0xe: {  	[smem:$0x3FAE] =	sst s6  }
0xf: {  	[smem:$0x3FAF] =	sst s7  }
0x10: {  	[smem:$0x3FB0] =	sst s8  }
0x11: {  	[smem:$0x3FB1] =	sst s9;
	s0 =	simm.s32 @!p0 $0x0  }
0x12: {  	s1 =	sld [smem:$0x3F97];
	s0 =	simm.s32 @p0 $0x1  }
0x13: {  	[smem:$0x3FB2] =	sst s0;
	s0 =	simm.s32 @!p1 $0x0  }
0x14: {  	s2 =	sld [smem:$0x3F96];
	s0 =	simm.s32 @p1 $0x1  }
0x15: {  	[smem:$0x3FB3] =	sst s0;
	s0 =	simm.s32 @!p2 $0x0  }
0x16: {  	s3 =	sld [smem:$0x3FDB];
	s0 =	simm.s32 @p2 $0x1  }
0x17: {  	s4 =	simm.s32 $0x1BF5;
	[smem:$0x3FB5] =	sst s0  }
0x18: {  	s0 =	sld [smem:$0x3F98];
	_ =	swait.ge [sflag:s4], $0x0  }
0x19: {  	s7 =	sld [smem:$0x3F99]  }
0x1a: {  	s8 =	sadd.s32 $0xFFFFE003, lr  }
0x1b: {  	s9 =	sadd.s32 $0xFFFFFEF7, lr;
	s5 =	simm.s32 $0xFFFFFFFF;
	p2 =	slt.u32 s8, $0xFFFFF086  }
0x1c: {  	p1 =	slt.u32 s9, $0xF7A;
	s5 =	simm.s32 @!p2 $0x0  }
0x1d: {  	s5 =	simm.s32 @p1 $0x1;
	p0 =	seq.s32 s7, s2  }
0x1e: {  	s7 =	smul.u32 @!p0 $0xF7A, s2;
	p2 =	seq.s32 @!p0 s5, $0x0  }
0x1f: {  	s9 =	smul.u32 $0xF7A, s1;
	s8 =	simm.s32 @!p0 $0x1BF5;
	p2 =	por !p2, p0  }
0x20: {  	[sflag:s8] =	ssyncset.s32 @!p0 $0xFFFFF086;
	s6 =	sadd.s32 @!p0 s3, s7;
	s7 =	simm.s32 @!p0 $0x108  }
0x21: {  	s3 =	sadd.s32 s3, s9;
	s6 =	sadd.s32 @!p0 $0x88, s6;
	s7 =	simm.s32 @p2 $0x1082  }
0x22: {  	[simem:s7], [sflag:s8] =	dma.local @!p0 [hbm:s6], $0xF7A  }
0x23: {  	s9 =	sor.u32 $0xD0000000, s2;
	s6 =	simm.s32 $0x108;
	_ =	swait.ge @!p0 [sflag:s8], $0x0  }
0x24: {  	s3 =	sadd.s32 $0x88, s3;
	s6 =	simm.s32 @!p1 $0x1082;
	[sflag:s4] =	ssyncset.s32 $0xFFFFF086  }
0x25: {  	[simem:s6], [sflag:s4] =	dma.local [hbm:s3], $0xF7A  }
0x26: {  	[smem:$0x3F99] =	sst s1;
	(tag) =	ssettag s2;
	_ =	strace s9  }
0x27: {  	s1 =	sld [smem:$0x3FA9]  }
0x28: {  	s2 =	sld [smem:$0x3FAA]  }
0x29: {  	s4 =	sld [smem:$0x3FAC]  }
0x2a: {  	p0 =	seq.s32 s5, $0x0;
	s5 =	sld [smem:$0x3FAD]  }
0x2b: {  	s6 =	sld [smem:$0x3FAE]  }
0x2c: {  	s7 =	sld [smem:$0x3FAF]  }
0x2d: {  	s3 =	simm.s32 $0x108;
	s8 =	sld [smem:$0x3FB0]  }
0x2e: {  	s3 =	simm.s32 @!p0 $0x1082;
	s9 =	sld [smem:$0x3FB1]  }
0x2f: {  	lr =	sadd.s32 s0, s3;
	s0 =	sld [smem:$0x3FA8]  }
0x30: {  	s3 =	sld [smem:$0x3FAB]  }
0x31: {  	[smem:$0x3FB4] =	sst s10  }
0x32: {  	s10 =	sld [smem:$0x3FB2];
	_ =	sdelay $0x3  }
0x33: {  	p0 =	seq.s32 s10, $0x1;
	s10 =	sld [smem:$0x3FB4];
	_ =	sdelay $0x3  }
0x34: {  	[smem:$0x3FB4] =	sst s10  }
0x35: {  	s10 =	sld [smem:$0x3FB3];
	_ =	sdelay $0x3  }
0x36: {  	p1 =	seq.s32 s10, $0x1;
	s10 =	sld [smem:$0x3FB4];
	_ =	sdelay $0x3  }
0x37: {  	[smem:$0x3FB4] =	sst s10  }
0x38: {  	s10 =	sld [smem:$0x3FB5]  }
0x39: {  	_ = 	snop;
	(pc) =	sbr.ind lr, $3  }
0x3a: {  	_ = 	snop  }
0x3b: {  	_ = 	snop  }
0x3c: {  	p2 =	seq.s32 s10, $0x1;
	s10 =	sld [smem:$0x3FB4]  }
0x3d: {  	_ =	shalt  }
0x3e: {  	_ =	shalt  }
0x3f: {  	_ =	shalt  }
0x40: {  	_ =	shalt  }
0x41: {  	_ =	shalt  }
0x42: {  	_ =	shalt  }
0x43: {  	_ =	shalt  }
0x44: {  	_ =	shalt  }
0x45: {  	_ =	shalt  }
0x46: {  	_ =	shalt  }
0x47: {  	_ =	shalt  }
0x48: {  	_ =	shalt  }
0x49: {  	_ =	shalt  }
0x4a: {  	_ =	shalt  }
0x4b: {  	_ =	shalt  }
0x4c: {  	_ =	shalt  }
0x4d: {  	_ =	shalt  }
0x4e: {  	_ =	shalt  }
0x4f: {  	_ =	shalt  }
0x50: {  	_ =	shalt  }
0x51: {  	_ =	shalt  }
0x52: {  	_ =	shalt  }
0x53: {  	_ =	shalt  }
0x54: {  	_ =	shalt  }
0x55: {  	_ =	shalt  }
0x56: {  	_ =	shalt  }
0x57: {  	_ =	shalt  }
0x58: {  	_ =	shalt  }
0x59: {  	_ =	shalt  }
0x5a: {  	_ =	shalt  }
0x5b: {  	_ =	shalt  }
0x5c: {  	_ =	shalt  }
0x5d: {  	_ =	shalt  }
0x5e: {  	_ =	shalt  }
0x5f: {  	_ =	shalt  }
0x60: {  	_ =	shalt  }
0x61: {  	_ =	shalt  }
0x62: {  	_ =	shalt  }
0x63: {  	_ =	shalt  }
0x64: {  	_ =	shalt  }
0x65: {  	_ =	shalt  }
0x66: {  	_ =	shalt  }
0x67: {  	_ =	shalt  }
0x68: {  	_ =	shalt  }
0x69: {  	_ =	shalt  }
0x6a: {  	_ =	shalt  }
0x6b: {  	_ =	shalt  }
0x6c: {  	_ =	shalt  }
0x6d: {  	_ =	shalt  }
0x6e: {  	_ =	shalt  }
0x6f: {  	_ =	shalt  }
0x70: {  	_ =	shalt  }
0x71: {  	_ =	shalt  }
0x72: {  	_ =	shalt  }
0x73: {  	_ =	shalt  }
0x74: {  	_ =	shalt  }
0x75: {  	_ =	shalt  }
0x76: {  	_ =	shalt  }
0x77: {  	_ =	shalt  }
0x78: {  	_ =	shalt  }
0x79: {  	_ =	shalt  }
0x7a: {  	_ =	shalt  }
0x7b: {  	_ =	shalt  }
0x7c: {  	_ =	shalt  }
0x7d: {  	_ =	shalt  }
0x7e: {  	_ =	shalt  }
0x7f: {  	_ =	shalt  }
0x80: {  	_ =	shalt  }
0x81: {  	_ =	shalt  }
0x82: {  	_ =	shalt  }
0x83: {  	_ =	shalt  }
0x84: {  	_ =	shalt  }
0x85: {  	_ =	shalt  }
0x86: {  	_ =	shalt  }
0x87: {  	_ =	shalt  }
.Lfunc_end0:
.L_simem_size_0:
called_computation.1_lowered:
.L_overlay_start_0:
0x88: {  	s2 =	sld [smem:$0x3FD9]  }
0x89: {  	s3 =	sld [smem:$0x3FFE];
	_ =	sdelay $0x1  }
0x8a: {  	s1 =	srdreg.scid  }
0x8b: {  	s0 =	sand.u32 $0x1, s1  }
0x8c: {  	s17 =	sshll.u32 s0, $0xA;
	s2 =	sadd.s32 s3, s2  }
0x8d: {  	s2 =	sadd.s32 s2, s17  }
0x8e: {  	[smem:$0x3FC0] =	sst s2  }
0x8f: {  	_ = 	snop  }
0x90: {  	s2 =	sld [smem:$0x3FD0];
	(tm) =	ssettm $0x1  }
0x91: {  	s18 =	sld [smem:$0x3FFB];
	_ =	sdelay $0x3  }
0x92: {  	_ =	strace s18  }
0x93: {  	s3 =	sld [smem:$0x3FFC];
	_ =	sdelay $0x3  }
0x94: {  	_ =	strace s3  }
0x95: {  	s3 =	sld [smem:$0x3FFD];
	_ =	sdelay $0x3  }
0x96: {  	_ =	strace s3  }
0x97: {  	_ =	strace $0x8FFFFFFF  }
0x98: {  	s19 =	sld [smem:$0x3FDB];
	_ =	sdelay $0x1  }
0x99: {  	s4 =	simm.s32 $_scs_section_size  }
0x9a: {  	s5 =	simm.s32 $_size__tile_overlayer_lowered;
	s6 =	simm.s32 $_tile_overlayer_lowered  }
0x9b: {  	s22 =	simm.s32 $0x1BFF;
	s21 =	sshll.u32 s6, $0x1;
	s3 =	sadd.s32 s4, s19  }
0x9c: {  	s7 =	simm.s32 $0x0;
	s20 =	sshll.u32 s5, $0x1;
	s5 =	sadd.s32 s21, s3  }
0x9d: {  	[timem:s7], [sflag:s22] =	dma.local [hbm:s5], s20  }
0x9e: {  	_ =	swait.ge [sflag:s22], s20  }
0x9f: {  	s4 =	ssub.s32 $0x0, s20;
	[sflag:s22] =	ssyncset.done $0x0  }
0xa0: {  	[sflag:s22] =	ssyncadd.s32 s4;
	_ =	sdelay $0x1  }
0xa1: {  	s23 =	simm.s32 $0x1B8B  }
0xa2: {  	_ =	swait.ge [sflag:s23], $0x1  }
0xa3: {  	[sflag:s23] =	ssyncset.done $0x0  }
0xa4: {  	s25 =	simm.s32 $0x1B8E;
	s24 =	sld [smem:$0x3FFE];
	[sflag:s23] =	ssyncadd.s32 $0xFFFFFFFF  }
0xa5: {  	s26 =	simm.s32 $execute0_lowered;
	[smem:$0x3FD2] =	sst s25  }
0xa6: {  	s5 =	sshll.u32 s26, $0x1;
	_ =	strace $0x80000049;
	[dreg:$0x1] =	wrdreg $0xFFFFFFFF  }
0xa7: {  	s28 =	simm.s32 $_size_execute0_lowered;
	s3 =	sadd.s32 s3, s5;
	[dreg:$0x0] =	wrdreg $0x0  }
0xa8: {  	s5 =	sshll.u32 s28, $0x1;
	[dreg:$0x2] =	wrdreg s3  }
0xa9: {  	[dreg:$0x3] =	wrdreg s5  }
0xaa: {  	[dreg:$0x4] =	wrdreg $0xC0  }
0xab: {  	_ =	task [dreg:s7], $0x5FFFF  }
0xac: {  	[dreg:$0x1] =	wrdreg $0xFFFFFFFF  }
0xad: {  	[dreg:$0x0] =	wrdreg $0x60  }
0xae: {  	[dreg:$0x2] =	wrdreg s2  }
0xaf: {  	[dreg:$0x3] =	wrdreg s24  }
0xb0: {  	[dreg:$0x4] =	wrdreg $0x100E00  }
0xb1: {  	[dreg:$0x5] =	wrdreg $0x9  }
0xb2: {  	_ =	task.clear_ibuf [dreg:s7], $0x6FFFF;
	_ =	strace $0x90000049  }
0xb3: {  	s29 =	simm.s32 $0x9;
	_ =	strace $0x8000004B  }
0xb4: {  	_ =	swait.ge [sflag:s29], $0x1  }
0xb5: {  	[sflag:s29] =	ssyncadd.s32 $0xFFFFFFFF  }
0xb6: {  	_ =	strace $0x9000004B  }
0xb7: {  	_ =	sfence  }
0xb8: {  	s30 =	sld [smem:$0x0];
	_ =	sdelay $0x2  }
0xb9: {  	s31 =	sshll.u32 s1, $0xD;
	s1 =	sshrl.u32 s1, $0x2  }
0xba: {  	s3 =	sand.u32 $0x4000, s31;
	s1 =	sadd.s32 s1, s30  }
0xbb: {  	s0 =	sor.u32 s3, s0;
	s1 =	sshll.u32 s1, $0x11  }
0xbc: {  	s0 =	sor.u32 s1, s0  }
0xbd: {  	s0 =	sadd.s32 $0x8F2B, s0  }
0xbe: {  	[sflag:s0] =	ssyncadd.remote.s32 $0x1  }
0xbf: {  	_ =	sfence.sel $0xFFFF  }
0xc0: {  	[dreg:$0x0] =	wrdreg $0xFFFFFFFF;
	(pc) =	sbr.abs _section_cstart, $3  }
0xc1: {  	[dreg:$0x1] =	wrdreg $0xFFFFFFFF  }
0xc2: {  	_ =	task.clear_ibuf [dreg:s7], $0x2FFFF;
	_ =	strace $0x9FFFFFFF  }
0xc3: {  	(tm) =	ssettm $0x7FFFFFFF  }
tec
execute0_lowered:
.L_overlay_start_1:
0x0: {  	(tag) =	ssettag $0x1  }
0x1: {  	s2 =	rddreg [dreg:$0x0]  }
0x2: {  	s0 =	rddreg [dreg:$0x1]  }
0x3: {  	s3 =	rddreg [dreg:$0x2];
	s10 =	stileid.u32  }
0x4: {  	s6 =	srdreg.scid;
	s4 =	simm.s32 $0x0;
	s16 =	simm.s32 $0x5  }
0x5: {  	s20 =	simm.s32 $0x50;
	s28 =	simm.s32 $0x2;
	s1 =	smul.u32 $0x4E20, s10  }
0x6: {  	s29 =	simm.s32 $0xE7E0;
	s30 =	simm.s32 $0x3;
	s5 =	smul.u32 $0x9C4, s10  }
0x7: {  	s31 =	simm.s32 $0x4;
	s9 =	sand.u32 $0x1, s6;
	s21 =	smul.u32 $0xC800, s10  }
0x8: {  	[smem:$0x7FF] =	sst s4;
	s8 =	smul.u32 $0x9C40, s10;
	s11 =	sadd.s32 $0x1E000, s0  }
0x9: {  	s24 =	sshll.u32 s10, $0x6;
	s7 =	smul.u32 $0xC8000, s9;
	_ =	strace $0x8000004A  }
0xa: {  	s22 =	ssub.s32 $0x2, s9;
	[dreg:$0x4] =	wrdreg s11;
	s6 =	sor.u32 $0x1C05, s24  }
0xb: {  	s26 =	smul.u32 $0x2710, s9;
	s24 =	simm.s32 $0xBAE0;
	s1 =	sshrl.u32 s1, $0x3  }
0xc: {  	s5 =	sadd.s32 s5, s0;
	s13 =	sadd.s32 s8, s0;
	s23 =	sshrl.u32 s22, $0x1  }
0xd: {  	s14 =	sadd.s32 s21, s3;
	s1 =	sadd.s32 s1, s0;
	s7 =	sadd.s32 s21, s7  }
0xe: {  	v1 =	vimm.s32 $0x0;
	v2 =	vimm.s32 $0x1;
	s12 =	ssub.s32 s22, s23;
	s9 =	sadd.s32 $0x558C00, s13;
	s10 =	sadd.s32 $0x14200, s5  }
0xf: {  	v3 =	vimm.s32 $0x2;
	v4 =	vimm.s32 $0x3;
	v5 =	vimm.s32 $0x4;
	s18 =	sadd.s32 $0x558CA0, s13;
	s17 =	sadd.s32 $0x1420A, s5;
	s15 =	sshrl.u32 s14, $0x3  }
0x10: {  	v6 =	vimm.s32 $0x5;
	v7 =	vimm.s32 $0x6;
	v0 =	vmov s26;
	s22 =	simm.s32 $0xA1E0;
	s23 =	simm.s32 $0x9C90;
	s26 =	simm.s32 $0xCEE0  }
0x11: {  	v8 =	vimm.s32 $0x7;
	v9 =	vimm.s32 $0x8;
	v10 =	vimm.s32 $0x9;
	s7 =	sshrl.u32 s7, $0x3;
	s25 =	sadd.s32 $0x600, s1;
	s8 =	sadd.s32 $0xA400, s1  }
0x12: {  	v11 =	vimm.s32 $0xA;
	v12 =	vimm.s32 $0xB;
	v13 =	vimm.s32 $0xC;
	s12 =	smax.u32 s12, $0x1;
	s0 =	sadd.s32 s7, s0;
	[dreg:$0x5] =	wrdreg s25  }
0x13: {  	v14 =	vimm.s32 $0xD;
	v15 =	vimm.s32 $0xE;
	v16 =	vimm.s32 $0xF;
	s25 =	simm.s32 $0x1;
	s11 =	sadd.s32 $0x1FA00, s0;
	s0 =	simm.s32 $0x0  }
.LBB2_1:
0x14: {  	s1 =	rddreg [dreg:$0x4]  }
0x15: {  	[spmem:s15], [sflag:s6] =	dma.local [hbm:s1], $0x1900  }
0x16: {  	_ =	swait.ge [sflag:s16], $0x1900  }
0x17: {  	[sflag:s16] =	ssyncset.done $0x0  }
0x18: {  	s19 =	smul.u32 $0xCCCD, s4;
	[sflag:s16] =	ssyncadd.s32 $0xFFFFE700  }
0x19: {  	[bflag:$0x0] =	sbarrier.arrive $0xFFFF  }
0x1a: {  	s1 =	sshrl.u32 s19, $0x12;
	s14 =	rddreg [dreg:$0x5]  }
0x1b: {  	[tilespmem:s4], [sflag:$0x5] =	stream.linear.gather [hbm4b:s14+s4], $0x4E20, $0x38;
	[tilespmem:$0x1C8E0] =	vst v63  }
0x1c: {  	s5 =	smul.u32 $0x5, s1;
	_ =	swait.ge [sflag:s16], $0x4E20  }
0x1d: {  	s7 =	simm.s32 $0x4E20;
	s13 =	simm.s32 $0x1;
	[sflag:s16] =	ssyncset.done $0x0  }
0x1e: {  	s1 =	smul.u32 $0x140, s1;
	s5 =	ssub.s32 $0x0, s5;
	[sflag:s16] =	ssyncadd.s32 $0xFFFFB1E0  }
0x1f: {  	[tilespmem:s7], [sflag:$0x5] =	stream.linear.gather [hbm4b:s8+s4], $0x4E20, $0x38;
	[tilespmem:$0x1C8E0] =	vst v63  }
0x20: {  	s13 =	smul.u32 $0xCCCD, s13;
	s5 =	sand.u32 $0xFFFF, s5;
	_ =	swait.ge [sflag:s16], $0x4E20  }
0x21: {  	s1 =	sshrl.u32 s1, $0x2;
	s5 =	sshll.u32 s5, $0x4;
	[sflag:s16] =	ssyncset.done $0x0  }
0x22: {  	s1 =	sadd.s32 s5, s1;
	[sflag:s16] =	ssyncadd.s32 $0xFFFFB1E0  }
0x23: {  	s21 =	sshrl.u32 s13, $0x12;
	v17 =	vld [tilespmem:s1+$0x0]  }
0x24: {  	s14 =	smul.u32 $0x5, s21;
	_ =	sdelay $0x1  }
0x25: {  	s13 =	simm.s32 $0x2;
	s5 =	smul.u32 $0x140, s21;
	s14 =	ssub.s32 $0x1, s14  }
0x26: {  	s19 =	smul.u32 $0xCCCD, s13;
	s7 =	sand.u32 $0xFFFF, s14  }
0x27: {  	s21 =	sshrl.u32 s5, $0x2;
	s14 =	simm.s32 $0x3;
	s5 =	sshll.u32 s7, $0x4;
	v17 =	vadd.s32 v0, v17  }
.LBB2_2:
0x28: {  	p0 =	sne.s32 s14, $0x4E1;
	[tilespmem:s1+$0x0] =	vst v17;
	s1 =	sadd.s32 s5, s21;
	s5 =	sshrl.u32 s19, $0x12  }
0x29: {  	v17 =	vld [tilespmem:s1+$0x0];
	s7 =	smul.u32 $0x5, s5  }
.Ltmp0:
0x2a: {  	(pc) =	sbr.rel @p0 .LBB2_2-.Ltmp0, $4  }
0x2b: {  	_ = 	snop  }
0x2c: {  	s5 =	smul.u32 $0x140, s5;
	s7 =	ssub.s32 s13, s7;
	s13 =	smov.u32 s14  }
0x2d: {  	s19 =	smul.u32 $0xCCCD, s14;
	s7 =	sand.u32 $0xFFFF, s7  }
0x2e: {  	s14 =	sadd.s32 $0x1, s14;
	s21 =	sshrl.u32 s5, $0x2;
	s5 =	sshll.u32 s7, $0x4;
	v17 =	vadd.s32 v0, v17  }
0x2f: {  	s5 =	sadd.s32 s5, s21;
	[tilespmem:s1+$0x0] =	vst v17  }
0x30: {  	s21 =	sshrl.u32 s19, $0x12;
	v17 =	vld [tilespmem:s5+$0x0]  }
0x31: {  	s7 =	smul.u32 $0x5, s21;
	_ =	sdelay $0x1  }
0x32: {  	s1 =	smul.u32 $0x140, s21;
	s7 =	ssub.s32 s13, s7  }
0x33: {  	s7 =	sand.u32 $0xFFFF, s7  }
0x34: {  	s1 =	sshrl.u32 s1, $0x2;
	s7 =	sshll.u32 s7, $0x4;
	v17 =	vadd.s32 v0, v17  }
0x35: {  	s1 =	sadd.s32 s7, s1;
	[tilespmem:s5+$0x0] =	vst v17  }
0x36: {  	v17 =	vld [tilespmem:s1+$0x0];
	_ =	sdelay $0x4  }
0x37: {  	v17 =	vadd.s32 v0, v17  }
0x38: {  	s14 =	simm.s32 $0x9CE0;
	[tilespmem:s1+$0x0] =	vst v17;
	s1 =	simm.s32 $0x0  }
0x39: {  	[tilespmem:s14], [sflag:$0x1] =	stream.linear.gather [hbm4b:s9+s1], $0x500, $0x38;
	[tilespmem:$0x1C8E0] =	vst v63  }
0x3a: {  	s19 =	simm.s32 $0x9C40  }
0x3b: {  	[tilespmem:s19], [sflag:$0x1] =	stream.linear.gather [hbm4b:s10+s1], $0x50, $0x38;
	[tilespmem:$0x1C8E0] =	vst v63  }
0x3c: {  	s21 =	simm.s32 $0xA6E0;
	s13 =	smov.u32 s18;
	s14 =	smov.u32 s17  }
0x3d: {  	[tilespmem:s21], [sflag:$0x1] =	stream.indirect.gather [hbm4b:s2+s20], $0x40, s1, s20, $0xb8;
	[tilespmem:$0x1C8E0] =	vst v63  }
.LBB2_4:
0x3e: {  	[tilespmem:s22], [sflag:$0x2] =	stream.linear.gather [hbm4b:s13+s4], $0x500, $0x38;
	[tilespmem:$0x1C8E0] =	vst v63  }
0x3f: {  	s19 =	sshra.s32 s1, $0x2  }
0x40: {  	[tilespmem:s23], [sflag:$0x2] =	stream.linear.gather [hbm4b:s14+s4], $0x50, $0x38;
	[tilespmem:$0x1C8E0] =	vst v63  }
0x41: {  	s5 =	sadd.s32 $0x50, s19  }
0x42: {  	[tilespmem:s24], [sflag:$0x2] =	stream.indirect.gather [hbm4b:s2+s20], $0x40, s5, s20, $0xb8;
	[tilespmem:$0x1C8E0] =	vst v63  }
0x43: {  	_ =	swait.ge [sflag:s25], $0x500  }
0x44: {  	[sflag:s25] =	ssyncset.done $0x0  }
0x45: {  	[sflag:s25] =	ssyncadd.s32 $0xFFFFFB00  }
0x46: {  	_ =	swait.ge [sflag:s25], $0x50  }
0x47: {  	[sflag:s25] =	ssyncset.done $0x0  }
0x48: {  	[sflag:s25] =	ssyncadd.s32 $0xFFFFFFB0  }
0x49: {  	_ =	swait.ge [sflag:s25], $0x1400  }
0x4a: {  	p0 =	seq.s32 s1, $0x0;
	[sflag:s25] =	ssyncset.done $0x0  }
0x4b: {  	s5 =	simm.s32 @!p0 $0x3;
	[sflag:s25] =	ssyncadd.s32 $0xFFFFEC00  }
0x4c: {  	_ =	swait.ge @!p0 [sflag:s5], $0x1900  }
0x4d: {  	[sflag:s5] =	ssyncset.done @!p0 $0x0  }
0x4e: {  	[sflag:s5] =	ssyncadd.s32 @!p0 $0xFFFFE700  }
0x4f: {  	v18 =	vld [tilespmem:$0x9C40];
	_ =	sdelay $0x1  }
0x50: {  	v17 =	vld [tilespmem:$0xA6E0]  }
0x51: {  	v19 =	vld [tilespmem:$0xA6F0]  }
0x52: {  	v20 =	vld [tilespmem:$0xA700]  }
0x53: {  	v22 =	vld [tilespmem:$0xA710];
	v21 =	vperm.xlane v18, v1  }
0x54: {  	v23 =	vld [tilespmem:$0x9CE0]  }
0x55: {  	v24 =	vld [tilespmem:$0xA720];
	v17 =	vmul.f32 v17, v21  }
0x56: {  	v25 =	vld [tilespmem:$0xA730];
	v19 =	vmul.f32 v19, v21  }
0x57: {  	v58 =	vld [tilespmem:$0xA740];
	[tilespmem:$0xCEE0] =	vst v17;
	v17 =	vmul.f32 v20, v21  }
0x58: {  	v26 =	vld [tilespmem:$0xA750];
	v59 =	vperm.xlane v18, v2;
	[tilespmem:$0xCEF0] =	vst v19;
	v19 =	vmul.f32 v22, v21  }
0x59: {  	v60 =	vld [tilespmem:$0x9CF0];
	[tilespmem:$0xCF00] =	vst v17;
	v17 =	vmul.f32 v23, v21  }
0x5a: {  	v61 =	vld [tilespmem:$0xA760];
	[tilespmem:$0xCF10] =	vst v19;
	v19 =	vmul.f32 v24, v59  }
0x5b: {  	v62 =	vld [tilespmem:$0xA770];
	[tilespmem:$0xCF20] =	vst v17;
	v17 =	vmul.f32 v25, v59  }
0x5c: {  	v63 =	vld [tilespmem:$0xA780];
	[tilespmem:$0xCF30] =	vst v19;
	v19 =	vmul.f32 v58, v59  }
0x5d: {  	v29 =	vld [tilespmem:$0xA790];
	v28 =	vperm.xlane v18, v3;
	[tilespmem:$0xCF40] =	vst v17;
	v17 =	vmul.f32 v26, v59  }
0x5e: {  	v30 =	vld [tilespmem:$0x9D00];
	[tilespmem:$0xCF50] =	vst v19;
	v19 =	vmul.f32 v60, v59  }
0x5f: {  	v31 =	vld [tilespmem:$0xA7A0];
	[tilespmem:$0xCF60] =	vst v17;
	v17 =	vmul.f32 v61, v28  }
0x60: {  	v32 =	vld [tilespmem:$0xA7B0];
	[tilespmem:$0xCF70] =	vst v19;
	v19 =	vmul.f32 v62, v28  }
0x61: {  	v33 =	vld [tilespmem:$0xA7C0];
	[tilespmem:$0xCF80] =	vst v17;
	v17 =	vmul.f32 v63, v28  }
0x62: {  	v35 =	vld [tilespmem:$0xA7D0];
	v34 =	vperm.xlane v18, v4;
	[tilespmem:$0xCF90] =	vst v19;
	v19 =	vmul.f32 v29, v28  }
0x63: {  	v36 =	vld [tilespmem:$0x9D10];
	[tilespmem:$0xCFA0] =	vst v17;
	v17 =	vmul.f32 v30, v28  }
0x64: {  	v37 =	vld [tilespmem:$0xA7E0];
	[tilespmem:$0xCFB0] =	vst v19;
	v19 =	vmul.f32 v31, v34  }
0x65: {  	v38 =	vld [tilespmem:$0xA7F0];
	[tilespmem:$0xCFC0] =	vst v17;
	v17 =	vmul.f32 v32, v34  }
0x66: {  	v39 =	vld [tilespmem:$0xA800];
	[tilespmem:$0xCFD0] =	vst v19;
	v19 =	vmul.f32 v33, v34  }
0x67: {  	v41 =	vld [tilespmem:$0xA810];
	v40 =	vperm.xlane v18, v5;
	[tilespmem:$0xCFE0] =	vst v17;
	v17 =	vmul.f32 v35, v34  }
0x68: {  	v42 =	vld [tilespmem:$0x9D20];
	[tilespmem:$0xCFF0] =	vst v19;
	v19 =	vmul.f32 v36, v34  }
0x69: {  	v43 =	vld [tilespmem:$0xA820];
	[tilespmem:$0xD000] =	vst v17;
	v17 =	vmul.f32 v37, v40  }
0x6a: {  	v44 =	vld [tilespmem:$0xA830];
	[tilespmem:$0xD010] =	vst v19;
	v19 =	vmul.f32 v38, v40  }
0x6b: {  	v45 =	vld [tilespmem:$0xA840];
	[tilespmem:$0xD020] =	vst v17;
	v17 =	vmul.f32 v39, v40  }
0x6c: {  	v47 =	vld [tilespmem:$0xA850];
	v46 =	vperm.xlane v18, v6;
	[tilespmem:$0xD030] =	vst v19;
	v19 =	vmul.f32 v41, v40  }
0x6d: {  	v48 =	vld [tilespmem:$0x9D30];
	[tilespmem:$0xD040] =	vst v17;
	v17 =	vmul.f32 v42, v40  }
0x6e: {  	v49 =	vld [tilespmem:$0xA860];
	[tilespmem:$0xD050] =	vst v19;
	v19 =	vmul.f32 v43, v46  }
0x6f: {  	v50 =	vld [tilespmem:$0xA870];
	[tilespmem:$0xD060] =	vst v17;
	v17 =	vmul.f32 v44, v46  }
0x70: {  	v51 =	vld [tilespmem:$0xA880];
	[tilespmem:$0xD070] =	vst v19;
	v19 =	vmul.f32 v45, v46  }
0x71: {  	v53 =	vld [tilespmem:$0xA890];
	v52 =	vperm.xlane v18, v7;
	[tilespmem:$0xD080] =	vst v17;
	v17 =	vmul.f32 v47, v46  }
0x72: {  	v54 =	vld [tilespmem:$0x9D40];
	[tilespmem:$0xD090] =	vst v19;
	v19 =	vmul.f32 v48, v46  }
0x73: {  	v55 =	vld [tilespmem:$0xA8A0];
	[tilespmem:$0xD0A0] =	vst v17;
	v17 =	vmul.f32 v49, v52  }
0x74: {  	v56 =	vld [tilespmem:$0xA8B0];
	[tilespmem:$0xD0B0] =	vst v19;
	v19 =	vmul.f32 v50, v52  }
0x75: {  	v57 =	vld [tilespmem:$0xA8C0];
	[tilespmem:$0xD0C0] =	vst v17;
	v17 =	vmul.f32 v51, v52  }
0x76: {  	v58 =	vperm.xlane v18, v8;
	v59 =	vld [tilespmem:$0xA8D0];
	[tilespmem:$0xD0D0] =	vst v19;
	v19 =	vmul.f32 v53, v52  }
0x77: {  	v60 =	vld [tilespmem:$0x9D50];
	[tilespmem:$0xD0E0] =	vst v17;
	v17 =	vmul.f32 v54, v52  }
0x78: {  	v61 =	vld [tilespmem:$0xA8E0];
	[tilespmem:$0xD0F0] =	vst v19;
	v19 =	vmul.f32 v55, v58  }
0x79: {  	v62 =	vld [tilespmem:$0xA8F0];
	[tilespmem:$0xD100] =	vst v17;
	v17 =	vmul.f32 v56, v58  }
0x7a: {  	v63 =	vld [tilespmem:$0xA900];
	[tilespmem:$0xD110] =	vst v19;
	v19 =	vmul.f32 v57, v58  }
0x7b: {  	v29 =	vld [tilespmem:$0xA910];
	v28 =	vperm.xlane v18, v9;
	[tilespmem:$0xD120] =	vst v17;
	v17 =	vmul.f32 v59, v58  }
0x7c: {  	v30 =	vld [tilespmem:$0x9D60];
	[tilespmem:$0xD130] =	vst v19;
	v19 =	vmul.f32 v60, v58  }
0x7d: {  	v31 =	vld [tilespmem:$0xA920];
	[tilespmem:$0xD140] =	vst v17;
	v17 =	vmul.f32 v61, v28  }
0x7e: {  	v32 =	vld [tilespmem:$0xA930];
	[tilespmem:$0xD150] =	vst v19;
	v19 =	vmul.f32 v62, v28  }
0x7f: {  	v33 =	vld [tilespmem:$0xA940];
	[tilespmem:$0xD160] =	vst v17;
	v17 =	vmul.f32 v63, v28  }
0x80: {  	v34 =	vperm.xlane v18, v10;
	v35 =	vld [tilespmem:$0xA950];
	[tilespmem:$0xD170] =	vst v19;
	v19 =	vmul.f32 v29, v28  }
0x81: {  	v36 =	vld [tilespmem:$0x9D70];
	[tilespmem:$0xD180] =	vst v17;
	v17 =	vmul.f32 v30, v28  }
0x82: {  	v37 =	vld [tilespmem:$0xA960];
	[tilespmem:$0xD190] =	vst v19;
	v19 =	vmul.f32 v31, v34  }
0x83: {  	v38 =	vld [tilespmem:$0xA970];
	[tilespmem:$0xD1A0] =	vst v17;
	v17 =	vmul.f32 v32, v34  }
0x84: {  	v39 =	vld [tilespmem:$0xA980];
	[tilespmem:$0xD1B0] =	vst v19;
	v19 =	vmul.f32 v33, v34  }
0x85: {  	v41 =	vld [tilespmem:$0xA990];
	v40 =	vperm.xlane v18, v11;
	[tilespmem:$0xD1C0] =	vst v17;
	v17 =	vmul.f32 v35, v34  }
0x86: {  	v42 =	vld [tilespmem:$0x9D80];
	[tilespmem:$0xD1D0] =	vst v19;
	v19 =	vmul.f32 v36, v34  }
0x87: {  	v43 =	vld [tilespmem:$0xA9A0];
	[tilespmem:$0xD1E0] =	vst v17;
	v17 =	vmul.f32 v37, v40  }
0x88: {  	v44 =	vld [tilespmem:$0xA9B0];
	[tilespmem:$0xD1F0] =	vst v19;
	v19 =	vmul.f32 v38, v40  }
0x89: {  	v45 =	vld [tilespmem:$0xA9C0];
	[tilespmem:$0xD200] =	vst v17;
	v17 =	vmul.f32 v39, v40  }
0x8a: {  	v46 =	vperm.xlane v18, v12;
	v47 =	vld [tilespmem:$0xA9D0];
	[tilespmem:$0xD210] =	vst v19;
	v19 =	vmul.f32 v41, v40  }
0x8b: {  	v48 =	vld [tilespmem:$0x9D90];
	[tilespmem:$0xD220] =	vst v17;
	v17 =	vmul.f32 v42, v40  }
0x8c: {  	v49 =	vld [tilespmem:$0xA9E0];
	[tilespmem:$0xD230] =	vst v19;
	v19 =	vmul.f32 v43, v46  }
0x8d: {  	[tilespmem:$0xD240] =	vst v17;
	v17 =	vmul.f32 v44, v46  }
0x8e: {  	[tilespmem:$0xD250] =	vst v19;
	v19 =	vmul.f32 v45, v46  }
0x8f: {  	v50 =	vperm.xlane v18, v13;
	[tilespmem:$0xD260] =	vst v17;
	v17 =	vmul.f32 v47, v46  }
0x90: {  	[tilespmem:$0xD270] =	vst v19;
	v19 =	vmul.f32 v48, v46  }
0x91: {  	[tilespmem:$0xD280] =	vst v17;
	v17 =	vmul.f32 v49, v50  }
0x92: {  	[tilespmem:$0xD290] =	vst v19  }
0x93: {  	[tilespmem:$0xD2A0] =	vst v17  }
0x94: {  	v17 =	vld [tilespmem:$0xA9F0]  }
0x95: {  	v19 =	vld [tilespmem:$0xAA00]  }
0x96: {  	v51 =	vld [tilespmem:$0xAA10]  }
0x97: {  	v52 =	vld [tilespmem:$0x9DA0]  }
0x98: {  	v53 =	vld [tilespmem:$0xAA20]  }
0x99: {  	v29 =	vld [tilespmem:$0xAA70]  }
0x9a: {  	v54 =	vld [tilespmem:$0xAA30]  }
0x9b: {  	v55 =	vld [tilespmem:$0xAA40]  }
0x9c: {  	v62 =	vperm.xlane v18, v15;
	v56 =	vld [tilespmem:$0xAA50];
	v17 =	vmul.f32 v17, v50  }
0x9d: {  	v27 =	vld [tilespmem:$0x9DB0];
	v19 =	vmul.f32 v19, v50  }
0x9e: {  	v28 =	vld [tilespmem:$0xAA60];
	v34 =	vmul.f32 v29, v62;
	[tilespmem:$0xD2B0] =	vst v17  }
0x9f: {  	v57 =	vperm.xlane v18, v14;
	v58 =	vld [tilespmem:$0xAA80];
	[tilespmem:$0xD2C0] =	vst v19;
	v19 =	vmul.f32 v52, v50  }
0xa0: {  	v59 =	vld [tilespmem:$0xAA90];
	v17 =	vmul.f32 v51, v50;
	[tilespmem:$0xD350] =	vst v34  }
0xa1: {  	v60 =	vld [tilespmem:$0x9DC0];
	[tilespmem:$0xD2E0] =	vst v19;
	v19 =	vmul.f32 v54, v57  }
0xa2: {  	v61 =	vld [tilespmem:$0xAAA0];
	[tilespmem:$0xD2D0] =	vst v17;
	v17 =	vmul.f32 v53, v57  }
0xa3: {  	v63 =	vld [tilespmem:$0xAAB0];
	[tilespmem:$0xD300] =	vst v19;
	v19 =	vmul.f32 v56, v57  }
0xa4: {  	v32 =	vld [tilespmem:$0xAAC0];
	[tilespmem:$0xD2F0] =	vst v17;
	v17 =	vmul.f32 v55, v57  }
0xa5: {  	v33 =	vld [tilespmem:$0xAAD0];
	[tilespmem:$0xD320] =	vst v19;
	v19 =	vmul.f32 v28, v62  }
0xa6: {  	v35 =	vld [tilespmem:$0x9DD0];
	[tilespmem:$0xD310] =	vst v17;
	v17 =	vmul.f32 v27, v57  }
0xa7: {  	v37 =	vld [tilespmem:$0xAAE0];
	[tilespmem:$0xD340] =	vst v19;
	v19 =	vmul.f32 v58, v62  }
0xa8: {  	v18 =	vperm.xlane v18, v16;
	v36 =	vmul.f32 v59, v62;
	[tilespmem:$0xD330] =	vst v17;
	v17 =	vld [tilespmem:$0x9C50]  }
0xa9: {  	v38 =	vld [tilespmem:$0xAAF0];
	[tilespmem:$0xD360] =	vst v19;
	v19 =	vmul.f32 v60, v62  }
0xaa: {  	v40 =	vld [tilespmem:$0xAB00];
	v39 =	vmul.f32 v61, v18;
	[tilespmem:$0xD370] =	vst v36  }
0xab: {  	v41 =	vld [tilespmem:$0xAB10];
	[tilespmem:$0xD380] =	vst v19;
	v19 =	vmul.f32 v63, v18  }
0xac: {  	v43 =	vld [tilespmem:$0x9DE0];
	v42 =	vmul.f32 v32, v18;
	[tilespmem:$0xD390] =	vst v39  }
0xad: {  	v45 =	vld [tilespmem:$0xAB20];
	v44 =	vperm.xlane v17, v1;
	[tilespmem:$0xD3A0] =	vst v19;
	v19 =	vmul.f32 v33, v18  }
0xae: {  	v46 =	vld [tilespmem:$0xAB30];
	[tilespmem:$0xD3B0] =	vst v42;
	v18 =	vmul.f32 v35, v18  }
0xaf: {  	v47 =	vld [tilespmem:$0xAB40];
	[tilespmem:$0xD3C0] =	vst v19;
	v19 =	vmul.f32 v37, v44  }
0xb0: {  	v48 =	vld [tilespmem:$0xAB50];
	[tilespmem:$0xD3D0] =	vst v18;
	v18 =	vmul.f32 v38, v44  }
0xb1: {  	v49 =	vld [tilespmem:$0x9DF0];
	[tilespmem:$0xD3E0] =	vst v19;
	v19 =	vmul.f32 v40, v44  }
0xb2: {  	v30 =	vld [tilespmem:$0xABF0];
	v50 =	vperm.xlane v17, v2;
	[tilespmem:$0xD3F0] =	vst v18;
	v18 =	vmul.f32 v41, v44  }
0xb3: {  	v31 =	vld [tilespmem:$0xAC00];
	[tilespmem:$0xD400] =	vst v19;
	v19 =	vmul.f32 v43, v44  }
0xb4: {  	v51 =	vld [tilespmem:$0xAB60];
	[tilespmem:$0xD410] =	vst v18;
	v18 =	vmul.f32 v45, v50  }
0xb5: {  	v52 =	vld [tilespmem:$0xAB70];
	[tilespmem:$0xD420] =	vst v19;
	v19 =	vmul.f32 v46, v50  }
0xb6: {  	v53 =	vld [tilespmem:$0xAB80];
	[tilespmem:$0xD430] =	vst v18;
	v18 =	vmul.f32 v47, v50  }
0xb7: {  	v54 =	vld [tilespmem:$0xAB90];
	v56 =	vperm.xlane v17, v3;
	[tilespmem:$0xD440] =	vst v19;
	v19 =	vmul.f32 v48, v50  }
0xb8: {  	v55 =	vld [tilespmem:$0x9E00];
	[tilespmem:$0xD450] =	vst v18;
	v18 =	vmul.f32 v49, v50  }
0xb9: {  	v57 =	vld [tilespmem:$0xABA0];
	[tilespmem:$0xD460] =	vst v19;
	v19 =	vmul.f32 v51, v56  }
0xba: {  	v58 =	vld [tilespmem:$0xABB0];
	[tilespmem:$0xD470] =	vst v18;
	v18 =	vmul.f32 v52, v56  }
0xbb: {  	v59 =	vld [tilespmem:$0xABC0];
	[tilespmem:$0xD480] =	vst v19;
	v19 =	vmul.f32 v53, v56  }
0xbc: {  	v60 =	vld [tilespmem:$0xABD0];
	v62 =	vperm.xlane v17, v4;
	[tilespmem:$0xD490] =	vst v18;
	v18 =	vmul.f32 v54, v56  }
0xbd: {  	v61 =	vld [tilespmem:$0x9E10];
	[tilespmem:$0xD4A0] =	vst v19;
	v19 =	vmul.f32 v55, v56  }
0xbe: {  	v63 =	vld [tilespmem:$0xABE0];
	[tilespmem:$0xD4B0] =	vst v18;
	v18 =	vmul.f32 v57, v62  }
0xbf: {  	v32 =	vld [tilespmem:$0xAC10];
	[tilespmem:$0xD4C0] =	vst v19;
	v19 =	vmul.f32 v58, v62  }
0xc0: {  	v29 =	vld [tilespmem:$0xAEB0];
	[tilespmem:$0xD4D0] =	vst v18;
	v18 =	vmul.f32 v59, v62  }
0xc1: {  	v36 =	vld [tilespmem:$0xAC30];
	v34 =	vperm.xlane v17, v5;
	[tilespmem:$0xD4E0] =	vst v19;
	v19 =	vmul.f32 v60, v62  }
0xc2: {  	v33 =	vld [tilespmem:$0x9E20];
	[tilespmem:$0xD4F0] =	vst v18;
	v18 =	vmul.f32 v61, v62  }
0xc3: {  	v35 =	vld [tilespmem:$0xAC20];
	[tilespmem:$0xD500] =	vst v19;
	v19 =	vmul.f32 v63, v34  }
0xc4: {  	v39 =	vld [tilespmem:$0x9E30];
	[tilespmem:$0xD510] =	vst v18;
	v18 =	vmul.f32 v30, v34  }
0xc5: {  	v37 =	vld [tilespmem:$0xAC40];
	[tilespmem:$0xD520] =	vst v19;
	v19 =	vmul.f32 v31, v34  }
0xc6: {  	v38 =	vld [tilespmem:$0xAC50];
	v40 =	vperm.xlane v17, v6;
	[tilespmem:$0xD530] =	vst v18;
	v18 =	vmul.f32 v32, v34  }
0xc7: {  	v42 =	vld [tilespmem:$0xAC70];
	[tilespmem:$0xD540] =	vst v19;
	v19 =	vmul.f32 v33, v34  }
0xc8: {  	v41 =	vld [tilespmem:$0xAC60];
	[tilespmem:$0xD550] =	vst v18;
	v18 =	vmul.f32 v35, v40  }
0xc9: {  	v28 =	vld [tilespmem:$0xB020];
	[tilespmem:$0xD560] =	vst v19;
	v19 =	vmul.f32 v36, v40  }
0xca: {  	v43 =	vld [tilespmem:$0xAC80];
	[tilespmem:$0xD570] =	vst v18;
	v18 =	vmul.f32 v37, v40  }
0xcb: {  	v44 =	vld [tilespmem:$0xAC90];
	v46 =	vperm.xlane v17, v7;
	[tilespmem:$0xD580] =	vst v19;
	v19 =	vmul.f32 v38, v40  }
0xcc: {  	v45 =	vld [tilespmem:$0x9E40];
	[tilespmem:$0xD590] =	vst v18;
	v18 =	vmul.f32 v39, v40  }
0xcd: {  	v47 =	vld [tilespmem:$0xACA0];
	[tilespmem:$0xD5A0] =	vst v19;
	v19 =	vmul.f32 v41, v46  }
0xce: {  	v48 =	vld [tilespmem:$0xACB0];
	[tilespmem:$0xD5B0] =	vst v18;
	v18 =	vmul.f32 v42, v46  }
0xcf: {  	v49 =	vld [tilespmem:$0xACC0];
	[tilespmem:$0xD5C0] =	vst v19;
	v19 =	vmul.f32 v43, v46  }
0xd0: {  	v50 =	vld [tilespmem:$0xACD0];
	v52 =	vperm.xlane v17, v8;
	[tilespmem:$0xD5D0] =	vst v18;
	v18 =	vmul.f32 v44, v46  }
0xd1: {  	v51 =	vld [tilespmem:$0x9E50];
	[tilespmem:$0xD5E0] =	vst v19;
	v19 =	vmul.f32 v45, v46  }
0xd2: {  	v53 =	vld [tilespmem:$0xACE0];
	[tilespmem:$0xD5F0] =	vst v18;
	v18 =	vmul.f32 v47, v52  }
0xd3: {  	v54 =	vld [tilespmem:$0xACF0];
	[tilespmem:$0xD600] =	vst v19;
	v19 =	vmul.f32 v48, v52  }
0xd4: {  	v55 =	vld [tilespmem:$0xAD00];
	[tilespmem:$0xD610] =	vst v18;
	v18 =	vmul.f32 v49, v52  }
0xd5: {  	v56 =	vld [tilespmem:$0xAD10];
	v58 =	vperm.xlane v17, v9;
	[tilespmem:$0xD620] =	vst v19;
	v19 =	vmul.f32 v50, v52  }
0xd6: {  	v57 =	vld [tilespmem:$0x9E60];
	[tilespmem:$0xD630] =	vst v18;
	v18 =	vmul.f32 v51, v52  }
0xd7: {  	v59 =	vld [tilespmem:$0xAD20];
	[tilespmem:$0xD640] =	vst v19;
	v19 =	vmul.f32 v53, v58  }
0xd8: {  	v60 =	vld [tilespmem:$0xAD30];
	[tilespmem:$0xD650] =	vst v18;
	v18 =	vmul.f32 v54, v58  }
0xd9: {  	v61 =	vld [tilespmem:$0xAD40];
	[tilespmem:$0xD660] =	vst v19;
	v19 =	vmul.f32 v55, v58  }
0xda: {  	v62 =	vld [tilespmem:$0xAD50];
	v32 =	vperm.xlane v17, v10;
	[tilespmem:$0xD670] =	vst v18;
	v18 =	vmul.f32 v56, v58  }
0xdb: {  	v63 =	vld [tilespmem:$0x9E70];
	[tilespmem:$0xD680] =	vst v19;
	v19 =	vmul.f32 v57, v58  }
0xdc: {  	v33 =	vld [tilespmem:$0xAD60];
	[tilespmem:$0xD690] =	vst v18;
	v18 =	vmul.f32 v59, v32  }
0xdd: {  	v34 =	vld [tilespmem:$0xAD70];
	[tilespmem:$0xD6A0] =	vst v19;
	v19 =	vmul.f32 v60, v32  }
0xde: {  	v35 =	vld [tilespmem:$0xAD80];
	[tilespmem:$0xD6B0] =	vst v18;
	v18 =	vmul.f32 v61, v32  }
0xdf: {  	v36 =	vld [tilespmem:$0xAD90];
	v38 =	vperm.xlane v17, v11;
	[tilespmem:$0xD6C0] =	vst v19;
	v19 =	vmul.f32 v62, v32  }
0xe0: {  	v37 =	vld [tilespmem:$0x9E80];
	[tilespmem:$0xD6D0] =	vst v18;
	v18 =	vmul.f32 v63, v32  }
0xe1: {  	v39 =	vld [tilespmem:$0xADA0];
	[tilespmem:$0xD6E0] =	vst v19;
	v19 =	vmul.f32 v33, v38  }
0xe2: {  	v40 =	vld [tilespmem:$0xADB0];
	[tilespmem:$0xD6F0] =	vst v18;
	v18 =	vmul.f32 v34, v38  }
0xe3: {  	v41 =	vld [tilespmem:$0xADC0];
	[tilespmem:$0xD700] =	vst v19;
	v19 =	vmul.f32 v35, v38  }
0xe4: {  	v42 =	vld [tilespmem:$0xADD0];
	v44 =	vperm.xlane v17, v12;
	[tilespmem:$0xD710] =	vst v18;
	v18 =	vmul.f32 v36, v38  }
0xe5: {  	v43 =	vld [tilespmem:$0x9E90];
	[tilespmem:$0xD720] =	vst v19;
	v19 =	vmul.f32 v37, v38  }
0xe6: {  	v45 =	vld [tilespmem:$0xADE0];
	[tilespmem:$0xD730] =	vst v18;
	v18 =	vmul.f32 v39, v44  }
0xe7: {  	v46 =	vld [tilespmem:$0xADF0];
	[tilespmem:$0xD740] =	vst v19;
	v19 =	vmul.f32 v40, v44  }
0xe8: {  	v47 =	vld [tilespmem:$0xAE00];
	[tilespmem:$0xD750] =	vst v18;
	v18 =	vmul.f32 v41, v44  }
0xe9: {  	v48 =	vld [tilespmem:$0xAE10];
	v50 =	vperm.xlane v17, v13;
	[tilespmem:$0xD760] =	vst v19;
	v19 =	vmul.f32 v42, v44  }
0xea: {  	v49 =	vld [tilespmem:$0x9EA0];
	[tilespmem:$0xD770] =	vst v18;
	v18 =	vmul.f32 v43, v44  }
0xeb: {  	v51 =	vld [tilespmem:$0xAE20];
	[tilespmem:$0xD780] =	vst v19;
	v19 =	vmul.f32 v45, v50  }
0xec: {  	v52 =	vld [tilespmem:$0xAE30];
	[tilespmem:$0xD790] =	vst v18;
	v18 =	vmul.f32 v46, v50  }
0xed: {  	v53 =	vld [tilespmem:$0xAE40];
	[tilespmem:$0xD7A0] =	vst v19;
	v19 =	vmul.f32 v47, v50  }
0xee: {  	v54 =	vld [tilespmem:$0xAE50];
	v56 =	vperm.xlane v17, v14;
	[tilespmem:$0xD7B0] =	vst v18;
	v18 =	vmul.f32 v48, v50  }
0xef: {  	v55 =	vld [tilespmem:$0x9EB0];
	[tilespmem:$0xD7C0] =	vst v19;
	v19 =	vmul.f32 v49, v50  }
0xf0: {  	v57 =	vld [tilespmem:$0xAE60];
	[tilespmem:$0xD7D0] =	vst v18;
	v18 =	vmul.f32 v51, v56  }
0xf1: {  	v58 =	vld [tilespmem:$0xAE70];
	[tilespmem:$0xD7E0] =	vst v19;
	v19 =	vmul.f32 v52, v56  }
0xf2: {  	v59 =	vld [tilespmem:$0xAE80];
	[tilespmem:$0xD7F0] =	vst v18;
	v18 =	vmul.f32 v53, v56  }
0xf3: {  	v60 =	vld [tilespmem:$0xAE90];
	v62 =	vperm.xlane v17, v15;
	[tilespmem:$0xD800] =	vst v19;
	v19 =	vmul.f32 v54, v56  }
0xf4: {  	v61 =	vld [tilespmem:$0x9EC0];
	[tilespmem:$0xD810] =	vst v18;
	v18 =	vmul.f32 v55, v56  }
0xf5: {  	v63 =	vld [tilespmem:$0xAEA0];
	[tilespmem:$0xD820] =	vst v19;
	v19 =	vmul.f32 v57, v62  }
0xf6: {  	v30 =	vld [tilespmem:$0xAEC0];
	[tilespmem:$0xD830] =	vst v18;
	v18 =	vmul.f32 v58, v62  }
0xf7: {  	v31 =	vld [tilespmem:$0xAED0];
	[tilespmem:$0xD840] =	vst v19;
	v19 =	vmul.f32 v59, v62  }
0xf8: {  	v33 =	vperm.xlane v17, v16;
	v17 =	vld [tilespmem:$0x9C60];
	[tilespmem:$0xD850] =	vst v18;
	v18 =	vmul.f32 v60, v62  }
0xf9: {  	v32 =	vld [tilespmem:$0x9ED0];
	[tilespmem:$0xD860] =	vst v19;
	v19 =	vmul.f32 v61, v62  }
0xfa: {  	v34 =	vld [tilespmem:$0xAEE0];
	[tilespmem:$0xD870] =	vst v18;
	v18 =	vmul.f32 v63, v33  }
0xfb: {  	v35 =	vld [tilespmem:$0xAEF0];
	[tilespmem:$0xD880] =	vst v19;
	v19 =	vmul.f32 v29, v33  }
0xfc: {  	v36 =	vld [tilespmem:$0xAF00];
	[tilespmem:$0xD890] =	vst v18;
	v18 =	vmul.f32 v30, v33  }
0xfd: {  	v37 =	vld [tilespmem:$0xAF10];
	v38 =	vperm.xlane v17, v1;
	[tilespmem:$0xD8A0] =	vst v19;
	v19 =	vmul.f32 v31, v33  }
0xfe: {  	v39 =	vld [tilespmem:$0x9EE0];
	[tilespmem:$0xD8B0] =	vst v18;
	v18 =	vmul.f32 v32, v33  }
0xff: {  	v40 =	vld [tilespmem:$0xAF20];
	[tilespmem:$0xD8C0] =	vst v19;
	v19 =	vmul.f32 v34, v38  }
0x100: {  	v41 =	vld [tilespmem:$0xAF30];
	[tilespmem:$0xD8D0] =	vst v18;
	v18 =	vmul.f32 v35, v38  }
0x101: {  	v42 =	vld [tilespmem:$0xAF40];
	[tilespmem:$0xD8E0] =	vst v19;
	v19 =	vmul.f32 v36, v38  }
0x102: {  	v43 =	vld [tilespmem:$0xAF50];
	v44 =	vperm.xlane v17, v2;
	[tilespmem:$0xD8F0] =	vst v18;
	v18 =	vmul.f32 v37, v38  }
0x103: {  	v45 =	vld [tilespmem:$0x9EF0];
	[tilespmem:$0xD900] =	vst v19;
	v19 =	vmul.f32 v39, v38  }
0x104: {  	v46 =	vld [tilespmem:$0xAF60];
	[tilespmem:$0xD910] =	vst v18;
	v18 =	vmul.f32 v40, v44  }
0x105: {  	v47 =	vld [tilespmem:$0xAF70];
	[tilespmem:$0xD920] =	vst v19;
	v19 =	vmul.f32 v41, v44  }
0x106: {  	v48 =	vld [tilespmem:$0xAF80];
	[tilespmem:$0xD930] =	vst v18;
	v18 =	vmul.f32 v42, v44  }
0x107: {  	v49 =	vld [tilespmem:$0xAF90];
	v50 =	vperm.xlane v17, v3;
	[tilespmem:$0xD940] =	vst v19;
	v19 =	vmul.f32 v43, v44  }
0x108: {  	v51 =	vld [tilespmem:$0x9F00];
	[tilespmem:$0xD950] =	vst v18;
	v18 =	vmul.f32 v45, v44  }
0x109: {  	v52 =	vld [tilespmem:$0xAFA0];
	[tilespmem:$0xD960] =	vst v19;
	v19 =	vmul.f32 v46, v50  }
0x10a: {  	v53 =	vld [tilespmem:$0xAFB0];
	[tilespmem:$0xD970] =	vst v18;
	v18 =	vmul.f32 v47, v50  }
0x10b: {  	v54 =	vld [tilespmem:$0xAFC0];
	[tilespmem:$0xD980] =	vst v19;
	v19 =	vmul.f32 v48, v50  }
0x10c: {  	v55 =	vld [tilespmem:$0xAFD0];
	v56 =	vperm.xlane v17, v4;
	[tilespmem:$0xD990] =	vst v18;
	v18 =	vmul.f32 v49, v50  }
0x10d: {  	v57 =	vld [tilespmem:$0x9F10];
	[tilespmem:$0xD9A0] =	vst v19;
	v19 =	vmul.f32 v51, v50  }
0x10e: {  	v58 =	vld [tilespmem:$0xAFE0];
	[tilespmem:$0xD9B0] =	vst v18;
	v18 =	vmul.f32 v52, v56  }
0x10f: {  	v59 =	vld [tilespmem:$0xAFF0];
	[tilespmem:$0xD9C0] =	vst v19;
	v19 =	vmul.f32 v53, v56  }
0x110: {  	v60 =	vld [tilespmem:$0xB000];
	[tilespmem:$0xD9D0] =	vst v18;
	v18 =	vmul.f32 v54, v56  }
0x111: {  	v61 =	vld [tilespmem:$0xB010];
	v62 =	vperm.xlane v17, v5;
	[tilespmem:$0xD9E0] =	vst v19;
	v19 =	vmul.f32 v55, v56  }
0x112: {  	v63 =	vld [tilespmem:$0x9F20];
	[tilespmem:$0xD9F0] =	vst v18;
	v18 =	vmul.f32 v57, v56  }
0x113: {  	v29 =	vld [tilespmem:$0xB030];
	[tilespmem:$0xDA00] =	vst v19;
	v19 =	vmul.f32 v58, v62  }
0x114: {  	v30 =	vld [tilespmem:$0xB040];
	[tilespmem:$0xDA10] =	vst v18;
	v18 =	vmul.f32 v59, v62  }
0x115: {  	v31 =	vld [tilespmem:$0xB050];
	[tilespmem:$0xDA20] =	vst v19;
	v19 =	vmul.f32 v60, v62  }
0x116: {  	v32 =	vperm.xlane v17, v6;
	v33 =	vld [tilespmem:$0x9F30];
	[tilespmem:$0xDA30] =	vst v18;
	v18 =	vmul.f32 v61, v62  }
0x117: {  	v34 =	vld [tilespmem:$0xB060];
	[tilespmem:$0xDA40] =	vst v19;
	v19 =	vmul.f32 v63, v62  }
0x118: {  	v35 =	vld [tilespmem:$0xB070];
	[tilespmem:$0xDA50] =	vst v18;
	v18 =	vmul.f32 v28, v32  }
0x119: {  	v36 =	vld [tilespmem:$0xB080];
	[tilespmem:$0xDA60] =	vst v19;
	v19 =	vmul.f32 v29, v32  }
0x11a: {  	v37 =	vld [tilespmem:$0xB090];
	[tilespmem:$0xDA70] =	vst v18;
	v18 =	vmul.f32 v30, v32  }
0x11b: {  	v38 =	vperm.xlane v17, v7;
	v39 =	vld [tilespmem:$0x9F40];
	[tilespmem:$0xDA80] =	vst v19;
	v19 =	vmul.f32 v31, v32  }
0x11c: {  	v40 =	vld [tilespmem:$0xB0A0];
	[tilespmem:$0xDA90] =	vst v18;
	v18 =	vmul.f32 v33, v32  }
0x11d: {  	v41 =	vld [tilespmem:$0xB0B0];
	[tilespmem:$0xDAA0] =	vst v19;
	v19 =	vmul.f32 v34, v38  }
0x11e: {  	v42 =	vld [tilespmem:$0xB0C0];
	[tilespmem:$0xDAB0] =	vst v18;
	v18 =	vmul.f32 v35, v38  }
0x11f: {  	v43 =	vld [tilespmem:$0xB0D0];
	[tilespmem:$0xDAC0] =	vst v19;
	v19 =	vmul.f32 v36, v38  }
0x120: {  	v44 =	vperm.xlane v17, v8;
	v45 =	vld [tilespmem:$0x9F50];
	[tilespmem:$0xDAD0] =	vst v18;
	v18 =	vmul.f32 v37, v38  }
0x121: {  	v46 =	vld [tilespmem:$0xB0E0];
	[tilespmem:$0xDAE0] =	vst v19;
	v19 =	vmul.f32 v39, v38  }
0x122: {  	v47 =	vld [tilespmem:$0xB0F0];
	[tilespmem:$0xDAF0] =	vst v18;
	v18 =	vmul.f32 v40, v44  }
0x123: {  	v48 =	vld [tilespmem:$0xB100];
	[tilespmem:$0xDB00] =	vst v19;
	v19 =	vmul.f32 v41, v44  }
0x124: {  	v49 =	vld [tilespmem:$0xB110];
	[tilespmem:$0xDB10] =	vst v18;
	v18 =	vmul.f32 v42, v44  }
0x125: {  	v50 =	vperm.xlane v17, v9;
	v51 =	vld [tilespmem:$0x9F60];
	[tilespmem:$0xDB20] =	vst v19;
	v19 =	vmul.f32 v43, v44  }
0x126: {  	v52 =	vld [tilespmem:$0xB120];
	[tilespmem:$0xDB30] =	vst v18;
	v18 =	vmul.f32 v45, v44  }
0x127: {  	v53 =	vld [tilespmem:$0xB130];
	[tilespmem:$0xDB40] =	vst v19;
	v19 =	vmul.f32 v46, v50  }
0x128: {  	v54 =	vld [tilespmem:$0xB140];
	[tilespmem:$0xDB50] =	vst v18;
	v18 =	vmul.f32 v47, v50  }
0x129: {  	v55 =	vld [tilespmem:$0xB150];
	[tilespmem:$0xDB60] =	vst v19;
	v19 =	vmul.f32 v48, v50  }
0x12a: {  	v56 =	vperm.xlane v17, v10;
	v57 =	vld [tilespmem:$0x9F70];
	[tilespmem:$0xDB70] =	vst v18;
	v18 =	vmul.f32 v49, v50  }
0x12b: {  	v58 =	vld [tilespmem:$0xB160];
	[tilespmem:$0xDB80] =	vst v19;
	v19 =	vmul.f32 v51, v50  }
0x12c: {  	v59 =	vld [tilespmem:$0xB170];
	[tilespmem:$0xDB90] =	vst v18;
	v18 =	vmul.f32 v52, v56  }
0x12d: {  	v60 =	vld [tilespmem:$0xB180];
	[tilespmem:$0xDBA0] =	vst v19;
	v19 =	vmul.f32 v53, v56  }
0x12e: {  	v61 =	vld [tilespmem:$0xB190];
	[tilespmem:$0xDBB0] =	vst v18;
	v18 =	vmul.f32 v54, v56  }
0x12f: {  	v62 =	vperm.xlane v17, v11;
	v63 =	vld [tilespmem:$0x9F80];
	[tilespmem:$0xDBC0] =	vst v19;
	v19 =	vmul.f32 v55, v56  }
0x130: {  	v28 =	vld [tilespmem:$0xB1A0];
	[tilespmem:$0xDBD0] =	vst v18;
	v18 =	vmul.f32 v57, v56  }
0x131: {  	v29 =	vld [tilespmem:$0xB1B0];
	[tilespmem:$0xDBE0] =	vst v19;
	v19 =	vmul.f32 v58, v62  }
0x132: {  	v30 =	vld [tilespmem:$0xB1C0];
	[tilespmem:$0xDBF0] =	vst v18;
	v18 =	vmul.f32 v59, v62  }
0x133: {  	v31 =	vld [tilespmem:$0xB1D0];
	[tilespmem:$0xDC00] =	vst v19;
	v19 =	vmul.f32 v60, v62  }
0x134: {  	v32 =	vperm.xlane v17, v12;
	v33 =	vld [tilespmem:$0x9F90];
	[tilespmem:$0xDC10] =	vst v18;
	v18 =	vmul.f32 v61, v62  }
0x135: {  	v34 =	vld [tilespmem:$0xB1E0];
	[tilespmem:$0xDC20] =	vst v19;
	v19 =	vmul.f32 v63, v62  }
0x136: {  	v35 =	vld [tilespmem:$0xB1F0];
	[tilespmem:$0xDC30] =	vst v18;
	v18 =	vmul.f32 v28, v32  }
0x137: {  	v36 =	vld [tilespmem:$0xB200];
	[tilespmem:$0xDC40] =	vst v19;
	v19 =	vmul.f32 v29, v32  }
0x138: {  	v37 =	vld [tilespmem:$0xB210];
	[tilespmem:$0xDC50] =	vst v18;
	v18 =	vmul.f32 v30, v32  }
0x139: {  	v38 =	vperm.xlane v17, v13;
	v39 =	vld [tilespmem:$0x9FA0];
	[tilespmem:$0xDC60] =	vst v19;
	v19 =	vmul.f32 v31, v32  }
0x13a: {  	v40 =	vld [tilespmem:$0xB220];
	[tilespmem:$0xDC70] =	vst v18;
	v18 =	vmul.f32 v33, v32  }
0x13b: {  	v41 =	vld [tilespmem:$0xB230];
	[tilespmem:$0xDC80] =	vst v19;
	v19 =	vmul.f32 v34, v38  }
0x13c: {  	v42 =	vld [tilespmem:$0xB240];
	[tilespmem:$0xDC90] =	vst v18;
	v18 =	vmul.f32 v35, v38  }
0x13d: {  	v43 =	vld [tilespmem:$0xB250];
	[tilespmem:$0xDCA0] =	vst v19;
	v19 =	vmul.f32 v36, v38  }
0x13e: {  	v44 =	vperm.xlane v17, v14;
	v45 =	vld [tilespmem:$0x9FB0];
	[tilespmem:$0xDCB0] =	vst v18;
	v18 =	vmul.f32 v37, v38  }
0x13f: {  	v46 =	vld [tilespmem:$0xB260];
	[tilespmem:$0xDCC0] =	vst v19;
	v19 =	vmul.f32 v39, v38  }
0x140: {  	v47 =	vld [tilespmem:$0xB270];
	[tilespmem:$0xDCD0] =	vst v18;
	v18 =	vmul.f32 v40, v44  }
0x141: {  	v48 =	vld [tilespmem:$0xB280];
	[tilespmem:$0xDCE0] =	vst v19;
	v19 =	vmul.f32 v41, v44  }
0x142: {  	v49 =	vld [tilespmem:$0xB290];
	[tilespmem:$0xDCF0] =	vst v18;
	v18 =	vmul.f32 v42, v44  }
0x143: {  	v50 =	vperm.xlane v17, v15;
	v51 =	vld [tilespmem:$0x9FC0];
	[tilespmem:$0xDD00] =	vst v19;
	v19 =	vmul.f32 v43, v44  }
0x144: {  	v52 =	vld [tilespmem:$0xB2A0];
	[tilespmem:$0xDD10] =	vst v18;
	v18 =	vmul.f32 v45, v44  }
0x145: {  	v53 =	vld [tilespmem:$0xB2B0];
	[tilespmem:$0xDD20] =	vst v19;
	v19 =	vmul.f32 v46, v50  }
0x146: {  	v54 =	vld [tilespmem:$0xB2C0];
	[tilespmem:$0xDD30] =	vst v18;
	v18 =	vmul.f32 v47, v50  }
0x147: {  	v55 =	vld [tilespmem:$0xB2D0];
	[tilespmem:$0xDD40] =	vst v19;
	v19 =	vmul.f32 v48, v50  }
0x148: {  	v56 =	vperm.xlane v17, v16;
	v17 =	vld [tilespmem:$0x9C70];
	[tilespmem:$0xDD50] =	vst v18;
	v18 =	vmul.f32 v49, v50  }
0x149: {  	v57 =	vld [tilespmem:$0x9FD0];
	[tilespmem:$0xDD60] =	vst v19;
	v19 =	vmul.f32 v51, v50  }
0x14a: {  	v58 =	vld [tilespmem:$0xB2E0];
	[tilespmem:$0xDD70] =	vst v18;
	v18 =	vmul.f32 v52, v56  }
0x14b: {  	v59 =	vld [tilespmem:$0xB2F0];
	[tilespmem:$0xDD80] =	vst v19;
	v19 =	vmul.f32 v53, v56  }
0x14c: {  	v60 =	vld [tilespmem:$0xB300];
	[tilespmem:$0xDD90] =	vst v18;
	v18 =	vmul.f32 v54, v56  }
0x14d: {  	v61 =	vperm.xlane v17, v1;
	v62 =	vld [tilespmem:$0xB310];
	[tilespmem:$0xDDA0] =	vst v19;
	v19 =	vmul.f32 v55, v56  }
0x14e: {  	v63 =	vld [tilespmem:$0x9FE0];
	[tilespmem:$0xDDB0] =	vst v18;
	v18 =	vmul.f32 v57, v56  }
0x14f: {  	v28 =	vld [tilespmem:$0xB320];
	[tilespmem:$0xDDC0] =	vst v19;
	v19 =	vmul.f32 v58, v61  }
0x150: {  	v29 =	vld [tilespmem:$0xB330];
	[tilespmem:$0xDDD0] =	vst v18;
	v18 =	vmul.f32 v59, v61  }
0x151: {  	v30 =	vld [tilespmem:$0xB340];
	[tilespmem:$0xDDE0] =	vst v19;
	v19 =	vmul.f32 v60, v61  }
0x152: {  	v31 =	vperm.xlane v17, v2;
	v32 =	vld [tilespmem:$0xB350];
	[tilespmem:$0xDDF0] =	vst v18;
	v18 =	vmul.f32 v62, v61  }
0x153: {  	v33 =	vld [tilespmem:$0x9FF0];
	[tilespmem:$0xDE00] =	vst v19;
	v19 =	vmul.f32 v63, v61  }
0x154: {  	v34 =	vld [tilespmem:$0xB360];
	[tilespmem:$0xDE10] =	vst v18;
	v18 =	vmul.f32 v28, v31  }
0x155: {  	v35 =	vld [tilespmem:$0xB370];
	[tilespmem:$0xDE20] =	vst v19;
	v19 =	vmul.f32 v29, v31  }
0x156: {  	v36 =	vld [tilespmem:$0xB380];
	[tilespmem:$0xDE30] =	vst v18;
	v18 =	vmul.f32 v30, v31  }
0x157: {  	v37 =	vperm.xlane v17, v3;
	v38 =	vld [tilespmem:$0xB390];
	[tilespmem:$0xDE40] =	vst v19;
	v19 =	vmul.f32 v32, v31  }
0x158: {  	v39 =	vld [tilespmem:$0xA000];
	[tilespmem:$0xDE50] =	vst v18;
	v18 =	vmul.f32 v33, v31  }
0x159: {  	v40 =	vld [tilespmem:$0xB3A0];
	[tilespmem:$0xDE60] =	vst v19;
	v19 =	vmul.f32 v34, v37  }
0x15a: {  	v41 =	vld [tilespmem:$0xB3B0];
	[tilespmem:$0xDE70] =	vst v18;
	v18 =	vmul.f32 v35, v37  }
0x15b: {  	v42 =	vld [tilespmem:$0xB3C0];
	[tilespmem:$0xDE80] =	vst v19;
	v19 =	vmul.f32 v36, v37  }
0x15c: {  	v43 =	vperm.xlane v17, v4;
	v44 =	vld [tilespmem:$0xB3D0];
	[tilespmem:$0xDE90] =	vst v18;
	v18 =	vmul.f32 v38, v37  }
0x15d: {  	v45 =	vld [tilespmem:$0xA010];
	[tilespmem:$0xDEA0] =	vst v19;
	v19 =	vmul.f32 v39, v37  }
0x15e: {  	v46 =	vld [tilespmem:$0xB3E0];
	[tilespmem:$0xDEB0] =	vst v18;
	v18 =	vmul.f32 v40, v43  }
0x15f: {  	v47 =	vld [tilespmem:$0xB3F0];
	[tilespmem:$0xDEC0] =	vst v19;
	v19 =	vmul.f32 v41, v43  }
0x160: {  	v48 =	vld [tilespmem:$0xB400];
	[tilespmem:$0xDED0] =	vst v18;
	v18 =	vmul.f32 v42, v43  }
0x161: {  	v49 =	vperm.xlane v17, v5;
	v50 =	vld [tilespmem:$0xB410];
	[tilespmem:$0xDEE0] =	vst v19;
	v19 =	vmul.f32 v44, v43  }
0x162: {  	v51 =	vld [tilespmem:$0xA020];
	[tilespmem:$0xDEF0] =	vst v18;
	v18 =	vmul.f32 v45, v43  }
0x163: {  	v52 =	vld [tilespmem:$0xB420];
	[tilespmem:$0xDF00] =	vst v19;
	v19 =	vmul.f32 v46, v49  }
0x164: {  	v53 =	vld [tilespmem:$0xB430];
	[tilespmem:$0xDF10] =	vst v18;
	v18 =	vmul.f32 v47, v49  }
0x165: {  	v54 =	vld [tilespmem:$0xB440];
	[tilespmem:$0xDF20] =	vst v19;
	v19 =	vmul.f32 v48, v49  }
0x166: {  	v55 =	vperm.xlane v17, v6;
	v56 =	vld [tilespmem:$0xB450];
	[tilespmem:$0xDF30] =	vst v18;
	v18 =	vmul.f32 v50, v49  }
0x167: {  	v57 =	vld [tilespmem:$0xA030];
	[tilespmem:$0xDF40] =	vst v19;
	v19 =	vmul.f32 v51, v49  }
0x168: {  	v58 =	vld [tilespmem:$0xB460];
	[tilespmem:$0xDF50] =	vst v18;
	v18 =	vmul.f32 v52, v55  }
0x169: {  	v59 =	vld [tilespmem:$0xB470];
	[tilespmem:$0xDF60] =	vst v19;
	v19 =	vmul.f32 v53, v55  }
0x16a: {  	v60 =	vld [tilespmem:$0xB480];
	[tilespmem:$0xDF70] =	vst v18;
	v18 =	vmul.f32 v54, v55  }
0x16b: {  	v62 =	vld [tilespmem:$0xB490];
	v61 =	vperm.xlane v17, v7;
	[tilespmem:$0xDF80] =	vst v19;
	v19 =	vmul.f32 v56, v55  }
0x16c: {  	v63 =	vld [tilespmem:$0xA040];
	[tilespmem:$0xDF90] =	vst v18;
	v18 =	vmul.f32 v57, v55  }
0x16d: {  	v28 =	vld [tilespmem:$0xB4A0];
	[tilespmem:$0xDFA0] =	vst v19;
	v19 =	vmul.f32 v58, v61  }
0x16e: {  	v29 =	vld [tilespmem:$0xB4B0];
	[tilespmem:$0xDFB0] =	vst v18;
	v18 =	vmul.f32 v59, v61  }
0x16f: {  	v30 =	vld [tilespmem:$0xB4C0];
	[tilespmem:$0xDFC0] =	vst v19;
	v19 =	vmul.f32 v60, v61  }
0x170: {  	v31 =	vperm.xlane v17, v8;
	v32 =	vld [tilespmem:$0xB4D0];
	[tilespmem:$0xDFD0] =	vst v18;
	v18 =	vmul.f32 v62, v61  }
0x171: {  	v33 =	vld [tilespmem:$0xA050];
	[tilespmem:$0xDFE0] =	vst v19;
	v19 =	vmul.f32 v63, v61  }
0x172: {  	v34 =	vld [tilespmem:$0xB4E0];
	[tilespmem:$0xDFF0] =	vst v18;
	v18 =	vmul.f32 v28, v31  }
0x173: {  	v35 =	vld [tilespmem:$0xB4F0];
	[tilespmem:$0xE000] =	vst v19;
	v19 =	vmul.f32 v29, v31  }
0x174: {  	v36 =	vld [tilespmem:$0xB500];
	[tilespmem:$0xE010] =	vst v18;
	v18 =	vmul.f32 v30, v31  }
0x175: {  	v38 =	vld [tilespmem:$0xB510];
	v37 =	vperm.xlane v17, v9;
	[tilespmem:$0xE020] =	vst v19;
	v19 =	vmul.f32 v32, v31  }
0x176: {  	v39 =	vld [tilespmem:$0xA060];
	[tilespmem:$0xE030] =	vst v18;
	v18 =	vmul.f32 v33, v31  }
0x177: {  	v40 =	vld [tilespmem:$0xB520];
	[tilespmem:$0xE040] =	vst v19;
	v19 =	vmul.f32 v34, v37  }
0x178: {  	v41 =	vld [tilespmem:$0xB530];
	[tilespmem:$0xE050] =	vst v18;
	v18 =	vmul.f32 v35, v37  }
0x179: {  	v42 =	vld [tilespmem:$0xB540];
	[tilespmem:$0xE060] =	vst v19;
	v19 =	vmul.f32 v36, v37  }
0x17a: {  	v43 =	vperm.xlane v17, v10;
	v44 =	vld [tilespmem:$0xB550];
	[tilespmem:$0xE070] =	vst v18;
	v18 =	vmul.f32 v38, v37  }
0x17b: {  	v45 =	vld [tilespmem:$0xA070];
	[tilespmem:$0xE080] =	vst v19;
	v19 =	vmul.f32 v39, v37  }
0x17c: {  	v46 =	vld [tilespmem:$0xB560];
	[tilespmem:$0xE090] =	vst v18;
	v18 =	vmul.f32 v40, v43  }
0x17d: {  	v47 =	vld [tilespmem:$0xB570];
	[tilespmem:$0xE0A0] =	vst v19;
	v19 =	vmul.f32 v41, v43  }
0x17e: {  	v48 =	vld [tilespmem:$0xB580];
	[tilespmem:$0xE0B0] =	vst v18;
	v18 =	vmul.f32 v42, v43  }
0x17f: {  	v50 =	vld [tilespmem:$0xB590];
	v49 =	vperm.xlane v17, v11;
	[tilespmem:$0xE0C0] =	vst v19;
	v19 =	vmul.f32 v44, v43  }
0x180: {  	v51 =	vld [tilespmem:$0xA080];
	[tilespmem:$0xE0D0] =	vst v18;
	v18 =	vmul.f32 v45, v43  }
0x181: {  	v52 =	vld [tilespmem:$0xB5A0];
	[tilespmem:$0xE0E0] =	vst v19;
	v19 =	vmul.f32 v46, v49  }
0x182: {  	v53 =	vld [tilespmem:$0xB5B0];
	[tilespmem:$0xE0F0] =	vst v18;
	v18 =	vmul.f32 v47, v49  }
0x183: {  	v54 =	vld [tilespmem:$0xB5C0];
	[tilespmem:$0xE100] =	vst v19;
	v19 =	vmul.f32 v48, v49  }
0x184: {  	v55 =	vperm.xlane v17, v12;
	v56 =	vld [tilespmem:$0xB5D0];
	[tilespmem:$0xE110] =	vst v18;
	v18 =	vmul.f32 v50, v49  }
0x185: {  	v57 =	vld [tilespmem:$0xA090];
	[tilespmem:$0xE120] =	vst v19;
	v19 =	vmul.f32 v51, v49  }
0x186: {  	v58 =	vld [tilespmem:$0xB5E0];
	[tilespmem:$0xE130] =	vst v18;
	v18 =	vmul.f32 v52, v55  }
0x187: {  	v59 =	vld [tilespmem:$0xB5F0];
	[tilespmem:$0xE140] =	vst v19;
	v19 =	vmul.f32 v53, v55  }
0x188: {  	v60 =	vld [tilespmem:$0xB600];
	[tilespmem:$0xE150] =	vst v18;
	v18 =	vmul.f32 v54, v55  }
0x189: {  	v62 =	vld [tilespmem:$0xB610];
	v61 =	vperm.xlane v17, v13;
	[tilespmem:$0xE160] =	vst v19;
	v19 =	vmul.f32 v56, v55  }
0x18a: {  	v63 =	vld [tilespmem:$0xA0A0];
	[tilespmem:$0xE170] =	vst v18;
	v18 =	vmul.f32 v57, v55  }
0x18b: {  	v28 =	vld [tilespmem:$0xB620];
	[tilespmem:$0xE180] =	vst v19;
	v19 =	vmul.f32 v58, v61  }
0x18c: {  	v29 =	vld [tilespmem:$0xB630];
	[tilespmem:$0xE190] =	vst v18;
	v18 =	vmul.f32 v59, v61  }
0x18d: {  	v30 =	vld [tilespmem:$0xB640];
	[tilespmem:$0xE1A0] =	vst v19;
	v19 =	vmul.f32 v60, v61  }
0x18e: {  	v31 =	vperm.xlane v17, v14;
	v32 =	vld [tilespmem:$0xB650];
	[tilespmem:$0xE1B0] =	vst v18;
	v18 =	vmul.f32 v62, v61  }
0x18f: {  	v33 =	vld [tilespmem:$0xA0B0];
	[tilespmem:$0xE1C0] =	vst v19;
	v19 =	vmul.f32 v63, v61  }
0x190: {  	[tilespmem:$0xE1D0] =	vst v18;
	v18 =	vmul.f32 v28, v31  }
0x191: {  	[tilespmem:$0xE1E0] =	vst v19;
	v19 =	vmul.f32 v29, v31  }
0x192: {  	[tilespmem:$0xE1F0] =	vst v18;
	v18 =	vmul.f32 v30, v31  }
0x193: {  	[tilespmem:$0xE200] =	vst v19;
	v19 =	vmul.f32 v32, v31  }
0x194: {  	[tilespmem:$0xE210] =	vst v18;
	v18 =	vmul.f32 v33, v31  }
0x195: {  	[tilespmem:$0xE220] =	vst v19  }
0x196: {  	[tilespmem:$0xE230] =	vst v18  }
0x197: {  	v18 =	vld [tilespmem:$0xB660]  }
0x198: {  	v19 =	vld [tilespmem:$0xB670]  }
0x199: {  	v34 =	vld [tilespmem:$0xB680]  }
0x19a: {  	v35 =	vld [tilespmem:$0xB690]  }
0x19b: {  	v36 =	vperm.xlane v17, v15;
	v37 =	vld [tilespmem:$0xA0C0]  }
0x19c: {  	v38 =	vld [tilespmem:$0xB6A0]  }
0x19d: {  	v39 =	vld [tilespmem:$0xB6B0];
	v18 =	vmul.f32 v18, v36  }
0x19e: {  	v40 =	vld [tilespmem:$0xB6C0];
	v19 =	vmul.f32 v19, v36  }
0x19f: {  	v41 =	vld [tilespmem:$0xB6D0];
	[tilespmem:$0xE240] =	vst v18;
	v18 =	vmul.f32 v34, v36  }
0x1a0: {  	v42 =	vperm.xlane v17, v16;
	v17 =	vld [tilespmem:$0x9C80];
	[tilespmem:$0xE250] =	vst v19;
	v19 =	vmul.f32 v35, v36  }
0x1a1: {  	v43 =	vld [tilespmem:$0xA0D0];
	[tilespmem:$0xE260] =	vst v18;
	v18 =	vmul.f32 v37, v36  }
0x1a2: {  	v44 =	vld [tilespmem:$0xB6E0];
	[tilespmem:$0xE270] =	vst v19;
	v19 =	vmul.f32 v38, v42  }
0x1a3: {  	v45 =	vld [tilespmem:$0xB6F0];
	[tilespmem:$0xE280] =	vst v18;
	v18 =	vmul.f32 v39, v42  }
0x1a4: {  	v46 =	vld [tilespmem:$0xB700];
	[tilespmem:$0xE290] =	vst v19;
	v19 =	vmul.f32 v40, v42  }
0x1a5: {  	v48 =	vld [tilespmem:$0xB710];
	v47 =	vperm.xlane v17, v1;
	[tilespmem:$0xE2A0] =	vst v18;
	v18 =	vmul.f32 v41, v42  }
0x1a6: {  	v49 =	vld [tilespmem:$0xA0E0];
	[tilespmem:$0xE2B0] =	vst v19;
	v19 =	vmul.f32 v43, v42  }
0x1a7: {  	v50 =	vld [tilespmem:$0xB720];
	[tilespmem:$0xE2C0] =	vst v18;
	v18 =	vmul.f32 v44, v47  }
0x1a8: {  	v51 =	vld [tilespmem:$0xB730];
	[tilespmem:$0xE2D0] =	vst v19;
	v19 =	vmul.f32 v45, v47  }
0x1a9: {  	v52 =	vld [tilespmem:$0xB740];
	[tilespmem:$0xE2E0] =	vst v18;
	v18 =	vmul.f32 v46, v47  }
0x1aa: {  	v54 =	vld [tilespmem:$0xB750];
	v53 =	vperm.xlane v17, v2;
	[tilespmem:$0xE2F0] =	vst v19;
	v19 =	vmul.f32 v48, v47  }
0x1ab: {  	v55 =	vld [tilespmem:$0xA0F0];
	[tilespmem:$0xE300] =	vst v18;
	v18 =	vmul.f32 v49, v47  }
0x1ac: {  	v56 =	vld [tilespmem:$0xB760];
	[tilespmem:$0xE310] =	vst v19;
	v19 =	vmul.f32 v50, v53  }
0x1ad: {  	v57 =	vld [tilespmem:$0xB770];
	[tilespmem:$0xE320] =	vst v18;
	v18 =	vmul.f32 v51, v53  }
0x1ae: {  	v58 =	vld [tilespmem:$0xB780];
	[tilespmem:$0xE330] =	vst v19;
	v19 =	vmul.f32 v52, v53  }
0x1af: {  	v60 =	vld [tilespmem:$0xB790];
	v59 =	vperm.xlane v17, v3;
	[tilespmem:$0xE340] =	vst v18;
	v18 =	vmul.f32 v54, v53  }
0x1b0: {  	v61 =	vld [tilespmem:$0xA100];
	[tilespmem:$0xE350] =	vst v19;
	v19 =	vmul.f32 v55, v53  }
0x1b1: {  	v62 =	vld [tilespmem:$0xB7A0];
	[tilespmem:$0xE360] =	vst v18;
	v18 =	vmul.f32 v56, v59  }
0x1b2: {  	v63 =	vld [tilespmem:$0xB7B0];
	[tilespmem:$0xE370] =	vst v19;
	v19 =	vmul.f32 v57, v59  }
0x1b3: {  	v28 =	vld [tilespmem:$0xB7C0];
	[tilespmem:$0xE380] =	vst v18;
	v18 =	vmul.f32 v58, v59  }
0x1b4: {  	v30 =	vld [tilespmem:$0xB7D0];
	v29 =	vperm.xlane v17, v4;
	[tilespmem:$0xE390] =	vst v19;
	v19 =	vmul.f32 v60, v59  }
0x1b5: {  	v31 =	vld [tilespmem:$0xA110];
	[tilespmem:$0xE3A0] =	vst v18;
	v18 =	vmul.f32 v61, v59  }
0x1b6: {  	v32 =	vld [tilespmem:$0xB7E0];
	[tilespmem:$0xE3B0] =	vst v19;
	v19 =	vmul.f32 v62, v29  }
0x1b7: {  	v33 =	vld [tilespmem:$0xB7F0];
	[tilespmem:$0xE3C0] =	vst v18;
	v18 =	vmul.f32 v63, v29  }
0x1b8: {  	v34 =	vld [tilespmem:$0xB800];
	[tilespmem:$0xE3D0] =	vst v19;
	v19 =	vmul.f32 v28, v29  }
0x1b9: {  	v35 =	vperm.xlane v17, v5;
	v36 =	vld [tilespmem:$0xB810];
	[tilespmem:$0xE3E0] =	vst v18;
	v18 =	vmul.f32 v30, v29  }
0x1ba: {  	v37 =	vld [tilespmem:$0xA120];
	[tilespmem:$0xE3F0] =	vst v19;
	v19 =	vmul.f32 v31, v29  }
0x1bb: {  	v38 =	vld [tilespmem:$0xB820];
	[tilespmem:$0xE400] =	vst v18;
	v18 =	vmul.f32 v32, v35  }
0x1bc: {  	v39 =	vld [tilespmem:$0xB830];
	[tilespmem:$0xE410] =	vst v19;
	v19 =	vmul.f32 v33, v35  }
0x1bd: {  	v40 =	vld [tilespmem:$0xB840];
	[tilespmem:$0xE420] =	vst v18;
	v18 =	vmul.f32 v34, v35  }
0x1be: {  	v41 =	vperm.xlane v17, v6;
	v42 =	vld [tilespmem:$0xB850];
	[tilespmem:$0xE430] =	vst v19;
	v19 =	vmul.f32 v36, v35  }
0x1bf: {  	v43 =	vld [tilespmem:$0xA130];
	[tilespmem:$0xE440] =	vst v18;
	v18 =	vmul.f32 v37, v35  }
0x1c0: {  	v44 =	vld [tilespmem:$0xB860];
	[tilespmem:$0xE450] =	vst v19;
	v19 =	vmul.f32 v38, v41  }
0x1c1: {  	v45 =	vld [tilespmem:$0xB870];
	[tilespmem:$0xE460] =	vst v18;
	v18 =	vmul.f32 v39, v41  }
0x1c2: {  	v46 =	vld [tilespmem:$0xB880];
	[tilespmem:$0xE470] =	vst v19;
	v19 =	vmul.f32 v40, v41  }
0x1c3: {  	v48 =	vld [tilespmem:$0xB890];
	v47 =	vperm.xlane v17, v7;
	[tilespmem:$0xE480] =	vst v18;
	v18 =	vmul.f32 v42, v41  }
0x1c4: {  	v49 =	vld [tilespmem:$0xA140];
	[tilespmem:$0xE490] =	vst v19;
	v19 =	vmul.f32 v43, v41  }
0x1c5: {  	v50 =	vld [tilespmem:$0xB8A0];
	[tilespmem:$0xE4A0] =	vst v18;
	v18 =	vmul.f32 v44, v47  }
0x1c6: {  	v51 =	vld [tilespmem:$0xB8B0];
	[tilespmem:$0xE4B0] =	vst v19;
	v19 =	vmul.f32 v45, v47  }
0x1c7: {  	v52 =	vld [tilespmem:$0xB8C0];
	[tilespmem:$0xE4C0] =	vst v18;
	v18 =	vmul.f32 v46, v47  }
0x1c8: {  	v53 =	vperm.xlane v17, v8;
	v54 =	vld [tilespmem:$0xB8D0];
	[tilespmem:$0xE4D0] =	vst v19;
	v19 =	vmul.f32 v48, v47  }
0x1c9: {  	v55 =	vld [tilespmem:$0xA150];
	[tilespmem:$0xE4E0] =	vst v18;
	v18 =	vmul.f32 v49, v47  }
0x1ca: {  	v56 =	vld [tilespmem:$0xB8E0];
	[tilespmem:$0xE4F0] =	vst v19;
	v19 =	vmul.f32 v50, v53  }
0x1cb: {  	v57 =	vld [tilespmem:$0xB8F0];
	[tilespmem:$0xE500] =	vst v18;
	v18 =	vmul.f32 v51, v53  }
0x1cc: {  	v58 =	vld [tilespmem:$0xB900];
	[tilespmem:$0xE510] =	vst v19;
	v19 =	vmul.f32 v52, v53  }
0x1cd: {  	v60 =	vld [tilespmem:$0xB910];
	v59 =	vperm.xlane v17, v9;
	[tilespmem:$0xE520] =	vst v18;
	v18 =	vmul.f32 v54, v53  }
0x1ce: {  	v61 =	vld [tilespmem:$0xA160];
	[tilespmem:$0xE530] =	vst v19;
	v19 =	vmul.f32 v55, v53  }
0x1cf: {  	v62 =	vld [tilespmem:$0xB920];
	[tilespmem:$0xE540] =	vst v18;
	v18 =	vmul.f32 v56, v59  }
0x1d0: {  	v63 =	vld [tilespmem:$0xB930];
	[tilespmem:$0xE550] =	vst v19;
	v19 =	vmul.f32 v57, v59  }
0x1d1: {  	v28 =	vld [tilespmem:$0xB940];
	[tilespmem:$0xE560] =	vst v18;
	v18 =	vmul.f32 v58, v59  }
0x1d2: {  	v29 =	vperm.xlane v17, v10;
	v30 =	vld [tilespmem:$0xB950];
	[tilespmem:$0xE570] =	vst v19;
	v19 =	vmul.f32 v60, v59  }
0x1d3: {  	v31 =	vld [tilespmem:$0xA170];
	[tilespmem:$0xE580] =	vst v18;
	v18 =	vmul.f32 v61, v59  }
0x1d4: {  	v32 =	vld [tilespmem:$0xB960];
	[tilespmem:$0xE590] =	vst v19;
	v19 =	vmul.f32 v62, v29  }
0x1d5: {  	v33 =	vld [tilespmem:$0xB970];
	[tilespmem:$0xE5A0] =	vst v18;
	v18 =	vmul.f32 v63, v29  }
0x1d6: {  	v34 =	vld [tilespmem:$0xB980];
	[tilespmem:$0xE5B0] =	vst v19;
	v19 =	vmul.f32 v28, v29  }
0x1d7: {  	v36 =	vld [tilespmem:$0xB990];
	v35 =	vperm.xlane v17, v11;
	[tilespmem:$0xE5C0] =	vst v18;
	v18 =	vmul.f32 v30, v29  }
0x1d8: {  	v37 =	vld [tilespmem:$0xA180];
	[tilespmem:$0xE5D0] =	vst v19;
	v19 =	vmul.f32 v31, v29  }
0x1d9: {  	v38 =	vld [tilespmem:$0xB9A0];
	[tilespmem:$0xE5E0] =	vst v18;
	v18 =	vmul.f32 v32, v35  }
0x1da: {  	v39 =	vld [tilespmem:$0xB9B0];
	[tilespmem:$0xE5F0] =	vst v19;
	v19 =	vmul.f32 v33, v35  }
0x1db: {  	v40 =	vld [tilespmem:$0xB9C0];
	[tilespmem:$0xE600] =	vst v18;
	v18 =	vmul.f32 v34, v35  }
0x1dc: {  	v41 =	vperm.xlane v17, v12;
	v42 =	vld [tilespmem:$0xB9D0];
	[tilespmem:$0xE610] =	vst v19;
	v19 =	vmul.f32 v36, v35  }
0x1dd: {  	v43 =	vld [tilespmem:$0xA190];
	[tilespmem:$0xE620] =	vst v18;
	v18 =	vmul.f32 v37, v35  }
0x1de: {  	v44 =	vld [tilespmem:$0xB9E0];
	[tilespmem:$0xE630] =	vst v19;
	v19 =	vmul.f32 v38, v41  }
0x1df: {  	v45 =	vld [tilespmem:$0xB9F0];
	[tilespmem:$0xE640] =	vst v18;
	v18 =	vmul.f32 v39, v41  }
0x1e0: {  	v46 =	vld [tilespmem:$0xBA00];
	[tilespmem:$0xE650] =	vst v19;
	v19 =	vmul.f32 v40, v41  }
0x1e1: {  	v48 =	vld [tilespmem:$0xBA10];
	v47 =	vperm.xlane v17, v13;
	[tilespmem:$0xE660] =	vst v18;
	v18 =	vmul.f32 v42, v41  }
0x1e2: {  	v49 =	vld [tilespmem:$0xA1A0];
	[tilespmem:$0xE670] =	vst v19;
	v19 =	vmul.f32 v43, v41  }
0x1e3: {  	v50 =	vld [tilespmem:$0xBA20];
	[tilespmem:$0xE680] =	vst v18;
	v18 =	vmul.f32 v44, v47  }
0x1e4: {  	v51 =	vld [tilespmem:$0xBA30];
	[tilespmem:$0xE690] =	vst v19;
	v19 =	vmul.f32 v45, v47  }
0x1e5: {  	v52 =	vld [tilespmem:$0xBA40];
	[tilespmem:$0xE6A0] =	vst v18;
	v18 =	vmul.f32 v46, v47  }
0x1e6: {  	v53 =	vperm.xlane v17, v14;
	v54 =	vld [tilespmem:$0xBA50];
	[tilespmem:$0xE6B0] =	vst v19;
	v19 =	vmul.f32 v48, v47  }
0x1e7: {  	v55 =	vld [tilespmem:$0xA1B0];
	[tilespmem:$0xE6C0] =	vst v18;
	v18 =	vmul.f32 v49, v47  }
0x1e8: {  	v56 =	vld [tilespmem:$0xBA60];
	[tilespmem:$0xE6D0] =	vst v19;
	v19 =	vmul.f32 v50, v53  }
0x1e9: {  	v57 =	vld [tilespmem:$0xBA70];
	[tilespmem:$0xE6E0] =	vst v18;
	v18 =	vmul.f32 v51, v53  }
0x1ea: {  	v58 =	vld [tilespmem:$0xBA80];
	[tilespmem:$0xE6F0] =	vst v19;
	v19 =	vmul.f32 v52, v53  }
0x1eb: {  	v60 =	vld [tilespmem:$0xBA90];
	v59 =	vperm.xlane v17, v15;
	[tilespmem:$0xE700] =	vst v18;
	v18 =	vmul.f32 v54, v53  }
0x1ec: {  	v61 =	vld [tilespmem:$0xA1C0];
	[tilespmem:$0xE710] =	vst v19;
	v19 =	vmul.f32 v55, v53  }
0x1ed: {  	v62 =	vld [tilespmem:$0xBAA0];
	[tilespmem:$0xE720] =	vst v18;
	v18 =	vmul.f32 v56, v59  }
0x1ee: {  	v63 =	vld [tilespmem:$0xBAB0];
	[tilespmem:$0xE730] =	vst v19;
	v19 =	vmul.f32 v57, v59  }
0x1ef: {  	v28 =	vld [tilespmem:$0xBAC0];
	[tilespmem:$0xE740] =	vst v18;
	v18 =	vmul.f32 v58, v59  }
0x1f0: {  	v17 =	vperm.xlane v17, v16;
	v29 =	vld [tilespmem:$0xBAD0];
	[tilespmem:$0xE750] =	vst v19;
	v19 =	vmul.f32 v60, v59  }
0x1f1: {  	v30 =	vld [tilespmem:$0xA1D0];
	[tilespmem:$0xE760] =	vst v18;
	v18 =	vmul.f32 v61, v59  }
0x1f2: {  	[tilespmem:$0xE770] =	vst v19;
	v19 =	vmul.f32 v62, v17  }
0x1f3: {  	[tilespmem:$0xE780] =	vst v18;
	v18 =	vmul.f32 v63, v17  }
0x1f4: {  	[tilespmem:$0xE790] =	vst v19;
	v19 =	vmul.f32 v28, v17  }
0x1f5: {  	[tilespmem:$0xE7A0] =	vst v18;
	v18 =	vmul.f32 v29, v17  }
0x1f6: {  	[tilespmem:$0xE7B0] =	vst v19;
	v17 =	vmul.f32 v30, v17  }
0x1f7: {  	[tilespmem:$0xE7C0] =	vst v18  }
0x1f8: {  	p1 =	seq.s32 s1, $0x13600;
	s7 =	sadd.s32 $0x4E20, s19;
	[tilespmem:$0xE7D0] =	vst v17  }
0x1f9: {  	[spmem:s3] =	stream.indirect.scatter.add.f32 [tilespmem:s26], [sflag:$0x3], $0x50, s7, s20, $0xb8;
	[tilespmem:$0x1C8E0] =	vst v63  }
0x1fa: {  	s21 =	simm.s32 @!p1 $0x9CE0;
	s5 =	sadd.s32 @!p1 $0xA0, s13;
	s7 =	simm.s32 @!p1 $0x0  }
0x1fb: {  	[tilespmem:s21], [sflag:$0x1] =	stream.linear.gather @!p1 [hbm4b:s5+s7], $0x500, $0x38;
	[tilespmem:$0x1C8E0] =	vst v63  }
0x1fc: {  	s5 =	sadd.s32 @!p1 $0xA, s14;
	s21 =	simm.s32 @!p1 $0x9C40  }
0x1fd: {  	[tilespmem:s21], [sflag:$0x1] =	stream.linear.gather @!p1 [hbm4b:s5+s7], $0x50, $0x38;
	[tilespmem:$0x1C8E0] =	vst v63  }
0x1fe: {  	s5 =	sshra.s32 @!p1 s1, $0x2  }
0x1ff: {  	s7 =	simm.s32 @!p1 $0x50;
	s21 =	simm.s32 @!p1 $0xA6E0;
	s5 =	sadd.s32 @!p1 $0xA0, s5  }
0x200: {  	[tilespmem:s21], [sflag:$0x1] =	stream.indirect.gather @!p1 [hbm4b:s2+s7], $0x40, s5, s7, $0xb8;
	[tilespmem:$0x1C8E0] =	vst v63  }
0x201: {  	_ =	swait.ge [sflag:s28], $0x500  }
0x202: {  	[sflag:s28] =	ssyncset.done $0x0  }
0x203: {  	[sflag:s28] =	ssyncadd.s32 $0xFFFFFB00  }
0x204: {  	_ =	swait.ge [sflag:s28], $0x50  }
0x205: {  	[sflag:s28] =	ssyncset.done $0x0  }
0x206: {  	[sflag:s28] =	ssyncadd.s32 $0xFFFFFFB0  }
0x207: {  	_ =	swait.ge [sflag:s28], $0x1400  }
0x208: {  	[sflag:s28] =	ssyncset.done $0x0  }
0x209: {  	s5 =	simm.s32 @!p0 $0x4;
	[sflag:s28] =	ssyncadd.s32 $0xFFFFEC00  }
0x20a: {  	_ =	swait.ge @!p0 [sflag:s5], $0x1900  }
0x20b: {  	[sflag:s5] =	ssyncset.done @!p0 $0x0  }
0x20c: {  	[sflag:s5] =	ssyncadd.s32 @!p0 $0xFFFFE700  }
0x20d: {  	v17 =	vld [tilespmem:$0x9C90]  }
0x20e: {  	v18 =	vld [tilespmem:$0xBAE0]  }
0x20f: {  	v19 =	vld [tilespmem:$0xBAF0]  }
0x210: {  	v31 =	vld [tilespmem:$0xBB00]  }
0x211: {  	v32 =	vld [tilespmem:$0xBB10]  }
0x212: {  	v34 =	vld [tilespmem:$0xA1E0];
	v33 =	vperm.xlane v17, v1  }
0x213: {  	v35 =	vld [tilespmem:$0xBB20]  }
0x214: {  	v36 =	vld [tilespmem:$0xBB30];
	v18 =	vmul.f32 v18, v33  }
0x215: {  	v37 =	vld [tilespmem:$0xBB40];
	v19 =	vmul.f32 v19, v33  }
0x216: {  	v38 =	vld [tilespmem:$0xBB50];
	[tilespmem:$0xE7E0] =	vst v18;
	v18 =	vmul.f32 v31, v33  }
0x217: {  	v40 =	vld [tilespmem:$0xA1F0];
	v39 =	vperm.xlane v17, v2;
	[tilespmem:$0xE7F0] =	vst v19;
	v19 =	vmul.f32 v32, v33  }
0x218: {  	v41 =	vld [tilespmem:$0xBB60];
	[tilespmem:$0xE800] =	vst v18;
	v18 =	vmul.f32 v34, v33  }
0x219: {  	v42 =	vld [tilespmem:$0xBB70];
	[tilespmem:$0xE810] =	vst v19;
	v19 =	vmul.f32 v35, v39  }
0x21a: {  	v43 =	vld [tilespmem:$0xBB80];
	[tilespmem:$0xE820] =	vst v18;
	v18 =	vmul.f32 v36, v39  }
0x21b: {  	v44 =	vld [tilespmem:$0xBB90];
	[tilespmem:$0xE830] =	vst v19;
	v19 =	vmul.f32 v37, v39  }
0x21c: {  	v46 =	vld [tilespmem:$0xA200];
	v45 =	vperm.xlane v17, v3;
	[tilespmem:$0xE840] =	vst v18;
	v18 =	vmul.f32 v38, v39  }
0x21d: {  	v47 =	vld [tilespmem:$0xBBA0];
	[tilespmem:$0xE850] =	vst v19;
	v19 =	vmul.f32 v40, v39  }
0x21e: {  	v48 =	vld [tilespmem:$0xBBB0];
	[tilespmem:$0xE860] =	vst v18;
	v18 =	vmul.f32 v41, v45  }
0x21f: {  	v49 =	vld [tilespmem:$0xBBC0];
	[tilespmem:$0xE870] =	vst v19;
	v19 =	vmul.f32 v42, v45  }
0x220: {  	v50 =	vld [tilespmem:$0xBBD0];
	[tilespmem:$0xE880] =	vst v18;
	v18 =	vmul.f32 v43, v45  }
0x221: {  	v52 =	vld [tilespmem:$0xA210];
	v51 =	vperm.xlane v17, v4;
	[tilespmem:$0xE890] =	vst v19;
	v19 =	vmul.f32 v44, v45  }
0x222: {  	v53 =	vld [tilespmem:$0xBBE0];
	[tilespmem:$0xE8A0] =	vst v18;
	v18 =	vmul.f32 v46, v45  }
0x223: {  	v54 =	vld [tilespmem:$0xBBF0];
	[tilespmem:$0xE8B0] =	vst v19;
	v19 =	vmul.f32 v47, v51  }
0x224: {  	v55 =	vld [tilespmem:$0xBC00];
	[tilespmem:$0xE8C0] =	vst v18;
	v18 =	vmul.f32 v48, v51  }
0x225: {  	v56 =	vld [tilespmem:$0xBC10];
	[tilespmem:$0xE8D0] =	vst v19;
	v19 =	vmul.f32 v49, v51  }
0x226: {  	v58 =	vld [tilespmem:$0xA220];
	v57 =	vperm.xlane v17, v5;
	[tilespmem:$0xE8E0] =	vst v18;
	v18 =	vmul.f32 v50, v51  }
0x227: {  	v59 =	vld [tilespmem:$0xBC20];
	[tilespmem:$0xE8F0] =	vst v19;
	v19 =	vmul.f32 v52, v51  }
0x228: {  	v60 =	vld [tilespmem:$0xBC30];
	[tilespmem:$0xE900] =	vst v18;
	v18 =	vmul.f32 v53, v57  }
0x229: {  	v61 =	vld [tilespmem:$0xBC40];
	[tilespmem:$0xE910] =	vst v19;
	v19 =	vmul.f32 v54, v57  }
0x22a: {  	v62 =	vld [tilespmem:$0xBC50];
	[tilespmem:$0xE920] =	vst v18;
	v18 =	vmul.f32 v55, v57  }
0x22b: {  	v30 =	vld [tilespmem:$0xA230];
	v63 =	vperm.xlane v17, v6;
	[tilespmem:$0xE930] =	vst v19;
	v19 =	vmul.f32 v56, v57  }
0x22c: {  	v31 =	vld [tilespmem:$0xBC60];
	[tilespmem:$0xE940] =	vst v18;
	v18 =	vmul.f32 v58, v57  }
0x22d: {  	v32 =	vld [tilespmem:$0xBC70];
	[tilespmem:$0xE950] =	vst v19;
	v19 =	vmul.f32 v59, v63  }
0x22e: {  	v33 =	vld [tilespmem:$0xBC80];
	[tilespmem:$0xE960] =	vst v18;
	v18 =	vmul.f32 v60, v63  }
0x22f: {  	v34 =	vld [tilespmem:$0xBC90];
	[tilespmem:$0xE970] =	vst v19;
	v19 =	vmul.f32 v61, v63  }
0x230: {  	v35 =	vperm.xlane v17, v7;
	v36 =	vld [tilespmem:$0xA240];
	[tilespmem:$0xE980] =	vst v18;
	v18 =	vmul.f32 v62, v63  }
0x231: {  	v37 =	vld [tilespmem:$0xBCA0];
	[tilespmem:$0xE990] =	vst v19;
	v19 =	vmul.f32 v30, v63  }
0x232: {  	v38 =	vld [tilespmem:$0xBCB0];
	[tilespmem:$0xE9A0] =	vst v18;
	v18 =	vmul.f32 v31, v35  }
0x233: {  	v39 =	vld [tilespmem:$0xBCC0];
	[tilespmem:$0xE9B0] =	vst v19;
	v19 =	vmul.f32 v32, v35  }
0x234: {  	v40 =	vld [tilespmem:$0xBCD0];
	[tilespmem:$0xE9C0] =	vst v18;
	v18 =	vmul.f32 v33, v35  }
0x235: {  	v41 =	vperm.xlane v17, v8;
	v42 =	vld [tilespmem:$0xA250];
	[tilespmem:$0xE9D0] =	vst v19;
	v19 =	vmul.f32 v34, v35  }
0x236: {  	v43 =	vld [tilespmem:$0xBCE0];
	[tilespmem:$0xE9E0] =	vst v18;
	v18 =	vmul.f32 v36, v35  }
0x237: {  	v44 =	vld [tilespmem:$0xBCF0];
	[tilespmem:$0xE9F0] =	vst v19;
	v19 =	vmul.f32 v37, v41  }
0x238: {  	v45 =	vld [tilespmem:$0xBD00];
	[tilespmem:$0xEA00] =	vst v18;
	v18 =	vmul.f32 v38, v41  }
0x239: {  	v46 =	vld [tilespmem:$0xBD10];
	[tilespmem:$0xEA10] =	vst v19;
	v19 =	vmul.f32 v39, v41  }
0x23a: {  	v47 =	vperm.xlane v17, v9;
	v48 =	vld [tilespmem:$0xA260];
	[tilespmem:$0xEA20] =	vst v18;
	v18 =	vmul.f32 v40, v41  }
0x23b: {  	v49 =	vld [tilespmem:$0xBD20];
	[tilespmem:$0xEA30] =	vst v19;
	v19 =	vmul.f32 v42, v41  }
0x23c: {  	v50 =	vld [tilespmem:$0xBD30];
	[tilespmem:$0xEA40] =	vst v18;
	v18 =	vmul.f32 v43, v47  }
0x23d: {  	v51 =	vld [tilespmem:$0xBD40];
	[tilespmem:$0xEA50] =	vst v19;
	v19 =	vmul.f32 v44, v47  }
0x23e: {  	v52 =	vld [tilespmem:$0xBD50];
	[tilespmem:$0xEA60] =	vst v18;
	v18 =	vmul.f32 v45, v47  }
0x23f: {  	v53 =	vperm.xlane v17, v10;
	v54 =	vld [tilespmem:$0xA270];
	[tilespmem:$0xEA70] =	vst v19;
	v19 =	vmul.f32 v46, v47  }
0x240: {  	v55 =	vld [tilespmem:$0xBD60];
	[tilespmem:$0xEA80] =	vst v18;
	v18 =	vmul.f32 v48, v47  }
0x241: {  	v56 =	vld [tilespmem:$0xBD70];
	[tilespmem:$0xEA90] =	vst v19;
	v19 =	vmul.f32 v49, v53  }
0x242: {  	v57 =	vld [tilespmem:$0xBD80];
	[tilespmem:$0xEAA0] =	vst v18;
	v18 =	vmul.f32 v50, v53  }
0x243: {  	v58 =	vld [tilespmem:$0xBD90];
	[tilespmem:$0xEAB0] =	vst v19;
	v19 =	vmul.f32 v51, v53  }
0x244: {  	v59 =	vperm.xlane v17, v11;
	v60 =	vld [tilespmem:$0xA280];
	[tilespmem:$0xEAC0] =	vst v18;
	v18 =	vmul.f32 v52, v53  }
0x245: {  	v61 =	vld [tilespmem:$0xBDA0];
	[tilespmem:$0xEAD0] =	vst v19;
	v19 =	vmul.f32 v54, v53  }
0x246: {  	v62 =	vld [tilespmem:$0xBDB0];
	[tilespmem:$0xEAE0] =	vst v18;
	v18 =	vmul.f32 v55, v59  }
0x247: {  	v63 =	vld [tilespmem:$0xBDC0];
	[tilespmem:$0xEAF0] =	vst v19;
	v19 =	vmul.f32 v56, v59  }
0x248: {  	v30 =	vld [tilespmem:$0xBDD0];
	[tilespmem:$0xEB00] =	vst v18;
	v18 =	vmul.f32 v57, v59  }
0x249: {  	v31 =	vperm.xlane v17, v12;
	v32 =	vld [tilespmem:$0xA290];
	[tilespmem:$0xEB10] =	vst v19;
	v19 =	vmul.f32 v58, v59  }
0x24a: {  	v33 =	vld [tilespmem:$0xBDE0];
	[tilespmem:$0xEB20] =	vst v18;
	v18 =	vmul.f32 v60, v59  }
0x24b: {  	v34 =	vld [tilespmem:$0xBDF0];
	[tilespmem:$0xEB30] =	vst v19;
	v19 =	vmul.f32 v61, v31  }
0x24c: {  	v35 =	vld [tilespmem:$0xBE00];
	[tilespmem:$0xEB40] =	vst v18;
	v18 =	vmul.f32 v62, v31  }
0x24d: {  	v36 =	vld [tilespmem:$0xBE10];
	[tilespmem:$0xEB50] =	vst v19;
	v19 =	vmul.f32 v63, v31  }
0x24e: {  	v37 =	vperm.xlane v17, v13;
	v38 =	vld [tilespmem:$0xA2A0];
	[tilespmem:$0xEB60] =	vst v18;
	v18 =	vmul.f32 v30, v31  }
0x24f: {  	v39 =	vld [tilespmem:$0xBE20];
	[tilespmem:$0xEB70] =	vst v19;
	v19 =	vmul.f32 v32, v31  }
0x250: {  	v40 =	vld [tilespmem:$0xBE30];
	[tilespmem:$0xEB80] =	vst v18;
	v18 =	vmul.f32 v33, v37  }
0x251: {  	v41 =	vld [tilespmem:$0xBE40];
	[tilespmem:$0xEB90] =	vst v19;
	v19 =	vmul.f32 v34, v37  }
0x252: {  	v42 =	vld [tilespmem:$0xBE50];
	[tilespmem:$0xEBA0] =	vst v18;
	v18 =	vmul.f32 v35, v37  }
0x253: {  	v43 =	vperm.xlane v17, v14;
	v44 =	vld [tilespmem:$0xA2B0];
	[tilespmem:$0xEBB0] =	vst v19;
	v19 =	vmul.f32 v36, v37  }
0x254: {  	v45 =	vld [tilespmem:$0xBE60];
	[tilespmem:$0xEBC0] =	vst v18;
	v18 =	vmul.f32 v38, v37  }
0x255: {  	v46 =	vld [tilespmem:$0xBE70];
	[tilespmem:$0xEBD0] =	vst v19;
	v19 =	vmul.f32 v39, v43  }
0x256: {  	v47 =	vld [tilespmem:$0xBE80];
	[tilespmem:$0xEBE0] =	vst v18;
	v18 =	vmul.f32 v40, v43  }
0x257: {  	v48 =	vld [tilespmem:$0xBE90];
	[tilespmem:$0xEBF0] =	vst v19;
	v19 =	vmul.f32 v41, v43  }
0x258: {  	v49 =	vperm.xlane v17, v15;
	v50 =	vld [tilespmem:$0xA2C0];
	[tilespmem:$0xEC00] =	vst v18;
	v18 =	vmul.f32 v42, v43  }
0x259: {  	v51 =	vld [tilespmem:$0xBEA0];
	[tilespmem:$0xEC10] =	vst v19;
	v19 =	vmul.f32 v44, v43  }
0x25a: {  	v52 =	vld [tilespmem:$0xBEB0];
	[tilespmem:$0xEC20] =	vst v18;
	v18 =	vmul.f32 v45, v49  }
0x25b: {  	v53 =	vld [tilespmem:$0xBEC0];
	[tilespmem:$0xEC30] =	vst v19;
	v19 =	vmul.f32 v46, v49  }
0x25c: {  	v54 =	vld [tilespmem:$0xBED0];
	[tilespmem:$0xEC40] =	vst v18;
	v18 =	vmul.f32 v47, v49  }
0x25d: {  	v55 =	vperm.xlane v17, v16;
	v17 =	vld [tilespmem:$0x9CA0];
	[tilespmem:$0xEC50] =	vst v19;
	v19 =	vmul.f32 v48, v49  }
0x25e: {  	v56 =	vld [tilespmem:$0xA2D0];
	[tilespmem:$0xEC60] =	vst v18;
	v18 =	vmul.f32 v50, v49  }
0x25f: {  	v57 =	vld [tilespmem:$0xBEE0];
	[tilespmem:$0xEC70] =	vst v19;
	v19 =	vmul.f32 v51, v55  }
0x260: {  	v58 =	vld [tilespmem:$0xBEF0];
	[tilespmem:$0xEC80] =	vst v18;
	v18 =	vmul.f32 v52, v55  }
0x261: {  	v59 =	vld [tilespmem:$0xBF00];
	[tilespmem:$0xEC90] =	vst v19;
	v19 =	vmul.f32 v53, v55  }
0x262: {  	v61 =	vld [tilespmem:$0xBF10];
	v60 =	vperm.xlane v17, v1;
	[tilespmem:$0xECA0] =	vst v18;
	v18 =	vmul.f32 v54, v55  }
0x263: {  	v62 =	vld [tilespmem:$0xA2E0];
	[tilespmem:$0xECB0] =	vst v19;
	v19 =	vmul.f32 v56, v55  }
0x264: {  	v63 =	vld [tilespmem:$0xBF20];
	[tilespmem:$0xECC0] =	vst v18;
	v18 =	vmul.f32 v57, v60  }
0x265: {  	v28 =	vld [tilespmem:$0xBF30];
	[tilespmem:$0xECD0] =	vst v19;
	v19 =	vmul.f32 v58, v60  }
0x266: {  	v29 =	vld [tilespmem:$0xBF40];
	[tilespmem:$0xECE0] =	vst v18;
	v18 =	vmul.f32 v59, v60  }
0x267: {  	v30 =	vperm.xlane v17, v2;
	v31 =	vld [tilespmem:$0xBF50];
	[tilespmem:$0xECF0] =	vst v19;
	v19 =	vmul.f32 v61, v60  }
0x268: {  	v32 =	vld [tilespmem:$0xA2F0];
	[tilespmem:$0xED00] =	vst v18;
	v18 =	vmul.f32 v62, v60  }
0x269: {  	v33 =	vld [tilespmem:$0xBF60];
	[tilespmem:$0xED10] =	vst v19;
	v19 =	vmul.f32 v63, v30  }
0x26a: {  	v34 =	vld [tilespmem:$0xBF70];
	[tilespmem:$0xED20] =	vst v18;
	v18 =	vmul.f32 v28, v30  }
0x26b: {  	v35 =	vld [tilespmem:$0xBF80];
	[tilespmem:$0xED30] =	vst v19;
	v19 =	vmul.f32 v29, v30  }
0x26c: {  	v36 =	vperm.xlane v17, v3;
	v37 =	vld [tilespmem:$0xBF90];
	[tilespmem:$0xED40] =	vst v18;
	v18 =	vmul.f32 v31, v30  }
0x26d: {  	v38 =	vld [tilespmem:$0xA300];
	[tilespmem:$0xED50] =	vst v19;
	v19 =	vmul.f32 v32, v30  }
0x26e: {  	v39 =	vld [tilespmem:$0xBFA0];
	[tilespmem:$0xED60] =	vst v18;
	v18 =	vmul.f32 v33, v36  }
0x26f: {  	v40 =	vld [tilespmem:$0xBFB0];
	[tilespmem:$0xED70] =	vst v19;
	v19 =	vmul.f32 v34, v36  }
0x270: {  	v41 =	vld [tilespmem:$0xBFC0];
	[tilespmem:$0xED80] =	vst v18;
	v18 =	vmul.f32 v35, v36  }
0x271: {  	v42 =	vperm.xlane v17, v4;
	v43 =	vld [tilespmem:$0xBFD0];
	[tilespmem:$0xED90] =	vst v19;
	v19 =	vmul.f32 v37, v36  }
0x272: {  	v44 =	vld [tilespmem:$0xA310];
	[tilespmem:$0xEDA0] =	vst v18;
	v18 =	vmul.f32 v38, v36  }
0x273: {  	v45 =	vld [tilespmem:$0xBFE0];
	[tilespmem:$0xEDB0] =	vst v19;
	v19 =	vmul.f32 v39, v42  }
0x274: {  	v46 =	vld [tilespmem:$0xBFF0];
	[tilespmem:$0xEDC0] =	vst v18;
	v18 =	vmul.f32 v40, v42  }
0x275: {  	v47 =	vld [tilespmem:$0xC000];
	[tilespmem:$0xEDD0] =	vst v19;
	v19 =	vmul.f32 v41, v42  }
0x276: {  	v48 =	vperm.xlane v17, v5;
	v49 =	vld [tilespmem:$0xC010];
	[tilespmem:$0xEDE0] =	vst v18;
	v18 =	vmul.f32 v43, v42  }
0x277: {  	v50 =	vld [tilespmem:$0xA320];
	[tilespmem:$0xEDF0] =	vst v19;
	v19 =	vmul.f32 v44, v42  }
0x278: {  	v51 =	vld [tilespmem:$0xC020];
	[tilespmem:$0xEE00] =	vst v18;
	v18 =	vmul.f32 v45, v48  }
0x279: {  	v52 =	vld [tilespmem:$0xC030];
	[tilespmem:$0xEE10] =	vst v19;
	v19 =	vmul.f32 v46, v48  }
0x27a: {  	v53 =	vld [tilespmem:$0xC040];
	[tilespmem:$0xEE20] =	vst v18;
	v18 =	vmul.f32 v47, v48  }
0x27b: {  	v54 =	vperm.xlane v17, v6;
	v55 =	vld [tilespmem:$0xC050];
	[tilespmem:$0xEE30] =	vst v19;
	v19 =	vmul.f32 v49, v48  }
0x27c: {  	v56 =	vld [tilespmem:$0xA330];
	[tilespmem:$0xEE40] =	vst v18;
	v18 =	vmul.f32 v50, v48  }
0x27d: {  	v57 =	vld [tilespmem:$0xC060];
	[tilespmem:$0xEE50] =	vst v19;
	v19 =	vmul.f32 v51, v54  }
0x27e: {  	v58 =	vld [tilespmem:$0xC070];
	[tilespmem:$0xEE60] =	vst v18;
	v18 =	vmul.f32 v52, v54  }
0x27f: {  	v59 =	vld [tilespmem:$0xC080];
	[tilespmem:$0xEE70] =	vst v19;
	v19 =	vmul.f32 v53, v54  }
0x280: {  	v61 =	vld [tilespmem:$0xC090];
	v60 =	vperm.xlane v17, v7;
	[tilespmem:$0xEE80] =	vst v18;
	v18 =	vmul.f32 v55, v54  }
0x281: {  	v62 =	vld [tilespmem:$0xA340];
	[tilespmem:$0xEE90] =	vst v19;
	v19 =	vmul.f32 v56, v54  }
0x282: {  	v63 =	vld [tilespmem:$0xC0A0];
	[tilespmem:$0xEEA0] =	vst v18;
	v18 =	vmul.f32 v57, v60  }
0x283: {  	v28 =	vld [tilespmem:$0xC0B0];
	[tilespmem:$0xEEB0] =	vst v19;
	v19 =	vmul.f32 v58, v60  }
0x284: {  	v29 =	vld [tilespmem:$0xC0C0];
	[tilespmem:$0xEEC0] =	vst v18;
	v18 =	vmul.f32 v59, v60  }
0x285: {  	v30 =	vperm.xlane v17, v8;
	v31 =	vld [tilespmem:$0xC0D0];
	[tilespmem:$0xEED0] =	vst v19;
	v19 =	vmul.f32 v61, v60  }
0x286: {  	v32 =	vld [tilespmem:$0xA350];
	[tilespmem:$0xEEE0] =	vst v18;
	v18 =	vmul.f32 v62, v60  }
0x287: {  	v33 =	vld [tilespmem:$0xC0E0];
	[tilespmem:$0xEEF0] =	vst v19;
	v19 =	vmul.f32 v63, v30  }
0x288: {  	v34 =	vld [tilespmem:$0xC0F0];
	[tilespmem:$0xEF00] =	vst v18;
	v18 =	vmul.f32 v28, v30  }
0x289: {  	v35 =	vld [tilespmem:$0xC100];
	[tilespmem:$0xEF10] =	vst v19;
	v19 =	vmul.f32 v29, v30  }
0x28a: {  	v37 =	vld [tilespmem:$0xC110];
	v36 =	vperm.xlane v17, v9;
	[tilespmem:$0xEF20] =	vst v18;
	v18 =	vmul.f32 v31, v30  }
0x28b: {  	v38 =	vld [tilespmem:$0xA360];
	[tilespmem:$0xEF30] =	vst v19;
	v19 =	vmul.f32 v32, v30  }
0x28c: {  	v39 =	vld [tilespmem:$0xC120];
	[tilespmem:$0xEF40] =	vst v18;
	v18 =	vmul.f32 v33, v36  }
0x28d: {  	v40 =	vld [tilespmem:$0xC130];
	[tilespmem:$0xEF50] =	vst v19;
	v19 =	vmul.f32 v34, v36  }
0x28e: {  	v41 =	vld [tilespmem:$0xC140];
	[tilespmem:$0xEF60] =	vst v18;
	v18 =	vmul.f32 v35, v36  }
0x28f: {  	v42 =	vperm.xlane v17, v10;
	v43 =	vld [tilespmem:$0xC150];
	[tilespmem:$0xEF70] =	vst v19;
	v19 =	vmul.f32 v37, v36  }
0x290: {  	v44 =	vld [tilespmem:$0xA370];
	[tilespmem:$0xEF80] =	vst v18;
	v18 =	vmul.f32 v38, v36  }
0x291: {  	v45 =	vld [tilespmem:$0xC160];
	[tilespmem:$0xEF90] =	vst v19;
	v19 =	vmul.f32 v39, v42  }
0x292: {  	v46 =	vld [tilespmem:$0xC170];
	[tilespmem:$0xEFA0] =	vst v18;
	v18 =	vmul.f32 v40, v42  }
0x293: {  	v47 =	vld [tilespmem:$0xC180];
	[tilespmem:$0xEFB0] =	vst v19;
	v19 =	vmul.f32 v41, v42  }
0x294: {  	v49 =	vld [tilespmem:$0xC190];
	v48 =	vperm.xlane v17, v11;
	[tilespmem:$0xEFC0] =	vst v18;
	v18 =	vmul.f32 v43, v42  }
0x295: {  	v50 =	vld [tilespmem:$0xA380];
	[tilespmem:$0xEFD0] =	vst v19;
	v19 =	vmul.f32 v44, v42  }
0x296: {  	v51 =	vld [tilespmem:$0xC1A0];
	[tilespmem:$0xEFE0] =	vst v18;
	v18 =	vmul.f32 v45, v48  }
0x297: {  	v52 =	vld [tilespmem:$0xC1B0];
	[tilespmem:$0xEFF0] =	vst v19;
	v19 =	vmul.f32 v46, v48  }
0x298: {  	v53 =	vld [tilespmem:$0xC1C0];
	[tilespmem:$0xF000] =	vst v18;
	v18 =	vmul.f32 v47, v48  }
0x299: {  	v54 =	vperm.xlane v17, v12;
	v55 =	vld [tilespmem:$0xC1D0];
	[tilespmem:$0xF010] =	vst v19;
	v19 =	vmul.f32 v49, v48  }
0x29a: {  	v56 =	vld [tilespmem:$0xA390];
	[tilespmem:$0xF020] =	vst v18;
	v18 =	vmul.f32 v50, v48  }
0x29b: {  	v57 =	vld [tilespmem:$0xC1E0];
	[tilespmem:$0xF030] =	vst v19;
	v19 =	vmul.f32 v51, v54  }
0x29c: {  	v58 =	vld [tilespmem:$0xC1F0];
	[tilespmem:$0xF040] =	vst v18;
	v18 =	vmul.f32 v52, v54  }
0x29d: {  	v59 =	vld [tilespmem:$0xC200];
	[tilespmem:$0xF050] =	vst v19;
	v19 =	vmul.f32 v53, v54  }
0x29e: {  	v61 =	vld [tilespmem:$0xC210];
	v60 =	vperm.xlane v17, v13;
	[tilespmem:$0xF060] =	vst v18;
	v18 =	vmul.f32 v55, v54  }
0x29f: {  	v62 =	vld [tilespmem:$0xA3A0];
	[tilespmem:$0xF070] =	vst v19;
	v19 =	vmul.f32 v56, v54  }
0x2a0: {  	v63 =	vld [tilespmem:$0xC220];
	[tilespmem:$0xF080] =	vst v18;
	v18 =	vmul.f32 v57, v60  }
0x2a1: {  	v28 =	vld [tilespmem:$0xC230];
	[tilespmem:$0xF090] =	vst v19;
	v19 =	vmul.f32 v58, v60  }
0x2a2: {  	v29 =	vld [tilespmem:$0xC240];
	[tilespmem:$0xF0A0] =	vst v18;
	v18 =	vmul.f32 v59, v60  }
0x2a3: {  	v30 =	vperm.xlane v17, v14;
	v31 =	vld [tilespmem:$0xC250];
	[tilespmem:$0xF0B0] =	vst v19;
	v19 =	vmul.f32 v61, v60  }
0x2a4: {  	v32 =	vld [tilespmem:$0xA3B0];
	[tilespmem:$0xF0C0] =	vst v18;
	v18 =	vmul.f32 v62, v60  }
0x2a5: {  	v33 =	vld [tilespmem:$0xC260];
	[tilespmem:$0xF0D0] =	vst v19;
	v19 =	vmul.f32 v63, v30  }
0x2a6: {  	v34 =	vld [tilespmem:$0xC270];
	[tilespmem:$0xF0E0] =	vst v18;
	v18 =	vmul.f32 v28, v30  }
0x2a7: {  	[tilespmem:$0xF0F0] =	vst v19;
	v19 =	vmul.f32 v29, v30  }
0x2a8: {  	v35 =	vperm.xlane v17, v15;
	[tilespmem:$0xF100] =	vst v18;
	v18 =	vmul.f32 v31, v30  }
0x2a9: {  	[tilespmem:$0xF110] =	vst v19;
	v19 =	vmul.f32 v32, v30  }
0x2aa: {  	[tilespmem:$0xF120] =	vst v18;
	v18 =	vmul.f32 v33, v35  }
0x2ab: {  	[tilespmem:$0xF130] =	vst v19;
	v19 =	vmul.f32 v34, v35  }
0x2ac: {  	[tilespmem:$0xF140] =	vst v18  }
0x2ad: {  	[tilespmem:$0xF150] =	vst v19  }
0x2ae: {  	v18 =	vld [tilespmem:$0xC280]  }
0x2af: {  	v19 =	vld [tilespmem:$0xC290]  }
0x2b0: {  	v36 =	vld [tilespmem:$0xA3C0]  }
0x2b1: {  	v37 =	vld [tilespmem:$0xC2A0]  }
0x2b2: {  	v38 =	vld [tilespmem:$0xC2B0]  }
0x2b3: {  	v39 =	vld [tilespmem:$0xC2C0]  }
0x2b4: {  	v40 =	vld [tilespmem:$0xC2D0]  }
0x2b5: {  	v41 =	vld [tilespmem:$0xA3D0]  }
0x2b6: {  	v43 =	vld [tilespmem:$0xC2E0];
	v42 =	vmul.f32 v18, v35  }
0x2b7: {  	v17 =	vperm.xlane v17, v16;
	v18 =	vld [tilespmem:$0x9CB0];
	v19 =	vmul.f32 v19, v35  }
0x2b8: {  	v44 =	vld [tilespmem:$0xC2F0];
	v20 =	vmul.f32 v36, v35;
	[tilespmem:$0xF160] =	vst v42  }
0x2b9: {  	v45 =	vld [tilespmem:$0xC300];
	v46 =	vmul.f32 v38, v17;
	[tilespmem:$0xF170] =	vst v19  }
0x2ba: {  	v47 =	vld [tilespmem:$0xC310];
	v19 =	vmul.f32 v37, v17;
	[tilespmem:$0xF180] =	vst v20  }
0x2bb: {  	v48 =	vld [tilespmem:$0xA3E0];
	v49 =	vmul.f32 v40, v17;
	[tilespmem:$0xF1A0] =	vst v46  }
0x2bc: {  	v51 =	vld [tilespmem:$0xC320];
	[tilespmem:$0xF190] =	vst v19;
	v19 =	vmul.f32 v39, v17;
	v50 =	vperm.xlane v18, v1  }
0x2bd: {  	v53 =	vld [tilespmem:$0xC340];
	[tilespmem:$0xF1C0] =	vst v49;
	v17 =	vmul.f32 v41, v17  }
0x2be: {  	v54 =	vld [tilespmem:$0xC350];
	[tilespmem:$0xF1B0] =	vst v19;
	v52 =	vmul.f32 v43, v50  }
0x2bf: {  	v19 =	vld [tilespmem:$0xC330];
	[tilespmem:$0xF1D0] =	vst v17;
	v17 =	vmul.f32 v44, v50  }
0x2c0: {  	v56 =	vld [tilespmem:$0xA3F0];
	v55 =	vmul.f32 v45, v50;
	[tilespmem:$0xF1E0] =	vst v52  }
0x2c1: {  	v58 =	vld [tilespmem:$0xC360];
	v57 =	vperm.xlane v18, v2;
	[tilespmem:$0xF1F0] =	vst v17;
	v17 =	vmul.f32 v47, v50  }
0x2c2: {  	v60 =	vld [tilespmem:$0xC370];
	v59 =	vmul.f32 v48, v50;
	[tilespmem:$0xF200] =	vst v55  }
0x2c3: {  	v61 =	vld [tilespmem:$0xC380];
	[tilespmem:$0xF210] =	vst v17;
	v17 =	vmul.f32 v51, v57  }
0x2c4: {  	v62 =	vld [tilespmem:$0xC390];
	[tilespmem:$0xF220] =	vst v59;
	v19 =	vmul.f32 v19, v57  }
0x2c5: {  	v63 =	vld [tilespmem:$0xA400];
	[tilespmem:$0xF230] =	vst v17;
	v17 =	vmul.f32 v53, v57  }
0x2c6: {  	v33 =	vld [tilespmem:$0xC3A0];
	v32 =	vperm.xlane v18, v3;
	[tilespmem:$0xF240] =	vst v19;
	v19 =	vmul.f32 v54, v57  }
0x2c7: {  	v34 =	vld [tilespmem:$0xC3B0];
	[tilespmem:$0xF250] =	vst v17;
	v17 =	vmul.f32 v56, v57  }
0x2c8: {  	v31 =	vld [tilespmem:$0xC4F0];
	[tilespmem:$0xF260] =	vst v19;
	v19 =	vmul.f32 v58, v32  }
0x2c9: {  	v30 =	vld [tilespmem:$0xA500];
	[tilespmem:$0xF270] =	vst v17;
	v17 =	vmul.f32 v60, v32  }
0x2ca: {  	v35 =	vld [tilespmem:$0xC3C0];
	[tilespmem:$0xF280] =	vst v19;
	v19 =	vmul.f32 v61, v32  }
0x2cb: {  	v36 =	vld [tilespmem:$0xC3D0];
	v38 =	vperm.xlane v18, v4;
	[tilespmem:$0xF290] =	vst v17;
	v17 =	vmul.f32 v62, v32  }
0x2cc: {  	v37 =	vld [tilespmem:$0xA410];
	[tilespmem:$0xF2A0] =	vst v19;
	v19 =	vmul.f32 v63, v32  }
0x2cd: {  	v39 =	vld [tilespmem:$0xC3E0];
	[tilespmem:$0xF2B0] =	vst v17;
	v17 =	vmul.f32 v33, v38  }
0x2ce: {  	v40 =	vld [tilespmem:$0xC3F0];
	[tilespmem:$0xF2C0] =	vst v19;
	v19 =	vmul.f32 v34, v38  }
0x2cf: {  	v41 =	vld [tilespmem:$0xC400];
	[tilespmem:$0xF2D0] =	vst v17;
	v17 =	vmul.f32 v35, v38  }
0x2d0: {  	v42 =	vld [tilespmem:$0xC410];
	v44 =	vperm.xlane v18, v5;
	[tilespmem:$0xF2E0] =	vst v19;
	v19 =	vmul.f32 v36, v38  }
0x2d1: {  	v43 =	vld [tilespmem:$0xA420];
	[tilespmem:$0xF2F0] =	vst v17;
	v17 =	vmul.f32 v37, v38  }
0x2d2: {  	v45 =	vld [tilespmem:$0xC420];
	[tilespmem:$0xF300] =	vst v19;
	v19 =	vmul.f32 v39, v44  }
0x2d3: {  	v46 =	vld [tilespmem:$0xC430];
	[tilespmem:$0xF310] =	vst v17;
	v17 =	vmul.f32 v40, v44  }
0x2d4: {  	v47 =	vld [tilespmem:$0xC440];
	[tilespmem:$0xF320] =	vst v19;
	v19 =	vmul.f32 v41, v44  }
0x2d5: {  	v48 =	vld [tilespmem:$0xC450];
	v50 =	vperm.xlane v18, v6;
	[tilespmem:$0xF330] =	vst v17;
	v17 =	vmul.f32 v42, v44  }
0x2d6: {  	v49 =	vld [tilespmem:$0xA430];
	[tilespmem:$0xF340] =	vst v19;
	v19 =	vmul.f32 v43, v44  }
0x2d7: {  	v51 =	vld [tilespmem:$0xC460];
	[tilespmem:$0xF350] =	vst v17;
	v17 =	vmul.f32 v45, v50  }
0x2d8: {  	v52 =	vld [tilespmem:$0xC470];
	[tilespmem:$0xF360] =	vst v19;
	v19 =	vmul.f32 v46, v50  }
0x2d9: {  	v53 =	vld [tilespmem:$0xC480];
	[tilespmem:$0xF370] =	vst v17;
	v17 =	vmul.f32 v47, v50  }
0x2da: {  	v54 =	vld [tilespmem:$0xC490];
	v56 =	vperm.xlane v18, v7;
	[tilespmem:$0xF380] =	vst v19;
	v19 =	vmul.f32 v48, v50  }
0x2db: {  	v55 =	vld [tilespmem:$0xA440];
	[tilespmem:$0xF390] =	vst v17;
	v17 =	vmul.f32 v49, v50  }
0x2dc: {  	v57 =	vld [tilespmem:$0xC4A0];
	[tilespmem:$0xF3A0] =	vst v19;
	v19 =	vmul.f32 v51, v56  }
0x2dd: {  	v58 =	vld [tilespmem:$0xC4B0];
	[tilespmem:$0xF3B0] =	vst v17;
	v17 =	vmul.f32 v52, v56  }
0x2de: {  	v59 =	vld [tilespmem:$0xC4C0];
	[tilespmem:$0xF3C0] =	vst v19;
	v19 =	vmul.f32 v53, v56  }
0x2df: {  	v60 =	vld [tilespmem:$0xC4D0];
	v62 =	vperm.xlane v18, v8;
	[tilespmem:$0xF3D0] =	vst v17;
	v17 =	vmul.f32 v54, v56  }
0x2e0: {  	v61 =	vld [tilespmem:$0xA450];
	[tilespmem:$0xF3E0] =	vst v19;
	v19 =	vmul.f32 v55, v56  }
0x2e1: {  	v63 =	vld [tilespmem:$0xC4E0];
	[tilespmem:$0xF3F0] =	vst v17;
	v17 =	vmul.f32 v57, v62  }
0x2e2: {  	v32 =	vld [tilespmem:$0xC500];
	[tilespmem:$0xF400] =	vst v19;
	v19 =	vmul.f32 v58, v62  }
0x2e3: {  	v33 =	vld [tilespmem:$0xC510];
	[tilespmem:$0xF410] =	vst v17;
	v17 =	vmul.f32 v59, v62  }
0x2e4: {  	v34 =	vld [tilespmem:$0xA460];
	v35 =	vperm.xlane v18, v9;
	[tilespmem:$0xF420] =	vst v19;
	v19 =	vmul.f32 v60, v62  }
0x2e5: {  	v36 =	vld [tilespmem:$0xC520];
	[tilespmem:$0xF430] =	vst v17;
	v17 =	vmul.f32 v61, v62  }
0x2e6: {  	v37 =	vld [tilespmem:$0xC530];
	[tilespmem:$0xF440] =	vst v19;
	v19 =	vmul.f32 v63, v35  }
0x2e7: {  	v38 =	vld [tilespmem:$0xC540];
	[tilespmem:$0xF450] =	vst v17;
	v17 =	vmul.f32 v31, v35  }
0x2e8: {  	v39 =	vld [tilespmem:$0xC550];
	[tilespmem:$0xF460] =	vst v19;
	v19 =	vmul.f32 v32, v35  }
0x2e9: {  	v40 =	vld [tilespmem:$0xA470];
	v41 =	vperm.xlane v18, v10;
	[tilespmem:$0xF470] =	vst v17;
	v17 =	vmul.f32 v33, v35  }
0x2ea: {  	v42 =	vld [tilespmem:$0xC560];
	[tilespmem:$0xF480] =	vst v19;
	v19 =	vmul.f32 v34, v35  }
0x2eb: {  	v43 =	vld [tilespmem:$0xC570];
	[tilespmem:$0xF490] =	vst v17;
	v17 =	vmul.f32 v36, v41  }
0x2ec: {  	v44 =	vld [tilespmem:$0xC580];
	[tilespmem:$0xF4A0] =	vst v19;
	v19 =	vmul.f32 v37, v41  }
0x2ed: {  	v45 =	vld [tilespmem:$0xC590];
	[tilespmem:$0xF4B0] =	vst v17;
	v17 =	vmul.f32 v38, v41  }
0x2ee: {  	v46 =	vld [tilespmem:$0xA480];
	v47 =	vperm.xlane v18, v11;
	[tilespmem:$0xF4C0] =	vst v19;
	v19 =	vmul.f32 v39, v41  }
0x2ef: {  	v48 =	vld [tilespmem:$0xC5A0];
	[tilespmem:$0xF4D0] =	vst v17;
	v17 =	vmul.f32 v40, v41  }
0x2f0: {  	v49 =	vld [tilespmem:$0xC5B0];
	[tilespmem:$0xF4E0] =	vst v19;
	v19 =	vmul.f32 v42, v47  }
0x2f1: {  	v50 =	vld [tilespmem:$0xC5C0];
	[tilespmem:$0xF4F0] =	vst v17;
	v17 =	vmul.f32 v43, v47  }
0x2f2: {  	v51 =	vld [tilespmem:$0xC5D0];
	[tilespmem:$0xF500] =	vst v19;
	v19 =	vmul.f32 v44, v47  }
0x2f3: {  	v52 =	vld [tilespmem:$0xA490];
	v53 =	vperm.xlane v18, v12;
	[tilespmem:$0xF510] =	vst v17;
	v17 =	vmul.f32 v45, v47  }
0x2f4: {  	v54 =	vld [tilespmem:$0xC5E0];
	[tilespmem:$0xF520] =	vst v19;
	v19 =	vmul.f32 v46, v47  }
0x2f5: {  	v55 =	vld [tilespmem:$0xC5F0];
	[tilespmem:$0xF530] =	vst v17;
	v17 =	vmul.f32 v48, v53  }
0x2f6: {  	v56 =	vld [tilespmem:$0xC600];
	[tilespmem:$0xF540] =	vst v19;
	v19 =	vmul.f32 v49, v53  }
0x2f7: {  	v57 =	vld [tilespmem:$0xC610];
	[tilespmem:$0xF550] =	vst v17;
	v17 =	vmul.f32 v50, v53  }
0x2f8: {  	v58 =	vld [tilespmem:$0xA4A0];
	v59 =	vperm.xlane v18, v13;
	[tilespmem:$0xF560] =	vst v19;
	v19 =	vmul.f32 v51, v53  }
0x2f9: {  	v60 =	vld [tilespmem:$0xC620];
	[tilespmem:$0xF570] =	vst v17;
	v17 =	vmul.f32 v52, v53  }
0x2fa: {  	v61 =	vld [tilespmem:$0xC630];
	[tilespmem:$0xF580] =	vst v19;
	v19 =	vmul.f32 v54, v59  }
0x2fb: {  	v62 =	vld [tilespmem:$0xC640];
	[tilespmem:$0xF590] =	vst v17;
	v17 =	vmul.f32 v55, v59  }
0x2fc: {  	v63 =	vld [tilespmem:$0xC650];
	[tilespmem:$0xF5A0] =	vst v19;
	v19 =	vmul.f32 v56, v59  }
0x2fd: {  	v32 =	vld [tilespmem:$0xA4B0];
	v33 =	vperm.xlane v18, v14;
	[tilespmem:$0xF5B0] =	vst v17;
	v17 =	vmul.f32 v57, v59  }
0x2fe: {  	v34 =	vld [tilespmem:$0xC660];
	[tilespmem:$0xF5C0] =	vst v19;
	v19 =	vmul.f32 v58, v59  }
0x2ff: {  	v35 =	vld [tilespmem:$0xC670];
	[tilespmem:$0xF5D0] =	vst v17;
	v17 =	vmul.f32 v60, v33  }
0x300: {  	v36 =	vld [tilespmem:$0xC680];
	[tilespmem:$0xF5E0] =	vst v19;
	v19 =	vmul.f32 v61, v33  }
0x301: {  	v37 =	vld [tilespmem:$0xC690];
	[tilespmem:$0xF5F0] =	vst v17;
	v17 =	vmul.f32 v62, v33  }
0x302: {  	v38 =	vld [tilespmem:$0xA4C0];
	v39 =	vperm.xlane v18, v15;
	[tilespmem:$0xF600] =	vst v19;
	v19 =	vmul.f32 v63, v33  }
0x303: {  	v40 =	vld [tilespmem:$0xC6A0];
	[tilespmem:$0xF610] =	vst v17;
	v17 =	vmul.f32 v32, v33  }
0x304: {  	v41 =	vld [tilespmem:$0xC6B0];
	[tilespmem:$0xF620] =	vst v19;
	v19 =	vmul.f32 v34, v39  }
0x305: {  	v42 =	vld [tilespmem:$0xC6C0];
	[tilespmem:$0xF630] =	vst v17;
	v17 =	vmul.f32 v35, v39  }
0x306: {  	v43 =	vld [tilespmem:$0xC6D0];
	[tilespmem:$0xF640] =	vst v19;
	v19 =	vmul.f32 v36, v39  }
0x307: {  	v18 =	vperm.xlane v18, v16;
	v20 =	vmul.f32 v37, v39;
	[tilespmem:$0xF650] =	vst v17;
	v17 =	vld [tilespmem:$0x9CC0]  }
0x308: {  	v44 =	vld [tilespmem:$0xA4D0];
	[tilespmem:$0xF660] =	vst v19;
	v19 =	vmul.f32 v38, v39  }
0x309: {  	[tilespmem:$0xF670] =	vst v20;
	v45 =	vld [tilespmem:$0xC6E0];
	v46 =	vmul.f32 v40, v18  }
0x30a: {  	v47 =	vld [tilespmem:$0xC6F0];
	[tilespmem:$0xF680] =	vst v19;
	v19 =	vmul.f32 v41, v18  }
0x30b: {  	v48 =	vld [tilespmem:$0xC700];
	v49 =	vmul.f32 v42, v18;
	[tilespmem:$0xF690] =	vst v46  }
0x30c: {  	v50 =	vld [tilespmem:$0xC710];
	[tilespmem:$0xF6A0] =	vst v19;
	v19 =	vmul.f32 v43, v18;
	v51 =	vperm.xlane v17, v1  }
0x30d: {  	[tilespmem:$0xF6B0] =	vst v49;
	v52 =	vld [tilespmem:$0xA4E0];
	v18 =	vmul.f32 v44, v18  }
0x30e: {  	v53 =	vld [tilespmem:$0xC720];
	[tilespmem:$0xF6C0] =	vst v19;
	v19 =	vmul.f32 v45, v51  }
0x30f: {  	v54 =	vld [tilespmem:$0xC730];
	[tilespmem:$0xF6D0] =	vst v18;
	v18 =	vmul.f32 v47, v51  }
0x310: {  	v55 =	vld [tilespmem:$0xC740];
	[tilespmem:$0xF6E0] =	vst v19;
	v19 =	vmul.f32 v48, v51  }
0x311: {  	v56 =	vld [tilespmem:$0xC750];
	v57 =	vperm.xlane v17, v2;
	[tilespmem:$0xF6F0] =	vst v18;
	v18 =	vmul.f32 v50, v51  }
0x312: {  	v58 =	vld [tilespmem:$0xA4F0];
	[tilespmem:$0xF700] =	vst v19;
	v19 =	vmul.f32 v52, v51  }
0x313: {  	v59 =	vld [tilespmem:$0xC760];
	[tilespmem:$0xF710] =	vst v18;
	v18 =	vmul.f32 v53, v57  }
0x314: {  	v60 =	vld [tilespmem:$0xC770];
	[tilespmem:$0xF720] =	vst v19;
	v19 =	vmul.f32 v54, v57  }
0x315: {  	v61 =	vld [tilespmem:$0xC780];
	[tilespmem:$0xF730] =	vst v18;
	v18 =	vmul.f32 v55, v57  }
0x316: {  	v62 =	vld [tilespmem:$0xC790];
	v63 =	vperm.xlane v17, v3;
	[tilespmem:$0xF740] =	vst v19;
	v19 =	vmul.f32 v56, v57  }
0x317: {  	v31 =	vld [tilespmem:$0xC7A0];
	[tilespmem:$0xF750] =	vst v18;
	v18 =	vmul.f32 v58, v57  }
0x318: {  	v37 =	vld [tilespmem:$0xC7E0];
	[tilespmem:$0xF760] =	vst v19;
	v19 =	vmul.f32 v59, v63  }
0x319: {  	v32 =	vld [tilespmem:$0xC7B0];
	[tilespmem:$0xF770] =	vst v18;
	v18 =	vmul.f32 v60, v63  }
0x31a: {  	v33 =	vld [tilespmem:$0xC7C0];
	[tilespmem:$0xF780] =	vst v19;
	v19 =	vmul.f32 v61, v63  }
0x31b: {  	v34 =	vld [tilespmem:$0xC7D0];
	v35 =	vperm.xlane v17, v4;
	[tilespmem:$0xF790] =	vst v18;
	v18 =	vmul.f32 v62, v63  }
0x31c: {  	v36 =	vld [tilespmem:$0xA510];
	[tilespmem:$0xF7A0] =	vst v19;
	v19 =	vmul.f32 v30, v63  }
0x31d: {  	v40 =	vld [tilespmem:$0xC810];
	[tilespmem:$0xF7B0] =	vst v18;
	v18 =	vmul.f32 v31, v35  }
0x31e: {  	v38 =	vld [tilespmem:$0xC7F0];
	[tilespmem:$0xF7C0] =	vst v19;
	v19 =	vmul.f32 v32, v35  }
0x31f: {  	v39 =	vld [tilespmem:$0xC800];
	[tilespmem:$0xF7D0] =	vst v18;
	v18 =	vmul.f32 v33, v35  }
0x320: {  	v42 =	vld [tilespmem:$0xA520];
	v41 =	vperm.xlane v17, v5;
	[tilespmem:$0xF7E0] =	vst v19;
	v19 =	vmul.f32 v34, v35  }
0x321: {  	v46 =	vld [tilespmem:$0xC850];
	[tilespmem:$0xF7F0] =	vst v18;
	v18 =	vmul.f32 v36, v35  }
0x322: {  	v43 =	vld [tilespmem:$0xC820];
	[tilespmem:$0xF800] =	vst v19;
	v19 =	vmul.f32 v37, v41  }
0x323: {  	v44 =	vld [tilespmem:$0xC830];
	[tilespmem:$0xF810] =	vst v18;
	v18 =	vmul.f32 v38, v41  }
0x324: {  	v45 =	vld [tilespmem:$0xC840];
	[tilespmem:$0xF820] =	vst v19;
	v19 =	vmul.f32 v39, v41  }
0x325: {  	v49 =	vld [tilespmem:$0xC860];
	v47 =	vperm.xlane v17, v6;
	[tilespmem:$0xF830] =	vst v18;
	v18 =	vmul.f32 v40, v41  }
0x326: {  	v48 =	vld [tilespmem:$0xA530];
	[tilespmem:$0xF840] =	vst v19;
	v19 =	vmul.f32 v42, v41  }
0x327: {  	v50 =	vld [tilespmem:$0xC870];
	[tilespmem:$0xF850] =	vst v18;
	v18 =	vmul.f32 v43, v47  }
0x328: {  	v51 =	vld [tilespmem:$0xC880];
	[tilespmem:$0xF860] =	vst v19;
	v19 =	vmul.f32 v44, v47  }
0x329: {  	v52 =	vld [tilespmem:$0xC890];
	[tilespmem:$0xF870] =	vst v18;
	v18 =	vmul.f32 v45, v47  }
0x32a: {  	v53 =	vperm.xlane v17, v7;
	v54 =	vld [tilespmem:$0xA540];
	[tilespmem:$0xF880] =	vst v19;
	v19 =	vmul.f32 v46, v47  }
0x32b: {  	v55 =	vld [tilespmem:$0xC8A0];
	[tilespmem:$0xF890] =	vst v18;
	v18 =	vmul.f32 v48, v47  }
0x32c: {  	v56 =	vld [tilespmem:$0xC8B0];
	[tilespmem:$0xF8A0] =	vst v19;
	v19 =	vmul.f32 v49, v53  }
0x32d: {  	v57 =	vld [tilespmem:$0xC8C0];
	[tilespmem:$0xF8B0] =	vst v18;
	v18 =	vmul.f32 v50, v53  }
0x32e: {  	v58 =	vld [tilespmem:$0xC8D0];
	[tilespmem:$0xF8C0] =	vst v19;
	v19 =	vmul.f32 v51, v53  }
0x32f: {  	v59 =	vperm.xlane v17, v8;
	v60 =	vld [tilespmem:$0xA550];
	[tilespmem:$0xF8D0] =	vst v18;
	v18 =	vmul.f32 v52, v53  }
0x330: {  	v61 =	vld [tilespmem:$0xC8E0];
	[tilespmem:$0xF8E0] =	vst v19;
	v19 =	vmul.f32 v54, v53  }
0x331: {  	v62 =	vld [tilespmem:$0xC8F0];
	[tilespmem:$0xF8F0] =	vst v18;
	v18 =	vmul.f32 v55, v59  }
0x332: {  	v63 =	vld [tilespmem:$0xC900];
	[tilespmem:$0xF900] =	vst v19;
	v19 =	vmul.f32 v56, v59  }
0x333: {  	v30 =	vld [tilespmem:$0xC910];
	[tilespmem:$0xF910] =	vst v18;
	v18 =	vmul.f32 v57, v59  }
0x334: {  	v31 =	vperm.xlane v17, v9;
	v32 =	vld [tilespmem:$0xA560];
	[tilespmem:$0xF920] =	vst v19;
	v19 =	vmul.f32 v58, v59  }
0x335: {  	v33 =	vld [tilespmem:$0xC920];
	[tilespmem:$0xF930] =	vst v18;
	v18 =	vmul.f32 v60, v59  }
0x336: {  	v34 =	vld [tilespmem:$0xC930];
	[tilespmem:$0xF940] =	vst v19;
	v19 =	vmul.f32 v61, v31  }
0x337: {  	v35 =	vld [tilespmem:$0xC940];
	[tilespmem:$0xF950] =	vst v18;
	v18 =	vmul.f32 v62, v31  }
0x338: {  	v36 =	vld [tilespmem:$0xC950];
	[tilespmem:$0xF960] =	vst v19;
	v19 =	vmul.f32 v63, v31  }
0x339: {  	v37 =	vperm.xlane v17, v10;
	v38 =	vld [tilespmem:$0xA570];
	[tilespmem:$0xF970] =	vst v18;
	v18 =	vmul.f32 v30, v31  }
0x33a: {  	v39 =	vld [tilespmem:$0xC960];
	[tilespmem:$0xF980] =	vst v19;
	v19 =	vmul.f32 v32, v31  }
0x33b: {  	v40 =	vld [tilespmem:$0xC970];
	[tilespmem:$0xF990] =	vst v18;
	v18 =	vmul.f32 v33, v37  }
0x33c: {  	v41 =	vld [tilespmem:$0xC980];
	[tilespmem:$0xF9A0] =	vst v19;
	v19 =	vmul.f32 v34, v37  }
0x33d: {  	v42 =	vld [tilespmem:$0xC990];
	[tilespmem:$0xF9B0] =	vst v18;
	v18 =	vmul.f32 v35, v37  }
0x33e: {  	v43 =	vperm.xlane v17, v11;
	v44 =	vld [tilespmem:$0xA580];
	[tilespmem:$0xF9C0] =	vst v19;
	v19 =	vmul.f32 v36, v37  }
0x33f: {  	v45 =	vld [tilespmem:$0xC9A0];
	[tilespmem:$0xF9D0] =	vst v18;
	v18 =	vmul.f32 v38, v37  }
0x340: {  	v46 =	vld [tilespmem:$0xC9B0];
	[tilespmem:$0xF9E0] =	vst v19;
	v19 =	vmul.f32 v39, v43  }
0x341: {  	v47 =	vld [tilespmem:$0xC9C0];
	[tilespmem:$0xF9F0] =	vst v18;
	v18 =	vmul.f32 v40, v43  }
0x342: {  	v48 =	vld [tilespmem:$0xC9D0];
	[tilespmem:$0xFA00] =	vst v19;
	v19 =	vmul.f32 v41, v43  }
0x343: {  	v49 =	vperm.xlane v17, v12;
	v50 =	vld [tilespmem:$0xA590];
	[tilespmem:$0xFA10] =	vst v18;
	v18 =	vmul.f32 v42, v43  }
0x344: {  	v51 =	vld [tilespmem:$0xC9E0];
	[tilespmem:$0xFA20] =	vst v19;
	v19 =	vmul.f32 v44, v43  }
0x345: {  	v52 =	vld [tilespmem:$0xC9F0];
	[tilespmem:$0xFA30] =	vst v18;
	v18 =	vmul.f32 v45, v49  }
0x346: {  	v53 =	vld [tilespmem:$0xCA00];
	[tilespmem:$0xFA40] =	vst v19;
	v19 =	vmul.f32 v46, v49  }
0x347: {  	v54 =	vld [tilespmem:$0xCA10];
	[tilespmem:$0xFA50] =	vst v18;
	v18 =	vmul.f32 v47, v49  }
0x348: {  	v55 =	vperm.xlane v17, v13;
	v56 =	vld [tilespmem:$0xA5A0];
	[tilespmem:$0xFA60] =	vst v19;
	v19 =	vmul.f32 v48, v49  }
0x349: {  	v57 =	vld [tilespmem:$0xCA20];
	[tilespmem:$0xFA70] =	vst v18;
	v18 =	vmul.f32 v50, v49  }
0x34a: {  	v58 =	vld [tilespmem:$0xCA30];
	[tilespmem:$0xFA80] =	vst v19;
	v19 =	vmul.f32 v51, v55  }
0x34b: {  	v59 =	vld [tilespmem:$0xCA40];
	[tilespmem:$0xFA90] =	vst v18;
	v18 =	vmul.f32 v52, v55  }
0x34c: {  	v60 =	vld [tilespmem:$0xCA50];
	[tilespmem:$0xFAA0] =	vst v19;
	v19 =	vmul.f32 v53, v55  }
0x34d: {  	v61 =	vperm.xlane v17, v14;
	v62 =	vld [tilespmem:$0xA5B0];
	[tilespmem:$0xFAB0] =	vst v18;
	v18 =	vmul.f32 v54, v55  }
0x34e: {  	v63 =	vld [tilespmem:$0xCA60];
	[tilespmem:$0xFAC0] =	vst v19;
	v19 =	vmul.f32 v56, v55  }
0x34f: {  	v30 =	vld [tilespmem:$0xCA70];
	[tilespmem:$0xFAD0] =	vst v18;
	v18 =	vmul.f32 v57, v61  }
0x350: {  	v31 =	vld [tilespmem:$0xCA80];
	[tilespmem:$0xFAE0] =	vst v19;
	v19 =	vmul.f32 v58, v61  }
0x351: {  	v32 =	vld [tilespmem:$0xCA90];
	[tilespmem:$0xFAF0] =	vst v18;
	v18 =	vmul.f32 v59, v61  }
0x352: {  	v33 =	vperm.xlane v17, v15;
	v34 =	vld [tilespmem:$0xA5C0];
	[tilespmem:$0xFB00] =	vst v19;
	v19 =	vmul.f32 v60, v61  }
0x353: {  	v35 =	vld [tilespmem:$0xCAA0];
	[tilespmem:$0xFB10] =	vst v18;
	v18 =	vmul.f32 v62, v61  }
0x354: {  	v36 =	vld [tilespmem:$0xCAB0];
	[tilespmem:$0xFB20] =	vst v19;
	v19 =	vmul.f32 v63, v33  }
0x355: {  	v37 =	vld [tilespmem:$0xCAC0];
	[tilespmem:$0xFB30] =	vst v18;
	v18 =	vmul.f32 v30, v33  }
0x356: {  	v38 =	vld [tilespmem:$0xCAD0];
	[tilespmem:$0xFB40] =	vst v19;
	v19 =	vmul.f32 v31, v33  }
0x357: {  	v39 =	vperm.xlane v17, v16;
	v17 =	vld [tilespmem:$0x9CD0];
	[tilespmem:$0xFB50] =	vst v18;
	v18 =	vmul.f32 v32, v33  }
0x358: {  	v40 =	vld [tilespmem:$0xA5D0];
	[tilespmem:$0xFB60] =	vst v19;
	v19 =	vmul.f32 v34, v33  }
0x359: {  	v41 =	vld [tilespmem:$0xCAE0];
	[tilespmem:$0xFB70] =	vst v18;
	v18 =	vmul.f32 v35, v39  }
0x35a: {  	v42 =	vld [tilespmem:$0xCAF0];
	[tilespmem:$0xFB80] =	vst v19;
	v19 =	vmul.f32 v36, v39  }
0x35b: {  	v43 =	vld [tilespmem:$0xCB00];
	[tilespmem:$0xFB90] =	vst v18;
	v18 =	vmul.f32 v37, v39  }
0x35c: {  	v45 =	vld [tilespmem:$0xCB10];
	v44 =	vperm.xlane v17, v1;
	[tilespmem:$0xFBA0] =	vst v19;
	v19 =	vmul.f32 v38, v39  }
0x35d: {  	v46 =	vld [tilespmem:$0xA5E0];
	[tilespmem:$0xFBB0] =	vst v18;
	v18 =	vmul.f32 v40, v39  }
0x35e: {  	v47 =	vld [tilespmem:$0xCB20];
	[tilespmem:$0xFBC0] =	vst v19;
	v19 =	vmul.f32 v41, v44  }
0x35f: {  	v48 =	vld [tilespmem:$0xCB30];
	[tilespmem:$0xFBD0] =	vst v18;
	v18 =	vmul.f32 v42, v44  }
0x360: {  	v49 =	vld [tilespmem:$0xCB40];
	[tilespmem:$0xFBE0] =	vst v19;
	v19 =	vmul.f32 v43, v44  }
0x361: {  	v50 =	vperm.xlane v17, v2;
	v51 =	vld [tilespmem:$0xCB50];
	[tilespmem:$0xFBF0] =	vst v18;
	v18 =	vmul.f32 v45, v44  }
0x362: {  	v52 =	vld [tilespmem:$0xA5F0];
	[tilespmem:$0xFC00] =	vst v19;
	v19 =	vmul.f32 v46, v44  }
0x363: {  	v53 =	vld [tilespmem:$0xCB60];
	[tilespmem:$0xFC10] =	vst v18;
	v18 =	vmul.f32 v47, v50  }
0x364: {  	v54 =	vld [tilespmem:$0xCB70];
	[tilespmem:$0xFC20] =	vst v19;
	v19 =	vmul.f32 v48, v50  }
0x365: {  	v55 =	vld [tilespmem:$0xCB80];
	[tilespmem:$0xFC30] =	vst v18;
	v18 =	vmul.f32 v49, v50  }
0x366: {  	v56 =	vperm.xlane v17, v3;
	v57 =	vld [tilespmem:$0xCB90];
	[tilespmem:$0xFC40] =	vst v19;
	v19 =	vmul.f32 v51, v50  }
0x367: {  	v58 =	vld [tilespmem:$0xA600];
	[tilespmem:$0xFC50] =	vst v18;
	v18 =	vmul.f32 v52, v50  }
0x368: {  	v59 =	vld [tilespmem:$0xCBA0];
	[tilespmem:$0xFC60] =	vst v19;
	v19 =	vmul.f32 v53, v56  }
0x369: {  	v60 =	vld [tilespmem:$0xCBB0];
	[tilespmem:$0xFC70] =	vst v18;
	v18 =	vmul.f32 v54, v56  }
0x36a: {  	v61 =	vld [tilespmem:$0xCBC0];
	[tilespmem:$0xFC80] =	vst v19;
	v19 =	vmul.f32 v55, v56  }
0x36b: {  	v62 =	vperm.xlane v17, v4;
	v63 =	vld [tilespmem:$0xCBD0];
	[tilespmem:$0xFC90] =	vst v18;
	v18 =	vmul.f32 v57, v56  }
0x36c: {  	v28 =	vld [tilespmem:$0xA610];
	[tilespmem:$0xFCA0] =	vst v19;
	v19 =	vmul.f32 v58, v56  }
0x36d: {  	v29 =	vld [tilespmem:$0xCBE0];
	[tilespmem:$0xFCB0] =	vst v18;
	v18 =	vmul.f32 v59, v62  }
0x36e: {  	v30 =	vld [tilespmem:$0xCBF0];
	[tilespmem:$0xFCC0] =	vst v19;
	v19 =	vmul.f32 v60, v62  }
0x36f: {  	v31 =	vld [tilespmem:$0xCC00];
	[tilespmem:$0xFCD0] =	vst v18;
	v18 =	vmul.f32 v61, v62  }
0x370: {  	v32 =	vperm.xlane v17, v5;
	v33 =	vld [tilespmem:$0xCC10];
	[tilespmem:$0xFCE0] =	vst v19;
	v19 =	vmul.f32 v63, v62  }
0x371: {  	v34 =	vld [tilespmem:$0xA620];
	[tilespmem:$0xFCF0] =	vst v18;
	v18 =	vmul.f32 v28, v62  }
0x372: {  	v35 =	vld [tilespmem:$0xCC20];
	[tilespmem:$0xFD00] =	vst v19;
	v19 =	vmul.f32 v29, v32  }
0x373: {  	v36 =	vld [tilespmem:$0xCC30];
	[tilespmem:$0xFD10] =	vst v18;
	v18 =	vmul.f32 v30, v32  }
0x374: {  	v37 =	vld [tilespmem:$0xCC40];
	[tilespmem:$0xFD20] =	vst v19;
	v19 =	vmul.f32 v31, v32  }
0x375: {  	v38 =	vperm.xlane v17, v6;
	v39 =	vld [tilespmem:$0xCC50];
	[tilespmem:$0xFD30] =	vst v18;
	v18 =	vmul.f32 v33, v32  }
0x376: {  	v40 =	vld [tilespmem:$0xA630];
	[tilespmem:$0xFD40] =	vst v19;
	v19 =	vmul.f32 v34, v32  }
0x377: {  	v41 =	vld [tilespmem:$0xCC60];
	[tilespmem:$0xFD50] =	vst v18;
	v18 =	vmul.f32 v35, v38  }
0x378: {  	v42 =	vld [tilespmem:$0xCC70];
	[tilespmem:$0xFD60] =	vst v19;
	v19 =	vmul.f32 v36, v38  }
0x379: {  	v43 =	vld [tilespmem:$0xCC80];
	[tilespmem:$0xFD70] =	vst v18;
	v18 =	vmul.f32 v37, v38  }
0x37a: {  	v45 =	vld [tilespmem:$0xCC90];
	v44 =	vperm.xlane v17, v7;
	[tilespmem:$0xFD80] =	vst v19;
	v19 =	vmul.f32 v39, v38  }
0x37b: {  	v46 =	vld [tilespmem:$0xA640];
	[tilespmem:$0xFD90] =	vst v18;
	v18 =	vmul.f32 v40, v38  }
0x37c: {  	v47 =	vld [tilespmem:$0xCCA0];
	[tilespmem:$0xFDA0] =	vst v19;
	v19 =	vmul.f32 v41, v44  }
0x37d: {  	v48 =	vld [tilespmem:$0xCCB0];
	[tilespmem:$0xFDB0] =	vst v18;
	v18 =	vmul.f32 v42, v44  }
0x37e: {  	v49 =	vld [tilespmem:$0xCCC0];
	[tilespmem:$0xFDC0] =	vst v19;
	v19 =	vmul.f32 v43, v44  }
0x37f: {  	v50 =	vperm.xlane v17, v8;
	v51 =	vld [tilespmem:$0xCCD0];
	[tilespmem:$0xFDD0] =	vst v18;
	v18 =	vmul.f32 v45, v44  }
0x380: {  	v52 =	vld [tilespmem:$0xA650];
	[tilespmem:$0xFDE0] =	vst v19;
	v19 =	vmul.f32 v46, v44  }
0x381: {  	v53 =	vld [tilespmem:$0xCCE0];
	[tilespmem:$0xFDF0] =	vst v18;
	v18 =	vmul.f32 v47, v50  }
0x382: {  	v54 =	vld [tilespmem:$0xCCF0];
	[tilespmem:$0xFE00] =	vst v19;
	v19 =	vmul.f32 v48, v50  }
0x383: {  	v55 =	vld [tilespmem:$0xCD00];
	[tilespmem:$0xFE10] =	vst v18;
	v18 =	vmul.f32 v49, v50  }
0x384: {  	v57 =	vld [tilespmem:$0xCD10];
	v56 =	vperm.xlane v17, v9;
	[tilespmem:$0xFE20] =	vst v19;
	v19 =	vmul.f32 v51, v50  }
0x385: {  	v58 =	vld [tilespmem:$0xA660];
	[tilespmem:$0xFE30] =	vst v18;
	v18 =	vmul.f32 v52, v50  }
0x386: {  	v59 =	vld [tilespmem:$0xCD20];
	[tilespmem:$0xFE40] =	vst v19;
	v19 =	vmul.f32 v53, v56  }
0x387: {  	v60 =	vld [tilespmem:$0xCD30];
	[tilespmem:$0xFE50] =	vst v18;
	v18 =	vmul.f32 v54, v56  }
0x388: {  	v61 =	vld [tilespmem:$0xCD40];
	[tilespmem:$0xFE60] =	vst v19;
	v19 =	vmul.f32 v55, v56  }
0x389: {  	v62 =	vperm.xlane v17, v10;
	v63 =	vld [tilespmem:$0xCD50];
	[tilespmem:$0xFE70] =	vst v18;
	v18 =	vmul.f32 v57, v56  }
0x38a: {  	v28 =	vld [tilespmem:$0xA670];
	[tilespmem:$0xFE80] =	vst v19;
	v19 =	vmul.f32 v58, v56  }
0x38b: {  	v29 =	vld [tilespmem:$0xCD60];
	[tilespmem:$0xFE90] =	vst v18;
	v18 =	vmul.f32 v59, v62  }
0x38c: {  	v30 =	vld [tilespmem:$0xCD70];
	[tilespmem:$0xFEA0] =	vst v19;
	v19 =	vmul.f32 v60, v62  }
0x38d: {  	v31 =	vld [tilespmem:$0xCD80];
	[tilespmem:$0xFEB0] =	vst v18;
	v18 =	vmul.f32 v61, v62  }
0x38e: {  	v33 =	vld [tilespmem:$0xCD90];
	v32 =	vperm.xlane v17, v11;
	[tilespmem:$0xFEC0] =	vst v19;
	v19 =	vmul.f32 v63, v62  }
0x38f: {  	v34 =	vld [tilespmem:$0xA680];
	[tilespmem:$0xFED0] =	vst v18;
	v18 =	vmul.f32 v28, v62  }
0x390: {  	v35 =	vld [tilespmem:$0xCDA0];
	[tilespmem:$0xFEE0] =	vst v19;
	v19 =	vmul.f32 v29, v32  }
0x391: {  	v36 =	vld [tilespmem:$0xCDB0];
	[tilespmem:$0xFEF0] =	vst v18;
	v18 =	vmul.f32 v30, v32  }
0x392: {  	v37 =	vld [tilespmem:$0xCDC0];
	[tilespmem:$0xFF00] =	vst v19;
	v19 =	vmul.f32 v31, v32  }
0x393: {  	v38 =	vperm.xlane v17, v12;
	v39 =	vld [tilespmem:$0xCDD0];
	[tilespmem:$0xFF10] =	vst v18;
	v18 =	vmul.f32 v33, v32  }
0x394: {  	v40 =	vld [tilespmem:$0xA690];
	[tilespmem:$0xFF20] =	vst v19;
	v19 =	vmul.f32 v34, v32  }
0x395: {  	v41 =	vld [tilespmem:$0xCDE0];
	[tilespmem:$0xFF30] =	vst v18;
	v18 =	vmul.f32 v35, v38  }
0x396: {  	v42 =	vld [tilespmem:$0xCDF0];
	[tilespmem:$0xFF40] =	vst v19;
	v19 =	vmul.f32 v36, v38  }
0x397: {  	v43 =	vld [tilespmem:$0xCE00];
	[tilespmem:$0xFF50] =	vst v18;
	v18 =	vmul.f32 v37, v38  }
0x398: {  	v45 =	vld [tilespmem:$0xCE10];
	v44 =	vperm.xlane v17, v13;
	[tilespmem:$0xFF60] =	vst v19;
	v19 =	vmul.f32 v39, v38  }
0x399: {  	v46 =	vld [tilespmem:$0xA6A0];
	[tilespmem:$0xFF70] =	vst v18;
	v18 =	vmul.f32 v40, v38  }
0x39a: {  	v47 =	vld [tilespmem:$0xCE20];
	[tilespmem:$0xFF80] =	vst v19;
	v19 =	vmul.f32 v41, v44  }
0x39b: {  	v48 =	vld [tilespmem:$0xCE30];
	[tilespmem:$0xFF90] =	vst v18;
	v18 =	vmul.f32 v42, v44  }
0x39c: {  	v49 =	vld [tilespmem:$0xCE40];
	[tilespmem:$0xFFA0] =	vst v19;
	v19 =	vmul.f32 v43, v44  }
0x39d: {  	v50 =	vperm.xlane v17, v14;
	v51 =	vld [tilespmem:$0xCE50];
	[tilespmem:$0xFFB0] =	vst v18;
	v18 =	vmul.f32 v45, v44  }
0x39e: {  	v52 =	vld [tilespmem:$0xA6B0];
	[tilespmem:$0xFFC0] =	vst v19;
	v19 =	vmul.f32 v46, v44  }
0x39f: {  	v53 =	vld [tilespmem:$0xCE60];
	[tilespmem:$0xFFD0] =	vst v18;
	v18 =	vmul.f32 v47, v50  }
0x3a0: {  	v54 =	vld [tilespmem:$0xCE70];
	[tilespmem:$0xFFE0] =	vst v19;
	v19 =	vmul.f32 v48, v50  }
0x3a1: {  	v55 =	vld [tilespmem:$0xCE80];
	[tilespmem:$0xFFF0] =	vst v18;
	v18 =	vmul.f32 v49, v50  }
0x3a2: {  	v57 =	vld [tilespmem:$0xCE90];
	v56 =	vperm.xlane v17, v15;
	[tilespmem:$0x10000] =	vst v19;
	v19 =	vmul.f32 v51, v50  }
0x3a3: {  	v58 =	vld [tilespmem:$0xA6C0];
	[tilespmem:$0x10010] =	vst v18;
	v18 =	vmul.f32 v52, v50  }
0x3a4: {  	v59 =	vld [tilespmem:$0xCEA0];
	[tilespmem:$0x10020] =	vst v19;
	v19 =	vmul.f32 v53, v56  }
0x3a5: {  	v60 =	vld [tilespmem:$0xCEB0];
	[tilespmem:$0x10030] =	vst v18;
	v18 =	vmul.f32 v54, v56  }
0x3a6: {  	v61 =	vld [tilespmem:$0xCEC0];
	[tilespmem:$0x10040] =	vst v19;
	v19 =	vmul.f32 v55, v56  }
0x3a7: {  	v17 =	vperm.xlane v17, v16;
	v62 =	vld [tilespmem:$0xCED0];
	[tilespmem:$0x10050] =	vst v18;
	v18 =	vmul.f32 v57, v56  }
0x3a8: {  	v63 =	vld [tilespmem:$0xA6D0];
	[tilespmem:$0x10060] =	vst v19;
	v19 =	vmul.f32 v58, v56  }
0x3a9: {  	[tilespmem:$0x10070] =	vst v18;
	v18 =	vmul.f32 v59, v17  }
0x3aa: {  	s1 =	sadd.s32 $0x280, s1;
	[tilespmem:$0x10080] =	vst v19;
	v19 =	vmul.f32 v60, v17  }
0x3ab: {  	p0 =	sne.s32 s1, $0x13880;
	[tilespmem:$0x10090] =	vst v18;
	v18 =	vmul.f32 v61, v17  }
.Ltmp1:
0x3ac: {  	[tilespmem:$0x100A0] =	vst v19;
	v19 =	vmul.f32 v62, v17;
	(pc) =	sbr.rel @p0 .LBB2_4-.Ltmp1, $4  }
0x3ad: {  	[tilespmem:$0x100B0] =	vst v18;
	v17 =	vmul.f32 v63, v17  }
0x3ae: {  	[tilespmem:$0x100C0] =	vst v19  }
0x3af: {  	s13 =	sadd.s32 $0x140, s13;
	s14 =	sadd.s32 $0x14, s14;
	s21 =	sadd.s32 $0x4E70, s19;
	[tilespmem:$0x100D0] =	vst v17  }
0x3b0: {  	[spmem:s3] =	stream.indirect.scatter.add.f32 [tilespmem:s29], [sflag:$0x4], $0x50, s21, s20, $0xb8;
	[tilespmem:$0x1C8E0] =	vst v63  }
0x3b1: {  	_ =	swait.ge [sflag:s30], $0x1900  }
0x3b2: {  	[sflag:s30] =	ssyncset.done $0x0  }
0x3b3: {  	[sflag:s30] =	ssyncadd.s32 $0xFFFFE700  }
0x3b4: {  	_ =	swait.ge [sflag:s31], $0x1900  }
0x3b5: {  	s0 =	sadd.s32 $0x1, s0;
	[sflag:s31] =	ssyncset.done $0x0  }
0x3b6: {  	p0 =	sne.s32 s0, s12;
	[sflag:s31] =	ssyncadd.s32 $0xFFFFE700  }
.Ltmp2:
0x3b7: {  	[bflag:$0x0] =	sbarrier.arrive $0xFFFF;
	(pc) =	sbr.rel @p0 .LBB2_1-.Ltmp2, $4  }
0x3b8: {  	[hbm:s11], [sflag:s6] =	dma.local [spmem:s15], $0x1900  }
0x3b9: {  	_ =	swait.ge [sflag:s16], $0x1900  }
0x3ba: {  	[sflag:s16] =	ssyncset.done $0x0  }
0x3bb: {  	[sflag:s16] =	ssyncadd.s32 $0xFFFFE700  }
0x3bc: {  	_ =	sfence.sel $0x180000  }
0x3bd: {  	[bflag:$0x0] =	sbarrier.arrive $0xFFFF  }
0x3be: {  	_ =	strace $0x9000004A  }
0x3bf: {  	s0 =	stileid.u32;
	[bflag:$0x2] =	sbarrier.arrive $0xFFFF  }
0x3c0: {  	p0 =	sne.s32 s0, $0x0;
	s0 =	rddreg [dreg:$0x3]  }
0x3c1: {  	s0 =	sadd.s32 @!p0 $0x100000, s0  }
0x3c2: {  	[sflag:s0] =	ssyncadd.tile.s32 @!p0 $0x1;
	_ =	shalt  }
.Lfunc_end2:
_tile_overlayer_lowered:
.L_overlay_start_2:
0x3c3: {  	(tag) =	ssettag $0x2  }
0x3c4: {  	s0 =	rddreg [dreg:$0x0];
	s2 =	stileid.u32  }
0x3c5: {  	s1 =	rddreg [dreg:$0x1];
	p0 =	sne.s32 s2, $0x0  }
0x3c6: {  	s3 =	rddreg [dreg:$0x2];
	[bflag:$0x3] =	sbarrier.arrive $0xFFFF;
	s2 =	simm.s32 @!p0 $0x1C05  }
0x3c7: {  	[timem:s3], [sflag:s2] =	dma.local @!p0 [hbm:s0], s1  }
0x3c8: {  	s0 =	simm.s32 @!p0 $0x5  }
0x3c9: {  	_ =	swait.ge @!p0 [sflag:s0], s1  }
0x3ca: {  	s1 =	ssub.s32 @!p0 $0x0, s1;
	[sflag:s0] =	ssyncset.done @!p0 $0x0  }
0x3cb: {  	[sflag:s0] =	ssyncadd.s32 @!p0 s1  }
0x3cc: {  	[bflag:$0x3] =	sbarrier.arrive $0xFFFF  }
0x3cd: {  	_ =	shalt  }

// kernel: kernel.8.cloned.1.call-start
scs
__scs_entry_jumppad:
0x0: {  	(pc) =	sbr.rel $0x88, $3  }
0x1: {  	(tag) =	ssettag $0x0;
	lr =	simm.s32 $0x1  }
0x2: {  	[smem:$0x3F99] =	sst lr;
	_ =	strace $0xD0000000  }
0x3: {  	_ = 	snop  }
0x4: {  	_ = 	snop  }
0x5: {  	_ = 	snop  }
0x6: {  	_ = 	snop  }
0x7: {  	_ = 	snop  }
__scs_overlays_trampoline_lowered:
0x8: {  	[smem:$0x3FA8] =	sst s0  }
0x9: {  	[smem:$0x3FA9] =	sst s1  }
0xa: {  	[smem:$0x3FAA] =	sst s2  }
0xb: {  	[smem:$0x3FAB] =	sst s3  }
0xc: {  	[smem:$0x3FAC] =	sst s4  }
0xd: {  	[smem:$0x3FAD] =	sst s5  }
0xe: {  	[smem:$0x3FAE] =	sst s6  }
0xf: {  	[smem:$0x3FAF] =	sst s7  }
0x10: {  	[smem:$0x3FB0] =	sst s8  }
0x11: {  	[smem:$0x3FB1] =	sst s9;
	s0 =	simm.s32 @!p0 $0x0  }
0x12: {  	s1 =	sld [smem:$0x3F97];
	s0 =	simm.s32 @p0 $0x1  }
0x13: {  	[smem:$0x3FB2] =	sst s0;
	s0 =	simm.s32 @!p1 $0x0  }
0x14: {  	s2 =	sld [smem:$0x3F96];
	s0 =	simm.s32 @p1 $0x1  }
0x15: {  	[smem:$0x3FB3] =	sst s0;
	s0 =	simm.s32 @!p2 $0x0  }
0x16: {  	s3 =	sld [smem:$0x3FDB];
	s0 =	simm.s32 @p2 $0x1  }
0x17: {  	s4 =	simm.s32 $0x1BF5;
	[smem:$0x3FB5] =	sst s0  }
0x18: {  	s0 =	sld [smem:$0x3F98];
	_ =	swait.ge [sflag:s4], $0x0  }
0x19: {  	s7 =	sld [smem:$0x3F99]  }
0x1a: {  	s8 =	sadd.s32 $0xFFFFE003, lr  }
0x1b: {  	s9 =	sadd.s32 $0xFFFFFEF7, lr;
	s5 =	simm.s32 $0xFFFFFFFF;
	p2 =	slt.u32 s8, $0xFFFFF086  }
0x1c: {  	p1 =	slt.u32 s9, $0xF7A;
	s5 =	simm.s32 @!p2 $0x0  }
0x1d: {  	s5 =	simm.s32 @p1 $0x1;
	p0 =	seq.s32 s7, s2  }
0x1e: {  	s7 =	smul.u32 @!p0 $0xF7A, s2;
	p2 =	seq.s32 @!p0 s5, $0x0  }
0x1f: {  	s9 =	smul.u32 $0xF7A, s1;
	s8 =	simm.s32 @!p0 $0x1BF5;
	p2 =	por !p2, p0  }
0x20: {  	[sflag:s8] =	ssyncset.s32 @!p0 $0xFFFFF086;
	s6 =	sadd.s32 @!p0 s3, s7;
	s7 =	simm.s32 @!p0 $0x108  }
0x21: {  	s3 =	sadd.s32 s3, s9;
	s6 =	sadd.s32 @!p0 $0x88, s6;
	s7 =	simm.s32 @p2 $0x1082  }
0x22: {  	[simem:s7], [sflag:s8] =	dma.local @!p0 [hbm:s6], $0xF7A  }
0x23: {  	s9 =	sor.u32 $0xD0000000, s2;
	s6 =	simm.s32 $0x108;
	_ =	swait.ge @!p0 [sflag:s8], $0x0  }
0x24: {  	s3 =	sadd.s32 $0x88, s3;
	s6 =	simm.s32 @!p1 $0x1082;
	[sflag:s4] =	ssyncset.s32 $0xFFFFF086  }
0x25: {  	[simem:s6], [sflag:s4] =	dma.local [hbm:s3], $0xF7A  }
0x26: {  	[smem:$0x3F99] =	sst s1;
	(tag) =	ssettag s2;
	_ =	strace s9  }
0x27: {  	s1 =	sld [smem:$0x3FA9]  }
0x28: {  	s2 =	sld [smem:$0x3FAA]  }
0x29: {  	s4 =	sld [smem:$0x3FAC]  }
0x2a: {  	p0 =	seq.s32 s5, $0x0;
	s5 =	sld [smem:$0x3FAD]  }
0x2b: {  	s6 =	sld [smem:$0x3FAE]  }
0x2c: {  	s7 =	sld [smem:$0x3FAF]  }
0x2d: {  	s3 =	simm.s32 $0x108;
	s8 =	sld [smem:$0x3FB0]  }
0x2e: {  	s3 =	simm.s32 @!p0 $0x1082;
	s9 =	sld [smem:$0x3FB1]  }
0x2f: {  	lr =	sadd.s32 s0, s3;
	s0 =	sld [smem:$0x3FA8]  }
0x30: {  	s3 =	sld [smem:$0x3FAB]  }
0x31: {  	[smem:$0x3FB4] =	sst s10  }
0x32: {  	s10 =	sld [smem:$0x3FB2];
	_ =	sdelay $0x3  }
0x33: {  	p0 =	seq.s32 s10, $0x1;
	s10 =	sld [smem:$0x3FB4];
	_ =	sdelay $0x3  }
0x34: {  	[smem:$0x3FB4] =	sst s10  }
0x35: {  	s10 =	sld [smem:$0x3FB3];
	_ =	sdelay $0x3  }
0x36: {  	p1 =	seq.s32 s10, $0x1;
	s10 =	sld [smem:$0x3FB4];
	_ =	sdelay $0x3  }
0x37: {  	[smem:$0x3FB4] =	sst s10  }
0x38: {  	s10 =	sld [smem:$0x3FB5]  }
0x39: {  	_ = 	snop;
	(pc) =	sbr.ind lr, $3  }
0x3a: {  	_ = 	snop  }
0x3b: {  	_ = 	snop  }
0x3c: {  	p2 =	seq.s32 s10, $0x1;
	s10 =	sld [smem:$0x3FB4]  }
0x3d: {  	_ =	shalt  }
0x3e: {  	_ =	shalt  }
0x3f: {  	_ =	shalt  }
0x40: {  	_ =	shalt  }
0x41: {  	_ =	shalt  }
0x42: {  	_ =	shalt  }
0x43: {  	_ =	shalt  }
0x44: {  	_ =	shalt  }
0x45: {  	_ =	shalt  }
0x46: {  	_ =	shalt  }
0x47: {  	_ =	shalt  }
0x48: {  	_ =	shalt  }
0x49: {  	_ =	shalt  }
0x4a: {  	_ =	shalt  }
0x4b: {  	_ =	shalt  }
0x4c: {  	_ =	shalt  }
0x4d: {  	_ =	shalt  }
0x4e: {  	_ =	shalt  }
0x4f: {  	_ =	shalt  }
0x50: {  	_ =	shalt  }
0x51: {  	_ =	shalt  }
0x52: {  	_ =	shalt  }
0x53: {  	_ =	shalt  }
0x54: {  	_ =	shalt  }
0x55: {  	_ =	shalt  }
0x56: {  	_ =	shalt  }
0x57: {  	_ =	shalt  }
0x58: {  	_ =	shalt  }
0x59: {  	_ =	shalt  }
0x5a: {  	_ =	shalt  }
0x5b: {  	_ =	shalt  }
0x5c: {  	_ =	shalt  }
0x5d: {  	_ =	shalt  }
0x5e: {  	_ =	shalt  }
0x5f: {  	_ =	shalt  }
0x60: {  	_ =	shalt  }
0x61: {  	_ =	shalt  }
0x62: {  	_ =	shalt  }
0x63: {  	_ =	shalt  }
0x64: {  	_ =	shalt  }
0x65: {  	_ =	shalt  }
0x66: {  	_ =	shalt  }
0x67: {  	_ =	shalt  }
0x68: {  	_ =	shalt  }
0x69: {  	_ =	shalt  }
0x6a: {  	_ =	shalt  }
0x6b: {  	_ =	shalt  }
0x6c: {  	_ =	shalt  }
0x6d: {  	_ =	shalt  }
0x6e: {  	_ =	shalt  }
0x6f: {  	_ =	shalt  }
0x70: {  	_ =	shalt  }
0x71: {  	_ =	shalt  }
0x72: {  	_ =	shalt  }
0x73: {  	_ =	shalt  }
0x74: {  	_ =	shalt  }
0x75: {  	_ =	shalt  }
0x76: {  	_ =	shalt  }
0x77: {  	_ =	shalt  }
0x78: {  	_ =	shalt  }
0x79: {  	_ =	shalt  }
0x7a: {  	_ =	shalt  }
0x7b: {  	_ =	shalt  }
0x7c: {  	_ =	shalt  }
0x7d: {  	_ =	shalt  }
0x7e: {  	_ =	shalt  }
0x7f: {  	_ =	shalt  }
0x80: {  	_ =	shalt  }
0x81: {  	_ =	shalt  }
0x82: {  	_ =	shalt  }
0x83: {  	_ =	shalt  }
0x84: {  	_ =	shalt  }
0x85: {  	_ =	shalt  }
0x86: {  	_ =	shalt  }
0x87: {  	_ =	shalt  }
.Lfunc_end0:
.L_simem_size_0:
called_computation_lowered:
.L_overlay_start_0:
0x88: {  	s2 =	sld [smem:$0x3FD9]  }
0x89: {  	s3 =	sld [smem:$0x3FFE];
	_ =	sdelay $0x1  }
0x8a: {  	s1 =	srdreg.scid  }
0x8b: {  	s0 =	sand.u32 $0x1, s1  }
0x8c: {  	s16 =	sshll.u32 s0, $0xA;
	s2 =	sadd.s32 s3, s2  }
0x8d: {  	s2 =	sadd.s32 s2, s16  }
0x8e: {  	[smem:$0x3FC0] =	sst s2  }
0x8f: {  	_ = 	snop  }
0x90: {  	(tm) =	ssettm $0x1  }
0x91: {  	s17 =	sld [smem:$0x3FFB];
	_ =	sdelay $0x3  }
0x92: {  	_ =	strace s17  }
0x93: {  	s2 =	sld [smem:$0x3FFC];
	_ =	sdelay $0x3  }
0x94: {  	_ =	strace s2  }
0x95: {  	s2 =	sld [smem:$0x3FFD];
	_ =	sdelay $0x3  }
0x96: {  	_ =	strace s2  }
0x97: {  	_ =	strace $0x8FFFFFFF  }
0x98: {  	s18 =	sld [smem:$0x3FDB];
	_ =	sdelay $0x1  }
0x99: {  	s19 =	simm.s32 $_scs_section_size  }
0x9a: {  	s4 =	simm.s32 $_size__tile_overlayer_lowered;
	s5 =	simm.s32 $_tile_overlayer_lowered  }
0x9b: {  	s22 =	simm.s32 $0x1BFF;
	s21 =	sshll.u32 s5, $0x1;
	s2 =	sadd.s32 s19, s18  }
0x9c: {  	s6 =	simm.s32 $0x0;
	s20 =	sshll.u32 s4, $0x1;
	s4 =	sadd.s32 s21, s2  }
0x9d: {  	[timem:s6], [sflag:s22] =	dma.local [hbm:s4], s20  }
0x9e: {  	_ =	swait.ge [sflag:s22], s20  }
0x9f: {  	s3 =	ssub.s32 $0x0, s20;
	[sflag:s22] =	ssyncset.done $0x0  }
0xa0: {  	[sflag:s22] =	ssyncadd.s32 s3;
	_ =	sdelay $0x1  }
0xa1: {  	s23 =	simm.s32 $0x1B8B  }
0xa2: {  	_ =	swait.ge [sflag:s23], $0x1  }
0xa3: {  	[sflag:s23] =	ssyncset.done $0x0  }
0xa4: {  	s25 =	simm.s32 $0x1B8E;
	s24 =	sld [smem:$0x3FFE];
	[sflag:s23] =	ssyncadd.s32 $0xFFFFFFFF  }
0xa5: {  	s26 =	simm.s32 $execute0_lowered;
	[smem:$0x3FD2] =	sst s25  }
0xa6: {  	s4 =	sshll.u32 s26, $0x1;
	_ =	strace $0x80000046;
	[dreg:$0x1] =	wrdreg $0xFFFFFFFF  }
0xa7: {  	s28 =	simm.s32 $_size_execute0_lowered;
	s2 =	sadd.s32 s2, s4;
	[dreg:$0x0] =	wrdreg $0x0  }
0xa8: {  	s4 =	sshll.u32 s28, $0x1;
	[dreg:$0x2] =	wrdreg s2  }
0xa9: {  	[dreg:$0x3] =	wrdreg s4  }
0xaa: {  	[dreg:$0x4] =	wrdreg $0xC0  }
0xab: {  	_ =	task [dreg:s6], $0x5FFFF  }
0xac: {  	[dreg:$0x1] =	wrdreg $0xFFFFFFFF  }
0xad: {  	[dreg:$0x0] =	wrdreg $0x60  }
0xae: {  	[dreg:$0x2] =	wrdreg s24  }
0xaf: {  	[dreg:$0x3] =	wrdreg $0x9  }
0xb0: {  	_ =	task.clear_ibuf [dreg:s6], $0x4FFFF;
	_ =	strace $0x90000046  }
0xb1: {  	s29 =	simm.s32 $0x9;
	_ =	strace $0x80000048  }
0xb2: {  	_ =	swait.ge [sflag:s29], $0x1  }
0xb3: {  	[sflag:s29] =	ssyncadd.s32 $0xFFFFFFFF  }
0xb4: {  	_ =	strace $0x90000048  }
0xb5: {  	_ =	sfence  }
0xb6: {  	s30 =	sld [smem:$0x0];
	_ =	sdelay $0x2  }
0xb7: {  	s31 =	sshll.u32 s1, $0xD;
	s1 =	sshrl.u32 s1, $0x2  }
0xb8: {  	s3 =	sand.u32 $0x4000, s31;
	s1 =	sadd.s32 s1, s30  }
0xb9: {  	s0 =	sor.u32 s3, s0;
	s1 =	sshll.u32 s1, $0x11  }
0xba: {  	s0 =	sor.u32 s1, s0  }
0xbb: {  	s0 =	sadd.s32 $0x8F2B, s0  }
0xbc: {  	[sflag:s0] =	ssyncadd.remote.s32 $0x1  }
0xbd: {  	_ =	sfence.sel $0xFFFF  }
0xbe: {  	[dreg:$0x0] =	wrdreg $0xFFFFFFFF;
	(pc) =	sbr.abs _section_cstart, $3  }
0xbf: {  	[dreg:$0x1] =	wrdreg $0xFFFFFFFF  }
0xc0: {  	_ =	task.clear_ibuf [dreg:s6], $0x2FFFF;
	_ =	strace $0x9FFFFFFF  }
0xc1: {  	(tm) =	ssettm $0x7FFFFFFF  }
tec
execute0_lowered:
.L_overlay_start_1:
0x0: {  	(tag) =	ssettag $0x1  }
0x1: {  	s0 =	srdreg.scid;
	s5 =	rddreg [dreg:$0x0]  }
0x2: {  	s1 =	stileid.u32;
	s2 =	simm.s32 $0x0;
	s11 =	simm.s32 $0x2780  }
0x3: {  	s12 =	simm.s32 $0x4F00;
	s13 =	simm.s32 $0x7680;
	s3 =	sand.u32 $0x1, s0  }
0x4: {  	s14 =	simm.s32 $0x9E00;
	s15 =	simm.s32 $0xC580;
	s4 =	sshll.u32 s3, $0x4  }
0x5: {  	s16 =	simm.s32 $0x0;
	s0 =	rddreg [dreg:$0x1];
	s4 =	sor.u32 s1, s4  }
0x6: {  	[smem:$0x7FF] =	sst s2;
	s7 =	ssub.s32 $0x2, s3;
	s6 =	smul.u32 $0x4E2, s4  }
0x7: {  	_ =	strace $0x80000047;
	s3 =	sadd.s32 $0x54E200, s5;
	s8 =	sshrl.u32 s7, $0x1  }
0x8: {  	s4 =	sadd.s32 $0x54E800, s5;
	s10 =	ssub.s32 s7, s8;
	s9 =	sadd.s32 s6, s5  }
0x9: {  	s5 =	sadd.s32 $0xA400, s9;
	s6 =	sadd.s32 $0x600, s9;
	s7 =	sadd.s32 $0x4F6200, s9  }
0xa: {  	s8 =	sadd.s32 $0x54EE00, s9;
	s9 =	smax.u32 s10, $0x1;
	s10 =	simm.s32 $0x1  }
.LBB2_1:
0xb: {  	[tilespmem:s2], [sflag:$0x1] =	stream.linear.gather [hbm4b:s3+s2], $0x2780, $0x38;
	[tilespmem:$0xED00] =	vst v63  }
0xc: {  	_ =	swait.ge [sflag:s10], $0x2780  }
0xd: {  	[sflag:s10] =	ssyncset.done $0x0  }
0xe: {  	[sflag:s10] =	ssyncadd.s32 $0xFFFFD880  }
0xf: {  	[tilespmem:s11], [sflag:$0x1] =	stream.linear.gather [hbm4b:s4+s2], $0x2780, $0x38;
	[tilespmem:$0xED00] =	vst v63  }
0x10: {  	_ =	swait.ge [sflag:s10], $0x2780  }
0x11: {  	[sflag:s10] =	ssyncset.done $0x0  }
0x12: {  	[sflag:s10] =	ssyncadd.s32 $0xFFFFD880  }
0x13: {  	[tilespmem:s12], [sflag:$0x1] =	stream.linear.gather [hbm4b:s5+s2], $0x2710, $0x38;
	[tilespmem:$0xED00] =	vst v63  }
0x14: {  	_ =	swait.ge [sflag:s10], $0x2710  }
0x15: {  	[sflag:s10] =	ssyncset.done $0x0  }
0x16: {  	[sflag:s10] =	ssyncadd.s32 $0xFFFFD8F0  }
0x17: {  	[tilespmem:s13], [sflag:$0x1] =	stream.linear.gather [hbm4b:s6+s2], $0x2710, $0x38;
	[tilespmem:$0xED00] =	vst v63  }
0x18: {  	_ =	swait.ge [sflag:s10], $0x2710  }
0x19: {  	[sflag:s10] =	ssyncset.done $0x0  }
0x1a: {  	[sflag:s10] =	ssyncadd.s32 $0xFFFFD8F0  }
0x1b: {  	[tilespmem:s14], [sflag:$0x1] =	stream.linear.gather [hbm4b:s7+s2], $0x2710, $0x38;
	[tilespmem:$0xED00] =	vst v63  }
0x1c: {  	_ =	swait.ge [sflag:s10], $0x2710  }
0x1d: {  	[sflag:s10] =	ssyncset.done $0x0  }
0x1e: {  	s17 =	simm.s32 $0x0;
	[sflag:s10] =	ssyncadd.s32 $0xFFFFD8F0  }
0x1f: {  	v0 =	vld [tilespmem:s17+$0x7680]  }
0x20: {  	v1 =	vld [tilespmem:s17+$0x4F00];
	_ =	sdelay $0x6  }
0x21: {  	v2 =	vld.idx.msk [tilespmem:v0+s11+$0x0], $0xffff  }
0x22: {  	v3 =	vld.idx.msk [tilespmem:v1+s2+$0x0], $0xffff;
	_ =	sdelay $0x1  }
0x23: {  	v1 =	vld [tilespmem:s17+$0x9E00];
	_ =	sdelay $0x1  }
0x24: {  	s18 =	simm.s32 $0x10  }
0x25: {  	s19 =	simm.s32 $0x80;
	v0 =	vld [tilespmem:s18+$0x7680];
	v2 =	vadd.f32 v2, v3  }
.LBB2_2:
0x26: {  	p0 =	sne.s32 s19, $0x9C00;
	v3 =	vld [tilespmem:s18+$0x4F00]  }
0x27: {  	v1 =	vadd.f32 v1, v2;
	_ =	sdelay $0x1  }
0x28: {  	v2 =	vmul.f32 $2.000000030e-01, v1  }
0x29: {  	vm0 =	vge.f32 v1, $0.0e+00  }
0x2a: {  	v1 =	vsel vm0, v1, v2  }
0x2b: {  	[tilespmem:s17+$0xC580] =	vst v1;
	s17 =	smov.u32 s18  }
0x2c: {  	v2 =	vld.idx.msk [tilespmem:v0+s11+$0x0], $0xffff  }
0x2d: {  	v3 =	vld.idx.msk [tilespmem:v3+s2+$0x0], $0xffff;
	_ =	sdelay $0x1  }
.Ltmp0:
0x2e: {  	(pc) =	sbr.rel @p0 .LBB2_2-.Ltmp0, $3  }
0x2f: {  	v1 =	vld [tilespmem:s17+$0x9E00];
	_ =	sdelay $0x1  }
0x30: {  	s18 =	sshra.s32 s19, $0x2  }
0x31: {  	s19 =	sadd.s32 $0x40, s19;
	v2 =	vadd.f32 v2, v3;
	v0 =	vld [tilespmem:s18+$0x7680]  }
0x32: {  	_ = 	snop  }
0x33: {  	v3 =	vld [tilespmem:s18+$0x4F00]  }
0x34: {  	v1 =	vadd.f32 v1, v2;
	_ =	sdelay $0x1  }
0x35: {  	v2 =	vmul.f32 $2.000000030e-01, v1  }
0x36: {  	vm0 =	vge.f32 v1, $0.0e+00  }
0x37: {  	v1 =	vsel vm0, v1, v2  }
0x38: {  	[tilespmem:s17+$0xC580] =	vst v1  }
0x39: {  	v0 =	vld.idx.msk [tilespmem:v0+s11+$0x0], $0xffff  }
0x3a: {  	v1 =	vld.idx.msk [tilespmem:v3+s2+$0x0], $0xffff;
	_ =	sdelay $0x1  }
0x3b: {  	v62 =	vld [tilespmem:s18+$0x9E00];
	_ =	sdelay $0x2  }
0x3c: {  	v0 =	vadd.f32 v0, v1;
	_ =	sdelay $0x1  }
0x3d: {  	v0 =	vadd.f32 v62, v0;
	_ =	sdelay $0x1  }
0x3e: {  	v63 =	vmul.f32 $2.000000030e-01, v0  }
0x3f: {  	s16 =	sadd.s32 $0x1, s16;
	vm15 =	vge.f32 v0, $0.0e+00  }
0x40: {  	p0 =	sne.s32 s16, s9;
	v0 =	vsel vm15, v0, v63  }
.Ltmp1:
0x41: {  	[tilespmem:s18+$0xC580] =	vst v0;
	(pc) =	sbr.rel @p0 .LBB2_1-.Ltmp1, $4  }
0x42: {  	[hbm4b:s8+s2] =	stream.linear.scatter [tilespmem:s15], [sflag:$0x1], $0x2710, $0x38;
	[tilespmem:$0xED00] =	vst v63  }
0x43: {  	_ =	swait.ge [sflag:s10], $0x2710  }
0x44: {  	[sflag:s10] =	ssyncset.done $0x0  }
0x45: {  	[sflag:s10] =	ssyncadd.s32 $0xFFFFD8F0  }
0x46: {  	_ =	sfence.sel $0x180000  }
0x47: {  	[bflag:$0x0] =	sbarrier.arrive $0xFFFF  }
0x48: {  	p0 =	sne.s32 s1, $0x0;
	_ =	strace $0x90000047  }
0x49: {  	s0 =	sadd.s32 @!p0 $0x100000, s0;
	[bflag:$0x2] =	sbarrier.arrive $0xFFFF  }
0x4a: {  	[sflag:s0] =	ssyncadd.tile.s32 @!p0 $0x1;
	_ =	shalt  }
.Lfunc_end2:
_tile_overlayer_lowered:
.L_overlay_start_2:
0x4b: {  	(tag) =	ssettag $0x2  }
0x4c: {  	s0 =	rddreg [dreg:$0x0];
	s2 =	stileid.u32  }
0x4d: {  	s1 =	rddreg [dreg:$0x1];
	p0 =	sne.s32 s2, $0x0  }
0x4e: {  	s3 =	rddreg [dreg:$0x2];
	[bflag:$0x3] =	sbarrier.arrive $0xFFFF;
	s2 =	simm.s32 @!p0 $0x1C01  }
0x4f: {  	[timem:s3], [sflag:s2] =	dma.local @!p0 [hbm:s0], s1  }
0x50: {  	s0 =	simm.s32 @!p0 $0x1  }
0x51: {  	_ =	swait.ge @!p0 [sflag:s0], s1  }
0x52: {  	s1 =	ssub.s32 @!p0 $0x0, s1;
	[sflag:s0] =	ssyncset.done @!p0 $0x0  }
0x53: {  	[sflag:s0] =	ssyncadd.s32 @!p0 s1  }
0x54: {  	[bflag:$0x3] =	sbarrier.arrive $0xFFFF  }
0x55: {  	_ =	shalt  }

</sc_bundles>
